<compile_context>
chip_gen: v7x
topology: tpu7x:2x2x1
jax: 0.10.2.dev20260603
libtpu: 0.0.44.dev20260713+nightly
codegen_flags: <defaults>
</compile_context>

<pallas_src>
import functools

import jax
import jax.numpy as jnp
from jax import lax
from jax.experimental import pallas as pl
from jax.experimental.pallas import tpu as pltpu
from jax.experimental.pallas import tpu_sc as plsc

_N = 100000
_E = 6400000
_D = 4
_LANES = 128
_ROWS = _E // _LANES
_NC = 2
_NS = 16
_NW = _NC * _NS
_R = 8
_UNITS = _ROWS // _R
_PAIRS = _UNITS // 2
_PB = _PAIRS // _NW
_PX = _PAIRS - _PB * _NW
_BE = _R * _LANES
_ZR = 6256
_ZR_LAST = _N - 15 * _ZR
_NP = 100352
_ZB = 4096


def _sc_segment_sum(eij3, eat3):
    mesh = plsc.VectorSubcoreMesh(core_axis_name="c", subcore_axis_name="s")

    @functools.partial(
        pl.kernel,
        out_type=jax.ShapeDtypeStruct((_NC, _D, _NP), jnp.float32),
        mesh=mesh,
        scratch_types=[
            pltpu.VMEM((2, _R, 1, _LANES), jnp.int32),
            pltpu.VMEM((2, _R, _D, _LANES), jnp.float32),
            pltpu.VMEM((_ZB,), jnp.float32),
            pltpu.VMEM_SHARED((_N,), jnp.float32),
            pltpu.VMEM_SHARED((_N,), jnp.float32),
            pltpu.VMEM_SHARED((_N,), jnp.float32),
            pltpu.VMEM_SHARED((_N,), jnp.float32),
            pltpu.SemaphoreType.DMA,
            pltpu.SemaphoreType.DMA,
            pltpu.SemaphoreType.DMA,
            pltpu.SemaphoreType.DMA,
        ],
        compiler_params=pltpu.CompilerParams(
            use_tc_tiling_on_sc=False, needs_layout_passes=False),
    )
    def k(eij_hbm, eat_hbm, out_hbm, idx_v, pln_v, zb, a0, a1, a2, a3,
          lsem0, lsem1, ssem0, ssem1):
        c = lax.axis_index("c")
        s = lax.axis_index("s")
        gw = c * _NS + s
        accs = (a0, a1, a2, a3)

        zvec = jnp.zeros((16,), jnp.float32)
        lane16 = lax.iota(jnp.int32, 16)

        def zbody(i, carry):
            zb[pl.ds(i * 16, 16)] = zvec
            return carry

        lax.fori_loop(0, _ZB // 16, zbody, 0)

        zbase = pl.multiple_of(s * _ZR, 8)
        for acc in accs:
            @pl.when(s < _NS - 1)
            def _(acc=acc):
                pltpu.sync_copy(zb, acc.at[pl.ds(zbase, _ZB)])
                pltpu.sync_copy(zb.at[pl.ds(0, _ZR - _ZB)],
                                acc.at[pl.ds(zbase + _ZB, _ZR - _ZB)])

            @pl.when(s == _NS - 1)
            def _(acc=acc):
                pltpu.sync_copy(zb, acc.at[pl.ds(zbase, _ZB)])
                pltpu.sync_copy(zb.at[pl.ds(0, _ZR_LAST - _ZB)],
                                acc.at[pl.ds(zbase + _ZB, _ZR_LAST - _ZB)])

        plsc.subcore_barrier()

        base_u = 2 * (gw * _PB + jnp.minimum(gw, _PX))
        npairs = _PB + jnp.where(gw < _PX, 1, 0)
        lsems = (lsem0, lsem1)
        ssems = (ssem0, ssem1)

        def start_load(u, slot):
            row0 = pl.multiple_of(u * _R, 8)
            pltpu.async_copy(eij_hbm.at[pl.ds(row0, _R), pl.ds(1, 1), :],
                             idx_v.at[slot], lsems[slot])
            pltpu.async_copy(eat_hbm.at[pl.ds(row0, _R), :, :],
                             pln_v.at[slot], lsems[slot])

        def wait_load(slot):
            pltpu.make_async_copy(eij_hbm.at[pl.ds(0, _R), pl.ds(1, 1), :],
                                  idx_v.at[slot], lsems[slot]).wait()
            pltpu.make_async_copy(eat_hbm.at[pl.ds(0, _R), :, :],
                                  pln_v.at[slot], lsems[slot]).wait()

        def fire_scat(slot):
            for g in range(_R):
                for comp in range(_D):
                    pltpu.async_copy(
                        pln_v.at[slot, g, comp, :],
                        accs[comp].at[idx_v.at[slot, g, 0]],
                        ssems[slot], add=True)

        def drain_scat(slot):
            pltpu.make_async_copy(eat_hbm.at[pl.ds(0, _R), :, :],
                                  pln_v.at[slot], ssems[slot]).wait()

        start_load(base_u, 0)
        start_load(base_u + 1, 1)

        def pbody(p, carry):
            u0 = base_u + 2 * p
            wait_load(0)
            fire_scat(0)
            wait_load(1)
            fire_scat(1)

            @pl.when(p + 1 < npairs)
            def _():
                drain_scat(0)
                start_load(u0 + 2, 0)
                drain_scat(1)
                start_load(u0 + 3, 1)

            return carry

        lax.fori_loop(0, npairs, pbody, 0)
        drain_scat(0)
        drain_scat(1)
        plsc.subcore_barrier()

        for comp in range(_D):
            @pl.when(s < _NS - 1)
            def _(comp=comp):
                z0 = pl.multiple_of(s * _ZR, 8)
                pltpu.sync_copy(accs[comp].at[pl.ds(z0, _ZR)],
                                out_hbm.at[c, comp, pl.ds(z0, _ZR)])

            @pl.when(s == _NS - 1)
            def _(comp=comp):
                pltpu.sync_copy(accs[comp].at[pl.ds(15 * _ZR, _ZR_LAST)],
                                out_hbm.at[c, comp, pl.ds(15 * _ZR, _ZR_LAST)])

    return k(eij3, eat3)


_PW = _NP // _LANES


def _tc_finalize(planes, arep):
    def body(p_ref, a_ref, o_ref):
        gbar = p_ref[0] + p_ref[1]
        o_ref[...] = (1.0 / a_ref[...])[None] * gbar

    return pl.pallas_call(
        body,
        out_shape=jax.ShapeDtypeStruct((_D, _PW, _LANES), jnp.float32),
    )(planes, arep)


def kernel(vertex_attr, edgeij_pair, edge_attr, g, batch):
    eij3 = edgeij_pair.reshape(2, _ROWS, _LANES).transpose(1, 0, 2)
    eat3 = edge_attr.reshape(_ROWS, _LANES, _D).transpose(0, 2, 1)
    partials = _sc_segment_sum(eij3, eat3)
    planes = partials.reshape(_NC, _D, _PW, _LANES)
    a_pad = jnp.pad(vertex_attr[:, 0], (0, _NP - _N), constant_values=1.0)
    arep = a_pad.reshape(_PW, _LANES)
    alpha_pl = _tc_finalize(planes, arep)
    alpha = alpha_pl.reshape(_D, _NP)[:, :_N].T
    return jnp.concatenate([vertex_attr, alpha], axis=1)

# --- scband reference (transcript-rebuilt; emitter-appended) ---
"""Pipeline reference for scband-layer1-vertex-update-91096256348923 (READ-ONLY COPY).

The authoritative reference and input builder live on the scoring server;
editing this copy changes nothing except your own understanding.
"""

import jax, jax.numpy as jnp
import numpy as np

N = 100000
E = 6400000
D_EDGE = 4


def _edge_aggregation(edgeij_pair, edge_attr, n_vertices):
    # scatter-add edge attributes onto destination vertices
    dst = edgeij_pair[1]
    return jax.ops.segment_sum(edge_attr, dst, num_segments=n_vertices)


def setup_inputs(seed: int = 0) -> dict:
    key = jax.random.key(seed)
    k1, k2, k3 = jax.random.split(key, 3)
    vertex_attr = jax.random.uniform(k1, (N, 2), dtype=jnp.float32)
    edgeij_pair = jax.random.randint(k2, (2, E), 0, N, dtype=jnp.int32)
    edge_attr = jax.random.normal(k3, (E, D_EDGE), dtype=jnp.float32)
    g = 0
    batch = jnp.zeros((N,), dtype=jnp.int32)
    return {"vertex_attr": vertex_attr, "edgeij_pair": edgeij_pair, "edge_attr": edge_attr, "g": g, "batch": batch}


def reference(vertex_attr, edgeij_pair, edge_attr, g, batch):
    A_ii = vertex_attr[:, 0].reshape(-1, 1)
    C_i = vertex_attr[:, 1].reshape(-1, 1)
    n_vertices = A_ii.shape[0]
    gammabar = _edge_aggregation(edgeij_pair, edge_attr, n_vertices)
    alpha_i = (1.0 / A_ii) * gammabar
    return jnp.concatenate([A_ii, C_i, alpha_i], axis=1)

if __name__ == "__main__":
    import jax
    _d = setup_inputs()
    print(jax.jit(kernel)(*tuple(_d.values())))

</pallas_src>

<mosaic_0001>
#map = affine_map<(d0, d1) -> (0, 0, 0)>
module attributes {stable_mosaic.version = 14 : i64} {
  func.func @k(%arg0: i32, %arg1: i32, %arg2: memref<50000x2x128xi32, #tpu.memory_space<hbm>>, %arg3: memref<50000x4x128xf32, #tpu.memory_space<hbm>>, %arg4: memref<2x4x100352xf32, #tpu.memory_space<hbm>>, %arg5: memref<2x8x1x128xi32, #tpu.memory_space<vmem>>, %arg6: memref<2x8x4x128xf32, #tpu.memory_space<vmem>>, %arg7: memref<4096xf32, #tpu.memory_space<vmem>>, %arg8: memref<100000xf32, #tpu.memory_space<vmem_shared>>, %arg9: memref<100000xf32, #tpu.memory_space<vmem_shared>>, %arg10: memref<100000xf32, #tpu.memory_space<vmem_shared>>, %arg11: memref<100000xf32, #tpu.memory_space<vmem_shared>>, %arg12: memref<!tpu.dma_semaphore, #tpu.memory_space<semaphore_mem>>, %arg13: memref<!tpu.dma_semaphore, #tpu.memory_space<semaphore_mem>>, %arg14: memref<!tpu.dma_semaphore, #tpu.memory_space<semaphore_mem>>, %arg15: memref<!tpu.dma_semaphore, #tpu.memory_space<semaphore_mem>>) attributes {dimension_semantics = [#tpu.dimension_semantics<core_parallel>, #tpu.dimension_semantics<subcore_parallel>], iteration_bounds = array<i64: 2, 16>, scalar_prefetch = 0 : i64, scratch_operands = 11 : i64, tpu.core_type = #tpu.core_type<sc_vector_subcore>, window_params = [{transform_indices = #map}, {transform_indices = #map}, {transform_indices = #map}]} {
    %mul3A = arith.constant 16 : i32
    %mul3A_0 = arith.muli %arg0, %mul3A : i32
    %add3A = arith.addi %mul3A_0, %arg1 : i32
    %broadcast_in_dim3A = arith.constant 0.000000e+00 : f32
    %broadcast_in_dim3A_1 = vector.broadcast %broadcast_in_dim3A : f32 to vector<16xf32>
    %iota3A = tpu.iota {dimensions = array<i32: 0>} : vector<16xi32>
    %scan3A = arith.constant 0 : i32
    %scan3A_2 = arith.constant 0 : i32
    %scan3A_3 = arith.constant 256 : i32
    %scan3A_4 = arith.addi %scan3A_2, %scan3A_3 : i32
    %scan3A_5 = arith.constant 1 : i32
    scf.for %scan3A_218 = %scan3A_2 to %scan3A_4 step %scan3A_5  : i32 {
      %mul3A_219 = arith.constant 16 : i32
      %mul3A_220 = arith.muli %scan3A_218, %mul3A_219 : i32
      %swap3A = arith.index_cast %mul3A_220 : i32 to index
      %swap3A_221 = tpu.vector_load %arg7[%swap3A] {strides = array<i32>} : memref<4096xf32, #tpu.memory_space<vmem>>, vector<16xf32>,
      tpu.vector_store %arg7[%swap3A], %broadcast_in_dim3A_1 {strides = array<i32>} : memref<4096xf32, #tpu.memory_space<vmem>>, vector<16xf32>,
    }
    %scan3A_6 = arith.constant 256 : i32
    %mul3A_7 = arith.constant 6256 : i32
    %mul3A_8 = arith.muli %arg1, %mul3A_7 : i32
    %multiple_of3A = tpu.assume_multiple %mul3A_8, 8 : i32
    %lt3A = arith.constant 15 : i32
    %lt3A_9 = arith.cmpi slt, %arg1, %lt3A : i32
    %convert_element_type3A = arith.extui %lt3A_9 : i1 to i32
    %cond3A = arith.constant 0 : i32
    %cond3A_10 = arith.cmpi ne, %convert_element_type3A, %cond3A : i32
    scf.if %cond3A_10 {
      "tpu.region"() ({
        %run_scoped3A = tpu.sem_alloc : memref<!tpu.dma_semaphore, #tpu.memory_space<semaphore_mem>>
        %dma_start3A_220 = tpu.memref_slice %arg8[%multiple_of3A] : memref<100000xf32, #tpu.memory_space<vmem_shared>> -> memref<4096xf32, #tpu.memory_space<vmem_shared>>
        %dma_start3A_221 = tpu.memref_slice %arg8[%multiple_of3A] : memref<100000xf32, #tpu.memory_space<vmem_shared>> -> memref<4096xf32, #tpu.memory_space<vmem_shared>>
        tpu.enqueue_dma source(%arg7 : memref<4096xf32, #tpu.memory_space<vmem>>) target(%dma_start3A_221 : memref<4096xf32, #tpu.memory_space<vmem_shared>>) target_semaphore(%run_scoped3A : memref<!tpu.dma_semaphore, #tpu.memory_space<semaphore_mem>>)
        %dma_wait3A_222 = tpu.memref_slice %arg8[%multiple_of3A] : memref<100000xf32, #tpu.memory_space<vmem_shared>> -> memref<4096xf32, #tpu.memory_space<vmem_shared>>
        %dma_wait3A_223 = tpu.memref_slice %arg8[%multiple_of3A] : memref<100000xf32, #tpu.memory_space<vmem_shared>> -> memref<4096xf32, #tpu.memory_space<vmem_shared>>
        tpu.wait_dma2 semaphore(%run_scoped3A : memref<!tpu.dma_semaphore, #tpu.memory_space<semaphore_mem>>) src(%arg7 : memref<4096xf32, #tpu.memory_space<vmem>>) dst(%dma_wait3A_223 : memref<4096xf32, #tpu.memory_space<vmem_shared>>)
        tpu.yield
      }) : () -> ()
      %add3A_218 = arith.constant 4096 : i32
      %add3A_219 = arith.addi %multiple_of3A, %add3A_218 : i32
      "tpu.region"() ({
        %run_scoped3A = tpu.sem_alloc : memref<!tpu.dma_semaphore, #tpu.memory_space<semaphore_mem>>
        %dma_start3A_220 = arith.constant 0 : i32
        %dma_start3A_221 = tpu.memref_slice %arg7[%dma_start3A_220] : memref<4096xf32, #tpu.memory_space<vmem>> -> memref<2160xf32, #tpu.memory_space<vmem>>
        %dma_start3A_222 = tpu.memref_slice %arg8[%add3A_219] : memref<100000xf32, #tpu.memory_space<vmem_shared>> -> memref<2160xf32, #tpu.memory_space<vmem_shared>>
        %dma_start3A_223 = tpu.memref_slice %arg8[%add3A_219] : memref<100000xf32, #tpu.memory_space<vmem_shared>> -> memref<2160xf32, #tpu.memory_space<vmem_shared>>
        %dma_start3A_224 = arith.constant 0 : i32
        %dma_start3A_225 = tpu.memref_slice %arg7[%dma_start3A_224] : memref<4096xf32, #tpu.memory_space<vmem>> -> memref<2160xf32, #tpu.memory_space<vmem>>
        tpu.enqueue_dma source(%dma_start3A_225 : memref<2160xf32, #tpu.memory_space<vmem>>) target(%dma_start3A_223 : memref<2160xf32, #tpu.memory_space<vmem_shared>>) target_semaphore(%run_scoped3A : memref<!tpu.dma_semaphore, #tpu.memory_space<semaphore_mem>>)
        %dma_wait3A_226 = arith.constant 0 : i32
        %dma_wait3A_227 = tpu.memref_slice %arg7[%dma_wait3A_226] : memref<4096xf32, #tpu.memory_space<vmem>> -> memref<2160xf32, #tpu.memory_space<vmem>>
        %dma_wait3A_228 = tpu.memref_slice %arg8[%add3A_219] : memref<100000xf32, #tpu.memory_space<vmem_shared>> -> memref<2160xf32, #tpu.memory_space<vmem_shared>>
        %dma_wait3A_229 = tpu.memref_slice %arg8[%add3A_219] : memref<100000xf32, #tpu.memory_space<vmem_shared>> -> memref<2160xf32, #tpu.memory_space<vmem_shared>>
        %dma_wait3A_230 = arith.constant 0 : i32
        %dma_wait3A_231 = tpu.memref_slice %arg7[%dma_wait3A_230] : memref<4096xf32, #tpu.memory_space<vmem>> -> memref<2160xf32, #tpu.memory_space<vmem>>
        tpu.wait_dma2 semaphore(%run_scoped3A : memref<!tpu.dma_semaphore, #tpu.memory_space<semaphore_mem>>) src(%dma_wait3A_231 : memref<2160xf32, #tpu.memory_space<vmem>>) dst(%dma_wait3A_229 : memref<2160xf32, #tpu.memory_space<vmem_shared>>)
        tpu.yield
      }) : () -> ()
    } else {
    }
    %eq3A = arith.constant 15 : i32
    %eq3A_11 = arith.cmpi eq, %arg1, %eq3A : i32
    %convert_element_type3A_12 = arith.extui %eq3A_11 : i1 to i32
    %cond3A_13 = arith.constant 0 : i32
    %cond3A_14 = arith.cmpi ne, %convert_element_type3A_12, %cond3A_13 : i32
    scf.if %cond3A_14 {
      "tpu.region"() ({
        %run_scoped3A = tpu.sem_alloc : memref<!tpu.dma_semaphore, #tpu.memory_space<semaphore_mem>>
        %dma_start3A_220 = tpu.memref_slice %arg8[%multiple_of3A] : memref<100000xf32, #tpu.memory_space<vmem_shared>> -> memref<4096xf32, #tpu.memory_space<vmem_shared>>
        %dma_start3A_221 = tpu.memref_slice %arg8[%multiple_of3A] : memref<100000xf32, #tpu.memory_space<vmem_shared>> -> memref<4096xf32, #tpu.memory_space<vmem_shared>>
        tpu.enqueue_dma source(%arg7 : memref<4096xf32, #tpu.memory_space<vmem>>) target(%dma_start3A_221 : memref<4096xf32, #tpu.memory_space<vmem_shared>>) target_semaphore(%run_scoped3A : memref<!tpu.dma_semaphore, #tpu.memory_space<semaphore_mem>>)
        %dma_wait3A_222 = tpu.memref_slice %arg8[%multiple_of3A] : memref<100000xf32, #tpu.memory_space<vmem_shared>> -> memref<4096xf32, #tpu.memory_space<vmem_shared>>
        %dma_wait3A_223 = tpu.memref_slice %arg8[%multiple_of3A] : memref<100000xf32, #tpu.memory_space<vmem_shared>> -> memref<4096xf32, #tpu.memory_space<vmem_shared>>
        tpu.wait_dma2 semaphore(%run_scoped3A : memref<!tpu.dma_semaphore, #tpu.memory_space<semaphore_mem>>) src(%arg7 : memref<4096xf32, #tpu.memory_space<vmem>>) dst(%dma_wait3A_223 : memref<4096xf32, #tpu.memory_space<vmem_shared>>)
        tpu.yield
      }) : () -> ()
      %add3A_218 = arith.constant 4096 : i32
      %add3A_219 = arith.addi %multiple_of3A, %add3A_218 : i32
      "tpu.region"() ({
        %run_scoped3A = tpu.sem_alloc : memref<!tpu.dma_semaphore, #tpu.memory_space<semaphore_mem>>
        %dma_start3A_220 = arith.constant 0 : i32
        %dma_start3A_221 = tpu.memref_slice %arg7[%dma_start3A_220] : memref<4096xf32, #tpu.memory_space<vmem>> -> memref<2064xf32, #tpu.memory_space<vmem>>
        %dma_start3A_222 = tpu.memref_slice %arg8[%add3A_219] : memref<100000xf32, #tpu.memory_space<vmem_shared>> -> memref<2064xf32, #tpu.memory_space<vmem_shared>>
        %dma_start3A_223 = tpu.memref_slice %arg8[%add3A_219] : memref<100000xf32, #tpu.memory_space<vmem_shared>> -> memref<2064xf32, #tpu.memory_space<vmem_shared>>
        %dma_start3A_224 = arith.constant 0 : i32
        %dma_start3A_225 = tpu.memref_slice %arg7[%dma_start3A_224] : memref<4096xf32, #tpu.memory_space<vmem>> -> memref<2064xf32, #tpu.memory_space<vmem>>
        tpu.enqueue_dma source(%dma_start3A_225 : memref<2064xf32, #tpu.memory_space<vmem>>) target(%dma_start3A_223 : memref<2064xf32, #tpu.memory_space<vmem_shared>>) target_semaphore(%run_scoped3A : memref<!tpu.dma_semaphore, #tpu.memory_space<semaphore_mem>>)
        %dma_wait3A_226 = arith.constant 0 : i32
        %dma_wait3A_227 = tpu.memref_slice %arg7[%dma_wait3A_226] : memref<4096xf32, #tpu.memory_space<vmem>> -> memref<2064xf32, #tpu.memory_space<vmem>>
        %dma_wait3A_228 = tpu.memref_slice %arg8[%add3A_219] : memref<100000xf32, #tpu.memory_space<vmem_shared>> -> memref<2064xf32, #tpu.memory_space<vmem_shared>>
        %dma_wait3A_229 = tpu.memref_slice %arg8[%add3A_219] : memref<100000xf32, #tpu.memory_space<vmem_shared>> -> memref<2064xf32, #tpu.memory_space<vmem_shared>>
        %dma_wait3A_230 = arith.constant 0 : i32
        %dma_wait3A_231 = tpu.memref_slice %arg7[%dma_wait3A_230] : memref<4096xf32, #tpu.memory_space<vmem>> -> memref<2064xf32, #tpu.memory_space<vmem>>
        tpu.wait_dma2 semaphore(%run_scoped3A : memref<!tpu.dma_semaphore, #tpu.memory_space<semaphore_mem>>) src(%dma_wait3A_231 : memref<2064xf32, #tpu.memory_space<vmem>>) dst(%dma_wait3A_229 : memref<2064xf32, #tpu.memory_space<vmem_shared>>)
        tpu.yield
      }) : () -> ()
    } else {
    }
    %lt3A_15 = arith.constant 15 : i32
    %lt3A_16 = arith.cmpi slt, %arg1, %lt3A_15 : i32
    %convert_element_type3A_17 = arith.extui %lt3A_16 : i1 to i32
    %cond3A_18 = arith.constant 0 : i32
    %cond3A_19 = arith.cmpi ne, %convert_element_type3A_17, %cond3A_18 : i32
    scf.if %cond3A_19 {
      "tpu.region"() ({
        %run_scoped3A = tpu.sem_alloc : memref<!tpu.dma_semaphore, #tpu.memory_space<semaphore_mem>>
        %dma_start3A_220 = tpu.memref_slice %arg9[%multiple_of3A] : memref<100000xf32, #tpu.memory_space<vmem_shared>> -> memref<4096xf32, #tpu.memory_space<vmem_shared>>
        %dma_start3A_221 = tpu.memref_slice %arg9[%multiple_of3A] : memref<100000xf32, #tpu.memory_space<vmem_shared>> -> memref<4096xf32, #tpu.memory_space<vmem_shared>>
        tpu.enqueue_dma source(%arg7 : memref<4096xf32, #tpu.memory_space<vmem>>) target(%dma_start3A_221 : memref<4096xf32, #tpu.memory_space<vmem_shared>>) target_semaphore(%run_scoped3A : memref<!tpu.dma_semaphore, #tpu.memory_space<semaphore_mem>>)
        %dma_wait3A_222 = tpu.memref_slice %arg9[%multiple_of3A] : memref<100000xf32, #tpu.memory_space<vmem_shared>> -> memref<4096xf32, #tpu.memory_space<vmem_shared>>
        %dma_wait3A_223 = tpu.memref_slice %arg9[%multiple_of3A] : memref<100000xf32, #tpu.memory_space<vmem_shared>> -> memref<4096xf32, #tpu.memory_space<vmem_shared>>
        tpu.wait_dma2 semaphore(%run_scoped3A : memref<!tpu.dma_semaphore, #tpu.memory_space<semaphore_mem>>) src(%arg7 : memref<4096xf32, #tpu.memory_space<vmem>>) dst(%dma_wait3A_223 : memref<4096xf32, #tpu.memory_space<vmem_shared>>)
        tpu.yield
      }) : () -> ()
      %add3A_218 = arith.constant 4096 : i32
      %add3A_219 = arith.addi %multiple_of3A, %add3A_218 : i32
      "tpu.region"() ({
        %run_scoped3A = tpu.sem_alloc : memref<!tpu.dma_semaphore, #tpu.memory_space<semaphore_mem>>
        %dma_start3A_220 = arith.constant 0 : i32
        %dma_start3A_221 = tpu.memref_slice %arg7[%dma_start3A_220] : memref<4096xf32, #tpu.memory_space<vmem>> -> memref<2160xf32, #tpu.memory_space<vmem>>
        %dma_start3A_222 = tpu.memref_slice %arg9[%add3A_219] : memref<100000xf32, #tpu.memory_space<vmem_shared>> -> memref<2160xf32, #tpu.memory_space<vmem_shared>>
        %dma_start3A_223 = tpu.memref_slice %arg9[%add3A_219] : memref<100000xf32, #tpu.memory_space<vmem_shared>> -> memref<2160xf32, #tpu.memory_space<vmem_shared>>
        %dma_start3A_224 = arith.constant 0 : i32
        %dma_start3A_225 = tpu.memref_slice %arg7[%dma_start3A_224] : memref<4096xf32, #tpu.memory_space<vmem>> -> memref<2160xf32, #tpu.memory_space<vmem>>
        tpu.enqueue_dma source(%dma_start3A_225 : memref<2160xf32, #tpu.memory_space<vmem>>) target(%dma_start3A_223 : memref<2160xf32, #tpu.memory_space<vmem_shared>>) target_semaphore(%run_scoped3A : memref<!tpu.dma_semaphore, #tpu.memory_space<semaphore_mem>>)
        %dma_wait3A_226 = arith.constant 0 : i32
        %dma_wait3A_227 = tpu.memref_slice %arg7[%dma_wait3A_226] : memref<4096xf32, #tpu.memory_space<vmem>> -> memref<2160xf32, #tpu.memory_space<vmem>>
        %dma_wait3A_228 = tpu.memref_slice %arg9[%add3A_219] : memref<100000xf32, #tpu.memory_space<vmem_shared>> -> memref<2160xf32, #tpu.memory_space<vmem_shared>>
        %dma_wait3A_229 = tpu.memref_slice %arg9[%add3A_219] : memref<100000xf32, #tpu.memory_space<vmem_shared>> -> memref<2160xf32, #tpu.memory_space<vmem_shared>>
        %dma_wait3A_230 = arith.constant 0 : i32
        %dma_wait3A_231 = tpu.memref_slice %arg7[%dma_wait3A_230] : memref<4096xf32, #tpu.memory_space<vmem>> -> memref<2160xf32, #tpu.memory_space<vmem>>
        tpu.wait_dma2 semaphore(%run_scoped3A : memref<!tpu.dma_semaphore, #tpu.memory_space<semaphore_mem>>) src(%dma_wait3A_231 : memref<2160xf32, #tpu.memory_space<vmem>>) dst(%dma_wait3A_229 : memref<2160xf32, #tpu.memory_space<vmem_shared>>)
        tpu.yield
      }) : () -> ()
    } else {
    }
    %eq3A_20 = arith.constant 15 : i32
    %eq3A_21 = arith.cmpi eq, %arg1, %eq3A_20 : i32
    %convert_element_type3A_22 = arith.extui %eq3A_21 : i1 to i32
    %cond3A_23 = arith.constant 0 : i32
    %cond3A_24 = arith.cmpi ne, %convert_element_type3A_22, %cond3A_23 : i32
    scf.if %cond3A_24 {
      "tpu.region"() ({
        %run_scoped3A = tpu.sem_alloc : memref<!tpu.dma_semaphore, #tpu.memory_space<semaphore_mem>>
        %dma_start3A_220 = tpu.memref_slice %arg9[%multiple_of3A] : memref<100000xf32, #tpu.memory_space<vmem_shared>> -> memref<4096xf32, #tpu.memory_space<vmem_shared>>
        %dma_start3A_221 = tpu.memref_slice %arg9[%multiple_of3A] : memref<100000xf32, #tpu.memory_space<vmem_shared>> -> memref<4096xf32, #tpu.memory_space<vmem_shared>>
        tpu.enqueue_dma source(%arg7 : memref<4096xf32, #tpu.memory_space<vmem>>) target(%dma_start3A_221 : memref<4096xf32, #tpu.memory_space<vmem_shared>>) target_semaphore(%run_scoped3A : memref<!tpu.dma_semaphore, #tpu.memory_space<semaphore_mem>>)
        %dma_wait3A_222 = tpu.memref_slice %arg9[%multiple_of3A] : memref<100000xf32, #tpu.memory_space<vmem_shared>> -> memref<4096xf32, #tpu.memory_space<vmem_shared>>
        %dma_wait3A_223 = tpu.memref_slice %arg9[%multiple_of3A] : memref<100000xf32, #tpu.memory_space<vmem_shared>> -> memref<4096xf32, #tpu.memory_space<vmem_shared>>
        tpu.wait_dma2 semaphore(%run_scoped3A : memref<!tpu.dma_semaphore, #tpu.memory_space<semaphore_mem>>) src(%arg7 : memref<4096xf32, #tpu.memory_space<vmem>>) dst(%dma_wait3A_223 : memref<4096xf32, #tpu.memory_space<vmem_shared>>)
        tpu.yield
      }) : () -> ()
      %add3A_218 = arith.constant 4096 : i32
      %add3A_219 = arith.addi %multiple_of3A, %add3A_218 : i32
      "tpu.region"() ({
        %run_scoped3A = tpu.sem_alloc : memref<!tpu.dma_semaphore, #tpu.memory_space<semaphore_mem>>
        %dma_start3A_220 = arith.constant 0 : i32
        %dma_start3A_221 = tpu.memref_slice %arg7[%dma_start3A_220] : memref<4096xf32, #tpu.memory_space<vmem>> -> memref<2064xf32, #tpu.memory_space<vmem>>
        %dma_start3A_222 = tpu.memref_slice %arg9[%add3A_219] : memref<100000xf32, #tpu.memory_space<vmem_shared>> -> memref<2064xf32, #tpu.memory_space<vmem_shared>>
        %dma_start3A_223 = tpu.memref_slice %arg9[%add3A_219] : memref<100000xf32, #tpu.memory_space<vmem_shared>> -> memref<2064xf32, #tpu.memory_space<vmem_shared>>
        %dma_start3A_224 = arith.constant 0 : i32
        %dma_start3A_225 = tpu.memref_slice %arg7[%dma_start3A_224] : memref<4096xf32, #tpu.memory_space<vmem>> -> memref<2064xf32, #tpu.memory_space<vmem>>
        tpu.enqueue_dma source(%dma_start3A_225 : memref<2064xf32, #tpu.memory_space<vmem>>) target(%dma_start3A_223 : memref<2064xf32, #tpu.memory_space<vmem_shared>>) target_semaphore(%run_scoped3A : memref<!tpu.dma_semaphore, #tpu.memory_space<semaphore_mem>>)
        %dma_wait3A_226 = arith.constant 0 : i32
        %dma_wait3A_227 = tpu.memref_slice %arg7[%dma_wait3A_226] : memref<4096xf32, #tpu.memory_space<vmem>> -> memref<2064xf32, #tpu.memory_space<vmem>>
        %dma_wait3A_228 = tpu.memref_slice %arg9[%add3A_219] : memref<100000xf32, #tpu.memory_space<vmem_shared>> -> memref<2064xf32, #tpu.memory_space<vmem_shared>>
        %dma_wait3A_229 = tpu.memref_slice %arg9[%add3A_219] : memref<100000xf32, #tpu.memory_space<vmem_shared>> -> memref<2064xf32, #tpu.memory_space<vmem_shared>>
        %dma_wait3A_230 = arith.constant 0 : i32
        %dma_wait3A_231 = tpu.memref_slice %arg7[%dma_wait3A_230] : memref<4096xf32, #tpu.memory_space<vmem>> -> memref<2064xf32, #tpu.memory_space<vmem>>
        tpu.wait_dma2 semaphore(%run_scoped3A : memref<!tpu.dma_semaphore, #tpu.memory_space<semaphore_mem>>) src(%dma_wait3A_231 : memref<2064xf32, #tpu.memory_space<vmem>>) dst(%dma_wait3A_229 : memref<2064xf32, #tpu.memory_space<vmem_shared>>)
        tpu.yield
      }) : () -> ()
    } else {
    }
    %lt3A_25 = arith.constant 15 : i32
    %lt3A_26 = arith.cmpi slt, %arg1, %lt3A_25 : i32
    %convert_element_type3A_27 = arith.extui %lt3A_26 : i1 to i32
    %cond3A_28 = arith.constant 0 : i32
    %cond3A_29 = arith.cmpi ne, %convert_element_type3A_27, %cond3A_28 : i32
    scf.if %cond3A_29 {
      "tpu.region"() ({
        %run_scoped3A = tpu.sem_alloc : memref<!tpu.dma_semaphore, #tpu.memory_space<semaphore_mem>>
        %dma_start3A_220 = tpu.memref_slice %arg10[%multiple_of3A] : memref<100000xf32, #tpu.memory_space<vmem_shared>> -> memref<4096xf32, #tpu.memory_space<vmem_shared>>
        %dma_start3A_221 = tpu.memref_slice %arg10[%multiple_of3A] : memref<100000xf32, #tpu.memory_space<vmem_shared>> -> memref<4096xf32, #tpu.memory_space<vmem_shared>>
        tpu.enqueue_dma source(%arg7 : memref<4096xf32, #tpu.memory_space<vmem>>) target(%dma_start3A_221 : memref<4096xf32, #tpu.memory_space<vmem_shared>>) target_semaphore(%run_scoped3A : memref<!tpu.dma_semaphore, #tpu.memory_space<semaphore_mem>>)
        %dma_wait3A_222 = tpu.memref_slice %arg10[%multiple_of3A] : memref<100000xf32, #tpu.memory_space<vmem_shared>> -> memref<4096xf32, #tpu.memory_space<vmem_shared>>
        %dma_wait3A_223 = tpu.memref_slice %arg10[%multiple_of3A] : memref<100000xf32, #tpu.memory_space<vmem_shared>> -> memref<4096xf32, #tpu.memory_space<vmem_shared>>
        tpu.wait_dma2 semaphore(%run_scoped3A : memref<!tpu.dma_semaphore, #tpu.memory_space<semaphore_mem>>) src(%arg7 : memref<4096xf32, #tpu.memory_space<vmem>>) dst(%dma_wait3A_223 : memref<4096xf32, #tpu.memory_space<vmem_shared>>)
        tpu.yield
      }) : () -> ()
      %add3A_218 = arith.constant 4096 : i32
      %add3A_219 = arith.addi %multiple_of3A, %add3A_218 : i32
      "tpu.region"() ({
        %run_scoped3A = tpu.sem_alloc : memref<!tpu.dma_semaphore, #tpu.memory_space<semaphore_mem>>
        %dma_start3A_220 = arith.constant 0 : i32
        %dma_start3A_221 = tpu.memref_slice %arg7[%dma_start3A_220] : memref<4096xf32, #tpu.memory_space<vmem>> -> memref<2160xf32, #tpu.memory_space<vmem>>
        %dma_start3A_222 = tpu.memref_slice %arg10[%add3A_219] : memref<100000xf32, #tpu.memory_space<vmem_shared>> -> memref<2160xf32, #tpu.memory_space<vmem_shared>>
        %dma_start3A_223 = tpu.memref_slice %arg10[%add3A_219] : memref<100000xf32, #tpu.memory_space<vmem_shared>> -> memref<2160xf32, #tpu.memory_space<vmem_shared>>
        %dma_start3A_224 = arith.constant 0 : i32
        %dma_start3A_225 = tpu.memref_slice %arg7[%dma_start3A_224] : memref<4096xf32, #tpu.memory_space<vmem>> -> memref<2160xf32, #tpu.memory_space<vmem>>
        tpu.enqueue_dma source(%dma_start3A_225 : memref<2160xf32, #tpu.memory_space<vmem>>) target(%dma_start3A_223 : memref<2160xf32, #tpu.memory_space<vmem_shared>>) target_semaphore(%run_scoped3A : memref<!tpu.dma_semaphore, #tpu.memory_space<semaphore_mem>>)
        %dma_wait3A_226 = arith.constant 0 : i32
        %dma_wait3A_227 = tpu.memref_slice %arg7[%dma_wait3A_226] : memref<4096xf32, #tpu.memory_space<vmem>> -> memref<2160xf32, #tpu.memory_space<vmem>>
        %dma_wait3A_228 = tpu.memref_slice %arg10[%add3A_219] : memref<100000xf32, #tpu.memory_space<vmem_shared>> -> memref<2160xf32, #tpu.memory_space<vmem_shared>>
        %dma_wait3A_229 = tpu.memref_slice %arg10[%add3A_219] : memref<100000xf32, #tpu.memory_space<vmem_shared>> -> memref<2160xf32, #tpu.memory_space<vmem_shared>>
        %dma_wait3A_230 = arith.constant 0 : i32
        %dma_wait3A_231 = tpu.memref_slice %arg7[%dma_wait3A_230] : memref<4096xf32, #tpu.memory_space<vmem>> -> memref<2160xf32, #tpu.memory_space<vmem>>
        tpu.wait_dma2 semaphore(%run_scoped3A : memref<!tpu.dma_semaphore, #tpu.memory_space<semaphore_mem>>) src(%dma_wait3A_231 : memref<2160xf32, #tpu.memory_space<vmem>>) dst(%dma_wait3A_229 : memref<2160xf32, #tpu.memory_space<vmem_shared>>)
        tpu.yield
      }) : () -> ()
    } else {
    }
    %eq3A_30 = arith.constant 15 : i32
    %eq3A_31 = arith.cmpi eq, %arg1, %eq3A_30 : i32
    %convert_element_type3A_32 = arith.extui %eq3A_31 : i1 to i32
    %cond3A_33 = arith.constant 0 : i32
    %cond3A_34 = arith.cmpi ne, %convert_element_type3A_32, %cond3A_33 : i32
    scf.if %cond3A_34 {
      "tpu.region"() ({
        %run_scoped3A = tpu.sem_alloc : memref<!tpu.dma_semaphore, #tpu.memory_space<semaphore_mem>>
        %dma_start3A_220 = tpu.memref_slice %arg10[%multiple_of3A] : memref<100000xf32, #tpu.memory_space<vmem_shared>> -> memref<4096xf32, #tpu.memory_space<vmem_shared>>
        %dma_start3A_221 = tpu.memref_slice %arg10[%multiple_of3A] : memref<100000xf32, #tpu.memory_space<vmem_shared>> -> memref<4096xf32, #tpu.memory_space<vmem_shared>>
        tpu.enqueue_dma source(%arg7 : memref<4096xf32, #tpu.memory_space<vmem>>) target(%dma_start3A_221 : memref<4096xf32, #tpu.memory_space<vmem_shared>>) target_semaphore(%run_scoped3A : memref<!tpu.dma_semaphore, #tpu.memory_space<semaphore_mem>>)
        %dma_wait3A_222 = tpu.memref_slice %arg10[%multiple_of3A] : memref<100000xf32, #tpu.memory_space<vmem_shared>> -> memref<4096xf32, #tpu.memory_space<vmem_shared>>
        %dma_wait3A_223 = tpu.memref_slice %arg10[%multiple_of3A] : memref<100000xf32, #tpu.memory_space<vmem_shared>> -> memref<4096xf32, #tpu.memory_space<vmem_shared>>
        tpu.wait_dma2 semaphore(%run_scoped3A : memref<!tpu.dma_semaphore, #tpu.memory_space<semaphore_mem>>) src(%arg7 : memref<4096xf32, #tpu.memory_space<vmem>>) dst(%dma_wait3A_223 : memref<4096xf32, #tpu.memory_space<vmem_shared>>)
        tpu.yield
      }) : () -> ()
      %add3A_218 = arith.constant 4096 : i32
      %add3A_219 = arith.addi %multiple_of3A, %add3A_218 : i32
      "tpu.region"() ({
        %run_scoped3A = tpu.sem_alloc : memref<!tpu.dma_semaphore, #tpu.memory_space<semaphore_mem>>
        %dma_start3A_220 = arith.constant 0 : i32
        %dma_start3A_221 = tpu.memref_slice %arg7[%dma_start3A_220] : memref<4096xf32, #tpu.memory_space<vmem>> -> memref<2064xf32, #tpu.memory_space<vmem>>
        %dma_start3A_222 = tpu.memref_slice %arg10[%add3A_219] : memref<100000xf32, #tpu.memory_space<vmem_shared>> -> memref<2064xf32, #tpu.memory_space<vmem_shared>>
        %dma_start3A_223 = tpu.memref_slice %arg10[%add3A_219] : memref<100000xf32, #tpu.memory_space<vmem_shared>> -> memref<2064xf32, #tpu.memory_space<vmem_shared>>
        %dma_start3A_224 = arith.constant 0 : i32
        %dma_start3A_225 = tpu.memref_slice %arg7[%dma_start3A_224] : memref<4096xf32, #tpu.memory_space<vmem>> -> memref<2064xf32, #tpu.memory_space<vmem>>
        tpu.enqueue_dma source(%dma_start3A_225 : memref<2064xf32, #tpu.memory_space<vmem>>) target(%dma_start3A_223 : memref<2064xf32, #tpu.memory_space<vmem_shared>>) target_semaphore(%run_scoped3A : memref<!tpu.dma_semaphore, #tpu.memory_space<semaphore_mem>>)
        %dma_wait3A_226 = arith.constant 0 : i32
        %dma_wait3A_227 = tpu.memref_slice %arg7[%dma_wait3A_226] : memref<4096xf32, #tpu.memory_space<vmem>> -> memref<2064xf32, #tpu.memory_space<vmem>>
        %dma_wait3A_228 = tpu.memref_slice %arg10[%add3A_219] : memref<100000xf32, #tpu.memory_space<vmem_shared>> -> memref<2064xf32, #tpu.memory_space<vmem_shared>>
        %dma_wait3A_229 = tpu.memref_slice %arg10[%add3A_219] : memref<100000xf32, #tpu.memory_space<vmem_shared>> -> memref<2064xf32, #tpu.memory_space<vmem_shared>>
        %dma_wait3A_230 = arith.constant 0 : i32
        %dma_wait3A_231 = tpu.memref_slice %arg7[%dma_wait3A_230] : memref<4096xf32, #tpu.memory_space<vmem>> -> memref<2064xf32, #tpu.memory_space<vmem>>
        tpu.wait_dma2 semaphore(%run_scoped3A : memref<!tpu.dma_semaphore, #tpu.memory_space<semaphore_mem>>) src(%dma_wait3A_231 : memref<2064xf32, #tpu.memory_space<vmem>>) dst(%dma_wait3A_229 : memref<2064xf32, #tpu.memory_space<vmem_shared>>)
        tpu.yield
      }) : () -> ()
    } else {
    }
    %lt3A_35 = arith.constant 15 : i32
    %lt3A_36 = arith.cmpi slt, %arg1, %lt3A_35 : i32
    %convert_element_type3A_37 = arith.extui %lt3A_36 : i1 to i32
    %cond3A_38 = arith.constant 0 : i32
    %cond3A_39 = arith.cmpi ne, %convert_element_type3A_37, %cond3A_38 : i32
    scf.if %cond3A_39 {
      "tpu.region"() ({
        %run_scoped3A = tpu.sem_alloc : memref<!tpu.dma_semaphore, #tpu.memory_space<semaphore_mem>>
        %dma_start3A_220 = tpu.memref_slice %arg11[%multiple_of3A] : memref<100000xf32, #tpu.memory_space<vmem_shared>> -> memref<4096xf32, #tpu.memory_space<vmem_shared>>
        %dma_start3A_221 = tpu.memref_slice %arg11[%multiple_of3A] : memref<100000xf32, #tpu.memory_space<vmem_shared>> -> memref<4096xf32, #tpu.memory_space<vmem_shared>>
        tpu.enqueue_dma source(%arg7 : memref<4096xf32, #tpu.memory_space<vmem>>) target(%dma_start3A_221 : memref<4096xf32, #tpu.memory_space<vmem_shared>>) target_semaphore(%run_scoped3A : memref<!tpu.dma_semaphore, #tpu.memory_space<semaphore_mem>>)
        %dma_wait3A_222 = tpu.memref_slice %arg11[%multiple_of3A] : memref<100000xf32, #tpu.memory_space<vmem_shared>> -> memref<4096xf32, #tpu.memory_space<vmem_shared>>
        %dma_wait3A_223 = tpu.memref_slice %arg11[%multiple_of3A] : memref<100000xf32, #tpu.memory_space<vmem_shared>> -> memref<4096xf32, #tpu.memory_space<vmem_shared>>
        tpu.wait_dma2 semaphore(%run_scoped3A : memref<!tpu.dma_semaphore, #tpu.memory_space<semaphore_mem>>) src(%arg7 : memref<4096xf32, #tpu.memory_space<vmem>>) dst(%dma_wait3A_223 : memref<4096xf32, #tpu.memory_space<vmem_shared>>)
        tpu.yield
      }) : () -> ()
      %add3A_218 = arith.constant 4096 : i32
      %add3A_219 = arith.addi %multiple_of3A, %add3A_218 : i32
      "tpu.region"() ({
        %run_scoped3A = tpu.sem_alloc : memref<!tpu.dma_semaphore, #tpu.memory_space<semaphore_mem>>
        %dma_start3A_220 = arith.constant 0 : i32
        %dma_start3A_221 = tpu.memref_slice %arg7[%dma_start3A_220] : memref<4096xf32, #tpu.memory_space<vmem>> -> memref<2160xf32, #tpu.memory_space<vmem>>
        %dma_start3A_222 = tpu.memref_slice %arg11[%add3A_219] : memref<100000xf32, #tpu.memory_space<vmem_shared>> -> memref<2160xf32, #tpu.memory_space<vmem_shared>>
        %dma_start3A_223 = tpu.memref_slice %arg11[%add3A_219] : memref<100000xf32, #tpu.memory_space<vmem_shared>> -> memref<2160xf32, #tpu.memory_space<vmem_shared>>
        %dma_start3A_224 = arith.constant 0 : i32
        %dma_start3A_225 = tpu.memref_slice %arg7[%dma_start3A_224] : memref<4096xf32, #tpu.memory_space<vmem>> -> memref<2160xf32, #tpu.memory_space<vmem>>
        tpu.enqueue_dma source(%dma_start3A_225 : memref<2160xf32, #tpu.memory_space<vmem>>) target(%dma_start3A_223 : memref<2160xf32, #tpu.memory_space<vmem_shared>>) target_semaphore(%run_scoped3A : memref<!tpu.dma_semaphore, #tpu.memory_space<semaphore_mem>>)
        %dma_wait3A_226 = arith.constant 0 : i32
        %dma_wait3A_227 = tpu.memref_slice %arg7[%dma_wait3A_226] : memref<4096xf32, #tpu.memory_space<vmem>> -> memref<2160xf32, #tpu.memory_space<vmem>>
        %dma_wait3A_228 = tpu.memref_slice %arg11[%add3A_219] : memref<100000xf32, #tpu.memory_space<vmem_shared>> -> memref<2160xf32, #tpu.memory_space<vmem_shared>>
        %dma_wait3A_229 = tpu.memref_slice %arg11[%add3A_219] : memref<100000xf32, #tpu.memory_space<vmem_shared>> -> memref<2160xf32, #tpu.memory_space<vmem_shared>>
        %dma_wait3A_230 = arith.constant 0 : i32
        %dma_wait3A_231 = tpu.memref_slice %arg7[%dma_wait3A_230] : memref<4096xf32, #tpu.memory_space<vmem>> -> memref<2160xf32, #tpu.memory_space<vmem>>
        tpu.wait_dma2 semaphore(%run_scoped3A : memref<!tpu.dma_semaphore, #tpu.memory_space<semaphore_mem>>) src(%dma_wait3A_231 : memref<2160xf32, #tpu.memory_space<vmem>>) dst(%dma_wait3A_229 : memref<2160xf32, #tpu.memory_space<vmem_shared>>)
        tpu.yield
      }) : () -> ()
    } else {
    }
    %eq3A_40 = arith.constant 15 : i32
    %eq3A_41 = arith.cmpi eq, %arg1, %eq3A_40 : i32
    %convert_element_type3A_42 = arith.extui %eq3A_41 : i1 to i32
    %cond3A_43 = arith.constant 0 : i32
    %cond3A_44 = arith.cmpi ne, %convert_element_type3A_42, %cond3A_43 : i32
    scf.if %cond3A_44 {
      "tpu.region"() ({
        %run_scoped3A = tpu.sem_alloc : memref<!tpu.dma_semaphore, #tpu.memory_space<semaphore_mem>>
        %dma_start3A_220 = tpu.memref_slice %arg11[%multiple_of3A] : memref<100000xf32, #tpu.memory_space<vmem_shared>> -> memref<4096xf32, #tpu.memory_space<vmem_shared>>
        %dma_start3A_221 = tpu.memref_slice %arg11[%multiple_of3A] : memref<100000xf32, #tpu.memory_space<vmem_shared>> -> memref<4096xf32, #tpu.memory_space<vmem_shared>>
        tpu.enqueue_dma source(%arg7 : memref<4096xf32, #tpu.memory_space<vmem>>) target(%dma_start3A_221 : memref<4096xf32, #tpu.memory_space<vmem_shared>>) target_semaphore(%run_scoped3A : memref<!tpu.dma_semaphore, #tpu.memory_space<semaphore_mem>>)
        %dma_wait3A_222 = tpu.memref_slice %arg11[%multiple_of3A] : memref<100000xf32, #tpu.memory_space<vmem_shared>> -> memref<4096xf32, #tpu.memory_space<vmem_shared>>
        %dma_wait3A_223 = tpu.memref_slice %arg11[%multiple_of3A] : memref<100000xf32, #tpu.memory_space<vmem_shared>> -> memref<4096xf32, #tpu.memory_space<vmem_shared>>
        tpu.wait_dma2 semaphore(%run_scoped3A : memref<!tpu.dma_semaphore, #tpu.memory_space<semaphore_mem>>) src(%arg7 : memref<4096xf32, #tpu.memory_space<vmem>>) dst(%dma_wait3A_223 : memref<4096xf32, #tpu.memory_space<vmem_shared>>)
        tpu.yield
      }) : () -> ()
      %add3A_218 = arith.constant 4096 : i32
      %add3A_219 = arith.addi %multiple_of3A, %add3A_218 : i32
      "tpu.region"() ({
        %run_scoped3A = tpu.sem_alloc : memref<!tpu.dma_semaphore, #tpu.memory_space<semaphore_mem>>
        %dma_start3A_220 = arith.constant 0 : i32
        %dma_start3A_221 = tpu.memref_slice %arg7[%dma_start3A_220] : memref<4096xf32, #tpu.memory_space<vmem>> -> memref<2064xf32, #tpu.memory_space<vmem>>
        %dma_start3A_222 = tpu.memref_slice %arg11[%add3A_219] : memref<100000xf32, #tpu.memory_space<vmem_shared>> -> memref<2064xf32, #tpu.memory_space<vmem_shared>>
        %dma_start3A_223 = tpu.memref_slice %arg11[%add3A_219] : memref<100000xf32, #tpu.memory_space<vmem_shared>> -> memref<2064xf32, #tpu.memory_space<vmem_shared>>
        %dma_start3A_224 = arith.constant 0 : i32
        %dma_start3A_225 = tpu.memref_slice %arg7[%dma_start3A_224] : memref<4096xf32, #tpu.memory_space<vmem>> -> memref<2064xf32, #tpu.memory_space<vmem>>
        tpu.enqueue_dma source(%dma_start3A_225 : memref<2064xf32, #tpu.memory_space<vmem>>) target(%dma_start3A_223 : memref<2064xf32, #tpu.memory_space<vmem_shared>>) target_semaphore(%run_scoped3A : memref<!tpu.dma_semaphore, #tpu.memory_space<semaphore_mem>>)
        %dma_wait3A_226 = arith.constant 0 : i32
        %dma_wait3A_227 = tpu.memref_slice %arg7[%dma_wait3A_226] : memref<4096xf32, #tpu.memory_space<vmem>> -> memref<2064xf32, #tpu.memory_space<vmem>>
        %dma_wait3A_228 = tpu.memref_slice %arg11[%add3A_219] : memref<100000xf32, #tpu.memory_space<vmem_shared>> -> memref<2064xf32, #tpu.memory_space<vmem_shared>>
        %dma_wait3A_229 = tpu.memref_slice %arg11[%add3A_219] : memref<100000xf32, #tpu.memory_space<vmem_shared>> -> memref<2064xf32, #tpu.memory_space<vmem_shared>>
        %dma_wait3A_230 = arith.constant 0 : i32
        %dma_wait3A_231 = tpu.memref_slice %arg7[%dma_wait3A_230] : memref<4096xf32, #tpu.memory_space<vmem>> -> memref<2064xf32, #tpu.memory_space<vmem>>
        tpu.wait_dma2 semaphore(%run_scoped3A : memref<!tpu.dma_semaphore, #tpu.memory_space<semaphore_mem>>) src(%dma_wait3A_231 : memref<2064xf32, #tpu.memory_space<vmem>>) dst(%dma_wait3A_229 : memref<2064xf32, #tpu.memory_space<vmem_shared>>)
        tpu.yield
      }) : () -> ()
    } else {
    }
    %barrier3A = arith.constant 0 : index
    tpu.barrier barrier_id(%barrier3A)
    %mul3A_45 = arith.constant 97 : i32
    %mul3A_46 = arith.muli %add3A, %mul3A_45 : i32
    %min3A = arith.constant 21 : i32
    %min3A_47 = arith.minsi %add3A, %min3A : i32
    %add3A_48 = arith.addi %mul3A_46, %min3A_47 : i32
    %mul3A_49 = arith.constant 2 : i32
    %mul3A_50 = arith.muli %mul3A_49, %add3A_48 : i32
    %lt3A_51 = arith.constant 21 : i32
    %lt3A_52 = arith.cmpi slt, %add3A, %lt3A_51 : i32
    %jit3A = arith.constant 1 : i32
    %jit3A_53 = arith.constant 0 : i32
    %select_n3A = arith.select %lt3A_52, %jit3A, %jit3A_53 : i32
    %add3A_54 = arith.constant 97 : i32
    %add3A_55 = arith.addi %add3A_54, %select_n3A : i32
    %mul3A_56 = arith.constant 8 : i32
    %mul3A_57 = arith.muli %mul3A_50, %mul3A_56 : i32
    %multiple_of3A_58 = tpu.assume_multiple %mul3A_57, 8 : i32
    %dma_start3A = arith.constant 0 : i32
    %dma_start3A_59 = arith.constant 0 : i32
    %dma_start3A_60 = arith.constant 0 : i32
    %dma_start3A_61 = arith.constant 0 : i32
    %dma_start3A_62 = tpu.memref_slice %arg5[%dma_start3A, %dma_start3A_59, %dma_start3A_60, %dma_start3A_61] : memref<2x8x1x128xi32, #tpu.memory_space<vmem>> -> memref<1x8x1x128xi32, #tpu.memory_space<vmem>>
    %dma_start3A_63 = tpu.memref_squeeze %dma_start3A_62 : memref<1x8x1x128xi32, #tpu.memory_space<vmem>> -> memref<8x1x128xi32, #tpu.memory_space<vmem>>
    %dma_start3A_64 = arith.constant 1 : i32
    %dma_start3A_65 = arith.constant 0 : i32
    %dma_start3A_66 = tpu.memref_slice %arg2[%multiple_of3A_58, %dma_start3A_64, %dma_start3A_65] : memref<50000x2x128xi32, #tpu.memory_space<hbm>> -> memref<8x1x128xi32, #tpu.memory_space<hbm>>
    %dma_start3A_67 = arith.constant 0 : i32
    %dma_start3A_68 = arith.constant 0 : i32
    %dma_start3A_69 = arith.constant 0 : i32
    %dma_start3A_70 = tpu.memref_slice %arg5[%dma_start3A, %dma_start3A_67, %dma_start3A_68, %dma_start3A_69] : memref<2x8x1x128xi32, #tpu.memory_space<vmem>> -> memref<1x8x1x128xi32, #tpu.memory_space<vmem>>
    %dma_start3A_71 = tpu.memref_squeeze %dma_start3A_70 : memref<1x8x1x128xi32, #tpu.memory_space<vmem>> -> memref<8x1x128xi32, #tpu.memory_space<vmem>>
    %dma_start3A_72 = arith.constant 1 : i32
    %dma_start3A_73 = arith.constant 0 : i32
    %dma_start3A_74 = tpu.memref_slice %arg2[%multiple_of3A_58, %dma_start3A_72, %dma_start3A_73] : memref<50000x2x128xi32, #tpu.memory_space<hbm>> -> memref<8x1x128xi32, #tpu.memory_space<hbm>>
    tpu.enqueue_dma source(%dma_start3A_74 : memref<8x1x128xi32, #tpu.memory_space<hbm>>) target(%dma_start3A_71 : memref<8x1x128xi32, #tpu.memory_space<vmem>>) target_semaphore(%arg12 : memref<!tpu.dma_semaphore, #tpu.memory_space<semaphore_mem>>)
    %dma_start3A_75 = arith.constant 0 : i32
    %dma_start3A_76 = arith.constant 0 : i32
    %dma_start3A_77 = arith.constant 0 : i32
    %dma_start3A_78 = arith.constant 0 : i32
    %dma_start3A_79 = tpu.memref_slice %arg6[%dma_start3A_75, %dma_start3A_76, %dma_start3A_77, %dma_start3A_78] : memref<2x8x4x128xf32, #tpu.memory_space<vmem>> -> memref<1x8x4x128xf32, #tpu.memory_space<vmem>>
    %dma_start3A_80 = tpu.memref_squeeze %dma_start3A_79 : memref<1x8x4x128xf32, #tpu.memory_space<vmem>> -> memref<8x4x128xf32, #tpu.memory_space<vmem>>
    %dma_start3A_81 = arith.constant 0 : i32
    %dma_start3A_82 = arith.constant 0 : i32
    %dma_start3A_83 = tpu.memref_slice %arg3[%multiple_of3A_58, %dma_start3A_81, %dma_start3A_82] : memref<50000x4x128xf32, #tpu.memory_space<hbm>> -> memref<8x4x128xf32, #tpu.memory_space<hbm>>
    %dma_start3A_84 = arith.constant 0 : i32
    %dma_start3A_85 = arith.constant 0 : i32
    %dma_start3A_86 = arith.constant 0 : i32
    %dma_start3A_87 = tpu.memref_slice %arg6[%dma_start3A_75, %dma_start3A_84, %dma_start3A_85, %dma_start3A_86] : memref<2x8x4x128xf32, #tpu.memory_space<vmem>> -> memref<1x8x4x128xf32, #tpu.memory_space<vmem>>
    %dma_start3A_88 = tpu.memref_squeeze %dma_start3A_87 : memref<1x8x4x128xf32, #tpu.memory_space<vmem>> -> memref<8x4x128xf32, #tpu.memory_space<vmem>>
    %dma_start3A_89 = arith.constant 0 : i32
    %dma_start3A_90 = arith.constant 0 : i32
    %dma_start3A_91 = tpu.memref_slice %arg3[%multiple_of3A_58, %dma_start3A_89, %dma_start3A_90] : memref<50000x4x128xf32, #tpu.memory_space<hbm>> -> memref<8x4x128xf32, #tpu.memory_space<hbm>>
    tpu.enqueue_dma source(%dma_start3A_91 : memref<8x4x128xf32, #tpu.memory_space<hbm>>) target(%dma_start3A_88 : memref<8x4x128xf32, #tpu.memory_space<vmem>>) target_semaphore(%arg12 : memref<!tpu.dma_semaphore, #tpu.memory_space<semaphore_mem>>)
    %add3A_92 = arith.constant 1 : i32
    %add3A_93 = arith.addi %mul3A_50, %add3A_92 : i32
    %mul3A_94 = arith.constant 8 : i32
    %mul3A_95 = arith.muli %add3A_93, %mul3A_94 : i32
    %multiple_of3A_96 = tpu.assume_multiple %mul3A_95, 8 : i32
    %dma_start3A_97 = arith.constant 1 : i32
    %dma_start3A_98 = arith.constant 0 : i32
    %dma_start3A_99 = arith.constant 0 : i32
    %dma_start3A_100 = arith.constant 0 : i32
    %dma_start3A_101 = tpu.memref_slice %arg5[%dma_start3A_97, %dma_start3A_98, %dma_start3A_99, %dma_start3A_100] : memref<2x8x1x128xi32, #tpu.memory_space<vmem>> -> memref<1x8x1x128xi32, #tpu.memory_space<vmem>>
    %dma_start3A_102 = tpu.memref_squeeze %dma_start3A_101 : memref<1x8x1x128xi32, #tpu.memory_space<vmem>> -> memref<8x1x128xi32, #tpu.memory_space<vmem>>
    %dma_start3A_103 = arith.constant 1 : i32
    %dma_start3A_104 = arith.constant 0 : i32
    %dma_start3A_105 = tpu.memref_slice %arg2[%multiple_of3A_96, %dma_start3A_103, %dma_start3A_104] : memref<50000x2x128xi32, #tpu.memory_space<hbm>> -> memref<8x1x128xi32, #tpu.memory_space<hbm>>
    %dma_start3A_106 = arith.constant 0 : i32
    %dma_start3A_107 = arith.constant 0 : i32
    %dma_start3A_108 = arith.constant 0 : i32
    %dma_start3A_109 = tpu.memref_slice %arg5[%dma_start3A_97, %dma_start3A_106, %dma_start3A_107, %dma_start3A_108] : memref<2x8x1x128xi32, #tpu.memory_space<vmem>> -> memref<1x8x1x128xi32, #tpu.memory_space<vmem>>
    %dma_start3A_110 = tpu.memref_squeeze %dma_start3A_109 : memref<1x8x1x128xi32, #tpu.memory_space<vmem>> -> memref<8x1x128xi32, #tpu.memory_space<vmem>>
    %dma_start3A_111 = arith.constant 1 : i32
    %dma_start3A_112 = arith.constant 0 : i32
    %dma_start3A_113 = tpu.memref_slice %arg2[%multiple_of3A_96, %dma_start3A_111, %dma_start3A_112] : memref<50000x2x128xi32, #tpu.memory_space<hbm>> -> memref<8x1x128xi32, #tpu.memory_space<hbm>>
    tpu.enqueue_dma source(%dma_start3A_113 : memref<8x1x128xi32, #tpu.memory_space<hbm>>) target(%dma_start3A_110 : memref<8x1x128xi32, #tpu.memory_space<vmem>>) target_semaphore(%arg13 : memref<!tpu.dma_semaphore, #tpu.memory_space<semaphore_mem>>)
    %dma_start3A_114 = arith.constant 1 : i32
    %dma_start3A_115 = arith.constant 0 : i32
    %dma_start3A_116 = arith.constant 0 : i32
    %dma_start3A_117 = arith.constant 0 : i32
    %dma_start3A_118 = tpu.memref_slice %arg6[%dma_start3A_114, %dma_start3A_115, %dma_start3A_116, %dma_start3A_117] : memref<2x8x4x128xf32, #tpu.memory_space<vmem>> -> memref<1x8x4x128xf32, #tpu.memory_space<vmem>>
    %dma_start3A_119 = tpu.memref_squeeze %dma_start3A_118 : memref<1x8x4x128xf32, #tpu.memory_space<vmem>> -> memref<8x4x128xf32, #tpu.memory_space<vmem>>
    %dma_start3A_120 = arith.constant 0 : i32
    %dma_start3A_121 = arith.constant 0 : i32
    %dma_start3A_122 = tpu.memref_slice %arg3[%multiple_of3A_96, %dma_start3A_120, %dma_start3A_121] : memref<50000x4x128xf32, #tpu.memory_space<hbm>> -> memref<8x4x128xf32, #tpu.memory_space<hbm>>
    %dma_start3A_123 = arith.constant 0 : i32
    %dma_start3A_124 = arith.constant 0 : i32
    %dma_start3A_125 = arith.constant 0 : i32
    %dma_start3A_126 = tpu.memref_slice %arg6[%dma_start3A_114, %dma_start3A_123, %dma_start3A_124, %dma_start3A_125] : memref<2x8x4x128xf32, #tpu.memory_space<vmem>> -> memref<1x8x4x128xf32, #tpu.memory_space<vmem>>
    %dma_start3A_127 = tpu.memref_squeeze %dma_start3A_126 : memref<1x8x4x128xf32, #tpu.memory_space<vmem>> -> memref<8x4x128xf32, #tpu.memory_space<vmem>>
    %dma_start3A_128 = arith.constant 0 : i32
    %dma_start3A_129 = arith.constant 0 : i32
    %dma_start3A_130 = tpu.memref_slice %arg3[%multiple_of3A_96, %dma_start3A_128, %dma_start3A_129] : memref<50000x4x128xf32, #tpu.memory_space<hbm>> -> memref<8x4x128xf32, #tpu.memory_space<hbm>>
    tpu.enqueue_dma source(%dma_start3A_130 : memref<8x4x128xf32, #tpu.memory_space<hbm>>) target(%dma_start3A_127 : memref<8x4x128xf32, #tpu.memory_space<vmem>>) target_semaphore(%arg13 : memref<!tpu.dma_semaphore, #tpu.memory_space<semaphore_mem>>)
    %while3A = arith.constant 0 : i32
    %while3A_131 = arith.constant 0 : i32
    %while3A_132 = arith.subi %add3A_55, %while3A_131 : i32
    %while3A_133 = arith.addi %while3A_131, %while3A_132 : i32
    %while3A_134 = arith.constant 1 : i32
    %while3A_135 = arith.divsi %while3A_132, %while3A_134 : i32
    %while3A_136 = arith.muli %while3A_135, %while3A_134 : i32
    %while3A_137 = arith.addi %while3A_131, %while3A_136 : i32
    %while3A_138 = arith.constant 1 : i32
    scf.for %while3A_218 = %while3A_131 to %while3A_137 step %while3A_138  : i32 {
      %mul3A_219 = arith.constant 2 : i32
      %mul3A_220 = arith.muli %mul3A_219, %while3A_218 : i32
      %add3A_221 = arith.addi %mul3A_50, %mul3A_220 : i32
      %dma_wait3A_222 = arith.constant 0 : i32
      %dma_wait3A_223 = arith.constant 0 : i32
      %dma_wait3A_224 = arith.constant 0 : i32
      %dma_wait3A_225 = arith.constant 0 : i32
      %dma_wait3A_226 = tpu.memref_slice %arg5[%dma_wait3A_222, %dma_wait3A_223, %dma_wait3A_224, %dma_wait3A_225] : memref<2x8x1x128xi32, #tpu.memory_space<vmem>> -> memref<1x8x1x128xi32, #tpu.memory_space<vmem>>
      %dma_wait3A_227 = tpu.memref_squeeze %dma_wait3A_226 : memref<1x8x1x128xi32, #tpu.memory_space<vmem>> -> memref<8x1x128xi32, #tpu.memory_space<vmem>>
      %dma_wait3A_228 = arith.constant 0 : i32
      %dma_wait3A_229 = arith.constant 1 : i32
      %dma_wait3A_230 = arith.constant 0 : i32
      %dma_wait3A_231 = tpu.memref_slice %arg2[%dma_wait3A_228, %dma_wait3A_229, %dma_wait3A_230] : memref<50000x2x128xi32, #tpu.memory_space<hbm>> -> memref<8x1x128xi32, #tpu.memory_space<hbm>>
      %dma_wait3A_232 = arith.constant 0 : i32
      %dma_wait3A_233 = arith.constant 0 : i32
      %dma_wait3A_234 = arith.constant 0 : i32
      %dma_wait3A_235 = tpu.memref_slice %arg5[%dma_wait3A_222, %dma_wait3A_232, %dma_wait3A_233, %dma_wait3A_234] : memref<2x8x1x128xi32, #tpu.memory_space<vmem>> -> memref<1x8x1x128xi32, #tpu.memory_space<vmem>>
      %dma_wait3A_236 = tpu.memref_squeeze %dma_wait3A_235 : memref<1x8x1x128xi32, #tpu.memory_space<vmem>> -> memref<8x1x128xi32, #tpu.memory_space<vmem>>
      %dma_wait3A_237 = arith.constant 0 : i32
      %dma_wait3A_238 = arith.constant 1 : i32
      %dma_wait3A_239 = arith.constant 0 : i32
      %dma_wait3A_240 = tpu.memref_slice %arg2[%dma_wait3A_237, %dma_wait3A_238, %dma_wait3A_239] : memref<50000x2x128xi32, #tpu.memory_space<hbm>> -> memref<8x1x128xi32, #tpu.memory_space<hbm>>
      tpu.wait_dma2 semaphore(%arg12 : memref<!tpu.dma_semaphore, #tpu.memory_space<semaphore_mem>>) src(%dma_wait3A_240 : memref<8x1x128xi32, #tpu.memory_space<hbm>>) dst(%dma_wait3A_236 : memref<8x1x128xi32, #tpu.memory_space<vmem>>)
      %dma_wait3A_241 = arith.constant 0 : i32
      %dma_wait3A_242 = arith.constant 0 : i32
      %dma_wait3A_243 = arith.constant 0 : i32
      %dma_wait3A_244 = arith.constant 0 : i32
      %dma_wait3A_245 = tpu.memref_slice %arg6[%dma_wait3A_241, %dma_wait3A_242, %dma_wait3A_243, %dma_wait3A_244] : memref<2x8x4x128xf32, #tpu.memory_space<vmem>> -> memref<1x8x4x128xf32, #tpu.memory_space<vmem>>
      %dma_wait3A_246 = tpu.memref_squeeze %dma_wait3A_245 : memref<1x8x4x128xf32, #tpu.memory_space<vmem>> -> memref<8x4x128xf32, #tpu.memory_space<vmem>>
      %dma_wait3A_247 = arith.constant 0 : i32
      %dma_wait3A_248 = arith.constant 0 : i32
      %dma_wait3A_249 = arith.constant 0 : i32
      %dma_wait3A_250 = tpu.memref_slice %arg3[%dma_wait3A_247, %dma_wait3A_248, %dma_wait3A_249] : memref<50000x4x128xf32, #tpu.memory_space<hbm>> -> memref<8x4x128xf32, #tpu.memory_space<hbm>>
      %dma_wait3A_251 = arith.constant 0 : i32
      %dma_wait3A_252 = arith.constant 0 : i32
      %dma_wait3A_253 = arith.constant 0 : i32
      %dma_wait3A_254 = tpu.memref_slice %arg6[%dma_wait3A_241, %dma_wait3A_251, %dma_wait3A_252, %dma_wait3A_253] : memref<2x8x4x128xf32, #tpu.memory_space<vmem>> -> memref<1x8x4x128xf32, #tpu.memory_space<vmem>>
      %dma_wait3A_255 = tpu.memref_squeeze %dma_wait3A_254 : memref<1x8x4x128xf32, #tpu.memory_space<vmem>> -> memref<8x4x128xf32, #tpu.memory_space<vmem>>
      %dma_wait3A_256 = arith.constant 0 : i32
      %dma_wait3A_257 = arith.constant 0 : i32
      %dma_wait3A_258 = arith.constant 0 : i32
      %dma_wait3A_259 = tpu.memref_slice %arg3[%dma_wait3A_256, %dma_wait3A_257, %dma_wait3A_258] : memref<50000x4x128xf32, #tpu.memory_space<hbm>> -> memref<8x4x128xf32, #tpu.memory_space<hbm>>
      tpu.wait_dma2 semaphore(%arg12 : memref<!tpu.dma_semaphore, #tpu.memory_space<semaphore_mem>>) src(%dma_wait3A_259 : memref<8x4x128xf32, #tpu.memory_space<hbm>>) dst(%dma_wait3A_255 : memref<8x4x128xf32, #tpu.memory_space<vmem>>)
      %dma_start3A_260 = arith.constant 0 : i32
      %dma_start3A_261 = arith.constant 0 : i32
      %dma_start3A_262 = arith.constant 0 : i32
      %dma_start3A_263 = arith.constant 0 : i32
      %dma_start3A_264 = arith.constant 0 : i32
      %dma_start3A_265 = arith.constant 0 : i32
      %dma_start3A_266 = arith.constant 0 : i32
      %dma_start3A_267 = tpu.memref_slice %arg6[%dma_start3A_260, %dma_start3A_261, %dma_start3A_262, %dma_start3A_266] : memref<2x8x4x128xf32, #tpu.memory_space<vmem>> -> memref<1x1x1x128xf32, #tpu.memory_space<vmem>>
      %dma_start3A_268 = tpu.memref_squeeze %dma_start3A_267 : memref<1x1x1x128xf32, #tpu.memory_space<vmem>> -> memref<128xf32, #tpu.memory_space<vmem>>
      %dma_start3A_269 = arith.constant 0 : i32
      %dma_start3A_270 = tpu.memref_slice %arg5[%dma_start3A_263, %dma_start3A_264, %dma_start3A_265, %dma_start3A_269] : memref<2x8x1x128xi32, #tpu.memory_space<vmem>> -> memref<1x1x1x128xi32, #tpu.memory_space<vmem>>
      %dma_start3A_271 = tpu.memref_squeeze %dma_start3A_270 : memref<1x1x1x128xi32, #tpu.memory_space<vmem>> -> memref<128xi32, #tpu.memory_space<vmem>>
      %dma_start3A_272 = arith.constant 0 : i32
      %dma_start3A_273 = tpu.memref_slice %arg8[%dma_start3A_272] : memref<100000xf32, #tpu.memory_space<vmem_shared>> -> memref<100000xf32, #tpu.memory_space<vmem_shared>>
      tpu.enqueue_indirect_dma source(%dma_start3A_268 : memref<128xf32, #tpu.memory_space<vmem>>) target(%dma_start3A_273 : memref<100000xf32, #tpu.memory_space<vmem_shared>>) offsets(%dma_start3A_271 : memref<128xi32, #tpu.memory_space<vmem>>) semaphore(%arg14 : memref<!tpu.dma_semaphore, #tpu.memory_space<semaphore_mem>>) {add = true}
      %dma_start3A_274 = arith.constant 0 : i32
      %dma_start3A_275 = arith.constant 0 : i32
      %dma_start3A_276 = arith.constant 1 : i32
      %dma_start3A_277 = arith.constant 0 : i32
      %dma_start3A_278 = arith.constant 0 : i32
      %dma_start3A_279 = arith.constant 0 : i32
      %dma_start3A_280 = arith.constant 0 : i32
      %dma_start3A_281 = tpu.memref_slice %arg6[%dma_start3A_274, %dma_start3A_275, %dma_start3A_276, %dma_start3A_280] : memref<2x8x4x128xf32, #tpu.memory_space<vmem>> -> memref<1x1x1x128xf32, #tpu.memory_space<vmem>>
      %dma_start3A_282 = tpu.memref_squeeze %dma_start3A_281 : memref<1x1x1x128xf32, #tpu.memory_space<vmem>> -> memref<128xf32, #tpu.memory_space<vmem>>
      %dma_start3A_283 = arith.constant 0 : i32
      %dma_start3A_284 = tpu.memref_slice %arg5[%dma_start3A_277, %dma_start3A_278, %dma_start3A_279, %dma_start3A_283] : memref<2x8x1x128xi32, #tpu.memory_space<vmem>> -> memref<1x1x1x128xi32, #tpu.memory_space<vmem>>
      %dma_start3A_285 = tpu.memref_squeeze %dma_start3A_284 : memref<1x1x1x128xi32, #tpu.memory_space<vmem>> -> memref<128xi32, #tpu.memory_space<vmem>>
      %dma_start3A_286 = arith.constant 0 : i32
      %dma_start3A_287 = tpu.memref_slice %arg9[%dma_start3A_286] : memref<100000xf32, #tpu.memory_space<vmem_shared>> -> memref<100000xf32, #tpu.memory_space<vmem_shared>>
      tpu.enqueue_indirect_dma source(%dma_start3A_282 : memref<128xf32, #tpu.memory_space<vmem>>) target(%dma_start3A_287 : memref<100000xf32, #tpu.memory_space<vmem_shared>>) offsets(%dma_start3A_285 : memref<128xi32, #tpu.memory_space<vmem>>) semaphore(%arg14 : memref<!tpu.dma_semaphore, #tpu.memory_space<semaphore_mem>>) {add = true}
      %dma_start3A_288 = arith.constant 0 : i32
      %dma_start3A_289 = arith.constant 0 : i32
      %dma_start3A_290 = arith.constant 2 : i32
      %dma_start3A_291 = arith.constant 0 : i32
      %dma_start3A_292 = arith.constant 0 : i32
      %dma_start3A_293 = arith.constant 0 : i32
      %dma_start3A_294 = arith.constant 0 : i32
      %dma_start3A_295 = tpu.memref_slice %arg6[%dma_start3A_288, %dma_start3A_289, %dma_start3A_290, %dma_start3A_294] : memref<2x8x4x128xf32, #tpu.memory_space<vmem>> -> memref<1x1x1x128xf32, #tpu.memory_space<vmem>>
      %dma_start3A_296 = tpu.memref_squeeze %dma_start3A_295 : memref<1x1x1x128xf32, #tpu.memory_space<vmem>> -> memref<128xf32, #tpu.memory_space<vmem>>
      %dma_start3A_297 = arith.constant 0 : i32
      %dma_start3A_298 = tpu.memref_slice %arg5[%dma_start3A_291, %dma_start3A_292, %dma_start3A_293, %dma_start3A_297] : memref<2x8x1x128xi32, #tpu.memory_space<vmem>> -> memref<1x1x1x128xi32, #tpu.memory_space<vmem>>
      %dma_start3A_299 = tpu.memref_squeeze %dma_start3A_298 : memref<1x1x1x128xi32, #tpu.memory_space<vmem>> -> memref<128xi32, #tpu.memory_space<vmem>>
      %dma_start3A_300 = arith.constant 0 : i32
      %dma_start3A_301 = tpu.memref_slice %arg10[%dma_start3A_300] : memref<100000xf32, #tpu.memory_space<vmem_shared>> -> memref<100000xf32, #tpu.memory_space<vmem_shared>>
      tpu.enqueue_indirect_dma source(%dma_start3A_296 : memref<128xf32, #tpu.memory_space<vmem>>) target(%dma_start3A_301 : memref<100000xf32, #tpu.memory_space<vmem_shared>>) offsets(%dma_start3A_299 : memref<128xi32, #tpu.memory_space<vmem>>) semaphore(%arg14 : memref<!tpu.dma_semaphore, #tpu.memory_space<semaphore_mem>>) {add = true}
      %dma_start3A_302 = arith.constant 0 : i32
      %dma_start3A_303 = arith.constant 0 : i32
      %dma_start3A_304 = arith.constant 3 : i32
      %dma_start3A_305 = arith.constant 0 : i32
      %dma_start3A_306 = arith.constant 0 : i32
      %dma_start3A_307 = arith.constant 0 : i32
      %dma_start3A_308 = arith.constant 0 : i32
      %dma_start3A_309 = tpu.memref_slice %arg6[%dma_start3A_302, %dma_start3A_303, %dma_start3A_304, %dma_start3A_308] : memref<2x8x4x128xf32, #tpu.memory_space<vmem>> -> memref<1x1x1x128xf32, #tpu.memory_space<vmem>>
      %dma_start3A_310 = tpu.memref_squeeze %dma_start3A_309 : memref<1x1x1x128xf32, #tpu.memory_space<vmem>> -> memref<128xf32, #tpu.memory_space<vmem>>
      %dma_start3A_311 = arith.constant 0 : i32
      %dma_start3A_312 = tpu.memref_slice %arg5[%dma_start3A_305, %dma_start3A_306, %dma_start3A_307, %dma_start3A_311] : memref<2x8x1x128xi32, #tpu.memory_space<vmem>> -> memref<1x1x1x128xi32, #tpu.memory_space<vmem>>
      %dma_start3A_313 = tpu.memref_squeeze %dma_start3A_312 : memref<1x1x1x128xi32, #tpu.memory_space<vmem>> -> memref<128xi32, #tpu.memory_space<vmem>>
      %dma_start3A_314 = arith.constant 0 : i32
      %dma_start3A_315 = tpu.memref_slice %arg11[%dma_start3A_314] : memref<100000xf32, #tpu.memory_space<vmem_shared>> -> memref<100000xf32, #tpu.memory_space<vmem_shared>>
      tpu.enqueue_indirect_dma source(%dma_start3A_310 : memref<128xf32, #tpu.memory_space<vmem>>) target(%dma_start3A_315 : memref<100000xf32, #tpu.memory_space<vmem_shared>>) offsets(%dma_start3A_313 : memref<128xi32, #tpu.memory_space<vmem>>) semaphore(%arg14 : memref<!tpu.dma_semaphore, #tpu.memory_space<semaphore_mem>>) {add = true}
      %dma_start3A_316 = arith.constant 0 : i32
      %dma_start3A_317 = arith.constant 1 : i32
      %dma_start3A_318 = arith.constant 0 : i32
      %dma_start3A_319 = arith.constant 0 : i32
      %dma_start3A_320 = arith.constant 1 : i32
      %dma_start3A_321 = arith.constant 0 : i32
      %dma_start3A_322 = arith.constant 0 : i32
      %dma_start3A_323 = tpu.memref_slice %arg6[%dma_start3A_316, %dma_start3A_317, %dma_start3A_318, %dma_start3A_322] : memref<2x8x4x128xf32, #tpu.memory_space<vmem>> -> memref<1x1x1x128xf32, #tpu.memory_space<vmem>>
      %dma_start3A_324 = tpu.memref_squeeze %dma_start3A_323 : memref<1x1x1x128xf32, #tpu.memory_space<vmem>> -> memref<128xf32, #tpu.memory_space<vmem>>
      %dma_start3A_325 = arith.constant 0 : i32
      %dma_start3A_326 = tpu.memref_slice %arg5[%dma_start3A_319, %dma_start3A_320, %dma_start3A_321, %dma_start3A_325] : memref<2x8x1x128xi32, #tpu.memory_space<vmem>> -> memref<1x1x1x128xi32, #tpu.memory_space<vmem>>
      %dma_start3A_327 = tpu.memref_squeeze %dma_start3A_326 : memref<1x1x1x128xi32, #tpu.memory_space<vmem>> -> memref<128xi32, #tpu.memory_space<vmem>>
      %dma_start3A_328 = arith.constant 0 : i32
      %dma_start3A_329 = tpu.memref_slice %arg8[%dma_start3A_328] : memref<100000xf32, #tpu.memory_space<vmem_shared>> -> memref<100000xf32, #tpu.memory_space<vmem_shared>>
      tpu.enqueue_indirect_dma source(%dma_start3A_324 : memref<128xf32, #tpu.memory_space<vmem>>) target(%dma_start3A_329 : memref<100000xf32, #tpu.memory_space<vmem_shared>>) offsets(%dma_start3A_327 : memref<128xi32, #tpu.memory_space<vmem>>) semaphore(%arg14 : memref<!tpu.dma_semaphore, #tpu.memory_space<semaphore_mem>>) {add = true}
      %dma_start3A_330 = arith.constant 0 : i32
      %dma_start3A_331 = arith.constant 1 : i32
      %dma_start3A_332 = arith.constant 1 : i32
      %dma_start3A_333 = arith.constant 0 : i32
      %dma_start3A_334 = arith.constant 1 : i32
      %dma_start3A_335 = arith.constant 0 : i32
      %dma_start3A_336 = arith.constant 0 : i32
      %dma_start3A_337 = tpu.memref_slice %arg6[%dma_start3A_330, %dma_start3A_331, %dma_start3A_332, %dma_start3A_336] : memref<2x8x4x128xf32, #tpu.memory_space<vmem>> -> memref<1x1x1x128xf32, #tpu.memory_space<vmem>>
      %dma_start3A_338 = tpu.memref_squeeze %dma_start3A_337 : memref<1x1x1x128xf32, #tpu.memory_space<vmem>> -> memref<128xf32, #tpu.memory_space<vmem>>
      %dma_start3A_339 = arith.constant 0 : i32
      %dma_start3A_340 = tpu.memref_slice %arg5[%dma_start3A_333, %dma_start3A_334, %dma_start3A_335, %dma_start3A_339] : memref<2x8x1x128xi32, #tpu.memory_space<vmem>> -> memref<1x1x1x128xi32, #tpu.memory_space<vmem>>
      %dma_start3A_341 = tpu.memref_squeeze %dma_start3A_340 : memref<1x1x1x128xi32, #tpu.memory_space<vmem>> -> memref<128xi32, #tpu.memory_space<vmem>>
      %dma_start3A_342 = arith.constant 0 : i32
      %dma_start3A_343 = tpu.memref_slice %arg9[%dma_start3A_342] : memref<100000xf32, #tpu.memory_space<vmem_shared>> -> memref<100000xf32, #tpu.memory_space<vmem_shared>>
      tpu.enqueue_indirect_dma source(%dma_start3A_338 : memref<128xf32, #tpu.memory_space<vmem>>) target(%dma_start3A_343 : memref<100000xf32, #tpu.memory_space<vmem_shared>>) offsets(%dma_start3A_341 : memref<128xi32, #tpu.memory_space<vmem>>) semaphore(%arg14 : memref<!tpu.dma_semaphore, #tpu.memory_space<semaphore_mem>>) {add = true}
      %dma_start3A_344 = arith.constant 0 : i32
      %dma_start3A_345 = arith.constant 1 : i32
      %dma_start3A_346 = arith.constant 2 : i32
      %dma_start3A_347 = arith.constant 0 : i32
      %dma_start3A_348 = arith.constant 1 : i32
      %dma_start3A_349 = arith.constant 0 : i32
      %dma_start3A_350 = arith.constant 0 : i32
      %dma_start3A_351 = tpu.memref_slice %arg6[%dma_start3A_344, %dma_start3A_345, %dma_start3A_346, %dma_start3A_350] : memref<2x8x4x128xf32, #tpu.memory_space<vmem>> -> memref<1x1x1x128xf32, #tpu.memory_space<vmem>>
      %dma_start3A_352 = tpu.memref_squeeze %dma_start3A_351 : memref<1x1x1x128xf32, #tpu.memory_space<vmem>> -> memref<128xf32, #tpu.memory_space<vmem>>
      %dma_start3A_353 = arith.constant 0 : i32
      %dma_start3A_354 = tpu.memref_slice %arg5[%dma_start3A_347, %dma_start3A_348, %dma_start3A_349, %dma_start3A_353] : memref<2x8x1x128xi32, #tpu.memory_space<vmem>> -> memref<1x1x1x128xi32, #tpu.memory_space<vmem>>
      %dma_start3A_355 = tpu.memref_squeeze %dma_start3A_354 : memref<1x1x1x128xi32, #tpu.memory_space<vmem>> -> memref<128xi32, #tpu.memory_space<vmem>>
      %dma_start3A_356 = arith.constant 0 : i32
      %dma_start3A_357 = tpu.memref_slice %arg10[%dma_start3A_356] : memref<100000xf32, #tpu.memory_space<vmem_shared>> -> memref<100000xf32, #tpu.memory_space<vmem_shared>>
      tpu.enqueue_indirect_dma source(%dma_start3A_352 : memref<128xf32, #tpu.memory_space<vmem>>) target(%dma_start3A_357 : memref<100000xf32, #tpu.memory_space<vmem_shared>>) offsets(%dma_start3A_355 : memref<128xi32, #tpu.memory_space<vmem>>) semaphore(%arg14 : memref<!tpu.dma_semaphore, #tpu.memory_space<semaphore_mem>>) {add = true}
      %dma_start3A_358 = arith.constant 0 : i32
      %dma_start3A_359 = arith.constant 1 : i32
      %dma_start3A_360 = arith.constant 3 : i32
      %dma_start3A_361 = arith.constant 0 : i32
      %dma_start3A_362 = arith.constant 1 : i32
      %dma_start3A_363 = arith.constant 0 : i32
      %dma_start3A_364 = arith.constant 0 : i32
      %dma_start3A_365 = tpu.memref_slice %arg6[%dma_start3A_358, %dma_start3A_359, %dma_start3A_360, %dma_start3A_364] : memref<2x8x4x128xf32, #tpu.memory_space<vmem>> -> memref<1x1x1x128xf32, #tpu.memory_space<vmem>>
      %dma_start3A_366 = tpu.memref_squeeze %dma_start3A_365 : memref<1x1x1x128xf32, #tpu.memory_space<vmem>> -> memref<128xf32, #tpu.memory_space<vmem>>
      %dma_start3A_367 = arith.constant 0 : i32
      %dma_start3A_368 = tpu.memref_slice %arg5[%dma_start3A_361, %dma_start3A_362, %dma_start3A_363, %dma_start3A_367] : memref<2x8x1x128xi32, #tpu.memory_space<vmem>> -> memref<1x1x1x128xi32, #tpu.memory_space<vmem>>
      %dma_start3A_369 = tpu.memref_squeeze %dma_start3A_368 : memref<1x1x1x128xi32, #tpu.memory_space<vmem>> -> memref<128xi32, #tpu.memory_space<vmem>>
      %dma_start3A_370 = arith.constant 0 : i32
      %dma_start3A_371 = tpu.memref_slice %arg11[%dma_start3A_370] : memref<100000xf32, #tpu.memory_space<vmem_shared>> -> memref<100000xf32, #tpu.memory_space<vmem_shared>>
      tpu.enqueue_indirect_dma source(%dma_start3A_366 : memref<128xf32, #tpu.memory_space<vmem>>) target(%dma_start3A_371 : memref<100000xf32, #tpu.memory_space<vmem_shared>>) offsets(%dma_start3A_369 : memref<128xi32, #tpu.memory_space<vmem>>) semaphore(%arg14 : memref<!tpu.dma_semaphore, #tpu.memory_space<semaphore_mem>>) {add = true}
      %dma_start3A_372 = arith.constant 0 : i32
      %dma_start3A_373 = arith.constant 2 : i32
      %dma_start3A_374 = arith.constant 0 : i32
      %dma_start3A_375 = arith.constant 0 : i32
      %dma_start3A_376 = arith.constant 2 : i32
      %dma_start3A_377 = arith.constant 0 : i32
      %dma_start3A_378 = arith.constant 0 : i32
      %dma_start3A_379 = tpu.memref_slice %arg6[%dma_start3A_372, %dma_start3A_373, %dma_start3A_374, %dma_start3A_378] : memref<2x8x4x128xf32, #tpu.memory_space<vmem>> -> memref<1x1x1x128xf32, #tpu.memory_space<vmem>>
      %dma_start3A_380 = tpu.memref_squeeze %dma_start3A_379 : memref<1x1x1x128xf32, #tpu.memory_space<vmem>> -> memref<128xf32, #tpu.memory_space<vmem>>
      %dma_start3A_381 = arith.constant 0 : i32
      %dma_start3A_382 = tpu.memref_slice %arg5[%dma_start3A_375, %dma_start3A_376, %dma_start3A_377, %dma_start3A_381] : memref<2x8x1x128xi32, #tpu.memory_space<vmem>> -> memref<1x1x1x128xi32, #tpu.memory_space<vmem>>
      %dma_start3A_383 = tpu.memref_squeeze %dma_start3A_382 : memref<1x1x1x128xi32, #tpu.memory_space<vmem>> -> memref<128xi32, #tpu.memory_space<vmem>>
      %dma_start3A_384 = arith.constant 0 : i32
      %dma_start3A_385 = tpu.memref_slice %arg8[%dma_start3A_384] : memref<100000xf32, #tpu.memory_space<vmem_shared>> -> memref<100000xf32, #tpu.memory_space<vmem_shared>>
      tpu.enqueue_indirect_dma source(%dma_start3A_380 : memref<128xf32, #tpu.memory_space<vmem>>) target(%dma_start3A_385 : memref<100000xf32, #tpu.memory_space<vmem_shared>>) offsets(%dma_start3A_383 : memref<128xi32, #tpu.memory_space<vmem>>) semaphore(%arg14 : memref<!tpu.dma_semaphore, #tpu.memory_space<semaphore_mem>>) {add = true}
      %dma_start3A_386 = arith.constant 0 : i32
      %dma_start3A_387 = arith.constant 2 : i32
      %dma_start3A_388 = arith.constant 1 : i32
      %dma_start3A_389 = arith.constant 0 : i32
      %dma_start3A_390 = arith.constant 2 : i32
      %dma_start3A_391 = arith.constant 0 : i32
      %dma_start3A_392 = arith.constant 0 : i32
      %dma_start3A_393 = tpu.memref_slice %arg6[%dma_start3A_386, %dma_start3A_387, %dma_start3A_388, %dma_start3A_392] : memref<2x8x4x128xf32, #tpu.memory_space<vmem>> -> memref<1x1x1x128xf32, #tpu.memory_space<vmem>>
      %dma_start3A_394 = tpu.memref_squeeze %dma_start3A_393 : memref<1x1x1x128xf32, #tpu.memory_space<vmem>> -> memref<128xf32, #tpu.memory_space<vmem>>
      %dma_start3A_395 = arith.constant 0 : i32
      %dma_start3A_396 = tpu.memref_slice %arg5[%dma_start3A_389, %dma_start3A_390, %dma_start3A_391, %dma_start3A_395] : memref<2x8x1x128xi32, #tpu.memory_space<vmem>> -> memref<1x1x1x128xi32, #tpu.memory_space<vmem>>
      %dma_start3A_397 = tpu.memref_squeeze %dma_start3A_396 : memref<1x1x1x128xi32, #tpu.memory_space<vmem>> -> memref<128xi32, #tpu.memory_space<vmem>>
      %dma_start3A_398 = arith.constant 0 : i32
      %dma_start3A_399 = tpu.memref_slice %arg9[%dma_start3A_398] : memref<100000xf32, #tpu.memory_space<vmem_shared>> -> memref<100000xf32, #tpu.memory_space<vmem_shared>>
      tpu.enqueue_indirect_dma source(%dma_start3A_394 : memref<128xf32, #tpu.memory_space<vmem>>) target(%dma_start3A_399 : memref<100000xf32, #tpu.memory_space<vmem_shared>>) offsets(%dma_start3A_397 : memref<128xi32, #tpu.memory_space<vmem>>) semaphore(%arg14 : memref<!tpu.dma_semaphore, #tpu.memory_space<semaphore_mem>>) {add = true}
      %dma_start3A_400 = arith.constant 0 : i32
      %dma_start3A_401 = arith.constant 2 : i32
      %dma_start3A_402 = arith.constant 2 : i32
      %dma_start3A_403 = arith.constant 0 : i32
      %dma_start3A_404 = arith.constant 2 : i32
      %dma_start3A_405 = arith.constant 0 : i32
      %dma_start3A_406 = arith.constant 0 : i32
      %dma_start3A_407 = tpu.memref_slice %arg6[%dma_start3A_400, %dma_start3A_401, %dma_start3A_402, %dma_start3A_406] : memref<2x8x4x128xf32, #tpu.memory_space<vmem>> -> memref<1x1x1x128xf32, #tpu.memory_space<vmem>>
      %dma_start3A_408 = tpu.memref_squeeze %dma_start3A_407 : memref<1x1x1x128xf32, #tpu.memory_space<vmem>> -> memref<128xf32, #tpu.memory_space<vmem>>
      %dma_start3A_409 = arith.constant 0 : i32
      %dma_start3A_410 = tpu.memref_slice %arg5[%dma_start3A_403, %dma_start3A_404, %dma_start3A_405, %dma_start3A_409] : memref<2x8x1x128xi32, #tpu.memory_space<vmem>> -> memref<1x1x1x128xi32, #tpu.memory_space<vmem>>
      %dma_start3A_411 = tpu.memref_squeeze %dma_start3A_410 : memref<1x1x1x128xi32, #tpu.memory_space<vmem>> -> memref<128xi32, #tpu.memory_space<vmem>>
      %dma_start3A_412 = arith.constant 0 : i32
      %dma_start3A_413 = tpu.memref_slice %arg10[%dma_start3A_412] : memref<100000xf32, #tpu.memory_space<vmem_shared>> -> memref<100000xf32, #tpu.memory_space<vmem_shared>>
      tpu.enqueue_indirect_dma source(%dma_start3A_408 : memref<128xf32, #tpu.memory_space<vmem>>) target(%dma_start3A_413 : memref<100000xf32, #tpu.memory_space<vmem_shared>>) offsets(%dma_start3A_411 : memref<128xi32, #tpu.memory_space<vmem>>) semaphore(%arg14 : memref<!tpu.dma_semaphore, #tpu.memory_space<semaphore_mem>>) {add = true}
      %dma_start3A_414 = arith.constant 0 : i32
      %dma_start3A_415 = arith.constant 2 : i32
      %dma_start3A_416 = arith.constant 3 : i32
      %dma_start3A_417 = arith.constant 0 : i32
      %dma_start3A_418 = arith.constant 2 : i32
      %dma_start3A_419 = arith.constant 0 : i32
      %dma_start3A_420 = arith.constant 0 : i32
      %dma_start3A_421 = tpu.memref_slice %arg6[%dma_start3A_414, %dma_start3A_415, %dma_start3A_416, %dma_start3A_420] : memref<2x8x4x128xf32, #tpu.memory_space<vmem>> -> memref<1x1x1x128xf32, #tpu.memory_space<vmem>>
      %dma_start3A_422 = tpu.memref_squeeze %dma_start3A_421 : memref<1x1x1x128xf32, #tpu.memory_space<vmem>> -> memref<128xf32, #tpu.memory_space<vmem>>
      %dma_start3A_423 = arith.constant 0 : i32
      %dma_start3A_424 = tpu.memref_slice %arg5[%dma_start3A_417, %dma_start3A_418, %dma_start3A_419, %dma_start3A_423] : memref<2x8x1x128xi32, #tpu.memory_space<vmem>> -> memref<1x1x1x128xi32, #tpu.memory_space<vmem>>
      %dma_start3A_425 = tpu.memref_squeeze %dma_start3A_424 : memref<1x1x1x128xi32, #tpu.memory_space<vmem>> -> memref<128xi32, #tpu.memory_space<vmem>>
      %dma_start3A_426 = arith.constant 0 : i32
      %dma_start3A_427 = tpu.memref_slice %arg11[%dma_start3A_426] : memref<100000xf32, #tpu.memory_space<vmem_shared>> -> memref<100000xf32, #tpu.memory_space<vmem_shared>>
      tpu.enqueue_indirect_dma source(%dma_start3A_422 : memref<128xf32, #tpu.memory_space<vmem>>) target(%dma_start3A_427 : memref<100000xf32, #tpu.memory_space<vmem_shared>>) offsets(%dma_start3A_425 : memref<128xi32, #tpu.memory_space<vmem>>) semaphore(%arg14 : memref<!tpu.dma_semaphore, #tpu.memory_space<semaphore_mem>>) {add = true}
      %dma_start3A_428 = arith.constant 0 : i32
      %dma_start3A_429 = arith.constant 3 : i32
      %dma_start3A_430 = arith.constant 0 : i32
      %dma_start3A_431 = arith.constant 0 : i32
      %dma_start3A_432 = arith.constant 3 : i32
      %dma_start3A_433 = arith.constant 0 : i32
      %dma_start3A_434 = arith.constant 0 : i32
      %dma_start3A_435 = tpu.memref_slice %arg6[%dma_start3A_428, %dma_start3A_429, %dma_start3A_430, %dma_start3A_434] : memref<2x8x4x128xf32, #tpu.memory_space<vmem>> -> memref<1x1x1x128xf32, #tpu.memory_space<vmem>>
      %dma_start3A_436 = tpu.memref_squeeze %dma_start3A_435 : memref<1x1x1x128xf32, #tpu.memory_space<vmem>> -> memref<128xf32, #tpu.memory_space<vmem>>
      %dma_start3A_437 = arith.constant 0 : i32
      %dma_start3A_438 = tpu.memref_slice %arg5[%dma_start3A_431, %dma_start3A_432, %dma_start3A_433, %dma_start3A_437] : memref<2x8x1x128xi32, #tpu.memory_space<vmem>> -> memref<1x1x1x128xi32, #tpu.memory_space<vmem>>
      %dma_start3A_439 = tpu.memref_squeeze %dma_start3A_438 : memref<1x1x1x128xi32, #tpu.memory_space<vmem>> -> memref<128xi32, #tpu.memory_space<vmem>>
      %dma_start3A_440 = arith.constant 0 : i32
      %dma_start3A_441 = tpu.memref_slice %arg8[%dma_start3A_440] : memref<100000xf32, #tpu.memory_space<vmem_shared>> -> memref<100000xf32, #tpu.memory_space<vmem_shared>>
      tpu.enqueue_indirect_dma source(%dma_start3A_436 : memref<128xf32, #tpu.memory_space<vmem>>) target(%dma_start3A_441 : memref<100000xf32, #tpu.memory_space<vmem_shared>>) offsets(%dma_start3A_439 : memref<128xi32, #tpu.memory_space<vmem>>) semaphore(%arg14 : memref<!tpu.dma_semaphore, #tpu.memory_space<semaphore_mem>>) {add = true}
      %dma_start3A_442 = arith.constant 0 : i32
      %dma_start3A_443 = arith.constant 3 : i32
      %dma_start3A_444 = arith.constant 1 : i32
      %dma_start3A_445 = arith.constant 0 : i32
      %dma_start3A_446 = arith.constant 3 : i32
      %dma_start3A_447 = arith.constant 0 : i32
      %dma_start3A_448 = arith.constant 0 : i32
      %dma_start3A_449 = tpu.memref_slice %arg6[%dma_start3A_442, %dma_start3A_443, %dma_start3A_444, %dma_start3A_448] : memref<2x8x4x128xf32, #tpu.memory_space<vmem>> -> memref<1x1x1x128xf32, #tpu.memory_space<vmem>>
      %dma_start3A_450 = tpu.memref_squeeze %dma_start3A_449 : memref<1x1x1x128xf32, #tpu.memory_space<vmem>> -> memref<128xf32, #tpu.memory_space<vmem>>
      %dma_start3A_451 = arith.constant 0 : i32
      %dma_start3A_452 = tpu.memref_slice %arg5[%dma_start3A_445, %dma_start3A_446, %dma_start3A_447, %dma_start3A_451] : memref<2x8x1x128xi32, #tpu.memory_space<vmem>> -> memref<1x1x1x128xi32, #tpu.memory_space<vmem>>
      %dma_start3A_453 = tpu.memref_squeeze %dma_start3A_452 : memref<1x1x1x128xi32, #tpu.memory_space<vmem>> -> memref<128xi32, #tpu.memory_space<vmem>>
      %dma_start3A_454 = arith.constant 0 : i32
      %dma_start3A_455 = tpu.memref_slice %arg9[%dma_start3A_454] : memref<100000xf32, #tpu.memory_space<vmem_shared>> -> memref<100000xf32, #tpu.memory_space<vmem_shared>>
      tpu.enqueue_indirect_dma source(%dma_start3A_450 : memref<128xf32, #tpu.memory_space<vmem>>) target(%dma_start3A_455 : memref<100000xf32, #tpu.memory_space<vmem_shared>>) offsets(%dma_start3A_453 : memref<128xi32, #tpu.memory_space<vmem>>) semaphore(%arg14 : memref<!tpu.dma_semaphore, #tpu.memory_space<semaphore_mem>>) {add = true}
      %dma_start3A_456 = arith.constant 0 : i32
      %dma_start3A_457 = arith.constant 3 : i32
      %dma_start3A_458 = arith.constant 2 : i32
      %dma_start3A_459 = arith.constant 0 : i32
      %dma_start3A_460 = arith.constant 3 : i32
      %dma_start3A_461 = arith.constant 0 : i32
      %dma_start3A_462 = arith.constant 0 : i32
      %dma_start3A_463 = tpu.memref_slice %arg6[%dma_start3A_456, %dma_start3A_457, %dma_start3A_458, %dma_start3A_462] : memref<2x8x4x128xf32, #tpu.memory_space<vmem>> -> memref<1x1x1x128xf32, #tpu.memory_space<vmem>>
      %dma_start3A_464 = tpu.memref_squeeze %dma_start3A_463 : memref<1x1x1x128xf32, #tpu.memory_space<vmem>> -> memref<128xf32, #tpu.memory_space<vmem>>
      %dma_start3A_465 = arith.constant 0 : i32
      %dma_start3A_466 = tpu.memref_slice %arg5[%dma_start3A_459, %dma_start3A_460, %dma_start3A_461, %dma_start3A_465] : memref<2x8x1x128xi32, #tpu.memory_space<vmem>> -> memref<1x1x1x128xi32, #tpu.memory_space<vmem>>
      %dma_start3A_467 = tpu.memref_squeeze %dma_start3A_466 : memref<1x1x1x128xi32, #tpu.memory_space<vmem>> -> memref<128xi32, #tpu.memory_space<vmem>>
      %dma_start3A_468 = arith.constant 0 : i32
      %dma_start3A_469 = tpu.memref_slice %arg10[%dma_start3A_468] : memref<100000xf32, #tpu.memory_space<vmem_shared>> -> memref<100000xf32, #tpu.memory_space<vmem_shared>>
      tpu.enqueue_indirect_dma source(%dma_start3A_464 : memref<128xf32, #tpu.memory_space<vmem>>) target(%dma_start3A_469 : memref<100000xf32, #tpu.memory_space<vmem_shared>>) offsets(%dma_start3A_467 : memref<128xi32, #tpu.memory_space<vmem>>) semaphore(%arg14 : memref<!tpu.dma_semaphore, #tpu.memory_space<semaphore_mem>>) {add = true}
      %dma_start3A_470 = arith.constant 0 : i32
      %dma_start3A_471 = arith.constant 3 : i32
      %dma_start3A_472 = arith.constant 3 : i32
      %dma_start3A_473 = arith.constant 0 : i32
      %dma_start3A_474 = arith.constant 3 : i32
      %dma_start3A_475 = arith.constant 0 : i32
      %dma_start3A_476 = arith.constant 0 : i32
      %dma_start3A_477 = tpu.memref_slice %arg6[%dma_start3A_470, %dma_start3A_471, %dma_start3A_472, %dma_start3A_476] : memref<2x8x4x128xf32, #tpu.memory_space<vmem>> -> memref<1x1x1x128xf32, #tpu.memory_space<vmem>>
      %dma_start3A_478 = tpu.memref_squeeze %dma_start3A_477 : memref<1x1x1x128xf32, #tpu.memory_space<vmem>> -> memref<128xf32, #tpu.memory_space<vmem>>
      %dma_start3A_479 = arith.constant 0 : i32
      %dma_start3A_480 = tpu.memref_slice %arg5[%dma_start3A_473, %dma_start3A_474, %dma_start3A_475, %dma_start3A_479] : memref<2x8x1x128xi32, #tpu.memory_space<vmem>> -> memref<1x1x1x128xi32, #tpu.memory_space<vmem>>
      %dma_start3A_481 = tpu.memref_squeeze %dma_start3A_480 : memref<1x1x1x128xi32, #tpu.memory_space<vmem>> -> memref<128xi32, #tpu.memory_space<vmem>>
      %dma_start3A_482 = arith.constant 0 : i32
      %dma_start3A_483 = tpu.memref_slice %arg11[%dma_start3A_482] : memref<100000xf32, #tpu.memory_space<vmem_shared>> -> memref<100000xf32, #tpu.memory_space<vmem_shared>>
      tpu.enqueue_indirect_dma source(%dma_start3A_478 : memref<128xf32, #tpu.memory_space<vmem>>) target(%dma_start3A_483 : memref<100000xf32, #tpu.memory_space<vmem_shared>>) offsets(%dma_start3A_481 : memref<128xi32, #tpu.memory_space<vmem>>) semaphore(%arg14 : memref<!tpu.dma_semaphore, #tpu.memory_space<semaphore_mem>>) {add = true}
      %dma_start3A_484 = arith.constant 0 : i32
      %dma_start3A_485 = arith.constant 4 : i32
      %dma_start3A_486 = arith.constant 0 : i32
      %dma_start3A_487 = arith.constant 0 : i32
      %dma_start3A_488 = arith.constant 4 : i32
      %dma_start3A_489 = arith.constant 0 : i32
      %dma_start3A_490 = arith.constant 0 : i32
      %dma_start3A_491 = tpu.memref_slice %arg6[%dma_start3A_484, %dma_start3A_485, %dma_start3A_486, %dma_start3A_490] : memref<2x8x4x128xf32, #tpu.memory_space<vmem>> -> memref<1x1x1x128xf32, #tpu.memory_space<vmem>>
      %dma_start3A_492 = tpu.memref_squeeze %dma_start3A_491 : memref<1x1x1x128xf32, #tpu.memory_space<vmem>> -> memref<128xf32, #tpu.memory_space<vmem>>
      %dma_start3A_493 = arith.constant 0 : i32
      %dma_start3A_494 = tpu.memref_slice %arg5[%dma_start3A_487, %dma_start3A_488, %dma_start3A_489, %dma_start3A_493] : memref<2x8x1x128xi32, #tpu.memory_space<vmem>> -> memref<1x1x1x128xi32, #tpu.memory_space<vmem>>
      %dma_start3A_495 = tpu.memref_squeeze %dma_start3A_494 : memref<1x1x1x128xi32, #tpu.memory_space<vmem>> -> memref<128xi32, #tpu.memory_space<vmem>>
      %dma_start3A_496 = arith.constant 0 : i32
      %dma_start3A_497 = tpu.memref_slice %arg8[%dma_start3A_496] : memref<100000xf32, #tpu.memory_space<vmem_shared>> -> memref<100000xf32, #tpu.memory_space<vmem_shared>>
      tpu.enqueue_indirect_dma source(%dma_start3A_492 : memref<128xf32, #tpu.memory_space<vmem>>) target(%dma_start3A_497 : memref<100000xf32, #tpu.memory_space<vmem_shared>>) offsets(%dma_start3A_495 : memref<128xi32, #tpu.memory_space<vmem>>) semaphore(%arg14 : memref<!tpu.dma_semaphore, #tpu.memory_space<semaphore_mem>>) {add = true}
      %dma_start3A_498 = arith.constant 0 : i32
      %dma_start3A_499 = arith.constant 4 : i32
      %dma_start3A_500 = arith.constant 1 : i32
      %dma_start3A_501 = arith.constant 0 : i32
      %dma_start3A_502 = arith.constant 4 : i32
      %dma_start3A_503 = arith.constant 0 : i32
      %dma_start3A_504 = arith.constant 0 : i32
      %dma_start3A_505 = tpu.memref_slice %arg6[%dma_start3A_498, %dma_start3A_499, %dma_start3A_500, %dma_start3A_504] : memref<2x8x4x128xf32, #tpu.memory_space<vmem>> -> memref<1x1x1x128xf32, #tpu.memory_space<vmem>>
      %dma_start3A_506 = tpu.memref_squeeze %dma_start3A_505 : memref<1x1x1x128xf32, #tpu.memory_space<vmem>> -> memref<128xf32, #tpu.memory_space<vmem>>
      %dma_start3A_507 = arith.constant 0 : i32
      %dma_start3A_508 = tpu.memref_slice %arg5[%dma_start3A_501, %dma_start3A_502, %dma_start3A_503, %dma_start3A_507] : memref<2x8x1x128xi32, #tpu.memory_space<vmem>> -> memref<1x1x1x128xi32, #tpu.memory_space<vmem>>
      %dma_start3A_509 = tpu.memref_squeeze %dma_start3A_508 : memref<1x1x1x128xi32, #tpu.memory_space<vmem>> -> memref<128xi32, #tpu.memory_space<vmem>>
      %dma_start3A_510 = arith.constant 0 : i32
      %dma_start3A_511 = tpu.memref_slice %arg9[%dma_start3A_510] : memref<100000xf32, #tpu.memory_space<vmem_shared>> -> memref<100000xf32, #tpu.memory_space<vmem_shared>>
      tpu.enqueue_indirect_dma source(%dma_start3A_506 : memref<128xf32, #tpu.memory_space<vmem>>) target(%dma_start3A_511 : memref<100000xf32, #tpu.memory_space<vmem_shared>>) offsets(%dma_start3A_509 : memref<128xi32, #tpu.memory_space<vmem>>) semaphore(%arg14 : memref<!tpu.dma_semaphore, #tpu.memory_space<semaphore_mem>>) {add = true}
      %dma_start3A_512 = arith.constant 0 : i32
      %dma_start3A_513 = arith.constant 4 : i32
      %dma_start3A_514 = arith.constant 2 : i32
      %dma_start3A_515 = arith.constant 0 : i32
      %dma_start3A_516 = arith.constant 4 : i32
      %dma_start3A_517 = arith.constant 0 : i32
      %dma_start3A_518 = arith.constant 0 : i32
      %dma_start3A_519 = tpu.memref_slice %arg6[%dma_start3A_512, %dma_start3A_513, %dma_start3A_514, %dma_start3A_518] : memref<2x8x4x128xf32, #tpu.memory_space<vmem>> -> memref<1x1x1x128xf32, #tpu.memory_space<vmem>>
      %dma_start3A_520 = tpu.memref_squeeze %dma_start3A_519 : memref<1x1x1x128xf32, #tpu.memory_space<vmem>> -> memref<128xf32, #tpu.memory_space<vmem>>
      %dma_start3A_521 = arith.constant 0 : i32
      %dma_start3A_522 = tpu.memref_slice %arg5[%dma_start3A_515, %dma_start3A_516, %dma_start3A_517, %dma_start3A_521] : memref<2x8x1x128xi32, #tpu.memory_space<vmem>> -> memref<1x1x1x128xi32, #tpu.memory_space<vmem>>
      %dma_start3A_523 = tpu.memref_squeeze %dma_start3A_522 : memref<1x1x1x128xi32, #tpu.memory_space<vmem>> -> memref<128xi32, #tpu.memory_space<vmem>>
      %dma_start3A_524 = arith.constant 0 : i32
      %dma_start3A_525 = tpu.memref_slice %arg10[%dma_start3A_524] : memref<100000xf32, #tpu.memory_space<vmem_shared>> -> memref<100000xf32, #tpu.memory_space<vmem_shared>>
      tpu.enqueue_indirect_dma source(%dma_start3A_520 : memref<128xf32, #tpu.memory_space<vmem>>) target(%dma_start3A_525 : memref<100000xf32, #tpu.memory_space<vmem_shared>>) offsets(%dma_start3A_523 : memref<128xi32, #tpu.memory_space<vmem>>) semaphore(%arg14 : memref<!tpu.dma_semaphore, #tpu.memory_space<semaphore_mem>>) {add = true}
      %dma_start3A_526 = arith.constant 0 : i32
      %dma_start3A_527 = arith.constant 4 : i32
      %dma_start3A_528 = arith.constant 3 : i32
      %dma_start3A_529 = arith.constant 0 : i32
      %dma_start3A_530 = arith.constant 4 : i32
      %dma_start3A_531 = arith.constant 0 : i32
      %dma_start3A_532 = arith.constant 0 : i32
      %dma_start3A_533 = tpu.memref_slice %arg6[%dma_start3A_526, %dma_start3A_527, %dma_start3A_528, %dma_start3A_532] : memref<2x8x4x128xf32, #tpu.memory_space<vmem>> -> memref<1x1x1x128xf32, #tpu.memory_space<vmem>>
      %dma_start3A_534 = tpu.memref_squeeze %dma_start3A_533 : memref<1x1x1x128xf32, #tpu.memory_space<vmem>> -> memref<128xf32, #tpu.memory_space<vmem>>
      %dma_start3A_535 = arith.constant 0 : i32
      %dma_start3A_536 = tpu.memref_slice %arg5[%dma_start3A_529, %dma_start3A_530, %dma_start3A_531, %dma_start3A_535] : memref<2x8x1x128xi32, #tpu.memory_space<vmem>> -> memref<1x1x1x128xi32, #tpu.memory_space<vmem>>
      %dma_start3A_537 = tpu.memref_squeeze %dma_start3A_536 : memref<1x1x1x128xi32, #tpu.memory_space<vmem>> -> memref<128xi32, #tpu.memory_space<vmem>>
      %dma_start3A_538 = arith.constant 0 : i32
      %dma_start3A_539 = tpu.memref_slice %arg11[%dma_start3A_538] : memref<100000xf32, #tpu.memory_space<vmem_shared>> -> memref<100000xf32, #tpu.memory_space<vmem_shared>>
      tpu.enqueue_indirect_dma source(%dma_start3A_534 : memref<128xf32, #tpu.memory_space<vmem>>) target(%dma_start3A_539 : memref<100000xf32, #tpu.memory_space<vmem_shared>>) offsets(%dma_start3A_537 : memref<128xi32, #tpu.memory_space<vmem>>) semaphore(%arg14 : memref<!tpu.dma_semaphore, #tpu.memory_space<semaphore_mem>>) {add = true}
      %dma_start3A_540 = arith.constant 0 : i32
      %dma_start3A_541 = arith.constant 5 : i32
      %dma_start3A_542 = arith.constant 0 : i32
      %dma_start3A_543 = arith.constant 0 : i32
      %dma_start3A_544 = arith.constant 5 : i32
      %dma_start3A_545 = arith.constant 0 : i32
      %dma_start3A_546 = arith.constant 0 : i32
      %dma_start3A_547 = tpu.memref_slice %arg6[%dma_start3A_540, %dma_start3A_541, %dma_start3A_542, %dma_start3A_546] : memref<2x8x4x128xf32, #tpu.memory_space<vmem>> -> memref<1x1x1x128xf32, #tpu.memory_space<vmem>>
      %dma_start3A_548 = tpu.memref_squeeze %dma_start3A_547 : memref<1x1x1x128xf32, #tpu.memory_space<vmem>> -> memref<128xf32, #tpu.memory_space<vmem>>
      %dma_start3A_549 = arith.constant 0 : i32
      %dma_start3A_550 = tpu.memref_slice %arg5[%dma_start3A_543, %dma_start3A_544, %dma_start3A_545, %dma_start3A_549] : memref<2x8x1x128xi32, #tpu.memory_space<vmem>> -> memref<1x1x1x128xi32, #tpu.memory_space<vmem>>
      %dma_start3A_551 = tpu.memref_squeeze %dma_start3A_550 : memref<1x1x1x128xi32, #tpu.memory_space<vmem>> -> memref<128xi32, #tpu.memory_space<vmem>>
      %dma_start3A_552 = arith.constant 0 : i32
      %dma_start3A_553 = tpu.memref_slice %arg8[%dma_start3A_552] : memref<100000xf32, #tpu.memory_space<vmem_shared>> -> memref<100000xf32, #tpu.memory_space<vmem_shared>>
      tpu.enqueue_indirect_dma source(%dma_start3A_548 : memref<128xf32, #tpu.memory_space<vmem>>) target(%dma_start3A_553 : memref<100000xf32, #tpu.memory_space<vmem_shared>>) offsets(%dma_start3A_551 : memref<128xi32, #tpu.memory_space<vmem>>) semaphore(%arg14 : memref<!tpu.dma_semaphore, #tpu.memory_space<semaphore_mem>>) {add = true}
      %dma_start3A_554 = arith.constant 0 : i32
      %dma_start3A_555 = arith.constant 5 : i32
      %dma_start3A_556 = arith.constant 1 : i32
      %dma_start3A_557 = arith.constant 0 : i32
      %dma_start3A_558 = arith.constant 5 : i32
      %dma_start3A_559 = arith.constant 0 : i32
      %dma_start3A_560 = arith.constant 0 : i32
      %dma_start3A_561 = tpu.memref_slice %arg6[%dma_start3A_554, %dma_start3A_555, %dma_start3A_556, %dma_start3A_560] : memref<2x8x4x128xf32, #tpu.memory_space<vmem>> -> memref<1x1x1x128xf32, #tpu.memory_space<vmem>>
      %dma_start3A_562 = tpu.memref_squeeze %dma_start3A_561 : memref<1x1x1x128xf32, #tpu.memory_space<vmem>> -> memref<128xf32, #tpu.memory_space<vmem>>
      %dma_start3A_563 = arith.constant 0 : i32
      %dma_start3A_564 = tpu.memref_slice %arg5[%dma_start3A_557, %dma_start3A_558, %dma_start3A_559, %dma_start3A_563] : memref<2x8x1x128xi32, #tpu.memory_space<vmem>> -> memref<1x1x1x128xi32, #tpu.memory_space<vmem>>
      %dma_start3A_565 = tpu.memref_squeeze %dma_start3A_564 : memref<1x1x1x128xi32, #tpu.memory_space<vmem>> -> memref<128xi32, #tpu.memory_space<vmem>>
      %dma_start3A_566 = arith.constant 0 : i32
      %dma_start3A_567 = tpu.memref_slice %arg9[%dma_start3A_566] : memref<100000xf32, #tpu.memory_space<vmem_shared>> -> memref<100000xf32, #tpu.memory_space<vmem_shared>>
      tpu.enqueue_indirect_dma source(%dma_start3A_562 : memref<128xf32, #tpu.memory_space<vmem>>) target(%dma_start3A_567 : memref<100000xf32, #tpu.memory_space<vmem_shared>>) offsets(%dma_start3A_565 : memref<128xi32, #tpu.memory_space<vmem>>) semaphore(%arg14 : memref<!tpu.dma_semaphore, #tpu.memory_space<semaphore_mem>>) {add = true}
      %dma_start3A_568 = arith.constant 0 : i32
      %dma_start3A_569 = arith.constant 5 : i32
      %dma_start3A_570 = arith.constant 2 : i32
      %dma_start3A_571 = arith.constant 0 : i32
      %dma_start3A_572 = arith.constant 5 : i32
      %dma_start3A_573 = arith.constant 0 : i32
      %dma_start3A_574 = arith.constant 0 : i32
      %dma_start3A_575 = tpu.memref_slice %arg6[%dma_start3A_568, %dma_start3A_569, %dma_start3A_570, %dma_start3A_574] : memref<2x8x4x128xf32, #tpu.memory_space<vmem>> -> memref<1x1x1x128xf32, #tpu.memory_space<vmem>>
      %dma_start3A_576 = tpu.memref_squeeze %dma_start3A_575 : memref<1x1x1x128xf32, #tpu.memory_space<vmem>> -> memref<128xf32, #tpu.memory_space<vmem>>
      %dma_start3A_577 = arith.constant 0 : i32
      %dma_start3A_578 = tpu.memref_slice %arg5[%dma_start3A_571, %dma_start3A_572, %dma_start3A_573, %dma_start3A_577] : memref<2x8x1x128xi32, #tpu.memory_space<vmem>> -> memref<1x1x1x128xi32, #tpu.memory_space<vmem>>
      %dma_start3A_579 = tpu.memref_squeeze %dma_start3A_578 : memref<1x1x1x128xi32, #tpu.memory_space<vmem>> -> memref<128xi32, #tpu.memory_space<vmem>>
      %dma_start3A_580 = arith.constant 0 : i32
      %dma_start3A_581 = tpu.memref_slice %arg10[%dma_start3A_580] : memref<100000xf32, #tpu.memory_space<vmem_shared>> -> memref<100000xf32, #tpu.memory_space<vmem_shared>>
      tpu.enqueue_indirect_dma source(%dma_start3A_576 : memref<128xf32, #tpu.memory_space<vmem>>) target(%dma_start3A_581 : memref<100000xf32, #tpu.memory_space<vmem_shared>>) offsets(%dma_start3A_579 : memref<128xi32, #tpu.memory_space<vmem>>) semaphore(%arg14 : memref<!tpu.dma_semaphore, #tpu.memory_space<semaphore_mem>>) {add = true}
      %dma_start3A_582 = arith.constant 0 : i32
      %dma_start3A_583 = arith.constant 5 : i32
      %dma_start3A_584 = arith.constant 3 : i32
      %dma_start3A_585 = arith.constant 0 : i32
      %dma_start3A_586 = arith.constant 5 : i32
      %dma_start3A_587 = arith.constant 0 : i32
      %dma_start3A_588 = arith.constant 0 : i32
      %dma_start3A_589 = tpu.memref_slice %arg6[%dma_start3A_582, %dma_start3A_583, %dma_start3A_584, %dma_start3A_588] : memref<2x8x4x128xf32, #tpu.memory_space<vmem>> -> memref<1x1x1x128xf32, #tpu.memory_space<vmem>>
      %dma_start3A_590 = tpu.memref_squeeze %dma_start3A_589 : memref<1x1x1x128xf32, #tpu.memory_space<vmem>> -> memref<128xf32, #tpu.memory_space<vmem>>
      %dma_start3A_591 = arith.constant 0 : i32
      %dma_start3A_592 = tpu.memref_slice %arg5[%dma_start3A_585, %dma_start3A_586, %dma_start3A_587, %dma_start3A_591] : memref<2x8x1x128xi32, #tpu.memory_space<vmem>> -> memref<1x1x1x128xi32, #tpu.memory_space<vmem>>
      %dma_start3A_593 = tpu.memref_squeeze %dma_start3A_592 : memref<1x1x1x128xi32, #tpu.memory_space<vmem>> -> memref<128xi32, #tpu.memory_space<vmem>>
      %dma_start3A_594 = arith.constant 0 : i32
      %dma_start3A_595 = tpu.memref_slice %arg11[%dma_start3A_594] : memref<100000xf32, #tpu.memory_space<vmem_shared>> -> memref<100000xf32, #tpu.memory_space<vmem_shared>>
      tpu.enqueue_indirect_dma source(%dma_start3A_590 : memref<128xf32, #tpu.memory_space<vmem>>) target(%dma_start3A_595 : memref<100000xf32, #tpu.memory_space<vmem_shared>>) offsets(%dma_start3A_593 : memref<128xi32, #tpu.memory_space<vmem>>) semaphore(%arg14 : memref<!tpu.dma_semaphore, #tpu.memory_space<semaphore_mem>>) {add = true}
      %dma_start3A_596 = arith.constant 0 : i32
      %dma_start3A_597 = arith.constant 6 : i32
      %dma_start3A_598 = arith.constant 0 : i32
      %dma_start3A_599 = arith.constant 0 : i32
      %dma_start3A_600 = arith.constant 6 : i32
      %dma_start3A_601 = arith.constant 0 : i32
      %dma_start3A_602 = arith.constant 0 : i32
      %dma_start3A_603 = tpu.memref_slice %arg6[%dma_start3A_596, %dma_start3A_597, %dma_start3A_598, %dma_start3A_602] : memref<2x8x4x128xf32, #tpu.memory_space<vmem>> -> memref<1x1x1x128xf32, #tpu.memory_space<vmem>>
      %dma_start3A_604 = tpu.memref_squeeze %dma_start3A_603 : memref<1x1x1x128xf32, #tpu.memory_space<vmem>> -> memref<128xf32, #tpu.memory_space<vmem>>
      %dma_start3A_605 = arith.constant 0 : i32
      %dma_start3A_606 = tpu.memref_slice %arg5[%dma_start3A_599, %dma_start3A_600, %dma_start3A_601, %dma_start3A_605] : memref<2x8x1x128xi32, #tpu.memory_space<vmem>> -> memref<1x1x1x128xi32, #tpu.memory_space<vmem>>
      %dma_start3A_607 = tpu.memref_squeeze %dma_start3A_606 : memref<1x1x1x128xi32, #tpu.memory_space<vmem>> -> memref<128xi32, #tpu.memory_space<vmem>>
      %dma_start3A_608 = arith.constant 0 : i32
      %dma_start3A_609 = tpu.memref_slice %arg8[%dma_start3A_608] : memref<100000xf32, #tpu.memory_space<vmem_shared>> -> memref<100000xf32, #tpu.memory_space<vmem_shared>>
      tpu.enqueue_indirect_dma source(%dma_start3A_604 : memref<128xf32, #tpu.memory_space<vmem>>) target(%dma_start3A_609 : memref<100000xf32, #tpu.memory_space<vmem_shared>>) offsets(%dma_start3A_607 : memref<128xi32, #tpu.memory_space<vmem>>) semaphore(%arg14 : memref<!tpu.dma_semaphore, #tpu.memory_space<semaphore_mem>>) {add = true}
      %dma_start3A_610 = arith.constant 0 : i32
      %dma_start3A_611 = arith.constant 6 : i32
      %dma_start3A_612 = arith.constant 1 : i32
      %dma_start3A_613 = arith.constant 0 : i32
      %dma_start3A_614 = arith.constant 6 : i32
      %dma_start3A_615 = arith.constant 0 : i32
      %dma_start3A_616 = arith.constant 0 : i32
      %dma_start3A_617 = tpu.memref_slice %arg6[%dma_start3A_610, %dma_start3A_611, %dma_start3A_612, %dma_start3A_616] : memref<2x8x4x128xf32, #tpu.memory_space<vmem>> -> memref<1x1x1x128xf32, #tpu.memory_space<vmem>>
      %dma_start3A_618 = tpu.memref_squeeze %dma_start3A_617 : memref<1x1x1x128xf32, #tpu.memory_space<vmem>> -> memref<128xf32, #tpu.memory_space<vmem>>
      %dma_start3A_619 = arith.constant 0 : i32
      %dma_start3A_620 = tpu.memref_slice %arg5[%dma_start3A_613, %dma_start3A_614, %dma_start3A_615, %dma_start3A_619] : memref<2x8x1x128xi32, #tpu.memory_space<vmem>> -> memref<1x1x1x128xi32, #tpu.memory_space<vmem>>
      %dma_start3A_621 = tpu.memref_squeeze %dma_start3A_620 : memref<1x1x1x128xi32, #tpu.memory_space<vmem>> -> memref<128xi32, #tpu.memory_space<vmem>>
      %dma_start3A_622 = arith.constant 0 : i32
      %dma_start3A_623 = tpu.memref_slice %arg9[%dma_start3A_622] : memref<100000xf32, #tpu.memory_space<vmem_shared>> -> memref<100000xf32, #tpu.memory_space<vmem_shared>>
      tpu.enqueue_indirect_dma source(%dma_start3A_618 : memref<128xf32, #tpu.memory_space<vmem>>) target(%dma_start3A_623 : memref<100000xf32, #tpu.memory_space<vmem_shared>>) offsets(%dma_start3A_621 : memref<128xi32, #tpu.memory_space<vmem>>) semaphore(%arg14 : memref<!tpu.dma_semaphore, #tpu.memory_space<semaphore_mem>>) {add = true}
      %dma_start3A_624 = arith.constant 0 : i32
      %dma_start3A_625 = arith.constant 6 : i32
      %dma_start3A_626 = arith.constant 2 : i32
      %dma_start3A_627 = arith.constant 0 : i32
      %dma_start3A_628 = arith.constant 6 : i32
      %dma_start3A_629 = arith.constant 0 : i32
      %dma_start3A_630 = arith.constant 0 : i32
      %dma_start3A_631 = tpu.memref_slice %arg6[%dma_start3A_624, %dma_start3A_625, %dma_start3A_626, %dma_start3A_630] : memref<2x8x4x128xf32, #tpu.memory_space<vmem>> -> memref<1x1x1x128xf32, #tpu.memory_space<vmem>>
      %dma_start3A_632 = tpu.memref_squeeze %dma_start3A_631 : memref<1x1x1x128xf32, #tpu.memory_space<vmem>> -> memref<128xf32, #tpu.memory_space<vmem>>
      %dma_start3A_633 = arith.constant 0 : i32
      %dma_start3A_634 = tpu.memref_slice %arg5[%dma_start3A_627, %dma_start3A_628, %dma_start3A_629, %dma_start3A_633] : memref<2x8x1x128xi32, #tpu.memory_space<vmem>> -> memref<1x1x1x128xi32, #tpu.memory_space<vmem>>
      %dma_start3A_635 = tpu.memref_squeeze %dma_start3A_634 : memref<1x1x1x128xi32, #tpu.memory_space<vmem>> -> memref<128xi32, #tpu.memory_space<vmem>>
      %dma_start3A_636 = arith.constant 0 : i32
      %dma_start3A_637 = tpu.memref_slice %arg10[%dma_start3A_636] : memref<100000xf32, #tpu.memory_space<vmem_shared>> -> memref<100000xf32, #tpu.memory_space<vmem_shared>>
      tpu.enqueue_indirect_dma source(%dma_start3A_632 : memref<128xf32, #tpu.memory_space<vmem>>) target(%dma_start3A_637 : memref<100000xf32, #tpu.memory_space<vmem_shared>>) offsets(%dma_start3A_635 : memref<128xi32, #tpu.memory_space<vmem>>) semaphore(%arg14 : memref<!tpu.dma_semaphore, #tpu.memory_space<semaphore_mem>>) {add = true}
      %dma_start3A_638 = arith.constant 0 : i32
      %dma_start3A_639 = arith.constant 6 : i32
      %dma_start3A_640 = arith.constant 3 : i32
      %dma_start3A_641 = arith.constant 0 : i32
      %dma_start3A_642 = arith.constant 6 : i32
      %dma_start3A_643 = arith.constant 0 : i32
      %dma_start3A_644 = arith.constant 0 : i32
      %dma_start3A_645 = tpu.memref_slice %arg6[%dma_start3A_638, %dma_start3A_639, %dma_start3A_640, %dma_start3A_644] : memref<2x8x4x128xf32, #tpu.memory_space<vmem>> -> memref<1x1x1x128xf32, #tpu.memory_space<vmem>>
      %dma_start3A_646 = tpu.memref_squeeze %dma_start3A_645 : memref<1x1x1x128xf32, #tpu.memory_space<vmem>> -> memref<128xf32, #tpu.memory_space<vmem>>
      %dma_start3A_647 = arith.constant 0 : i32
      %dma_start3A_648 = tpu.memref_slice %arg5[%dma_start3A_641, %dma_start3A_642, %dma_start3A_643, %dma_start3A_647] : memref<2x8x1x128xi32, #tpu.memory_space<vmem>> -> memref<1x1x1x128xi32, #tpu.memory_space<vmem>>
      %dma_start3A_649 = tpu.memref_squeeze %dma_start3A_648 : memref<1x1x1x128xi32, #tpu.memory_space<vmem>> -> memref<128xi32, #tpu.memory_space<vmem>>
      %dma_start3A_650 = arith.constant 0 : i32
      %dma_start3A_651 = tpu.memref_slice %arg11[%dma_start3A_650] : memref<100000xf32, #tpu.memory_space<vmem_shared>> -> memref<100000xf32, #tpu.memory_space<vmem_shared>>
      tpu.enqueue_indirect_dma source(%dma_start3A_646 : memref<128xf32, #tpu.memory_space<vmem>>) target(%dma_start3A_651 : memref<100000xf32, #tpu.memory_space<vmem_shared>>) offsets(%dma_start3A_649 : memref<128xi32, #tpu.memory_space<vmem>>) semaphore(%arg14 : memref<!tpu.dma_semaphore, #tpu.memory_space<semaphore_mem>>) {add = true}
      %dma_start3A_652 = arith.constant 0 : i32
      %dma_start3A_653 = arith.constant 7 : i32
      %dma_start3A_654 = arith.constant 0 : i32
      %dma_start3A_655 = arith.constant 0 : i32
      %dma_start3A_656 = arith.constant 7 : i32
      %dma_start3A_657 = arith.constant 0 : i32
      %dma_start3A_658 = arith.constant 0 : i32
      %dma_start3A_659 = tpu.memref_slice %arg6[%dma_start3A_652, %dma_start3A_653, %dma_start3A_654, %dma_start3A_658] : memref<2x8x4x128xf32, #tpu.memory_space<vmem>> -> memref<1x1x1x128xf32, #tpu.memory_space<vmem>>
      %dma_start3A_660 = tpu.memref_squeeze %dma_start3A_659 : memref<1x1x1x128xf32, #tpu.memory_space<vmem>> -> memref<128xf32, #tpu.memory_space<vmem>>
      %dma_start3A_661 = arith.constant 0 : i32
      %dma_start3A_662 = tpu.memref_slice %arg5[%dma_start3A_655, %dma_start3A_656, %dma_start3A_657, %dma_start3A_661] : memref<2x8x1x128xi32, #tpu.memory_space<vmem>> -> memref<1x1x1x128xi32, #tpu.memory_space<vmem>>
      %dma_start3A_663 = tpu.memref_squeeze %dma_start3A_662 : memref<1x1x1x128xi32, #tpu.memory_space<vmem>> -> memref<128xi32, #tpu.memory_space<vmem>>
      %dma_start3A_664 = arith.constant 0 : i32
      %dma_start3A_665 = tpu.memref_slice %arg8[%dma_start3A_664] : memref<100000xf32, #tpu.memory_space<vmem_shared>> -> memref<100000xf32, #tpu.memory_space<vmem_shared>>
      tpu.enqueue_indirect_dma source(%dma_start3A_660 : memref<128xf32, #tpu.memory_space<vmem>>) target(%dma_start3A_665 : memref<100000xf32, #tpu.memory_space<vmem_shared>>) offsets(%dma_start3A_663 : memref<128xi32, #tpu.memory_space<vmem>>) semaphore(%arg14 : memref<!tpu.dma_semaphore, #tpu.memory_space<semaphore_mem>>) {add = true}
      %dma_start3A_666 = arith.constant 0 : i32
      %dma_start3A_667 = arith.constant 7 : i32
      %dma_start3A_668 = arith.constant 1 : i32
      %dma_start3A_669 = arith.constant 0 : i32
      %dma_start3A_670 = arith.constant 7 : i32
      %dma_start3A_671 = arith.constant 0 : i32
      %dma_start3A_672 = arith.constant 0 : i32
      %dma_start3A_673 = tpu.memref_slice %arg6[%dma_start3A_666, %dma_start3A_667, %dma_start3A_668, %dma_start3A_672] : memref<2x8x4x128xf32, #tpu.memory_space<vmem>> -> memref<1x1x1x128xf32, #tpu.memory_space<vmem>>
      %dma_start3A_674 = tpu.memref_squeeze %dma_start3A_673 : memref<1x1x1x128xf32, #tpu.memory_space<vmem>> -> memref<128xf32, #tpu.memory_space<vmem>>
      %dma_start3A_675 = arith.constant 0 : i32
      %dma_start3A_676 = tpu.memref_slice %arg5[%dma_start3A_669, %dma_start3A_670, %dma_start3A_671, %dma_start3A_675] : memref<2x8x1x128xi32, #tpu.memory_space<vmem>> -> memref<1x1x1x128xi32, #tpu.memory_space<vmem>>
      %dma_start3A_677 = tpu.memref_squeeze %dma_start3A_676 : memref<1x1x1x128xi32, #tpu.memory_space<vmem>> -> memref<128xi32, #tpu.memory_space<vmem>>
      %dma_start3A_678 = arith.constant 0 : i32
      %dma_start3A_679 = tpu.memref_slice %arg9[%dma_start3A_678] : memref<100000xf32, #tpu.memory_space<vmem_shared>> -> memref<100000xf32, #tpu.memory_space<vmem_shared>>
      tpu.enqueue_indirect_dma source(%dma_start3A_674 : memref<128xf32, #tpu.memory_space<vmem>>) target(%dma_start3A_679 : memref<100000xf32, #tpu.memory_space<vmem_shared>>) offsets(%dma_start3A_677 : memref<128xi32, #tpu.memory_space<vmem>>) semaphore(%arg14 : memref<!tpu.dma_semaphore, #tpu.memory_space<semaphore_mem>>) {add = true}
      %dma_start3A_680 = arith.constant 0 : i32
      %dma_start3A_681 = arith.constant 7 : i32
      %dma_start3A_682 = arith.constant 2 : i32
      %dma_start3A_683 = arith.constant 0 : i32
      %dma_start3A_684 = arith.constant 7 : i32
      %dma_start3A_685 = arith.constant 0 : i32
      %dma_start3A_686 = arith.constant 0 : i32
      %dma_start3A_687 = tpu.memref_slice %arg6[%dma_start3A_680, %dma_start3A_681, %dma_start3A_682, %dma_start3A_686] : memref<2x8x4x128xf32, #tpu.memory_space<vmem>> -> memref<1x1x1x128xf32, #tpu.memory_space<vmem>>
      %dma_start3A_688 = tpu.memref_squeeze %dma_start3A_687 : memref<1x1x1x128xf32, #tpu.memory_space<vmem>> -> memref<128xf32, #tpu.memory_space<vmem>>
      %dma_start3A_689 = arith.constant 0 : i32
      %dma_start3A_690 = tpu.memref_slice %arg5[%dma_start3A_683, %dma_start3A_684, %dma_start3A_685, %dma_start3A_689] : memref<2x8x1x128xi32, #tpu.memory_space<vmem>> -> memref<1x1x1x128xi32, #tpu.memory_space<vmem>>
      %dma_start3A_691 = tpu.memref_squeeze %dma_start3A_690 : memref<1x1x1x128xi32, #tpu.memory_space<vmem>> -> memref<128xi32, #tpu.memory_space<vmem>>
      %dma_start3A_692 = arith.constant 0 : i32
      %dma_start3A_693 = tpu.memref_slice %arg10[%dma_start3A_692] : memref<100000xf32, #tpu.memory_space<vmem_shared>> -> memref<100000xf32, #tpu.memory_space<vmem_shared>>
      tpu.enqueue_indirect_dma source(%dma_start3A_688 : memref<128xf32, #tpu.memory_space<vmem>>) target(%dma_start3A_693 : memref<100000xf32, #tpu.memory_space<vmem_shared>>) offsets(%dma_start3A_691 : memref<128xi32, #tpu.memory_space<vmem>>) semaphore(%arg14 : memref<!tpu.dma_semaphore, #tpu.memory_space<semaphore_mem>>) {add = true}
      %dma_start3A_694 = arith.constant 0 : i32
      %dma_start3A_695 = arith.constant 7 : i32
      %dma_start3A_696 = arith.constant 3 : i32
      %dma_start3A_697 = arith.constant 0 : i32
      %dma_start3A_698 = arith.constant 7 : i32
      %dma_start3A_699 = arith.constant 0 : i32
      %dma_start3A_700 = arith.constant 0 : i32
      %dma_start3A_701 = tpu.memref_slice %arg6[%dma_start3A_694, %dma_start3A_695, %dma_start3A_696, %dma_start3A_700] : memref<2x8x4x128xf32, #tpu.memory_space<vmem>> -> memref<1x1x1x128xf32, #tpu.memory_space<vmem>>
      %dma_start3A_702 = tpu.memref_squeeze %dma_start3A_701 : memref<1x1x1x128xf32, #tpu.memory_space<vmem>> -> memref<128xf32, #tpu.memory_space<vmem>>
      %dma_start3A_703 = arith.constant 0 : i32
      %dma_start3A_704 = tpu.memref_slice %arg5[%dma_start3A_697, %dma_start3A_698, %dma_start3A_699, %dma_start3A_703] : memref<2x8x1x128xi32, #tpu.memory_space<vmem>> -> memref<1x1x1x128xi32, #tpu.memory_space<vmem>>
      %dma_start3A_705 = tpu.memref_squeeze %dma_start3A_704 : memref<1x1x1x128xi32, #tpu.memory_space<vmem>> -> memref<128xi32, #tpu.memory_space<vmem>>
      %dma_start3A_706 = arith.constant 0 : i32
      %dma_start3A_707 = tpu.memref_slice %arg11[%dma_start3A_706] : memref<100000xf32, #tpu.memory_space<vmem_shared>> -> memref<100000xf32, #tpu.memory_space<vmem_shared>>
      tpu.enqueue_indirect_dma source(%dma_start3A_702 : memref<128xf32, #tpu.memory_space<vmem>>) target(%dma_start3A_707 : memref<100000xf32, #tpu.memory_space<vmem_shared>>) offsets(%dma_start3A_705 : memref<128xi32, #tpu.memory_space<vmem>>) semaphore(%arg14 : memref<!tpu.dma_semaphore, #tpu.memory_space<semaphore_mem>>) {add = true}
      %dma_wait3A_708 = arith.constant 1 : i32
      %dma_wait3A_709 = arith.constant 0 : i32
      %dma_wait3A_710 = arith.constant 0 : i32
      %dma_wait3A_711 = arith.constant 0 : i32
      %dma_wait3A_712 = tpu.memref_slice %arg5[%dma_wait3A_708, %dma_wait3A_709, %dma_wait3A_710, %dma_wait3A_711] : memref<2x8x1x128xi32, #tpu.memory_space<vmem>> -> memref<1x8x1x128xi32, #tpu.memory_space<vmem>>
      %dma_wait3A_713 = tpu.memref_squeeze %dma_wait3A_712 : memref<1x8x1x128xi32, #tpu.memory_space<vmem>> -> memref<8x1x128xi32, #tpu.memory_space<vmem>>
      %dma_wait3A_714 = arith.constant 0 : i32
      %dma_wait3A_715 = arith.constant 1 : i32
      %dma_wait3A_716 = arith.constant 0 : i32
      %dma_wait3A_717 = tpu.memref_slice %arg2[%dma_wait3A_714, %dma_wait3A_715, %dma_wait3A_716] : memref<50000x2x128xi32, #tpu.memory_space<hbm>> -> memref<8x1x128xi32, #tpu.memory_space<hbm>>
      %dma_wait3A_718 = arith.constant 0 : i32
      %dma_wait3A_719 = arith.constant 0 : i32
      %dma_wait3A_720 = arith.constant 0 : i32
      %dma_wait3A_721 = tpu.memref_slice %arg5[%dma_wait3A_708, %dma_wait3A_718, %dma_wait3A_719, %dma_wait3A_720] : memref<2x8x1x128xi32, #tpu.memory_space<vmem>> -> memref<1x8x1x128xi32, #tpu.memory_space<vmem>>
      %dma_wait3A_722 = tpu.memref_squeeze %dma_wait3A_721 : memref<1x8x1x128xi32, #tpu.memory_space<vmem>> -> memref<8x1x128xi32, #tpu.memory_space<vmem>>
      %dma_wait3A_723 = arith.constant 0 : i32
      %dma_wait3A_724 = arith.constant 1 : i32
      %dma_wait3A_725 = arith.constant 0 : i32
      %dma_wait3A_726 = tpu.memref_slice %arg2[%dma_wait3A_723, %dma_wait3A_724, %dma_wait3A_725] : memref<50000x2x128xi32, #tpu.memory_space<hbm>> -> memref<8x1x128xi32, #tpu.memory_space<hbm>>
      tpu.wait_dma2 semaphore(%arg13 : memref<!tpu.dma_semaphore, #tpu.memory_space<semaphore_mem>>) src(%dma_wait3A_726 : memref<8x1x128xi32, #tpu.memory_space<hbm>>) dst(%dma_wait3A_722 : memref<8x1x128xi32, #tpu.memory_space<vmem>>)
      %dma_wait3A_727 = arith.constant 1 : i32
      %dma_wait3A_728 = arith.constant 0 : i32
      %dma_wait3A_729 = arith.constant 0 : i32
      %dma_wait3A_730 = arith.constant 0 : i32
      %dma_wait3A_731 = tpu.memref_slice %arg6[%dma_wait3A_727, %dma_wait3A_728, %dma_wait3A_729, %dma_wait3A_730] : memref<2x8x4x128xf32, #tpu.memory_space<vmem>> -> memref<1x8x4x128xf32, #tpu.memory_space<vmem>>
      %dma_wait3A_732 = tpu.memref_squeeze %dma_wait3A_731 : memref<1x8x4x128xf32, #tpu.memory_space<vmem>> -> memref<8x4x128xf32, #tpu.memory_space<vmem>>
      %dma_wait3A_733 = arith.constant 0 : i32
      %dma_wait3A_734 = arith.constant 0 : i32
      %dma_wait3A_735 = arith.constant 0 : i32
      %dma_wait3A_736 = tpu.memref_slice %arg3[%dma_wait3A_733, %dma_wait3A_734, %dma_wait3A_735] : memref<50000x4x128xf32, #tpu.memory_space<hbm>> -> memref<8x4x128xf32, #tpu.memory_space<hbm>>
      %dma_wait3A_737 = arith.constant 0 : i32
      %dma_wait3A_738 = arith.constant 0 : i32
      %dma_wait3A_739 = arith.constant 0 : i32
      %dma_wait3A_740 = tpu.memref_slice %arg6[%dma_wait3A_727, %dma_wait3A_737, %dma_wait3A_738, %dma_wait3A_739] : memref<2x8x4x128xf32, #tpu.memory_space<vmem>> -> memref<1x8x4x128xf32, #tpu.memory_space<vmem>>
      %dma_wait3A_741 = tpu.memref_squeeze %dma_wait3A_740 : memref<1x8x4x128xf32, #tpu.memory_space<vmem>> -> memref<8x4x128xf32, #tpu.memory_space<vmem>>
      %dma_wait3A_742 = arith.constant 0 : i32
      %dma_wait3A_743 = arith.constant 0 : i32
      %dma_wait3A_744 = arith.constant 0 : i32
      %dma_wait3A_745 = tpu.memref_slice %arg3[%dma_wait3A_742, %dma_wait3A_743, %dma_wait3A_744] : memref<50000x4x128xf32, #tpu.memory_space<hbm>> -> memref<8x4x128xf32, #tpu.memory_space<hbm>>
      tpu.wait_dma2 semaphore(%arg13 : memref<!tpu.dma_semaphore, #tpu.memory_space<semaphore_mem>>) src(%dma_wait3A_745 : memref<8x4x128xf32, #tpu.memory_space<hbm>>) dst(%dma_wait3A_741 : memref<8x4x128xf32, #tpu.memory_space<vmem>>)
      %dma_start3A_746 = arith.constant 1 : i32
      %dma_start3A_747 = arith.constant 0 : i32
      %dma_start3A_748 = arith.constant 0 : i32
      %dma_start3A_749 = arith.constant 1 : i32
      %dma_start3A_750 = arith.constant 0 : i32
      %dma_start3A_751 = arith.constant 0 : i32
      %dma_start3A_752 = arith.constant 0 : i32
      %dma_start3A_753 = tpu.memref_slice %arg6[%dma_start3A_746, %dma_start3A_747, %dma_start3A_748, %dma_start3A_752] : memref<2x8x4x128xf32, #tpu.memory_space<vmem>> -> memref<1x1x1x128xf32, #tpu.memory_space<vmem>>
      %dma_start3A_754 = tpu.memref_squeeze %dma_start3A_753 : memref<1x1x1x128xf32, #tpu.memory_space<vmem>> -> memref<128xf32, #tpu.memory_space<vmem>>
      %dma_start3A_755 = arith.constant 0 : i32
      %dma_start3A_756 = tpu.memref_slice %arg5[%dma_start3A_749, %dma_start3A_750, %dma_start3A_751, %dma_start3A_755] : memref<2x8x1x128xi32, #tpu.memory_space<vmem>> -> memref<1x1x1x128xi32, #tpu.memory_space<vmem>>
      %dma_start3A_757 = tpu.memref_squeeze %dma_start3A_756 : memref<1x1x1x128xi32, #tpu.memory_space<vmem>> -> memref<128xi32, #tpu.memory_space<vmem>>
      %dma_start3A_758 = arith.constant 0 : i32
      %dma_start3A_759 = tpu.memref_slice %arg8[%dma_start3A_758] : memref<100000xf32, #tpu.memory_space<vmem_shared>> -> memref<100000xf32, #tpu.memory_space<vmem_shared>>
      tpu.enqueue_indirect_dma source(%dma_start3A_754 : memref<128xf32, #tpu.memory_space<vmem>>) target(%dma_start3A_759 : memref<100000xf32, #tpu.memory_space<vmem_shared>>) offsets(%dma_start3A_757 : memref<128xi32, #tpu.memory_space<vmem>>) semaphore(%arg15 : memref<!tpu.dma_semaphore, #tpu.memory_space<semaphore_mem>>) {add = true}
      %dma_start3A_760 = arith.constant 1 : i32
      %dma_start3A_761 = arith.constant 0 : i32
      %dma_start3A_762 = arith.constant 1 : i32
      %dma_start3A_763 = arith.constant 1 : i32
      %dma_start3A_764 = arith.constant 0 : i32
      %dma_start3A_765 = arith.constant 0 : i32
      %dma_start3A_766 = arith.constant 0 : i32
      %dma_start3A_767 = tpu.memref_slice %arg6[%dma_start3A_760, %dma_start3A_761, %dma_start3A_762, %dma_start3A_766] : memref<2x8x4x128xf32, #tpu.memory_space<vmem>> -> memref<1x1x1x128xf32, #tpu.memory_space<vmem>>
      %dma_start3A_768 = tpu.memref_squeeze %dma_start3A_767 : memref<1x1x1x128xf32, #tpu.memory_space<vmem>> -> memref<128xf32, #tpu.memory_space<vmem>>
      %dma_start3A_769 = arith.constant 0 : i32
      %dma_start3A_770 = tpu.memref_slice %arg5[%dma_start3A_763, %dma_start3A_764, %dma_start3A_765, %dma_start3A_769] : memref<2x8x1x128xi32, #tpu.memory_space<vmem>> -> memref<1x1x1x128xi32, #tpu.memory_space<vmem>>
      %dma_start3A_771 = tpu.memref_squeeze %dma_start3A_770 : memref<1x1x1x128xi32, #tpu.memory_space<vmem>> -> memref<128xi32, #tpu.memory_space<vmem>>
      %dma_start3A_772 = arith.constant 0 : i32
      %dma_start3A_773 = tpu.memref_slice %arg9[%dma_start3A_772] : memref<100000xf32, #tpu.memory_space<vmem_shared>> -> memref<100000xf32, #tpu.memory_space<vmem_shared>>
      tpu.enqueue_indirect_dma source(%dma_start3A_768 : memref<128xf32, #tpu.memory_space<vmem>>) target(%dma_start3A_773 : memref<100000xf32, #tpu.memory_space<vmem_shared>>) offsets(%dma_start3A_771 : memref<128xi32, #tpu.memory_space<vmem>>) semaphore(%arg15 : memref<!tpu.dma_semaphore, #tpu.memory_space<semaphore_mem>>) {add = true}
      %dma_start3A_774 = arith.constant 1 : i32
      %dma_start3A_775 = arith.constant 0 : i32
      %dma_start3A_776 = arith.constant 2 : i32
      %dma_start3A_777 = arith.constant 1 : i32
      %dma_start3A_778 = arith.constant 0 : i32
      %dma_start3A_779 = arith.constant 0 : i32
      %dma_start3A_780 = arith.constant 0 : i32
      %dma_start3A_781 = tpu.memref_slice %arg6[%dma_start3A_774, %dma_start3A_775, %dma_start3A_776, %dma_start3A_780] : memref<2x8x4x128xf32, #tpu.memory_space<vmem>> -> memref<1x1x1x128xf32, #tpu.memory_space<vmem>>
      %dma_start3A_782 = tpu.memref_squeeze %dma_start3A_781 : memref<1x1x1x128xf32, #tpu.memory_space<vmem>> -> memref<128xf32, #tpu.memory_space<vmem>>
      %dma_start3A_783 = arith.constant 0 : i32
      %dma_start3A_784 = tpu.memref_slice %arg5[%dma_start3A_777, %dma_start3A_778, %dma_start3A_779, %dma_start3A_783] : memref<2x8x1x128xi32, #tpu.memory_space<vmem>> -> memref<1x1x1x128xi32, #tpu.memory_space<vmem>>
      %dma_start3A_785 = tpu.memref_squeeze %dma_start3A_784 : memref<1x1x1x128xi32, #tpu.memory_space<vmem>> -> memref<128xi32, #tpu.memory_space<vmem>>
      %dma_start3A_786 = arith.constant 0 : i32
      %dma_start3A_787 = tpu.memref_slice %arg10[%dma_start3A_786] : memref<100000xf32, #tpu.memory_space<vmem_shared>> -> memref<100000xf32, #tpu.memory_space<vmem_shared>>
      tpu.enqueue_indirect_dma source(%dma_start3A_782 : memref<128xf32, #tpu.memory_space<vmem>>) target(%dma_start3A_787 : memref<100000xf32, #tpu.memory_space<vmem_shared>>) offsets(%dma_start3A_785 : memref<128xi32, #tpu.memory_space<vmem>>) semaphore(%arg15 : memref<!tpu.dma_semaphore, #tpu.memory_space<semaphore_mem>>) {add = true}
      %dma_start3A_788 = arith.constant 1 : i32
      %dma_start3A_789 = arith.constant 0 : i32
      %dma_start3A_790 = arith.constant 3 : i32
      %dma_start3A_791 = arith.constant 1 : i32
      %dma_start3A_792 = arith.constant 0 : i32
      %dma_start3A_793 = arith.constant 0 : i32
      %dma_start3A_794 = arith.constant 0 : i32
      %dma_start3A_795 = tpu.memref_slice %arg6[%dma_start3A_788, %dma_start3A_789, %dma_start3A_790, %dma_start3A_794] : memref<2x8x4x128xf32, #tpu.memory_space<vmem>> -> memref<1x1x1x128xf32, #tpu.memory_space<vmem>>
      %dma_start3A_796 = tpu.memref_squeeze %dma_start3A_795 : memref<1x1x1x128xf32, #tpu.memory_space<vmem>> -> memref<128xf32, #tpu.memory_space<vmem>>
      %dma_start3A_797 = arith.constant 0 : i32
      %dma_start3A_798 = tpu.memref_slice %arg5[%dma_start3A_791, %dma_start3A_792, %dma_start3A_793, %dma_start3A_797] : memref<2x8x1x128xi32, #tpu.memory_space<vmem>> -> memref<1x1x1x128xi32, #tpu.memory_space<vmem>>
      %dma_start3A_799 = tpu.memref_squeeze %dma_start3A_798 : memref<1x1x1x128xi32, #tpu.memory_space<vmem>> -> memref<128xi32, #tpu.memory_space<vmem>>
      %dma_start3A_800 = arith.constant 0 : i32
      %dma_start3A_801 = tpu.memref_slice %arg11[%dma_start3A_800] : memref<100000xf32, #tpu.memory_space<vmem_shared>> -> memref<100000xf32, #tpu.memory_space<vmem_shared>>
      tpu.enqueue_indirect_dma source(%dma_start3A_796 : memref<128xf32, #tpu.memory_space<vmem>>) target(%dma_start3A_801 : memref<100000xf32, #tpu.memory_space<vmem_shared>>) offsets(%dma_start3A_799 : memref<128xi32, #tpu.memory_space<vmem>>) semaphore(%arg15 : memref<!tpu.dma_semaphore, #tpu.memory_space<semaphore_mem>>) {add = true}
      %dma_start3A_802 = arith.constant 1 : i32
      %dma_start3A_803 = arith.constant 1 : i32
      %dma_start3A_804 = arith.constant 0 : i32
      %dma_start3A_805 = arith.constant 1 : i32
      %dma_start3A_806 = arith.constant 1 : i32
      %dma_start3A_807 = arith.constant 0 : i32
      %dma_start3A_808 = arith.constant 0 : i32
      %dma_start3A_809 = tpu.memref_slice %arg6[%dma_start3A_802, %dma_start3A_803, %dma_start3A_804, %dma_start3A_808] : memref<2x8x4x128xf32, #tpu.memory_space<vmem>> -> memref<1x1x1x128xf32, #tpu.memory_space<vmem>>
      %dma_start3A_810 = tpu.memref_squeeze %dma_start3A_809 : memref<1x1x1x128xf32, #tpu.memory_space<vmem>> -> memref<128xf32, #tpu.memory_space<vmem>>
      %dma_start3A_811 = arith.constant 0 : i32
      %dma_start3A_812 = tpu.memref_slice %arg5[%dma_start3A_805, %dma_start3A_806, %dma_start3A_807, %dma_start3A_811] : memref<2x8x1x128xi32, #tpu.memory_space<vmem>> -> memref<1x1x1x128xi32, #tpu.memory_space<vmem>>
      %dma_start3A_813 = tpu.memref_squeeze %dma_start3A_812 : memref<1x1x1x128xi32, #tpu.memory_space<vmem>> -> memref<128xi32, #tpu.memory_space<vmem>>
      %dma_start3A_814 = arith.constant 0 : i32
      %dma_start3A_815 = tpu.memref_slice %arg8[%dma_start3A_814] : memref<100000xf32, #tpu.memory_space<vmem_shared>> -> memref<100000xf32, #tpu.memory_space<vmem_shared>>
      tpu.enqueue_indirect_dma source(%dma_start3A_810 : memref<128xf32, #tpu.memory_space<vmem>>) target(%dma_start3A_815 : memref<100000xf32, #tpu.memory_space<vmem_shared>>) offsets(%dma_start3A_813 : memref<128xi32, #tpu.memory_space<vmem>>) semaphore(%arg15 : memref<!tpu.dma_semaphore, #tpu.memory_space<semaphore_mem>>) {add = true}
      %dma_start3A_816 = arith.constant 1 : i32
      %dma_start3A_817 = arith.constant 1 : i32
      %dma_start3A_818 = arith.constant 1 : i32
      %dma_start3A_819 = arith.constant 1 : i32
      %dma_start3A_820 = arith.constant 1 : i32
      %dma_start3A_821 = arith.constant 0 : i32
      %dma_start3A_822 = arith.constant 0 : i32
      %dma_start3A_823 = tpu.memref_slice %arg6[%dma_start3A_816, %dma_start3A_817, %dma_start3A_818, %dma_start3A_822] : memref<2x8x4x128xf32, #tpu.memory_space<vmem>> -> memref<1x1x1x128xf32, #tpu.memory_space<vmem>>
      %dma_start3A_824 = tpu.memref_squeeze %dma_start3A_823 : memref<1x1x1x128xf32, #tpu.memory_space<vmem>> -> memref<128xf32, #tpu.memory_space<vmem>>
      %dma_start3A_825 = arith.constant 0 : i32
      %dma_start3A_826 = tpu.memref_slice %arg5[%dma_start3A_819, %dma_start3A_820, %dma_start3A_821, %dma_start3A_825] : memref<2x8x1x128xi32, #tpu.memory_space<vmem>> -> memref<1x1x1x128xi32, #tpu.memory_space<vmem>>
      %dma_start3A_827 = tpu.memref_squeeze %dma_start3A_826 : memref<1x1x1x128xi32, #tpu.memory_space<vmem>> -> memref<128xi32, #tpu.memory_space<vmem>>
      %dma_start3A_828 = arith.constant 0 : i32
      %dma_start3A_829 = tpu.memref_slice %arg9[%dma_start3A_828] : memref<100000xf32, #tpu.memory_space<vmem_shared>> -> memref<100000xf32, #tpu.memory_space<vmem_shared>>
      tpu.enqueue_indirect_dma source(%dma_start3A_824 : memref<128xf32, #tpu.memory_space<vmem>>) target(%dma_start3A_829 : memref<100000xf32, #tpu.memory_space<vmem_shared>>) offsets(%dma_start3A_827 : memref<128xi32, #tpu.memory_space<vmem>>) semaphore(%arg15 : memref<!tpu.dma_semaphore, #tpu.memory_space<semaphore_mem>>) {add = true}
      %dma_start3A_830 = arith.constant 1 : i32
      %dma_start3A_831 = arith.constant 1 : i32
      %dma_start3A_832 = arith.constant 2 : i32
      %dma_start3A_833 = arith.constant 1 : i32
      %dma_start3A_834 = arith.constant 1 : i32
      %dma_start3A_835 = arith.constant 0 : i32
      %dma_start3A_836 = arith.constant 0 : i32
      %dma_start3A_837 = tpu.memref_slice %arg6[%dma_start3A_830, %dma_start3A_831, %dma_start3A_832, %dma_start3A_836] : memref<2x8x4x128xf32, #tpu.memory_space<vmem>> -> memref<1x1x1x128xf32, #tpu.memory_space<vmem>>
      %dma_start3A_838 = tpu.memref_squeeze %dma_start3A_837 : memref<1x1x1x128xf32, #tpu.memory_space<vmem>> -> memref<128xf32, #tpu.memory_space<vmem>>
      %dma_start3A_839 = arith.constant 0 : i32
      %dma_start3A_840 = tpu.memref_slice %arg5[%dma_start3A_833, %dma_start3A_834, %dma_start3A_835, %dma_start3A_839] : memref<2x8x1x128xi32, #tpu.memory_space<vmem>> -> memref<1x1x1x128xi32, #tpu.memory_space<vmem>>
      %dma_start3A_841 = tpu.memref_squeeze %dma_start3A_840 : memref<1x1x1x128xi32, #tpu.memory_space<vmem>> -> memref<128xi32, #tpu.memory_space<vmem>>
      %dma_start3A_842 = arith.constant 0 : i32
      %dma_start3A_843 = tpu.memref_slice %arg10[%dma_start3A_842] : memref<100000xf32, #tpu.memory_space<vmem_shared>> -> memref<100000xf32, #tpu.memory_space<vmem_shared>>
      tpu.enqueue_indirect_dma source(%dma_start3A_838 : memref<128xf32, #tpu.memory_space<vmem>>) target(%dma_start3A_843 : memref<100000xf32, #tpu.memory_space<vmem_shared>>) offsets(%dma_start3A_841 : memref<128xi32, #tpu.memory_space<vmem>>) semaphore(%arg15 : memref<!tpu.dma_semaphore, #tpu.memory_space<semaphore_mem>>) {add = true}
      %dma_start3A_844 = arith.constant 1 : i32
      %dma_start3A_845 = arith.constant 1 : i32
      %dma_start3A_846 = arith.constant 3 : i32
      %dma_start3A_847 = arith.constant 1 : i32
      %dma_start3A_848 = arith.constant 1 : i32
      %dma_start3A_849 = arith.constant 0 : i32
      %dma_start3A_850 = arith.constant 0 : i32
      %dma_start3A_851 = tpu.memref_slice %arg6[%dma_start3A_844, %dma_start3A_845, %dma_start3A_846, %dma_start3A_850] : memref<2x8x4x128xf32, #tpu.memory_space<vmem>> -> memref<1x1x1x128xf32, #tpu.memory_space<vmem>>
      %dma_start3A_852 = tpu.memref_squeeze %dma_start3A_851 : memref<1x1x1x128xf32, #tpu.memory_space<vmem>> -> memref<128xf32, #tpu.memory_space<vmem>>
      %dma_start3A_853 = arith.constant 0 : i32
      %dma_start3A_854 = tpu.memref_slice %arg5[%dma_start3A_847, %dma_start3A_848, %dma_start3A_849, %dma_start3A_853] : memref<2x8x1x128xi32, #tpu.memory_space<vmem>> -> memref<1x1x1x128xi32, #tpu.memory_space<vmem>>
      %dma_start3A_855 = tpu.memref_squeeze %dma_start3A_854 : memref<1x1x1x128xi32, #tpu.memory_space<vmem>> -> memref<128xi32, #tpu.memory_space<vmem>>
      %dma_start3A_856 = arith.constant 0 : i32
      %dma_start3A_857 = tpu.memref_slice %arg11[%dma_start3A_856] : memref<100000xf32, #tpu.memory_space<vmem_shared>> -> memref<100000xf32, #tpu.memory_space<vmem_shared>>
      tpu.enqueue_indirect_dma source(%dma_start3A_852 : memref<128xf32, #tpu.memory_space<vmem>>) target(%dma_start3A_857 : memref<100000xf32, #tpu.memory_space<vmem_shared>>) offsets(%dma_start3A_855 : memref<128xi32, #tpu.memory_space<vmem>>) semaphore(%arg15 : memref<!tpu.dma_semaphore, #tpu.memory_space<semaphore_mem>>) {add = true}
      %dma_start3A_858 = arith.constant 1 : i32
      %dma_start3A_859 = arith.constant 2 : i32
      %dma_start3A_860 = arith.constant 0 : i32
      %dma_start3A_861 = arith.constant 1 : i32
      %dma_start3A_862 = arith.constant 2 : i32
      %dma_start3A_863 = arith.constant 0 : i32
      %dma_start3A_864 = arith.constant 0 : i32
      %dma_start3A_865 = tpu.memref_slice %arg6[%dma_start3A_858, %dma_start3A_859, %dma_start3A_860, %dma_start3A_864] : memref<2x8x4x128xf32, #tpu.memory_space<vmem>> -> memref<1x1x1x128xf32, #tpu.memory_space<vmem>>
      %dma_start3A_866 = tpu.memref_squeeze %dma_start3A_865 : memref<1x1x1x128xf32, #tpu.memory_space<vmem>> -> memref<128xf32, #tpu.memory_space<vmem>>
      %dma_start3A_867 = arith.constant 0 : i32
      %dma_start3A_868 = tpu.memref_slice %arg5[%dma_start3A_861, %dma_start3A_862, %dma_start3A_863, %dma_start3A_867] : memref<2x8x1x128xi32, #tpu.memory_space<vmem>> -> memref<1x1x1x128xi32, #tpu.memory_space<vmem>>
      %dma_start3A_869 = tpu.memref_squeeze %dma_start3A_868 : memref<1x1x1x128xi32, #tpu.memory_space<vmem>> -> memref<128xi32, #tpu.memory_space<vmem>>
      %dma_start3A_870 = arith.constant 0 : i32
      %dma_start3A_871 = tpu.memref_slice %arg8[%dma_start3A_870] : memref<100000xf32, #tpu.memory_space<vmem_shared>> -> memref<100000xf32, #tpu.memory_space<vmem_shared>>
      tpu.enqueue_indirect_dma source(%dma_start3A_866 : memref<128xf32, #tpu.memory_space<vmem>>) target(%dma_start3A_871 : memref<100000xf32, #tpu.memory_space<vmem_shared>>) offsets(%dma_start3A_869 : memref<128xi32, #tpu.memory_space<vmem>>) semaphore(%arg15 : memref<!tpu.dma_semaphore, #tpu.memory_space<semaphore_mem>>) {add = true}
      %dma_start3A_872 = arith.constant 1 : i32
      %dma_start3A_873 = arith.constant 2 : i32
      %dma_start3A_874 = arith.constant 1 : i32
      %dma_start3A_875 = arith.constant 1 : i32
      %dma_start3A_876 = arith.constant 2 : i32
      %dma_start3A_877 = arith.constant 0 : i32
      %dma_start3A_878 = arith.constant 0 : i32
      %dma_start3A_879 = tpu.memref_slice %arg6[%dma_start3A_872, %dma_start3A_873, %dma_start3A_874, %dma_start3A_878] : memref<2x8x4x128xf32, #tpu.memory_space<vmem>> -> memref<1x1x1x128xf32, #tpu.memory_space<vmem>>
      %dma_start3A_880 = tpu.memref_squeeze %dma_start3A_879 : memref<1x1x1x128xf32, #tpu.memory_space<vmem>> -> memref<128xf32, #tpu.memory_space<vmem>>
      %dma_start3A_881 = arith.constant 0 : i32
      %dma_start3A_882 = tpu.memref_slice %arg5[%dma_start3A_875, %dma_start3A_876, %dma_start3A_877, %dma_start3A_881] : memref<2x8x1x128xi32, #tpu.memory_space<vmem>> -> memref<1x1x1x128xi32, #tpu.memory_space<vmem>>
      %dma_start3A_883 = tpu.memref_squeeze %dma_start3A_882 : memref<1x1x1x128xi32, #tpu.memory_space<vmem>> -> memref<128xi32, #tpu.memory_space<vmem>>
      %dma_start3A_884 = arith.constant 0 : i32
      %dma_start3A_885 = tpu.memref_slice %arg9[%dma_start3A_884] : memref<100000xf32, #tpu.memory_space<vmem_shared>> -> memref<100000xf32, #tpu.memory_space<vmem_shared>>
      tpu.enqueue_indirect_dma source(%dma_start3A_880 : memref<128xf32, #tpu.memory_space<vmem>>) target(%dma_start3A_885 : memref<100000xf32, #tpu.memory_space<vmem_shared>>) offsets(%dma_start3A_883 : memref<128xi32, #tpu.memory_space<vmem>>) semaphore(%arg15 : memref<!tpu.dma_semaphore, #tpu.memory_space<semaphore_mem>>) {add = true}
      %dma_start3A_886 = arith.constant 1 : i32
      %dma_start3A_887 = arith.constant 2 : i32
      %dma_start3A_888 = arith.constant 2 : i32
      %dma_start3A_889 = arith.constant 1 : i32
      %dma_start3A_890 = arith.constant 2 : i32
      %dma_start3A_891 = arith.constant 0 : i32
      %dma_start3A_892 = arith.constant 0 : i32
      %dma_start3A_893 = tpu.memref_slice %arg6[%dma_start3A_886, %dma_start3A_887, %dma_start3A_888, %dma_start3A_892] : memref<2x8x4x128xf32, #tpu.memory_space<vmem>> -> memref<1x1x1x128xf32, #tpu.memory_space<vmem>>
      %dma_start3A_894 = tpu.memref_squeeze %dma_start3A_893 : memref<1x1x1x128xf32, #tpu.memory_space<vmem>> -> memref<128xf32, #tpu.memory_space<vmem>>
      %dma_start3A_895 = arith.constant 0 : i32
      %dma_start3A_896 = tpu.memref_slice %arg5[%dma_start3A_889, %dma_start3A_890, %dma_start3A_891, %dma_start3A_895] : memref<2x8x1x128xi32, #tpu.memory_space<vmem>> -> memref<1x1x1x128xi32, #tpu.memory_space<vmem>>
      %dma_start3A_897 = tpu.memref_squeeze %dma_start3A_896 : memref<1x1x1x128xi32, #tpu.memory_space<vmem>> -> memref<128xi32, #tpu.memory_space<vmem>>
      %dma_start3A_898 = arith.constant 0 : i32
      %dma_start3A_899 = tpu.memref_slice %arg10[%dma_start3A_898] : memref<100000xf32, #tpu.memory_space<vmem_shared>> -> memref<100000xf32, #tpu.memory_space<vmem_shared>>
      tpu.enqueue_indirect_dma source(%dma_start3A_894 : memref<128xf32, #tpu.memory_space<vmem>>) target(%dma_start3A_899 : memref<100000xf32, #tpu.memory_space<vmem_shared>>) offsets(%dma_start3A_897 : memref<128xi32, #tpu.memory_space<vmem>>) semaphore(%arg15 : memref<!tpu.dma_semaphore, #tpu.memory_space<semaphore_mem>>) {add = true}
      %dma_start3A_900 = arith.constant 1 : i32
      %dma_start3A_901 = arith.constant 2 : i32
      %dma_start3A_902 = arith.constant 3 : i32
      %dma_start3A_903 = arith.constant 1 : i32
      %dma_start3A_904 = arith.constant 2 : i32
      %dma_start3A_905 = arith.constant 0 : i32
      %dma_start3A_906 = arith.constant 0 : i32
      %dma_start3A_907 = tpu.memref_slice %arg6[%dma_start3A_900, %dma_start3A_901, %dma_start3A_902, %dma_start3A_906] : memref<2x8x4x128xf32, #tpu.memory_space<vmem>> -> memref<1x1x1x128xf32, #tpu.memory_space<vmem>>
      %dma_start3A_908 = tpu.memref_squeeze %dma_start3A_907 : memref<1x1x1x128xf32, #tpu.memory_space<vmem>> -> memref<128xf32, #tpu.memory_space<vmem>>
      %dma_start3A_909 = arith.constant 0 : i32
      %dma_start3A_910 = tpu.memref_slice %arg5[%dma_start3A_903, %dma_start3A_904, %dma_start3A_905, %dma_start3A_909] : memref<2x8x1x128xi32, #tpu.memory_space<vmem>> -> memref<1x1x1x128xi32, #tpu.memory_space<vmem>>
      %dma_start3A_911 = tpu.memref_squeeze %dma_start3A_910 : memref<1x1x1x128xi32, #tpu.memory_space<vmem>> -> memref<128xi32, #tpu.memory_space<vmem>>
      %dma_start3A_912 = arith.constant 0 : i32
      %dma_start3A_913 = tpu.memref_slice %arg11[%dma_start3A_912] : memref<100000xf32, #tpu.memory_space<vmem_shared>> -> memref<100000xf32, #tpu.memory_space<vmem_shared>>
      tpu.enqueue_indirect_dma source(%dma_start3A_908 : memref<128xf32, #tpu.memory_space<vmem>>) target(%dma_start3A_913 : memref<100000xf32, #tpu.memory_space<vmem_shared>>) offsets(%dma_start3A_911 : memref<128xi32, #tpu.memory_space<vmem>>) semaphore(%arg15 : memref<!tpu.dma_semaphore, #tpu.memory_space<semaphore_mem>>) {add = true}
      %dma_start3A_914 = arith.constant 1 : i32
      %dma_start3A_915 = arith.constant 3 : i32
      %dma_start3A_916 = arith.constant 0 : i32
      %dma_start3A_917 = arith.constant 1 : i32
      %dma_start3A_918 = arith.constant 3 : i32
      %dma_start3A_919 = arith.constant 0 : i32
      %dma_start3A_920 = arith.constant 0 : i32
      %dma_start3A_921 = tpu.memref_slice %arg6[%dma_start3A_914, %dma_start3A_915, %dma_start3A_916, %dma_start3A_920] : memref<2x8x4x128xf32, #tpu.memory_space<vmem>> -> memref<1x1x1x128xf32, #tpu.memory_space<vmem>>
      %dma_start3A_922 = tpu.memref_squeeze %dma_start3A_921 : memref<1x1x1x128xf32, #tpu.memory_space<vmem>> -> memref<128xf32, #tpu.memory_space<vmem>>
      %dma_start3A_923 = arith.constant 0 : i32
      %dma_start3A_924 = tpu.memref_slice %arg5[%dma_start3A_917, %dma_start3A_918, %dma_start3A_919, %dma_start3A_923] : memref<2x8x1x128xi32, #tpu.memory_space<vmem>> -> memref<1x1x1x128xi32, #tpu.memory_space<vmem>>
      %dma_start3A_925 = tpu.memref_squeeze %dma_start3A_924 : memref<1x1x1x128xi32, #tpu.memory_space<vmem>> -> memref<128xi32, #tpu.memory_space<vmem>>
      %dma_start3A_926 = arith.constant 0 : i32
      %dma_start3A_927 = tpu.memref_slice %arg8[%dma_start3A_926] : memref<100000xf32, #tpu.memory_space<vmem_shared>> -> memref<100000xf32, #tpu.memory_space<vmem_shared>>
      tpu.enqueue_indirect_dma source(%dma_start3A_922 : memref<128xf32, #tpu.memory_space<vmem>>) target(%dma_start3A_927 : memref<100000xf32, #tpu.memory_space<vmem_shared>>) offsets(%dma_start3A_925 : memref<128xi32, #tpu.memory_space<vmem>>) semaphore(%arg15 : memref<!tpu.dma_semaphore, #tpu.memory_space<semaphore_mem>>) {add = true}
      %dma_start3A_928 = arith.constant 1 : i32
      %dma_start3A_929 = arith.constant 3 : i32
      %dma_start3A_930 = arith.constant 1 : i32
      %dma_start3A_931 = arith.constant 1 : i32
      %dma_start3A_932 = arith.constant 3 : i32
      %dma_start3A_933 = arith.constant 0 : i32
      %dma_start3A_934 = arith.constant 0 : i32
      %dma_start3A_935 = tpu.memref_slice %arg6[%dma_start3A_928, %dma_start3A_929, %dma_start3A_930, %dma_start3A_934] : memref<2x8x4x128xf32, #tpu.memory_space<vmem>> -> memref<1x1x1x128xf32, #tpu.memory_space<vmem>>
      %dma_start3A_936 = tpu.memref_squeeze %dma_start3A_935 : memref<1x1x1x128xf32, #tpu.memory_space<vmem>> -> memref<128xf32, #tpu.memory_space<vmem>>
      %dma_start3A_937 = arith.constant 0 : i32
      %dma_start3A_938 = tpu.memref_slice %arg5[%dma_start3A_931, %dma_start3A_932, %dma_start3A_933, %dma_start3A_937] : memref<2x8x1x128xi32, #tpu.memory_space<vmem>> -> memref<1x1x1x128xi32, #tpu.memory_space<vmem>>
      %dma_start3A_939 = tpu.memref_squeeze %dma_start3A_938 : memref<1x1x1x128xi32, #tpu.memory_space<vmem>> -> memref<128xi32, #tpu.memory_space<vmem>>
      %dma_start3A_940 = arith.constant 0 : i32
      %dma_start3A_941 = tpu.memref_slice %arg9[%dma_start3A_940] : memref<100000xf32, #tpu.memory_space<vmem_shared>> -> memref<100000xf32, #tpu.memory_space<vmem_shared>>
      tpu.enqueue_indirect_dma source(%dma_start3A_936 : memref<128xf32, #tpu.memory_space<vmem>>) target(%dma_start3A_941 : memref<100000xf32, #tpu.memory_space<vmem_shared>>) offsets(%dma_start3A_939 : memref<128xi32, #tpu.memory_space<vmem>>) semaphore(%arg15 : memref<!tpu.dma_semaphore, #tpu.memory_space<semaphore_mem>>) {add = true}
      %dma_start3A_942 = arith.constant 1 : i32
      %dma_start3A_943 = arith.constant 3 : i32
      %dma_start3A_944 = arith.constant 2 : i32
      %dma_start3A_945 = arith.constant 1 : i32
      %dma_start3A_946 = arith.constant 3 : i32
      %dma_start3A_947 = arith.constant 0 : i32
      %dma_start3A_948 = arith.constant 0 : i32
      %dma_start3A_949 = tpu.memref_slice %arg6[%dma_start3A_942, %dma_start3A_943, %dma_start3A_944, %dma_start3A_948] : memref<2x8x4x128xf32, #tpu.memory_space<vmem>> -> memref<1x1x1x128xf32, #tpu.memory_space<vmem>>
      %dma_start3A_950 = tpu.memref_squeeze %dma_start3A_949 : memref<1x1x1x128xf32, #tpu.memory_space<vmem>> -> memref<128xf32, #tpu.memory_space<vmem>>
      %dma_start3A_951 = arith.constant 0 : i32
      %dma_start3A_952 = tpu.memref_slice %arg5[%dma_start3A_945, %dma_start3A_946, %dma_start3A_947, %dma_start3A_951] : memref<2x8x1x128xi32, #tpu.memory_space<vmem>> -> memref<1x1x1x128xi32, #tpu.memory_space<vmem>>
      %dma_start3A_953 = tpu.memref_squeeze %dma_start3A_952 : memref<1x1x1x128xi32, #tpu.memory_space<vmem>> -> memref<128xi32, #tpu.memory_space<vmem>>
      %dma_start3A_954 = arith.constant 0 : i32
      %dma_start3A_955 = tpu.memref_slice %arg10[%dma_start3A_954] : memref<100000xf32, #tpu.memory_space<vmem_shared>> -> memref<100000xf32, #tpu.memory_space<vmem_shared>>
      tpu.enqueue_indirect_dma source(%dma_start3A_950 : memref<128xf32, #tpu.memory_space<vmem>>) target(%dma_start3A_955 : memref<100000xf32, #tpu.memory_space<vmem_shared>>) offsets(%dma_start3A_953 : memref<128xi32, #tpu.memory_space<vmem>>) semaphore(%arg15 : memref<!tpu.dma_semaphore, #tpu.memory_space<semaphore_mem>>) {add = true}
      %dma_start3A_956 = arith.constant 1 : i32
      %dma_start3A_957 = arith.constant 3 : i32
      %dma_start3A_958 = arith.constant 3 : i32
      %dma_start3A_959 = arith.constant 1 : i32
      %dma_start3A_960 = arith.constant 3 : i32
      %dma_start3A_961 = arith.constant 0 : i32
      %dma_start3A_962 = arith.constant 0 : i32
      %dma_start3A_963 = tpu.memref_slice %arg6[%dma_start3A_956, %dma_start3A_957, %dma_start3A_958, %dma_start3A_962] : memref<2x8x4x128xf32, #tpu.memory_space<vmem>> -> memref<1x1x1x128xf32, #tpu.memory_space<vmem>>
      %dma_start3A_964 = tpu.memref_squeeze %dma_start3A_963 : memref<1x1x1x128xf32, #tpu.memory_space<vmem>> -> memref<128xf32, #tpu.memory_space<vmem>>
      %dma_start3A_965 = arith.constant 0 : i32
      %dma_start3A_966 = tpu.memref_slice %arg5[%dma_start3A_959, %dma_start3A_960, %dma_start3A_961, %dma_start3A_965] : memref<2x8x1x128xi32, #tpu.memory_space<vmem>> -> memref<1x1x1x128xi32, #tpu.memory_space<vmem>>
      %dma_start3A_967 = tpu.memref_squeeze %dma_start3A_966 : memref<1x1x1x128xi32, #tpu.memory_space<vmem>> -> memref<128xi32, #tpu.memory_space<vmem>>
      %dma_start3A_968 = arith.constant 0 : i32
      %dma_start3A_969 = tpu.memref_slice %arg11[%dma_start3A_968] : memref<100000xf32, #tpu.memory_space<vmem_shared>> -> memref<100000xf32, #tpu.memory_space<vmem_shared>>
      tpu.enqueue_indirect_dma source(%dma_start3A_964 : memref<128xf32, #tpu.memory_space<vmem>>) target(%dma_start3A_969 : memref<100000xf32, #tpu.memory_space<vmem_shared>>) offsets(%dma_start3A_967 : memref<128xi32, #tpu.memory_space<vmem>>) semaphore(%arg15 : memref<!tpu.dma_semaphore, #tpu.memory_space<semaphore_mem>>) {add = true}
      %dma_start3A_970 = arith.constant 1 : i32
      %dma_start3A_971 = arith.constant 4 : i32
      %dma_start3A_972 = arith.constant 0 : i32
      %dma_start3A_973 = arith.constant 1 : i32
      %dma_start3A_974 = arith.constant 4 : i32
      %dma_start3A_975 = arith.constant 0 : i32
      %dma_start3A_976 = arith.constant 0 : i32
      %dma_start3A_977 = tpu.memref_slice %arg6[%dma_start3A_970, %dma_start3A_971, %dma_start3A_972, %dma_start3A_976] : memref<2x8x4x128xf32, #tpu.memory_space<vmem>> -> memref<1x1x1x128xf32, #tpu.memory_space<vmem>>
      %dma_start3A_978 = tpu.memref_squeeze %dma_start3A_977 : memref<1x1x1x128xf32, #tpu.memory_space<vmem>> -> memref<128xf32, #tpu.memory_space<vmem>>
      %dma_start3A_979 = arith.constant 0 : i32
      %dma_start3A_980 = tpu.memref_slice %arg5[%dma_start3A_973, %dma_start3A_974, %dma_start3A_975, %dma_start3A_979] : memref<2x8x1x128xi32, #tpu.memory_space<vmem>> -> memref<1x1x1x128xi32, #tpu.memory_space<vmem>>
      %dma_start3A_981 = tpu.memref_squeeze %dma_start3A_980 : memref<1x1x1x128xi32, #tpu.memory_space<vmem>> -> memref<128xi32, #tpu.memory_space<vmem>>
      %dma_start3A_982 = arith.constant 0 : i32
      %dma_start3A_983 = tpu.memref_slice %arg8[%dma_start3A_982] : memref<100000xf32, #tpu.memory_space<vmem_shared>> -> memref<100000xf32, #tpu.memory_space<vmem_shared>>
      tpu.enqueue_indirect_dma source(%dma_start3A_978 : memref<128xf32, #tpu.memory_space<vmem>>) target(%dma_start3A_983 : memref<100000xf32, #tpu.memory_space<vmem_shared>>) offsets(%dma_start3A_981 : memref<128xi32, #tpu.memory_space<vmem>>) semaphore(%arg15 : memref<!tpu.dma_semaphore, #tpu.memory_space<semaphore_mem>>) {add = true}
      %dma_start3A_984 = arith.constant 1 : i32
      %dma_start3A_985 = arith.constant 4 : i32
      %dma_start3A_986 = arith.constant 1 : i32
      %dma_start3A_987 = arith.constant 1 : i32
      %dma_start3A_988 = arith.constant 4 : i32
      %dma_start3A_989 = arith.constant 0 : i32
      %dma_start3A_990 = arith.constant 0 : i32
      %dma_start3A_991 = tpu.memref_slice %arg6[%dma_start3A_984, %dma_start3A_985, %dma_start3A_986, %dma_start3A_990] : memref<2x8x4x128xf32, #tpu.memory_space<vmem>> -> memref<1x1x1x128xf32, #tpu.memory_space<vmem>>
      %dma_start3A_992 = tpu.memref_squeeze %dma_start3A_991 : memref<1x1x1x128xf32, #tpu.memory_space<vmem>> -> memref<128xf32, #tpu.memory_space<vmem>>
      %dma_start3A_993 = arith.constant 0 : i32
      %dma_start3A_994 = tpu.memref_slice %arg5[%dma_start3A_987, %dma_start3A_988, %dma_start3A_989, %dma_start3A_993] : memref<2x8x1x128xi32, #tpu.memory_space<vmem>> -> memref<1x1x1x128xi32, #tpu.memory_space<vmem>>
      %dma_start3A_995 = tpu.memref_squeeze %dma_start3A_994 : memref<1x1x1x128xi32, #tpu.memory_space<vmem>> -> memref<128xi32, #tpu.memory_space<vmem>>
      %dma_start3A_996 = arith.constant 0 : i32
      %dma_start3A_997 = tpu.memref_slice %arg9[%dma_start3A_996] : memref<100000xf32, #tpu.memory_space<vmem_shared>> -> memref<100000xf32, #tpu.memory_space<vmem_shared>>
      tpu.enqueue_indirect_dma source(%dma_start3A_992 : memref<128xf32, #tpu.memory_space<vmem>>) target(%dma_start3A_997 : memref<100000xf32, #tpu.memory_space<vmem_shared>>) offsets(%dma_start3A_995 : memref<128xi32, #tpu.memory_space<vmem>>) semaphore(%arg15 : memref<!tpu.dma_semaphore, #tpu.memory_space<semaphore_mem>>) {add = true}
      %dma_start3A_998 = arith.constant 1 : i32
      %dma_start3A_999 = arith.constant 4 : i32
      %dma_start3A_1000 = arith.constant 2 : i32
      %dma_start3A_1001 = arith.constant 1 : i32
      %dma_start3A_1002 = arith.constant 4 : i32
      %dma_start3A_1003 = arith.constant 0 : i32
      %dma_start3A_1004 = arith.constant 0 : i32
      %dma_start3A_1005 = tpu.memref_slice %arg6[%dma_start3A_998, %dma_start3A_999, %dma_start3A_1000, %dma_start3A_1004] : memref<2x8x4x128xf32, #tpu.memory_space<vmem>> -> memref<1x1x1x128xf32, #tpu.memory_space<vmem>>
      %dma_start3A_1006 = tpu.memref_squeeze %dma_start3A_1005 : memref<1x1x1x128xf32, #tpu.memory_space<vmem>> -> memref<128xf32, #tpu.memory_space<vmem>>
      %dma_start3A_1007 = arith.constant 0 : i32
      %dma_start3A_1008 = tpu.memref_slice %arg5[%dma_start3A_1001, %dma_start3A_1002, %dma_start3A_1003, %dma_start3A_1007] : memref<2x8x1x128xi32, #tpu.memory_space<vmem>> -> memref<1x1x1x128xi32, #tpu.memory_space<vmem>>
      %dma_start3A_1009 = tpu.memref_squeeze %dma_start3A_1008 : memref<1x1x1x128xi32, #tpu.memory_space<vmem>> -> memref<128xi32, #tpu.memory_space<vmem>>
      %dma_start3A_1010 = arith.constant 0 : i32
      %dma_start3A_1011 = tpu.memref_slice %arg10[%dma_start3A_1010] : memref<100000xf32, #tpu.memory_space<vmem_shared>> -> memref<100000xf32, #tpu.memory_space<vmem_shared>>
      tpu.enqueue_indirect_dma source(%dma_start3A_1006 : memref<128xf32, #tpu.memory_space<vmem>>) target(%dma_start3A_1011 : memref<100000xf32, #tpu.memory_space<vmem_shared>>) offsets(%dma_start3A_1009 : memref<128xi32, #tpu.memory_space<vmem>>) semaphore(%arg15 : memref<!tpu.dma_semaphore, #tpu.memory_space<semaphore_mem>>) {add = true}
      %dma_start3A_1012 = arith.constant 1 : i32
      %dma_start3A_1013 = arith.constant 4 : i32
      %dma_start3A_1014 = arith.constant 3 : i32
      %dma_start3A_1015 = arith.constant 1 : i32
      %dma_start3A_1016 = arith.constant 4 : i32
      %dma_start3A_1017 = arith.constant 0 : i32
      %dma_start3A_1018 = arith.constant 0 : i32
      %dma_start3A_1019 = tpu.memref_slice %arg6[%dma_start3A_1012, %dma_start3A_1013, %dma_start3A_1014, %dma_start3A_1018] : memref<2x8x4x128xf32, #tpu.memory_space<vmem>> -> memref<1x1x1x128xf32, #tpu.memory_space<vmem>>
      %dma_start3A_1020 = tpu.memref_squeeze %dma_start3A_1019 : memref<1x1x1x128xf32, #tpu.memory_space<vmem>> -> memref<128xf32, #tpu.memory_space<vmem>>
      %dma_start3A_1021 = arith.constant 0 : i32
      %dma_start3A_1022 = tpu.memref_slice %arg5[%dma_start3A_1015, %dma_start3A_1016, %dma_start3A_1017, %dma_start3A_1021] : memref<2x8x1x128xi32, #tpu.memory_space<vmem>> -> memref<1x1x1x128xi32, #tpu.memory_space<vmem>>
      %dma_start3A_1023 = tpu.memref_squeeze %dma_start3A_1022 : memref<1x1x1x128xi32, #tpu.memory_space<vmem>> -> memref<128xi32, #tpu.memory_space<vmem>>
      %dma_start3A_1024 = arith.constant 0 : i32
      %dma_start3A_1025 = tpu.memref_slice %arg11[%dma_start3A_1024] : memref<100000xf32, #tpu.memory_space<vmem_shared>> -> memref<100000xf32, #tpu.memory_space<vmem_shared>>
      tpu.enqueue_indirect_dma source(%dma_start3A_1020 : memref<128xf32, #tpu.memory_space<vmem>>) target(%dma_start3A_1025 : memref<100000xf32, #tpu.memory_space<vmem_shared>>) offsets(%dma_start3A_1023 : memref<128xi32, #tpu.memory_space<vmem>>) semaphore(%arg15 : memref<!tpu.dma_semaphore, #tpu.memory_space<semaphore_mem>>) {add = true}
      %dma_start3A_1026 = arith.constant 1 : i32
      %dma_start3A_1027 = arith.constant 5 : i32
      %dma_start3A_1028 = arith.constant 0 : i32
      %dma_start3A_1029 = arith.constant 1 : i32
      %dma_start3A_1030 = arith.constant 5 : i32
      %dma_start3A_1031 = arith.constant 0 : i32
      %dma_start3A_1032 = arith.constant 0 : i32
      %dma_start3A_1033 = tpu.memref_slice %arg6[%dma_start3A_1026, %dma_start3A_1027, %dma_start3A_1028, %dma_start3A_1032] : memref<2x8x4x128xf32, #tpu.memory_space<vmem>> -> memref<1x1x1x128xf32, #tpu.memory_space<vmem>>
      %dma_start3A_1034 = tpu.memref_squeeze %dma_start3A_1033 : memref<1x1x1x128xf32, #tpu.memory_space<vmem>> -> memref<128xf32, #tpu.memory_space<vmem>>
      %dma_start3A_1035 = arith.constant 0 : i32
      %dma_start3A_1036 = tpu.memref_slice %arg5[%dma_start3A_1029, %dma_start3A_1030, %dma_start3A_1031, %dma_start3A_1035] : memref<2x8x1x128xi32, #tpu.memory_space<vmem>> -> memref<1x1x1x128xi32, #tpu.memory_space<vmem>>
      %dma_start3A_1037 = tpu.memref_squeeze %dma_start3A_1036 : memref<1x1x1x128xi32, #tpu.memory_space<vmem>> -> memref<128xi32, #tpu.memory_space<vmem>>
      %dma_start3A_1038 = arith.constant 0 : i32
      %dma_start3A_1039 = tpu.memref_slice %arg8[%dma_start3A_1038] : memref<100000xf32, #tpu.memory_space<vmem_shared>> -> memref<100000xf32, #tpu.memory_space<vmem_shared>>
      tpu.enqueue_indirect_dma source(%dma_start3A_1034 : memref<128xf32, #tpu.memory_space<vmem>>) target(%dma_start3A_1039 : memref<100000xf32, #tpu.memory_space<vmem_shared>>) offsets(%dma_start3A_1037 : memref<128xi32, #tpu.memory_space<vmem>>) semaphore(%arg15 : memref<!tpu.dma_semaphore, #tpu.memory_space<semaphore_mem>>) {add = true}
      %dma_start3A_1040 = arith.constant 1 : i32
      %dma_start3A_1041 = arith.constant 5 : i32
      %dma_start3A_1042 = arith.constant 1 : i32
      %dma_start3A_1043 = arith.constant 1 : i32
      %dma_start3A_1044 = arith.constant 5 : i32
      %dma_start3A_1045 = arith.constant 0 : i32
      %dma_start3A_1046 = arith.constant 0 : i32
      %dma_start3A_1047 = tpu.memref_slice %arg6[%dma_start3A_1040, %dma_start3A_1041, %dma_start3A_1042, %dma_start3A_1046] : memref<2x8x4x128xf32, #tpu.memory_space<vmem>> -> memref<1x1x1x128xf32, #tpu.memory_space<vmem>>
      %dma_start3A_1048 = tpu.memref_squeeze %dma_start3A_1047 : memref<1x1x1x128xf32, #tpu.memory_space<vmem>> -> memref<128xf32, #tpu.memory_space<vmem>>
      %dma_start3A_1049 = arith.constant 0 : i32
      %dma_start3A_1050 = tpu.memref_slice %arg5[%dma_start3A_1043, %dma_start3A_1044, %dma_start3A_1045, %dma_start3A_1049] : memref<2x8x1x128xi32, #tpu.memory_space<vmem>> -> memref<1x1x1x128xi32, #tpu.memory_space<vmem>>
      %dma_start3A_1051 = tpu.memref_squeeze %dma_start3A_1050 : memref<1x1x1x128xi32, #tpu.memory_space<vmem>> -> memref<128xi32, #tpu.memory_space<vmem>>
      %dma_start3A_1052 = arith.constant 0 : i32
      %dma_start3A_1053 = tpu.memref_slice %arg9[%dma_start3A_1052] : memref<100000xf32, #tpu.memory_space<vmem_shared>> -> memref<100000xf32, #tpu.memory_space<vmem_shared>>
      tpu.enqueue_indirect_dma source(%dma_start3A_1048 : memref<128xf32, #tpu.memory_space<vmem>>) target(%dma_start3A_1053 : memref<100000xf32, #tpu.memory_space<vmem_shared>>) offsets(%dma_start3A_1051 : memref<128xi32, #tpu.memory_space<vmem>>) semaphore(%arg15 : memref<!tpu.dma_semaphore, #tpu.memory_space<semaphore_mem>>) {add = true}
      %dma_start3A_1054 = arith.constant 1 : i32
      %dma_start3A_1055 = arith.constant 5 : i32
      %dma_start3A_1056 = arith.constant 2 : i32
      %dma_start3A_1057 = arith.constant 1 : i32
      %dma_start3A_1058 = arith.constant 5 : i32
      %dma_start3A_1059 = arith.constant 0 : i32
      %dma_start3A_1060 = arith.constant 0 : i32
      %dma_start3A_1061 = tpu.memref_slice %arg6[%dma_start3A_1054, %dma_start3A_1055, %dma_start3A_1056, %dma_start3A_1060] : memref<2x8x4x128xf32, #tpu.memory_space<vmem>> -> memref<1x1x1x128xf32, #tpu.memory_space<vmem>>
      %dma_start3A_1062 = tpu.memref_squeeze %dma_start3A_1061 : memref<1x1x1x128xf32, #tpu.memory_space<vmem>> -> memref<128xf32, #tpu.memory_space<vmem>>
      %dma_start3A_1063 = arith.constant 0 : i32
      %dma_start3A_1064 = tpu.memref_slice %arg5[%dma_start3A_1057, %dma_start3A_1058, %dma_start3A_1059, %dma_start3A_1063] : memref<2x8x1x128xi32, #tpu.memory_space<vmem>> -> memref<1x1x1x128xi32, #tpu.memory_space<vmem>>
      %dma_start3A_1065 = tpu.memref_squeeze %dma_start3A_1064 : memref<1x1x1x128xi32, #tpu.memory_space<vmem>> -> memref<128xi32, #tpu.memory_space<vmem>>
      %dma_start3A_1066 = arith.constant 0 : i32
      %dma_start3A_1067 = tpu.memref_slice %arg10[%dma_start3A_1066] : memref<100000xf32, #tpu.memory_space<vmem_shared>> -> memref<100000xf32, #tpu.memory_space<vmem_shared>>
      tpu.enqueue_indirect_dma source(%dma_start3A_1062 : memref<128xf32, #tpu.memory_space<vmem>>) target(%dma_start3A_1067 : memref<100000xf32, #tpu.memory_space<vmem_shared>>) offsets(%dma_start3A_1065 : memref<128xi32, #tpu.memory_space<vmem>>) semaphore(%arg15 : memref<!tpu.dma_semaphore, #tpu.memory_space<semaphore_mem>>) {add = true}
      %dma_start3A_1068 = arith.constant 1 : i32
      %dma_start3A_1069 = arith.constant 5 : i32
      %dma_start3A_1070 = arith.constant 3 : i32
      %dma_start3A_1071 = arith.constant 1 : i32
      %dma_start3A_1072 = arith.constant 5 : i32
      %dma_start3A_1073 = arith.constant 0 : i32
      %dma_start3A_1074 = arith.constant 0 : i32
      %dma_start3A_1075 = tpu.memref_slice %arg6[%dma_start3A_1068, %dma_start3A_1069, %dma_start3A_1070, %dma_start3A_1074] : memref<2x8x4x128xf32, #tpu.memory_space<vmem>> -> memref<1x1x1x128xf32, #tpu.memory_space<vmem>>
      %dma_start3A_1076 = tpu.memref_squeeze %dma_start3A_1075 : memref<1x1x1x128xf32, #tpu.memory_space<vmem>> -> memref<128xf32, #tpu.memory_space<vmem>>
      %dma_start3A_1077 = arith.constant 0 : i32
      %dma_start3A_1078 = tpu.memref_slice %arg5[%dma_start3A_1071, %dma_start3A_1072, %dma_start3A_1073, %dma_start3A_1077] : memref<2x8x1x128xi32, #tpu.memory_space<vmem>> -> memref<1x1x1x128xi32, #tpu.memory_space<vmem>>
      %dma_start3A_1079 = tpu.memref_squeeze %dma_start3A_1078 : memref<1x1x1x128xi32, #tpu.memory_space<vmem>> -> memref<128xi32, #tpu.memory_space<vmem>>
      %dma_start3A_1080 = arith.constant 0 : i32
      %dma_start3A_1081 = tpu.memref_slice %arg11[%dma_start3A_1080] : memref<100000xf32, #tpu.memory_space<vmem_shared>> -> memref<100000xf32, #tpu.memory_space<vmem_shared>>
      tpu.enqueue_indirect_dma source(%dma_start3A_1076 : memref<128xf32, #tpu.memory_space<vmem>>) target(%dma_start3A_1081 : memref<100000xf32, #tpu.memory_space<vmem_shared>>) offsets(%dma_start3A_1079 : memref<128xi32, #tpu.memory_space<vmem>>) semaphore(%arg15 : memref<!tpu.dma_semaphore, #tpu.memory_space<semaphore_mem>>) {add = true}
      %dma_start3A_1082 = arith.constant 1 : i32
      %dma_start3A_1083 = arith.constant 6 : i32
      %dma_start3A_1084 = arith.constant 0 : i32
      %dma_start3A_1085 = arith.constant 1 : i32
      %dma_start3A_1086 = arith.constant 6 : i32
      %dma_start3A_1087 = arith.constant 0 : i32
      %dma_start3A_1088 = arith.constant 0 : i32
      %dma_start3A_1089 = tpu.memref_slice %arg6[%dma_start3A_1082, %dma_start3A_1083, %dma_start3A_1084, %dma_start3A_1088] : memref<2x8x4x128xf32, #tpu.memory_space<vmem>> -> memref<1x1x1x128xf32, #tpu.memory_space<vmem>>
      %dma_start3A_1090 = tpu.memref_squeeze %dma_start3A_1089 : memref<1x1x1x128xf32, #tpu.memory_space<vmem>> -> memref<128xf32, #tpu.memory_space<vmem>>
      %dma_start3A_1091 = arith.constant 0 : i32
      %dma_start3A_1092 = tpu.memref_slice %arg5[%dma_start3A_1085, %dma_start3A_1086, %dma_start3A_1087, %dma_start3A_1091] : memref<2x8x1x128xi32, #tpu.memory_space<vmem>> -> memref<1x1x1x128xi32, #tpu.memory_space<vmem>>
      %dma_start3A_1093 = tpu.memref_squeeze %dma_start3A_1092 : memref<1x1x1x128xi32, #tpu.memory_space<vmem>> -> memref<128xi32, #tpu.memory_space<vmem>>
      %dma_start3A_1094 = arith.constant 0 : i32
      %dma_start3A_1095 = tpu.memref_slice %arg8[%dma_start3A_1094] : memref<100000xf32, #tpu.memory_space<vmem_shared>> -> memref<100000xf32, #tpu.memory_space<vmem_shared>>
      tpu.enqueue_indirect_dma source(%dma_start3A_1090 : memref<128xf32, #tpu.memory_space<vmem>>) target(%dma_start3A_1095 : memref<100000xf32, #tpu.memory_space<vmem_shared>>) offsets(%dma_start3A_1093 : memref<128xi32, #tpu.memory_space<vmem>>) semaphore(%arg15 : memref<!tpu.dma_semaphore, #tpu.memory_space<semaphore_mem>>) {add = true}
      %dma_start3A_1096 = arith.constant 1 : i32
      %dma_start3A_1097 = arith.constant 6 : i32
      %dma_start3A_1098 = arith.constant 1 : i32
      %dma_start3A_1099 = arith.constant 1 : i32
      %dma_start3A_1100 = arith.constant 6 : i32
      %dma_start3A_1101 = arith.constant 0 : i32
      %dma_start3A_1102 = arith.constant 0 : i32
      %dma_start3A_1103 = tpu.memref_slice %arg6[%dma_start3A_1096, %dma_start3A_1097, %dma_start3A_1098, %dma_start3A_1102] : memref<2x8x4x128xf32, #tpu.memory_space<vmem>> -> memref<1x1x1x128xf32, #tpu.memory_space<vmem>>
      %dma_start3A_1104 = tpu.memref_squeeze %dma_start3A_1103 : memref<1x1x1x128xf32, #tpu.memory_space<vmem>> -> memref<128xf32, #tpu.memory_space<vmem>>
      %dma_start3A_1105 = arith.constant 0 : i32
      %dma_start3A_1106 = tpu.memref_slice %arg5[%dma_start3A_1099, %dma_start3A_1100, %dma_start3A_1101, %dma_start3A_1105] : memref<2x8x1x128xi32, #tpu.memory_space<vmem>> -> memref<1x1x1x128xi32, #tpu.memory_space<vmem>>
      %dma_start3A_1107 = tpu.memref_squeeze %dma_start3A_1106 : memref<1x1x1x128xi32, #tpu.memory_space<vmem>> -> memref<128xi32, #tpu.memory_space<vmem>>
      %dma_start3A_1108 = arith.constant 0 : i32
      %dma_start3A_1109 = tpu.memref_slice %arg9[%dma_start3A_1108] : memref<100000xf32, #tpu.memory_space<vmem_shared>> -> memref<100000xf32, #tpu.memory_space<vmem_shared>>
      tpu.enqueue_indirect_dma source(%dma_start3A_1104 : memref<128xf32, #tpu.memory_space<vmem>>) target(%dma_start3A_1109 : memref<100000xf32, #tpu.memory_space<vmem_shared>>) offsets(%dma_start3A_1107 : memref<128xi32, #tpu.memory_space<vmem>>) semaphore(%arg15 : memref<!tpu.dma_semaphore, #tpu.memory_space<semaphore_mem>>) {add = true}
      %dma_start3A_1110 = arith.constant 1 : i32
      %dma_start3A_1111 = arith.constant 6 : i32
      %dma_start3A_1112 = arith.constant 2 : i32
      %dma_start3A_1113 = arith.constant 1 : i32
      %dma_start3A_1114 = arith.constant 6 : i32
      %dma_start3A_1115 = arith.constant 0 : i32
      %dma_start3A_1116 = arith.constant 0 : i32
      %dma_start3A_1117 = tpu.memref_slice %arg6[%dma_start3A_1110, %dma_start3A_1111, %dma_start3A_1112, %dma_start3A_1116] : memref<2x8x4x128xf32, #tpu.memory_space<vmem>> -> memref<1x1x1x128xf32, #tpu.memory_space<vmem>>
      %dma_start3A_1118 = tpu.memref_squeeze %dma_start3A_1117 : memref<1x1x1x128xf32, #tpu.memory_space<vmem>> -> memref<128xf32, #tpu.memory_space<vmem>>
      %dma_start3A_1119 = arith.constant 0 : i32
      %dma_start3A_1120 = tpu.memref_slice %arg5[%dma_start3A_1113, %dma_start3A_1114, %dma_start3A_1115, %dma_start3A_1119] : memref<2x8x1x128xi32, #tpu.memory_space<vmem>> -> memref<1x1x1x128xi32, #tpu.memory_space<vmem>>
      %dma_start3A_1121 = tpu.memref_squeeze %dma_start3A_1120 : memref<1x1x1x128xi32, #tpu.memory_space<vmem>> -> memref<128xi32, #tpu.memory_space<vmem>>
      %dma_start3A_1122 = arith.constant 0 : i32
      %dma_start3A_1123 = tpu.memref_slice %arg10[%dma_start3A_1122] : memref<100000xf32, #tpu.memory_space<vmem_shared>> -> memref<100000xf32, #tpu.memory_space<vmem_shared>>
      tpu.enqueue_indirect_dma source(%dma_start3A_1118 : memref<128xf32, #tpu.memory_space<vmem>>) target(%dma_start3A_1123 : memref<100000xf32, #tpu.memory_space<vmem_shared>>) offsets(%dma_start3A_1121 : memref<128xi32, #tpu.memory_space<vmem>>) semaphore(%arg15 : memref<!tpu.dma_semaphore, #tpu.memory_space<semaphore_mem>>) {add = true}
      %dma_start3A_1124 = arith.constant 1 : i32
      %dma_start3A_1125 = arith.constant 6 : i32
      %dma_start3A_1126 = arith.constant 3 : i32
      %dma_start3A_1127 = arith.constant 1 : i32
      %dma_start3A_1128 = arith.constant 6 : i32
      %dma_start3A_1129 = arith.constant 0 : i32
      %dma_start3A_1130 = arith.constant 0 : i32
      %dma_start3A_1131 = tpu.memref_slice %arg6[%dma_start3A_1124, %dma_start3A_1125, %dma_start3A_1126, %dma_start3A_1130] : memref<2x8x4x128xf32, #tpu.memory_space<vmem>> -> memref<1x1x1x128xf32, #tpu.memory_space<vmem>>
      %dma_start3A_1132 = tpu.memref_squeeze %dma_start3A_1131 : memref<1x1x1x128xf32, #tpu.memory_space<vmem>> -> memref<128xf32, #tpu.memory_space<vmem>>
      %dma_start3A_1133 = arith.constant 0 : i32
      %dma_start3A_1134 = tpu.memref_slice %arg5[%dma_start3A_1127, %dma_start3A_1128, %dma_start3A_1129, %dma_start3A_1133] : memref<2x8x1x128xi32, #tpu.memory_space<vmem>> -> memref<1x1x1x128xi32, #tpu.memory_space<vmem>>
      %dma_start3A_1135 = tpu.memref_squeeze %dma_start3A_1134 : memref<1x1x1x128xi32, #tpu.memory_space<vmem>> -> memref<128xi32, #tpu.memory_space<vmem>>
      %dma_start3A_1136 = arith.constant 0 : i32
      %dma_start3A_1137 = tpu.memref_slice %arg11[%dma_start3A_1136] : memref<100000xf32, #tpu.memory_space<vmem_shared>> -> memref<100000xf32, #tpu.memory_space<vmem_shared>>
      tpu.enqueue_indirect_dma source(%dma_start3A_1132 : memref<128xf32, #tpu.memory_space<vmem>>) target(%dma_start3A_1137 : memref<100000xf32, #tpu.memory_space<vmem_shared>>) offsets(%dma_start3A_1135 : memref<128xi32, #tpu.memory_space<vmem>>) semaphore(%arg15 : memref<!tpu.dma_semaphore, #tpu.memory_space<semaphore_mem>>) {add = true}
      %dma_start3A_1138 = arith.constant 1 : i32
      %dma_start3A_1139 = arith.constant 7 : i32
      %dma_start3A_1140 = arith.constant 0 : i32
      %dma_start3A_1141 = arith.constant 1 : i32
      %dma_start3A_1142 = arith.constant 7 : i32
      %dma_start3A_1143 = arith.constant 0 : i32
      %dma_start3A_1144 = arith.constant 0 : i32
      %dma_start3A_1145 = tpu.memref_slice %arg6[%dma_start3A_1138, %dma_start3A_1139, %dma_start3A_1140, %dma_start3A_1144] : memref<2x8x4x128xf32, #tpu.memory_space<vmem>> -> memref<1x1x1x128xf32, #tpu.memory_space<vmem>>
      %dma_start3A_1146 = tpu.memref_squeeze %dma_start3A_1145 : memref<1x1x1x128xf32, #tpu.memory_space<vmem>> -> memref<128xf32, #tpu.memory_space<vmem>>
      %dma_start3A_1147 = arith.constant 0 : i32
      %dma_start3A_1148 = tpu.memref_slice %arg5[%dma_start3A_1141, %dma_start3A_1142, %dma_start3A_1143, %dma_start3A_1147] : memref<2x8x1x128xi32, #tpu.memory_space<vmem>> -> memref<1x1x1x128xi32, #tpu.memory_space<vmem>>
      %dma_start3A_1149 = tpu.memref_squeeze %dma_start3A_1148 : memref<1x1x1x128xi32, #tpu.memory_space<vmem>> -> memref<128xi32, #tpu.memory_space<vmem>>
      %dma_start3A_1150 = arith.constant 0 : i32
      %dma_start3A_1151 = tpu.memref_slice %arg8[%dma_start3A_1150] : memref<100000xf32, #tpu.memory_space<vmem_shared>> -> memref<100000xf32, #tpu.memory_space<vmem_shared>>
      tpu.enqueue_indirect_dma source(%dma_start3A_1146 : memref<128xf32, #tpu.memory_space<vmem>>) target(%dma_start3A_1151 : memref<100000xf32, #tpu.memory_space<vmem_shared>>) offsets(%dma_start3A_1149 : memref<128xi32, #tpu.memory_space<vmem>>) semaphore(%arg15 : memref<!tpu.dma_semaphore, #tpu.memory_space<semaphore_mem>>) {add = true}
      %dma_start3A_1152 = arith.constant 1 : i32
      %dma_start3A_1153 = arith.constant 7 : i32
      %dma_start3A_1154 = arith.constant 1 : i32
      %dma_start3A_1155 = arith.constant 1 : i32
      %dma_start3A_1156 = arith.constant 7 : i32
      %dma_start3A_1157 = arith.constant 0 : i32
      %dma_start3A_1158 = arith.constant 0 : i32
      %dma_start3A_1159 = tpu.memref_slice %arg6[%dma_start3A_1152, %dma_start3A_1153, %dma_start3A_1154, %dma_start3A_1158] : memref<2x8x4x128xf32, #tpu.memory_space<vmem>> -> memref<1x1x1x128xf32, #tpu.memory_space<vmem>>
      %dma_start3A_1160 = tpu.memref_squeeze %dma_start3A_1159 : memref<1x1x1x128xf32, #tpu.memory_space<vmem>> -> memref<128xf32, #tpu.memory_space<vmem>>
      %dma_start3A_1161 = arith.constant 0 : i32
      %dma_start3A_1162 = tpu.memref_slice %arg5[%dma_start3A_1155, %dma_start3A_1156, %dma_start3A_1157, %dma_start3A_1161] : memref<2x8x1x128xi32, #tpu.memory_space<vmem>> -> memref<1x1x1x128xi32, #tpu.memory_space<vmem>>
      %dma_start3A_1163 = tpu.memref_squeeze %dma_start3A_1162 : memref<1x1x1x128xi32, #tpu.memory_space<vmem>> -> memref<128xi32, #tpu.memory_space<vmem>>
      %dma_start3A_1164 = arith.constant 0 : i32
      %dma_start3A_1165 = tpu.memref_slice %arg9[%dma_start3A_1164] : memref<100000xf32, #tpu.memory_space<vmem_shared>> -> memref<100000xf32, #tpu.memory_space<vmem_shared>>
      tpu.enqueue_indirect_dma source(%dma_start3A_1160 : memref<128xf32, #tpu.memory_space<vmem>>) target(%dma_start3A_1165 : memref<100000xf32, #tpu.memory_space<vmem_shared>>) offsets(%dma_start3A_1163 : memref<128xi32, #tpu.memory_space<vmem>>) semaphore(%arg15 : memref<!tpu.dma_semaphore, #tpu.memory_space<semaphore_mem>>) {add = true}
      %dma_start3A_1166 = arith.constant 1 : i32
      %dma_start3A_1167 = arith.constant 7 : i32
      %dma_start3A_1168 = arith.constant 2 : i32
      %dma_start3A_1169 = arith.constant 1 : i32
      %dma_start3A_1170 = arith.constant 7 : i32
      %dma_start3A_1171 = arith.constant 0 : i32
      %dma_start3A_1172 = arith.constant 0 : i32
      %dma_start3A_1173 = tpu.memref_slice %arg6[%dma_start3A_1166, %dma_start3A_1167, %dma_start3A_1168, %dma_start3A_1172] : memref<2x8x4x128xf32, #tpu.memory_space<vmem>> -> memref<1x1x1x128xf32, #tpu.memory_space<vmem>>
      %dma_start3A_1174 = tpu.memref_squeeze %dma_start3A_1173 : memref<1x1x1x128xf32, #tpu.memory_space<vmem>> -> memref<128xf32, #tpu.memory_space<vmem>>
      %dma_start3A_1175 = arith.constant 0 : i32
      %dma_start3A_1176 = tpu.memref_slice %arg5[%dma_start3A_1169, %dma_start3A_1170, %dma_start3A_1171, %dma_start3A_1175] : memref<2x8x1x128xi32, #tpu.memory_space<vmem>> -> memref<1x1x1x128xi32, #tpu.memory_space<vmem>>
      %dma_start3A_1177 = tpu.memref_squeeze %dma_start3A_1176 : memref<1x1x1x128xi32, #tpu.memory_space<vmem>> -> memref<128xi32, #tpu.memory_space<vmem>>
      %dma_start3A_1178 = arith.constant 0 : i32
      %dma_start3A_1179 = tpu.memref_slice %arg10[%dma_start3A_1178] : memref<100000xf32, #tpu.memory_space<vmem_shared>> -> memref<100000xf32, #tpu.memory_space<vmem_shared>>
      tpu.enqueue_indirect_dma source(%dma_start3A_1174 : memref<128xf32, #tpu.memory_space<vmem>>) target(%dma_start3A_1179 : memref<100000xf32, #tpu.memory_space<vmem_shared>>) offsets(%dma_start3A_1177 : memref<128xi32, #tpu.memory_space<vmem>>) semaphore(%arg15 : memref<!tpu.dma_semaphore, #tpu.memory_space<semaphore_mem>>) {add = true}
      %dma_start3A_1180 = arith.constant 1 : i32
      %dma_start3A_1181 = arith.constant 7 : i32
      %dma_start3A_1182 = arith.constant 3 : i32
      %dma_start3A_1183 = arith.constant 1 : i32
      %dma_start3A_1184 = arith.constant 7 : i32
      %dma_start3A_1185 = arith.constant 0 : i32
      %dma_start3A_1186 = arith.constant 0 : i32
      %dma_start3A_1187 = tpu.memref_slice %arg6[%dma_start3A_1180, %dma_start3A_1181, %dma_start3A_1182, %dma_start3A_1186] : memref<2x8x4x128xf32, #tpu.memory_space<vmem>> -> memref<1x1x1x128xf32, #tpu.memory_space<vmem>>
      %dma_start3A_1188 = tpu.memref_squeeze %dma_start3A_1187 : memref<1x1x1x128xf32, #tpu.memory_space<vmem>> -> memref<128xf32, #tpu.memory_space<vmem>>
      %dma_start3A_1189 = arith.constant 0 : i32
      %dma_start3A_1190 = tpu.memref_slice %arg5[%dma_start3A_1183, %dma_start3A_1184, %dma_start3A_1185, %dma_start3A_1189] : memref<2x8x1x128xi32, #tpu.memory_space<vmem>> -> memref<1x1x1x128xi32, #tpu.memory_space<vmem>>
      %dma_start3A_1191 = tpu.memref_squeeze %dma_start3A_1190 : memref<1x1x1x128xi32, #tpu.memory_space<vmem>> -> memref<128xi32, #tpu.memory_space<vmem>>
      %dma_start3A_1192 = arith.constant 0 : i32
      %dma_start3A_1193 = tpu.memref_slice %arg11[%dma_start3A_1192] : memref<100000xf32, #tpu.memory_space<vmem_shared>> -> memref<100000xf32, #tpu.memory_space<vmem_shared>>
      tpu.enqueue_indirect_dma source(%dma_start3A_1188 : memref<128xf32, #tpu.memory_space<vmem>>) target(%dma_start3A_1193 : memref<100000xf32, #tpu.memory_space<vmem_shared>>) offsets(%dma_start3A_1191 : memref<128xi32, #tpu.memory_space<vmem>>) semaphore(%arg15 : memref<!tpu.dma_semaphore, #tpu.memory_space<semaphore_mem>>) {add = true}
      %add3A_1194 = arith.constant 1 : i32
      %add3A_1195 = arith.addi %while3A_218, %add3A_1194 : i32
      %lt3A_1196 = arith.cmpi slt, %add3A_1195, %add3A_55 : i32
      %convert_element_type3A_1197 = arith.extui %lt3A_1196 : i1 to i32
      %cond3A_1198 = arith.constant 0 : i32
      %cond3A_1199 = arith.cmpi ne, %convert_element_type3A_1197, %cond3A_1198 : i32
      scf.if %cond3A_1199 {
        %dma_wait3A_1200 = arith.constant 0 : i32
        %dma_wait3A_1201 = arith.constant 0 : i32
        %dma_wait3A_1202 = arith.constant 0 : i32
        %dma_wait3A_1203 = arith.constant 0 : i32
        %dma_wait3A_1204 = tpu.memref_slice %arg6[%dma_wait3A_1200, %dma_wait3A_1201, %dma_wait3A_1202, %dma_wait3A_1203] : memref<2x8x4x128xf32, #tpu.memory_space<vmem>> -> memref<1x8x4x128xf32, #tpu.memory_space<vmem>>
        %dma_wait3A_1205 = tpu.memref_squeeze %dma_wait3A_1204 : memref<1x8x4x128xf32, #tpu.memory_space<vmem>> -> memref<8x4x128xf32, #tpu.memory_space<vmem>>
        %dma_wait3A_1206 = arith.constant 0 : i32
        %dma_wait3A_1207 = arith.constant 0 : i32
        %dma_wait3A_1208 = arith.constant 0 : i32
        %dma_wait3A_1209 = tpu.memref_slice %arg3[%dma_wait3A_1206, %dma_wait3A_1207, %dma_wait3A_1208] : memref<50000x4x128xf32, #tpu.memory_space<hbm>> -> memref<8x4x128xf32, #tpu.memory_space<hbm>>
        %dma_wait3A_1210 = arith.constant 0 : i32
        %dma_wait3A_1211 = arith.constant 0 : i32
        %dma_wait3A_1212 = arith.constant 0 : i32
        %dma_wait3A_1213 = tpu.memref_slice %arg6[%dma_wait3A_1200, %dma_wait3A_1210, %dma_wait3A_1211, %dma_wait3A_1212] : memref<2x8x4x128xf32, #tpu.memory_space<vmem>> -> memref<1x8x4x128xf32, #tpu.memory_space<vmem>>
        %dma_wait3A_1214 = tpu.memref_squeeze %dma_wait3A_1213 : memref<1x8x4x128xf32, #tpu.memory_space<vmem>> -> memref<8x4x128xf32, #tpu.memory_space<vmem>>
        %dma_wait3A_1215 = arith.constant 0 : i32
        %dma_wait3A_1216 = arith.constant 0 : i32
        %dma_wait3A_1217 = arith.constant 0 : i32
        %dma_wait3A_1218 = tpu.memref_slice %arg3[%dma_wait3A_1215, %dma_wait3A_1216, %dma_wait3A_1217] : memref<50000x4x128xf32, #tpu.memory_space<hbm>> -> memref<8x4x128xf32, #tpu.memory_space<hbm>>
        tpu.wait_dma2 semaphore(%arg14 : memref<!tpu.dma_semaphore, #tpu.memory_space<semaphore_mem>>) src(%dma_wait3A_1218 : memref<8x4x128xf32, #tpu.memory_space<hbm>>) dst(%dma_wait3A_1214 : memref<8x4x128xf32, #tpu.memory_space<vmem>>)
        %add3A_1219 = arith.constant 2 : i32
        %add3A_1220 = arith.addi %add3A_221, %add3A_1219 : i32
        %mul3A_1221 = arith.constant 8 : i32
        %mul3A_1222 = arith.muli %add3A_1220, %mul3A_1221 : i32
        %multiple_of3A_1223 = tpu.assume_multiple %mul3A_1222, 8 : i32
        %dma_start3A_1224 = arith.constant 0 : i32
        %dma_start3A_1225 = arith.constant 0 : i32
        %dma_start3A_1226 = arith.constant 0 : i32
        %dma_start3A_1227 = arith.constant 0 : i32
        %dma_start3A_1228 = tpu.memref_slice %arg5[%dma_start3A_1224, %dma_start3A_1225, %dma_start3A_1226, %dma_start3A_1227] : memref<2x8x1x128xi32, #tpu.memory_space<vmem>> -> memref<1x8x1x128xi32, #tpu.memory_space<vmem>>
        %dma_start3A_1229 = tpu.memref_squeeze %dma_start3A_1228 : memref<1x8x1x128xi32, #tpu.memory_space<vmem>> -> memref<8x1x128xi32, #tpu.memory_space<vmem>>
        %dma_start3A_1230 = arith.constant 1 : i32
        %dma_start3A_1231 = arith.constant 0 : i32
        %dma_start3A_1232 = tpu.memref_slice %arg2[%multiple_of3A_1223, %dma_start3A_1230, %dma_start3A_1231] : memref<50000x2x128xi32, #tpu.memory_space<hbm>> -> memref<8x1x128xi32, #tpu.memory_space<hbm>>
        %dma_start3A_1233 = arith.constant 0 : i32
        %dma_start3A_1234 = arith.constant 0 : i32
        %dma_start3A_1235 = arith.constant 0 : i32
        %dma_start3A_1236 = tpu.memref_slice %arg5[%dma_start3A_1224, %dma_start3A_1233, %dma_start3A_1234, %dma_start3A_1235] : memref<2x8x1x128xi32, #tpu.memory_space<vmem>> -> memref<1x8x1x128xi32, #tpu.memory_space<vmem>>
        %dma_start3A_1237 = tpu.memref_squeeze %dma_start3A_1236 : memref<1x8x1x128xi32, #tpu.memory_space<vmem>> -> memref<8x1x128xi32, #tpu.memory_space<vmem>>
        %dma_start3A_1238 = arith.constant 1 : i32
        %dma_start3A_1239 = arith.constant 0 : i32
        %dma_start3A_1240 = tpu.memref_slice %arg2[%multiple_of3A_1223, %dma_start3A_1238, %dma_start3A_1239] : memref<50000x2x128xi32, #tpu.memory_space<hbm>> -> memref<8x1x128xi32, #tpu.memory_space<hbm>>
        tpu.enqueue_dma source(%dma_start3A_1240 : memref<8x1x128xi32, #tpu.memory_space<hbm>>) target(%dma_start3A_1237 : memref<8x1x128xi32, #tpu.memory_space<vmem>>) target_semaphore(%arg12 : memref<!tpu.dma_semaphore, #tpu.memory_space<semaphore_mem>>)
        %dma_start3A_1241 = arith.constant 0 : i32
        %dma_start3A_1242 = arith.constant 0 : i32
        %dma_start3A_1243 = arith.constant 0 : i32
        %dma_start3A_1244 = arith.constant 0 : i32
        %dma_start3A_1245 = tpu.memref_slice %arg6[%dma_start3A_1241, %dma_start3A_1242, %dma_start3A_1243, %dma_start3A_1244] : memref<2x8x4x128xf32, #tpu.memory_space<vmem>> -> memref<1x8x4x128xf32, #tpu.memory_space<vmem>>
        %dma_start3A_1246 = tpu.memref_squeeze %dma_start3A_1245 : memref<1x8x4x128xf32, #tpu.memory_space<vmem>> -> memref<8x4x128xf32, #tpu.memory_space<vmem>>
        %dma_start3A_1247 = arith.constant 0 : i32
        %dma_start3A_1248 = arith.constant 0 : i32
        %dma_start3A_1249 = tpu.memref_slice %arg3[%multiple_of3A_1223, %dma_start3A_1247, %dma_start3A_1248] : memref<50000x4x128xf32, #tpu.memory_space<hbm>> -> memref<8x4x128xf32, #tpu.memory_space<hbm>>
        %dma_start3A_1250 = arith.constant 0 : i32
        %dma_start3A_1251 = arith.constant 0 : i32
        %dma_start3A_1252 = arith.constant 0 : i32
        %dma_start3A_1253 = tpu.memref_slice %arg6[%dma_start3A_1241, %dma_start3A_1250, %dma_start3A_1251, %dma_start3A_1252] : memref<2x8x4x128xf32, #tpu.memory_space<vmem>> -> memref<1x8x4x128xf32, #tpu.memory_space<vmem>>
        %dma_start3A_1254 = tpu.memref_squeeze %dma_start3A_1253 : memref<1x8x4x128xf32, #tpu.memory_space<vmem>> -> memref<8x4x128xf32, #tpu.memory_space<vmem>>
        %dma_start3A_1255 = arith.constant 0 : i32
        %dma_start3A_1256 = arith.constant 0 : i32
        %dma_start3A_1257 = tpu.memref_slice %arg3[%multiple_of3A_1223, %dma_start3A_1255, %dma_start3A_1256] : memref<50000x4x128xf32, #tpu.memory_space<hbm>> -> memref<8x4x128xf32, #tpu.memory_space<hbm>>
        tpu.enqueue_dma source(%dma_start3A_1257 : memref<8x4x128xf32, #tpu.memory_space<hbm>>) target(%dma_start3A_1254 : memref<8x4x128xf32, #tpu.memory_space<vmem>>) target_semaphore(%arg12 : memref<!tpu.dma_semaphore, #tpu.memory_space<semaphore_mem>>)
        %dma_wait3A_1258 = arith.constant 1 : i32
        %dma_wait3A_1259 = arith.constant 0 : i32
        %dma_wait3A_1260 = arith.constant 0 : i32
        %dma_wait3A_1261 = arith.constant 0 : i32
        %dma_wait3A_1262 = tpu.memref_slice %arg6[%dma_wait3A_1258, %dma_wait3A_1259, %dma_wait3A_1260, %dma_wait3A_1261] : memref<2x8x4x128xf32, #tpu.memory_space<vmem>> -> memref<1x8x4x128xf32, #tpu.memory_space<vmem>>
        %dma_wait3A_1263 = tpu.memref_squeeze %dma_wait3A_1262 : memref<1x8x4x128xf32, #tpu.memory_space<vmem>> -> memref<8x4x128xf32, #tpu.memory_space<vmem>>
        %dma_wait3A_1264 = arith.constant 0 : i32
        %dma_wait3A_1265 = arith.constant 0 : i32
        %dma_wait3A_1266 = arith.constant 0 : i32
        %dma_wait3A_1267 = tpu.memref_slice %arg3[%dma_wait3A_1264, %dma_wait3A_1265, %dma_wait3A_1266] : memref<50000x4x128xf32, #tpu.memory_space<hbm>> -> memref<8x4x128xf32, #tpu.memory_space<hbm>>
        %dma_wait3A_1268 = arith.constant 0 : i32
        %dma_wait3A_1269 = arith.constant 0 : i32
        %dma_wait3A_1270 = arith.constant 0 : i32
        %dma_wait3A_1271 = tpu.memref_slice %arg6[%dma_wait3A_1258, %dma_wait3A_1268, %dma_wait3A_1269, %dma_wait3A_1270] : memref<2x8x4x128xf32, #tpu.memory_space<vmem>> -> memref<1x8x4x128xf32, #tpu.memory_space<vmem>>
        %dma_wait3A_1272 = tpu.memref_squeeze %dma_wait3A_1271 : memref<1x8x4x128xf32, #tpu.memory_space<vmem>> -> memref<8x4x128xf32, #tpu.memory_space<vmem>>
        %dma_wait3A_1273 = arith.constant 0 : i32
        %dma_wait3A_1274 = arith.constant 0 : i32
        %dma_wait3A_1275 = arith.constant 0 : i32
        %dma_wait3A_1276 = tpu.memref_slice %arg3[%dma_wait3A_1273, %dma_wait3A_1274, %dma_wait3A_1275] : memref<50000x4x128xf32, #tpu.memory_space<hbm>> -> memref<8x4x128xf32, #tpu.memory_space<hbm>>
        tpu.wait_dma2 semaphore(%arg15 : memref<!tpu.dma_semaphore, #tpu.memory_space<semaphore_mem>>) src(%dma_wait3A_1276 : memref<8x4x128xf32, #tpu.memory_space<hbm>>) dst(%dma_wait3A_1272 : memref<8x4x128xf32, #tpu.memory_space<vmem>>)
        %add3A_1277 = arith.constant 3 : i32
        %add3A_1278 = arith.addi %add3A_221, %add3A_1277 : i32
        %mul3A_1279 = arith.constant 8 : i32
        %mul3A_1280 = arith.muli %add3A_1278, %mul3A_1279 : i32
        %multiple_of3A_1281 = tpu.assume_multiple %mul3A_1280, 8 : i32
        %dma_start3A_1282 = arith.constant 1 : i32
        %dma_start3A_1283 = arith.constant 0 : i32
        %dma_start3A_1284 = arith.constant 0 : i32
        %dma_start3A_1285 = arith.constant 0 : i32
        %dma_start3A_1286 = tpu.memref_slice %arg5[%dma_start3A_1282, %dma_start3A_1283, %dma_start3A_1284, %dma_start3A_1285] : memref<2x8x1x128xi32, #tpu.memory_space<vmem>> -> memref<1x8x1x128xi32, #tpu.memory_space<vmem>>
        %dma_start3A_1287 = tpu.memref_squeeze %dma_start3A_1286 : memref<1x8x1x128xi32, #tpu.memory_space<vmem>> -> memref<8x1x128xi32, #tpu.memory_space<vmem>>
        %dma_start3A_1288 = arith.constant 1 : i32
        %dma_start3A_1289 = arith.constant 0 : i32
        %dma_start3A_1290 = tpu.memref_slice %arg2[%multiple_of3A_1281, %dma_start3A_1288, %dma_start3A_1289] : memref<50000x2x128xi32, #tpu.memory_space<hbm>> -> memref<8x1x128xi32, #tpu.memory_space<hbm>>
        %dma_start3A_1291 = arith.constant 0 : i32
        %dma_start3A_1292 = arith.constant 0 : i32
        %dma_start3A_1293 = arith.constant 0 : i32
        %dma_start3A_1294 = tpu.memref_slice %arg5[%dma_start3A_1282, %dma_start3A_1291, %dma_start3A_1292, %dma_start3A_1293] : memref<2x8x1x128xi32, #tpu.memory_space<vmem>> -> memref<1x8x1x128xi32, #tpu.memory_space<vmem>>
        %dma_start3A_1295 = tpu.memref_squeeze %dma_start3A_1294 : memref<1x8x1x128xi32, #tpu.memory_space<vmem>> -> memref<8x1x128xi32, #tpu.memory_space<vmem>>
        %dma_start3A_1296 = arith.constant 1 : i32
        %dma_start3A_1297 = arith.constant 0 : i32
        %dma_start3A_1298 = tpu.memref_slice %arg2[%multiple_of3A_1281, %dma_start3A_1296, %dma_start3A_1297] : memref<50000x2x128xi32, #tpu.memory_space<hbm>> -> memref<8x1x128xi32, #tpu.memory_space<hbm>>
        tpu.enqueue_dma source(%dma_start3A_1298 : memref<8x1x128xi32, #tpu.memory_space<hbm>>) target(%dma_start3A_1295 : memref<8x1x128xi32, #tpu.memory_space<vmem>>) target_semaphore(%arg13 : memref<!tpu.dma_semaphore, #tpu.memory_space<semaphore_mem>>)
        %dma_start3A_1299 = arith.constant 1 : i32
        %dma_start3A_1300 = arith.constant 0 : i32
        %dma_start3A_1301 = arith.constant 0 : i32
        %dma_start3A_1302 = arith.constant 0 : i32
        %dma_start3A_1303 = tpu.memref_slice %arg6[%dma_start3A_1299, %dma_start3A_1300, %dma_start3A_1301, %dma_start3A_1302] : memref<2x8x4x128xf32, #tpu.memory_space<vmem>> -> memref<1x8x4x128xf32, #tpu.memory_space<vmem>>
        %dma_start3A_1304 = tpu.memref_squeeze %dma_start3A_1303 : memref<1x8x4x128xf32, #tpu.memory_space<vmem>> -> memref<8x4x128xf32, #tpu.memory_space<vmem>>
        %dma_start3A_1305 = arith.constant 0 : i32
        %dma_start3A_1306 = arith.constant 0 : i32
        %dma_start3A_1307 = tpu.memref_slice %arg3[%multiple_of3A_1281, %dma_start3A_1305, %dma_start3A_1306] : memref<50000x4x128xf32, #tpu.memory_space<hbm>> -> memref<8x4x128xf32, #tpu.memory_space<hbm>>
        %dma_start3A_1308 = arith.constant 0 : i32
        %dma_start3A_1309 = arith.constant 0 : i32
        %dma_start3A_1310 = arith.constant 0 : i32
        %dma_start3A_1311 = tpu.memref_slice %arg6[%dma_start3A_1299, %dma_start3A_1308, %dma_start3A_1309, %dma_start3A_1310] : memref<2x8x4x128xf32, #tpu.memory_space<vmem>> -> memref<1x8x4x128xf32, #tpu.memory_space<vmem>>
        %dma_start3A_1312 = tpu.memref_squeeze %dma_start3A_1311 : memref<1x8x4x128xf32, #tpu.memory_space<vmem>> -> memref<8x4x128xf32, #tpu.memory_space<vmem>>
        %dma_start3A_1313 = arith.constant 0 : i32
        %dma_start3A_1314 = arith.constant 0 : i32
        %dma_start3A_1315 = tpu.memref_slice %arg3[%multiple_of3A_1281, %dma_start3A_1313, %dma_start3A_1314] : memref<50000x4x128xf32, #tpu.memory_space<hbm>> -> memref<8x4x128xf32, #tpu.memory_space<hbm>>
        tpu.enqueue_dma source(%dma_start3A_1315 : memref<8x4x128xf32, #tpu.memory_space<hbm>>) target(%dma_start3A_1312 : memref<8x4x128xf32, #tpu.memory_space<vmem>>) target_semaphore(%arg13 : memref<!tpu.dma_semaphore, #tpu.memory_space<semaphore_mem>>)
      } else {
      }
    }
    %while3A_139 = arith.constant 1 : i32
    scf.for %while3A_218 = %while3A_137 to %while3A_133 step %while3A_139  : i32 {
      %mul3A_219 = arith.constant 2 : i32
      %mul3A_220 = arith.muli %mul3A_219, %while3A_218 : i32
      %add3A_221 = arith.addi %mul3A_50, %mul3A_220 : i32
      %dma_wait3A_222 = arith.constant 0 : i32
      %dma_wait3A_223 = arith.constant 0 : i32
      %dma_wait3A_224 = arith.constant 0 : i32
      %dma_wait3A_225 = arith.constant 0 : i32
      %dma_wait3A_226 = tpu.memref_slice %arg5[%dma_wait3A_222, %dma_wait3A_223, %dma_wait3A_224, %dma_wait3A_225] : memref<2x8x1x128xi32, #tpu.memory_space<vmem>> -> memref<1x8x1x128xi32, #tpu.memory_space<vmem>>
      %dma_wait3A_227 = tpu.memref_squeeze %dma_wait3A_226 : memref<1x8x1x128xi32, #tpu.memory_space<vmem>> -> memref<8x1x128xi32, #tpu.memory_space<vmem>>
      %dma_wait3A_228 = arith.constant 0 : i32
      %dma_wait3A_229 = arith.constant 1 : i32
      %dma_wait3A_230 = arith.constant 0 : i32
      %dma_wait3A_231 = tpu.memref_slice %arg2[%dma_wait3A_228, %dma_wait3A_229, %dma_wait3A_230] : memref<50000x2x128xi32, #tpu.memory_space<hbm>> -> memref<8x1x128xi32, #tpu.memory_space<hbm>>
      %dma_wait3A_232 = arith.constant 0 : i32
      %dma_wait3A_233 = arith.constant 0 : i32
      %dma_wait3A_234 = arith.constant 0 : i32
      %dma_wait3A_235 = tpu.memref_slice %arg5[%dma_wait3A_222, %dma_wait3A_232, %dma_wait3A_233, %dma_wait3A_234] : memref<2x8x1x128xi32, #tpu.memory_space<vmem>> -> memref<1x8x1x128xi32, #tpu.memory_space<vmem>>
      %dma_wait3A_236 = tpu.memref_squeeze %dma_wait3A_235 : memref<1x8x1x128xi32, #tpu.memory_space<vmem>> -> memref<8x1x128xi32, #tpu.memory_space<vmem>>
      %dma_wait3A_237 = arith.constant 0 : i32
      %dma_wait3A_238 = arith.constant 1 : i32
      %dma_wait3A_239 = arith.constant 0 : i32
      %dma_wait3A_240 = tpu.memref_slice %arg2[%dma_wait3A_237, %dma_wait3A_238, %dma_wait3A_239] : memref<50000x2x128xi32, #tpu.memory_space<hbm>> -> memref<8x1x128xi32, #tpu.memory_space<hbm>>
      tpu.wait_dma2 semaphore(%arg12 : memref<!tpu.dma_semaphore, #tpu.memory_space<semaphore_mem>>) src(%dma_wait3A_240 : memref<8x1x128xi32, #tpu.memory_space<hbm>>) dst(%dma_wait3A_236 : memref<8x1x128xi32, #tpu.memory_space<vmem>>)
      %dma_wait3A_241 = arith.constant 0 : i32
      %dma_wait3A_242 = arith.constant 0 : i32
      %dma_wait3A_243 = arith.constant 0 : i32
      %dma_wait3A_244 = arith.constant 0 : i32
      %dma_wait3A_245 = tpu.memref_slice %arg6[%dma_wait3A_241, %dma_wait3A_242, %dma_wait3A_243, %dma_wait3A_244] : memref<2x8x4x128xf32, #tpu.memory_space<vmem>> -> memref<1x8x4x128xf32, #tpu.memory_space<vmem>>
      %dma_wait3A_246 = tpu.memref_squeeze %dma_wait3A_245 : memref<1x8x4x128xf32, #tpu.memory_space<vmem>> -> memref<8x4x128xf32, #tpu.memory_space<vmem>>
      %dma_wait3A_247 = arith.constant 0 : i32
      %dma_wait3A_248 = arith.constant 0 : i32
      %dma_wait3A_249 = arith.constant 0 : i32
      %dma_wait3A_250 = tpu.memref_slice %arg3[%dma_wait3A_247, %dma_wait3A_248, %dma_wait3A_249] : memref<50000x4x128xf32, #tpu.memory_space<hbm>> -> memref<8x4x128xf32, #tpu.memory_space<hbm>>
      %dma_wait3A_251 = arith.constant 0 : i32
      %dma_wait3A_252 = arith.constant 0 : i32
      %dma_wait3A_253 = arith.constant 0 : i32
      %dma_wait3A_254 = tpu.memref_slice %arg6[%dma_wait3A_241, %dma_wait3A_251, %dma_wait3A_252, %dma_wait3A_253] : memref<2x8x4x128xf32, #tpu.memory_space<vmem>> -> memref<1x8x4x128xf32, #tpu.memory_space<vmem>>
      %dma_wait3A_255 = tpu.memref_squeeze %dma_wait3A_254 : memref<1x8x4x128xf32, #tpu.memory_space<vmem>> -> memref<8x4x128xf32, #tpu.memory_space<vmem>>
      %dma_wait3A_256 = arith.constant 0 : i32
      %dma_wait3A_257 = arith.constant 0 : i32
      %dma_wait3A_258 = arith.constant 0 : i32
      %dma_wait3A_259 = tpu.memref_slice %arg3[%dma_wait3A_256, %dma_wait3A_257, %dma_wait3A_258] : memref<50000x4x128xf32, #tpu.memory_space<hbm>> -> memref<8x4x128xf32, #tpu.memory_space<hbm>>
      tpu.wait_dma2 semaphore(%arg12 : memref<!tpu.dma_semaphore, #tpu.memory_space<semaphore_mem>>) src(%dma_wait3A_259 : memref<8x4x128xf32, #tpu.memory_space<hbm>>) dst(%dma_wait3A_255 : memref<8x4x128xf32, #tpu.memory_space<vmem>>)
      %dma_start3A_260 = arith.constant 0 : i32
      %dma_start3A_261 = arith.constant 0 : i32
      %dma_start3A_262 = arith.constant 0 : i32
      %dma_start3A_263 = arith.constant 0 : i32
      %dma_start3A_264 = arith.constant 0 : i32
      %dma_start3A_265 = arith.constant 0 : i32
      %dma_start3A_266 = arith.constant 0 : i32
      %dma_start3A_267 = tpu.memref_slice %arg6[%dma_start3A_260, %dma_start3A_261, %dma_start3A_262, %dma_start3A_266] : memref<2x8x4x128xf32, #tpu.memory_space<vmem>> -> memref<1x1x1x128xf32, #tpu.memory_space<vmem>>
      %dma_start3A_268 = tpu.memref_squeeze %dma_start3A_267 : memref<1x1x1x128xf32, #tpu.memory_space<vmem>> -> memref<128xf32, #tpu.memory_space<vmem>>
      %dma_start3A_269 = arith.constant 0 : i32
      %dma_start3A_270 = tpu.memref_slice %arg5[%dma_start3A_263, %dma_start3A_264, %dma_start3A_265, %dma_start3A_269] : memref<2x8x1x128xi32, #tpu.memory_space<vmem>> -> memref<1x1x1x128xi32, #tpu.memory_space<vmem>>
      %dma_start3A_271 = tpu.memref_squeeze %dma_start3A_270 : memref<1x1x1x128xi32, #tpu.memory_space<vmem>> -> memref<128xi32, #tpu.memory_space<vmem>>
      %dma_start3A_272 = arith.constant 0 : i32
      %dma_start3A_273 = tpu.memref_slice %arg8[%dma_start3A_272] : memref<100000xf32, #tpu.memory_space<vmem_shared>> -> memref<100000xf32, #tpu.memory_space<vmem_shared>>
      tpu.enqueue_indirect_dma source(%dma_start3A_268 : memref<128xf32, #tpu.memory_space<vmem>>) target(%dma_start3A_273 : memref<100000xf32, #tpu.memory_space<vmem_shared>>) offsets(%dma_start3A_271 : memref<128xi32, #tpu.memory_space<vmem>>) semaphore(%arg14 : memref<!tpu.dma_semaphore, #tpu.memory_space<semaphore_mem>>) {add = true}
      %dma_start3A_274 = arith.constant 0 : i32
      %dma_start3A_275 = arith.constant 0 : i32
      %dma_start3A_276 = arith.constant 1 : i32
      %dma_start3A_277 = arith.constant 0 : i32
      %dma_start3A_278 = arith.constant 0 : i32
      %dma_start3A_279 = arith.constant 0 : i32
      %dma_start3A_280 = arith.constant 0 : i32
      %dma_start3A_281 = tpu.memref_slice %arg6[%dma_start3A_274, %dma_start3A_275, %dma_start3A_276, %dma_start3A_280] : memref<2x8x4x128xf32, #tpu.memory_space<vmem>> -> memref<1x1x1x128xf32, #tpu.memory_space<vmem>>
      %dma_start3A_282 = tpu.memref_squeeze %dma_start3A_281 : memref<1x1x1x128xf32, #tpu.memory_space<vmem>> -> memref<128xf32, #tpu.memory_space<vmem>>
      %dma_start3A_283 = arith.constant 0 : i32
      %dma_start3A_284 = tpu.memref_slice %arg5[%dma_start3A_277, %dma_start3A_278, %dma_start3A_279, %dma_start3A_283] : memref<2x8x1x128xi32, #tpu.memory_space<vmem>> -> memref<1x1x1x128xi32, #tpu.memory_space<vmem>>
      %dma_start3A_285 = tpu.memref_squeeze %dma_start3A_284 : memref<1x1x1x128xi32, #tpu.memory_space<vmem>> -> memref<128xi32, #tpu.memory_space<vmem>>
      %dma_start3A_286 = arith.constant 0 : i32
      %dma_start3A_287 = tpu.memref_slice %arg9[%dma_start3A_286] : memref<100000xf32, #tpu.memory_space<vmem_shared>> -> memref<100000xf32, #tpu.memory_space<vmem_shared>>
      tpu.enqueue_indirect_dma source(%dma_start3A_282 : memref<128xf32, #tpu.memory_space<vmem>>) target(%dma_start3A_287 : memref<100000xf32, #tpu.memory_space<vmem_shared>>) offsets(%dma_start3A_285 : memref<128xi32, #tpu.memory_space<vmem>>) semaphore(%arg14 : memref<!tpu.dma_semaphore, #tpu.memory_space<semaphore_mem>>) {add = true}
      %dma_start3A_288 = arith.constant 0 : i32
      %dma_start3A_289 = arith.constant 0 : i32
      %dma_start3A_290 = arith.constant 2 : i32
      %dma_start3A_291 = arith.constant 0 : i32
      %dma_start3A_292 = arith.constant 0 : i32
      %dma_start3A_293 = arith.constant 0 : i32
      %dma_start3A_294 = arith.constant 0 : i32
      %dma_start3A_295 = tpu.memref_slice %arg6[%dma_start3A_288, %dma_start3A_289, %dma_start3A_290, %dma_start3A_294] : memref<2x8x4x128xf32, #tpu.memory_space<vmem>> -> memref<1x1x1x128xf32, #tpu.memory_space<vmem>>
      %dma_start3A_296 = tpu.memref_squeeze %dma_start3A_295 : memref<1x1x1x128xf32, #tpu.memory_space<vmem>> -> memref<128xf32, #tpu.memory_space<vmem>>
      %dma_start3A_297 = arith.constant 0 : i32
      %dma_start3A_298 = tpu.memref_slice %arg5[%dma_start3A_291, %dma_start3A_292, %dma_start3A_293, %dma_start3A_297] : memref<2x8x1x128xi32, #tpu.memory_space<vmem>> -> memref<1x1x1x128xi32, #tpu.memory_space<vmem>>
      %dma_start3A_299 = tpu.memref_squeeze %dma_start3A_298 : memref<1x1x1x128xi32, #tpu.memory_space<vmem>> -> memref<128xi32, #tpu.memory_space<vmem>>
      %dma_start3A_300 = arith.constant 0 : i32
      %dma_start3A_301 = tpu.memref_slice %arg10[%dma_start3A_300] : memref<100000xf32, #tpu.memory_space<vmem_shared>> -> memref<100000xf32, #tpu.memory_space<vmem_shared>>
      tpu.enqueue_indirect_dma source(%dma_start3A_296 : memref<128xf32, #tpu.memory_space<vmem>>) target(%dma_start3A_301 : memref<100000xf32, #tpu.memory_space<vmem_shared>>) offsets(%dma_start3A_299 : memref<128xi32, #tpu.memory_space<vmem>>) semaphore(%arg14 : memref<!tpu.dma_semaphore, #tpu.memory_space<semaphore_mem>>) {add = true}
      %dma_start3A_302 = arith.constant 0 : i32
      %dma_start3A_303 = arith.constant 0 : i32
      %dma_start3A_304 = arith.constant 3 : i32
      %dma_start3A_305 = arith.constant 0 : i32
      %dma_start3A_306 = arith.constant 0 : i32
      %dma_start3A_307 = arith.constant 0 : i32
      %dma_start3A_308 = arith.constant 0 : i32
      %dma_start3A_309 = tpu.memref_slice %arg6[%dma_start3A_302, %dma_start3A_303, %dma_start3A_304, %dma_start3A_308] : memref<2x8x4x128xf32, #tpu.memory_space<vmem>> -> memref<1x1x1x128xf32, #tpu.memory_space<vmem>>
      %dma_start3A_310 = tpu.memref_squeeze %dma_start3A_309 : memref<1x1x1x128xf32, #tpu.memory_space<vmem>> -> memref<128xf32, #tpu.memory_space<vmem>>
      %dma_start3A_311 = arith.constant 0 : i32
      %dma_start3A_312 = tpu.memref_slice %arg5[%dma_start3A_305, %dma_start3A_306, %dma_start3A_307, %dma_start3A_311] : memref<2x8x1x128xi32, #tpu.memory_space<vmem>> -> memref<1x1x1x128xi32, #tpu.memory_space<vmem>>
      %dma_start3A_313 = tpu.memref_squeeze %dma_start3A_312 : memref<1x1x1x128xi32, #tpu.memory_space<vmem>> -> memref<128xi32, #tpu.memory_space<vmem>>
      %dma_start3A_314 = arith.constant 0 : i32
      %dma_start3A_315 = tpu.memref_slice %arg11[%dma_start3A_314] : memref<100000xf32, #tpu.memory_space<vmem_shared>> -> memref<100000xf32, #tpu.memory_space<vmem_shared>>
      tpu.enqueue_indirect_dma source(%dma_start3A_310 : memref<128xf32, #tpu.memory_space<vmem>>) target(%dma_start3A_315 : memref<100000xf32, #tpu.memory_space<vmem_shared>>) offsets(%dma_start3A_313 : memref<128xi32, #tpu.memory_space<vmem>>) semaphore(%arg14 : memref<!tpu.dma_semaphore, #tpu.memory_space<semaphore_mem>>) {add = true}
      %dma_start3A_316 = arith.constant 0 : i32
      %dma_start3A_317 = arith.constant 1 : i32
      %dma_start3A_318 = arith.constant 0 : i32
      %dma_start3A_319 = arith.constant 0 : i32
      %dma_start3A_320 = arith.constant 1 : i32
      %dma_start3A_321 = arith.constant 0 : i32
      %dma_start3A_322 = arith.constant 0 : i32
      %dma_start3A_323 = tpu.memref_slice %arg6[%dma_start3A_316, %dma_start3A_317, %dma_start3A_318, %dma_start3A_322] : memref<2x8x4x128xf32, #tpu.memory_space<vmem>> -> memref<1x1x1x128xf32, #tpu.memory_space<vmem>>
      %dma_start3A_324 = tpu.memref_squeeze %dma_start3A_323 : memref<1x1x1x128xf32, #tpu.memory_space<vmem>> -> memref<128xf32, #tpu.memory_space<vmem>>
      %dma_start3A_325 = arith.constant 0 : i32
      %dma_start3A_326 = tpu.memref_slice %arg5[%dma_start3A_319, %dma_start3A_320, %dma_start3A_321, %dma_start3A_325] : memref<2x8x1x128xi32, #tpu.memory_space<vmem>> -> memref<1x1x1x128xi32, #tpu.memory_space<vmem>>
      %dma_start3A_327 = tpu.memref_squeeze %dma_start3A_326 : memref<1x1x1x128xi32, #tpu.memory_space<vmem>> -> memref<128xi32, #tpu.memory_space<vmem>>
      %dma_start3A_328 = arith.constant 0 : i32
      %dma_start3A_329 = tpu.memref_slice %arg8[%dma_start3A_328] : memref<100000xf32, #tpu.memory_space<vmem_shared>> -> memref<100000xf32, #tpu.memory_space<vmem_shared>>
      tpu.enqueue_indirect_dma source(%dma_start3A_324 : memref<128xf32, #tpu.memory_space<vmem>>) target(%dma_start3A_329 : memref<100000xf32, #tpu.memory_space<vmem_shared>>) offsets(%dma_start3A_327 : memref<128xi32, #tpu.memory_space<vmem>>) semaphore(%arg14 : memref<!tpu.dma_semaphore, #tpu.memory_space<semaphore_mem>>) {add = true}
      %dma_start3A_330 = arith.constant 0 : i32
      %dma_start3A_331 = arith.constant 1 : i32
      %dma_start3A_332 = arith.constant 1 : i32
      %dma_start3A_333 = arith.constant 0 : i32
      %dma_start3A_334 = arith.constant 1 : i32
      %dma_start3A_335 = arith.constant 0 : i32
      %dma_start3A_336 = arith.constant 0 : i32
      %dma_start3A_337 = tpu.memref_slice %arg6[%dma_start3A_330, %dma_start3A_331, %dma_start3A_332, %dma_start3A_336] : memref<2x8x4x128xf32, #tpu.memory_space<vmem>> -> memref<1x1x1x128xf32, #tpu.memory_space<vmem>>
      %dma_start3A_338 = tpu.memref_squeeze %dma_start3A_337 : memref<1x1x1x128xf32, #tpu.memory_space<vmem>> -> memref<128xf32, #tpu.memory_space<vmem>>
      %dma_start3A_339 = arith.constant 0 : i32
      %dma_start3A_340 = tpu.memref_slice %arg5[%dma_start3A_333, %dma_start3A_334, %dma_start3A_335, %dma_start3A_339] : memref<2x8x1x128xi32, #tpu.memory_space<vmem>> -> memref<1x1x1x128xi32, #tpu.memory_space<vmem>>
      %dma_start3A_341 = tpu.memref_squeeze %dma_start3A_340 : memref<1x1x1x128xi32, #tpu.memory_space<vmem>> -> memref<128xi32, #tpu.memory_space<vmem>>
      %dma_start3A_342 = arith.constant 0 : i32
      %dma_start3A_343 = tpu.memref_slice %arg9[%dma_start3A_342] : memref<100000xf32, #tpu.memory_space<vmem_shared>> -> memref<100000xf32, #tpu.memory_space<vmem_shared>>
      tpu.enqueue_indirect_dma source(%dma_start3A_338 : memref<128xf32, #tpu.memory_space<vmem>>) target(%dma_start3A_343 : memref<100000xf32, #tpu.memory_space<vmem_shared>>) offsets(%dma_start3A_341 : memref<128xi32, #tpu.memory_space<vmem>>) semaphore(%arg14 : memref<!tpu.dma_semaphore, #tpu.memory_space<semaphore_mem>>) {add = true}
      %dma_start3A_344 = arith.constant 0 : i32
      %dma_start3A_345 = arith.constant 1 : i32
      %dma_start3A_346 = arith.constant 2 : i32
      %dma_start3A_347 = arith.constant 0 : i32
      %dma_start3A_348 = arith.constant 1 : i32
      %dma_start3A_349 = arith.constant 0 : i32
      %dma_start3A_350 = arith.constant 0 : i32
      %dma_start3A_351 = tpu.memref_slice %arg6[%dma_start3A_344, %dma_start3A_345, %dma_start3A_346, %dma_start3A_350] : memref<2x8x4x128xf32, #tpu.memory_space<vmem>> -> memref<1x1x1x128xf32, #tpu.memory_space<vmem>>
      %dma_start3A_352 = tpu.memref_squeeze %dma_start3A_351 : memref<1x1x1x128xf32, #tpu.memory_space<vmem>> -> memref<128xf32, #tpu.memory_space<vmem>>
      %dma_start3A_353 = arith.constant 0 : i32
      %dma_start3A_354 = tpu.memref_slice %arg5[%dma_start3A_347, %dma_start3A_348, %dma_start3A_349, %dma_start3A_353] : memref<2x8x1x128xi32, #tpu.memory_space<vmem>> -> memref<1x1x1x128xi32, #tpu.memory_space<vmem>>
      %dma_start3A_355 = tpu.memref_squeeze %dma_start3A_354 : memref<1x1x1x128xi32, #tpu.memory_space<vmem>> -> memref<128xi32, #tpu.memory_space<vmem>>
      %dma_start3A_356 = arith.constant 0 : i32
      %dma_start3A_357 = tpu.memref_slice %arg10[%dma_start3A_356] : memref<100000xf32, #tpu.memory_space<vmem_shared>> -> memref<100000xf32, #tpu.memory_space<vmem_shared>>
      tpu.enqueue_indirect_dma source(%dma_start3A_352 : memref<128xf32, #tpu.memory_space<vmem>>) target(%dma_start3A_357 : memref<100000xf32, #tpu.memory_space<vmem_shared>>) offsets(%dma_start3A_355 : memref<128xi32, #tpu.memory_space<vmem>>) semaphore(%arg14 : memref<!tpu.dma_semaphore, #tpu.memory_space<semaphore_mem>>) {add = true}
      %dma_start3A_358 = arith.constant 0 : i32
      %dma_start3A_359 = arith.constant 1 : i32
      %dma_start3A_360 = arith.constant 3 : i32
      %dma_start3A_361 = arith.constant 0 : i32
      %dma_start3A_362 = arith.constant 1 : i32
      %dma_start3A_363 = arith.constant 0 : i32
      %dma_start3A_364 = arith.constant 0 : i32
      %dma_start3A_365 = tpu.memref_slice %arg6[%dma_start3A_358, %dma_start3A_359, %dma_start3A_360, %dma_start3A_364] : memref<2x8x4x128xf32, #tpu.memory_space<vmem>> -> memref<1x1x1x128xf32, #tpu.memory_space<vmem>>
      %dma_start3A_366 = tpu.memref_squeeze %dma_start3A_365 : memref<1x1x1x128xf32, #tpu.memory_space<vmem>> -> memref<128xf32, #tpu.memory_space<vmem>>
      %dma_start3A_367 = arith.constant 0 : i32
      %dma_start3A_368 = tpu.memref_slice %arg5[%dma_start3A_361, %dma_start3A_362, %dma_start3A_363, %dma_start3A_367] : memref<2x8x1x128xi32, #tpu.memory_space<vmem>> -> memref<1x1x1x128xi32, #tpu.memory_space<vmem>>
      %dma_start3A_369 = tpu.memref_squeeze %dma_start3A_368 : memref<1x1x1x128xi32, #tpu.memory_space<vmem>> -> memref<128xi32, #tpu.memory_space<vmem>>
      %dma_start3A_370 = arith.constant 0 : i32
      %dma_start3A_371 = tpu.memref_slice %arg11[%dma_start3A_370] : memref<100000xf32, #tpu.memory_space<vmem_shared>> -> memref<100000xf32, #tpu.memory_space<vmem_shared>>
      tpu.enqueue_indirect_dma source(%dma_start3A_366 : memref<128xf32, #tpu.memory_space<vmem>>) target(%dma_start3A_371 : memref<100000xf32, #tpu.memory_space<vmem_shared>>) offsets(%dma_start3A_369 : memref<128xi32, #tpu.memory_space<vmem>>) semaphore(%arg14 : memref<!tpu.dma_semaphore, #tpu.memory_space<semaphore_mem>>) {add = true}
      %dma_start3A_372 = arith.constant 0 : i32
      %dma_start3A_373 = arith.constant 2 : i32
      %dma_start3A_374 = arith.constant 0 : i32
      %dma_start3A_375 = arith.constant 0 : i32
      %dma_start3A_376 = arith.constant 2 : i32
      %dma_start3A_377 = arith.constant 0 : i32
      %dma_start3A_378 = arith.constant 0 : i32
      %dma_start3A_379 = tpu.memref_slice %arg6[%dma_start3A_372, %dma_start3A_373, %dma_start3A_374, %dma_start3A_378] : memref<2x8x4x128xf32, #tpu.memory_space<vmem>> -> memref<1x1x1x128xf32, #tpu.memory_space<vmem>>
      %dma_start3A_380 = tpu.memref_squeeze %dma_start3A_379 : memref<1x1x1x128xf32, #tpu.memory_space<vmem>> -> memref<128xf32, #tpu.memory_space<vmem>>
      %dma_start3A_381 = arith.constant 0 : i32
      %dma_start3A_382 = tpu.memref_slice %arg5[%dma_start3A_375, %dma_start3A_376, %dma_start3A_377, %dma_start3A_381] : memref<2x8x1x128xi32, #tpu.memory_space<vmem>> -> memref<1x1x1x128xi32, #tpu.memory_space<vmem>>
      %dma_start3A_383 = tpu.memref_squeeze %dma_start3A_382 : memref<1x1x1x128xi32, #tpu.memory_space<vmem>> -> memref<128xi32, #tpu.memory_space<vmem>>
      %dma_start3A_384 = arith.constant 0 : i32
      %dma_start3A_385 = tpu.memref_slice %arg8[%dma_start3A_384] : memref<100000xf32, #tpu.memory_space<vmem_shared>> -> memref<100000xf32, #tpu.memory_space<vmem_shared>>
      tpu.enqueue_indirect_dma source(%dma_start3A_380 : memref<128xf32, #tpu.memory_space<vmem>>) target(%dma_start3A_385 : memref<100000xf32, #tpu.memory_space<vmem_shared>>) offsets(%dma_start3A_383 : memref<128xi32, #tpu.memory_space<vmem>>) semaphore(%arg14 : memref<!tpu.dma_semaphore, #tpu.memory_space<semaphore_mem>>) {add = true}
      %dma_start3A_386 = arith.constant 0 : i32
      %dma_start3A_387 = arith.constant 2 : i32
      %dma_start3A_388 = arith.constant 1 : i32
      %dma_start3A_389 = arith.constant 0 : i32
      %dma_start3A_390 = arith.constant 2 : i32
      %dma_start3A_391 = arith.constant 0 : i32
      %dma_start3A_392 = arith.constant 0 : i32
      %dma_start3A_393 = tpu.memref_slice %arg6[%dma_start3A_386, %dma_start3A_387, %dma_start3A_388, %dma_start3A_392] : memref<2x8x4x128xf32, #tpu.memory_space<vmem>> -> memref<1x1x1x128xf32, #tpu.memory_space<vmem>>
      %dma_start3A_394 = tpu.memref_squeeze %dma_start3A_393 : memref<1x1x1x128xf32, #tpu.memory_space<vmem>> -> memref<128xf32, #tpu.memory_space<vmem>>
      %dma_start3A_395 = arith.constant 0 : i32
      %dma_start3A_396 = tpu.memref_slice %arg5[%dma_start3A_389, %dma_start3A_390, %dma_start3A_391, %dma_start3A_395] : memref<2x8x1x128xi32, #tpu.memory_space<vmem>> -> memref<1x1x1x128xi32, #tpu.memory_space<vmem>>
      %dma_start3A_397 = tpu.memref_squeeze %dma_start3A_396 : memref<1x1x1x128xi32, #tpu.memory_space<vmem>> -> memref<128xi32, #tpu.memory_space<vmem>>
      %dma_start3A_398 = arith.constant 0 : i32
      %dma_start3A_399 = tpu.memref_slice %arg9[%dma_start3A_398] : memref<100000xf32, #tpu.memory_space<vmem_shared>> -> memref<100000xf32, #tpu.memory_space<vmem_shared>>
      tpu.enqueue_indirect_dma source(%dma_start3A_394 : memref<128xf32, #tpu.memory_space<vmem>>) target(%dma_start3A_399 : memref<100000xf32, #tpu.memory_space<vmem_shared>>) offsets(%dma_start3A_397 : memref<128xi32, #tpu.memory_space<vmem>>) semaphore(%arg14 : memref<!tpu.dma_semaphore, #tpu.memory_space<semaphore_mem>>) {add = true}
      %dma_start3A_400 = arith.constant 0 : i32
      %dma_start3A_401 = arith.constant 2 : i32
      %dma_start3A_402 = arith.constant 2 : i32
      %dma_start3A_403 = arith.constant 0 : i32
      %dma_start3A_404 = arith.constant 2 : i32
      %dma_start3A_405 = arith.constant 0 : i32
      %dma_start3A_406 = arith.constant 0 : i32
      %dma_start3A_407 = tpu.memref_slice %arg6[%dma_start3A_400, %dma_start3A_401, %dma_start3A_402, %dma_start3A_406] : memref<2x8x4x128xf32, #tpu.memory_space<vmem>> -> memref<1x1x1x128xf32, #tpu.memory_space<vmem>>
      %dma_start3A_408 = tpu.memref_squeeze %dma_start3A_407 : memref<1x1x1x128xf32, #tpu.memory_space<vmem>> -> memref<128xf32, #tpu.memory_space<vmem>>
      %dma_start3A_409 = arith.constant 0 : i32
      %dma_start3A_410 = tpu.memref_slice %arg5[%dma_start3A_403, %dma_start3A_404, %dma_start3A_405, %dma_start3A_409] : memref<2x8x1x128xi32, #tpu.memory_space<vmem>> -> memref<1x1x1x128xi32, #tpu.memory_space<vmem>>
      %dma_start3A_411 = tpu.memref_squeeze %dma_start3A_410 : memref<1x1x1x128xi32, #tpu.memory_space<vmem>> -> memref<128xi32, #tpu.memory_space<vmem>>
      %dma_start3A_412 = arith.constant 0 : i32
      %dma_start3A_413 = tpu.memref_slice %arg10[%dma_start3A_412] : memref<100000xf32, #tpu.memory_space<vmem_shared>> -> memref<100000xf32, #tpu.memory_space<vmem_shared>>
      tpu.enqueue_indirect_dma source(%dma_start3A_408 : memref<128xf32, #tpu.memory_space<vmem>>) target(%dma_start3A_413 : memref<100000xf32, #tpu.memory_space<vmem_shared>>) offsets(%dma_start3A_411 : memref<128xi32, #tpu.memory_space<vmem>>) semaphore(%arg14 : memref<!tpu.dma_semaphore, #tpu.memory_space<semaphore_mem>>) {add = true}
      %dma_start3A_414 = arith.constant 0 : i32
      %dma_start3A_415 = arith.constant 2 : i32
      %dma_start3A_416 = arith.constant 3 : i32
      %dma_start3A_417 = arith.constant 0 : i32
      %dma_start3A_418 = arith.constant 2 : i32
      %dma_start3A_419 = arith.constant 0 : i32
      %dma_start3A_420 = arith.constant 0 : i32
      %dma_start3A_421 = tpu.memref_slice %arg6[%dma_start3A_414, %dma_start3A_415, %dma_start3A_416, %dma_start3A_420] : memref<2x8x4x128xf32, #tpu.memory_space<vmem>> -> memref<1x1x1x128xf32, #tpu.memory_space<vmem>>
      %dma_start3A_422 = tpu.memref_squeeze %dma_start3A_421 : memref<1x1x1x128xf32, #tpu.memory_space<vmem>> -> memref<128xf32, #tpu.memory_space<vmem>>
      %dma_start3A_423 = arith.constant 0 : i32
      %dma_start3A_424 = tpu.memref_slice %arg5[%dma_start3A_417, %dma_start3A_418, %dma_start3A_419, %dma_start3A_423] : memref<2x8x1x128xi32, #tpu.memory_space<vmem>> -> memref<1x1x1x128xi32, #tpu.memory_space<vmem>>
      %dma_start3A_425 = tpu.memref_squeeze %dma_start3A_424 : memref<1x1x1x128xi32, #tpu.memory_space<vmem>> -> memref<128xi32, #tpu.memory_space<vmem>>
      %dma_start3A_426 = arith.constant 0 : i32
      %dma_start3A_427 = tpu.memref_slice %arg11[%dma_start3A_426] : memref<100000xf32, #tpu.memory_space<vmem_shared>> -> memref<100000xf32, #tpu.memory_space<vmem_shared>>
      tpu.enqueue_indirect_dma source(%dma_start3A_422 : memref<128xf32, #tpu.memory_space<vmem>>) target(%dma_start3A_427 : memref<100000xf32, #tpu.memory_space<vmem_shared>>) offsets(%dma_start3A_425 : memref<128xi32, #tpu.memory_space<vmem>>) semaphore(%arg14 : memref<!tpu.dma_semaphore, #tpu.memory_space<semaphore_mem>>) {add = true}
      %dma_start3A_428 = arith.constant 0 : i32
      %dma_start3A_429 = arith.constant 3 : i32
      %dma_start3A_430 = arith.constant 0 : i32
      %dma_start3A_431 = arith.constant 0 : i32
      %dma_start3A_432 = arith.constant 3 : i32
      %dma_start3A_433 = arith.constant 0 : i32
      %dma_start3A_434 = arith.constant 0 : i32
      %dma_start3A_435 = tpu.memref_slice %arg6[%dma_start3A_428, %dma_start3A_429, %dma_start3A_430, %dma_start3A_434] : memref<2x8x4x128xf32, #tpu.memory_space<vmem>> -> memref<1x1x1x128xf32, #tpu.memory_space<vmem>>
      %dma_start3A_436 = tpu.memref_squeeze %dma_start3A_435 : memref<1x1x1x128xf32, #tpu.memory_space<vmem>> -> memref<128xf32, #tpu.memory_space<vmem>>
      %dma_start3A_437 = arith.constant 0 : i32
      %dma_start3A_438 = tpu.memref_slice %arg5[%dma_start3A_431, %dma_start3A_432, %dma_start3A_433, %dma_start3A_437] : memref<2x8x1x128xi32, #tpu.memory_space<vmem>> -> memref<1x1x1x128xi32, #tpu.memory_space<vmem>>
      %dma_start3A_439 = tpu.memref_squeeze %dma_start3A_438 : memref<1x1x1x128xi32, #tpu.memory_space<vmem>> -> memref<128xi32, #tpu.memory_space<vmem>>
      %dma_start3A_440 = arith.constant 0 : i32
      %dma_start3A_441 = tpu.memref_slice %arg8[%dma_start3A_440] : memref<100000xf32, #tpu.memory_space<vmem_shared>> -> memref<100000xf32, #tpu.memory_space<vmem_shared>>
      tpu.enqueue_indirect_dma source(%dma_start3A_436 : memref<128xf32, #tpu.memory_space<vmem>>) target(%dma_start3A_441 : memref<100000xf32, #tpu.memory_space<vmem_shared>>) offsets(%dma_start3A_439 : memref<128xi32, #tpu.memory_space<vmem>>) semaphore(%arg14 : memref<!tpu.dma_semaphore, #tpu.memory_space<semaphore_mem>>) {add = true}
      %dma_start3A_442 = arith.constant 0 : i32
      %dma_start3A_443 = arith.constant 3 : i32
      %dma_start3A_444 = arith.constant 1 : i32
      %dma_start3A_445 = arith.constant 0 : i32
      %dma_start3A_446 = arith.constant 3 : i32
      %dma_start3A_447 = arith.constant 0 : i32
      %dma_start3A_448 = arith.constant 0 : i32
      %dma_start3A_449 = tpu.memref_slice %arg6[%dma_start3A_442, %dma_start3A_443, %dma_start3A_444, %dma_start3A_448] : memref<2x8x4x128xf32, #tpu.memory_space<vmem>> -> memref<1x1x1x128xf32, #tpu.memory_space<vmem>>
      %dma_start3A_450 = tpu.memref_squeeze %dma_start3A_449 : memref<1x1x1x128xf32, #tpu.memory_space<vmem>> -> memref<128xf32, #tpu.memory_space<vmem>>
      %dma_start3A_451 = arith.constant 0 : i32
      %dma_start3A_452 = tpu.memref_slice %arg5[%dma_start3A_445, %dma_start3A_446, %dma_start3A_447, %dma_start3A_451] : memref<2x8x1x128xi32, #tpu.memory_space<vmem>> -> memref<1x1x1x128xi32, #tpu.memory_space<vmem>>
      %dma_start3A_453 = tpu.memref_squeeze %dma_start3A_452 : memref<1x1x1x128xi32, #tpu.memory_space<vmem>> -> memref<128xi32, #tpu.memory_space<vmem>>
      %dma_start3A_454 = arith.constant 0 : i32
      %dma_start3A_455 = tpu.memref_slice %arg9[%dma_start3A_454] : memref<100000xf32, #tpu.memory_space<vmem_shared>> -> memref<100000xf32, #tpu.memory_space<vmem_shared>>
      tpu.enqueue_indirect_dma source(%dma_start3A_450 : memref<128xf32, #tpu.memory_space<vmem>>) target(%dma_start3A_455 : memref<100000xf32, #tpu.memory_space<vmem_shared>>) offsets(%dma_start3A_453 : memref<128xi32, #tpu.memory_space<vmem>>) semaphore(%arg14 : memref<!tpu.dma_semaphore, #tpu.memory_space<semaphore_mem>>) {add = true}
      %dma_start3A_456 = arith.constant 0 : i32
      %dma_start3A_457 = arith.constant 3 : i32
      %dma_start3A_458 = arith.constant 2 : i32
      %dma_start3A_459 = arith.constant 0 : i32
      %dma_start3A_460 = arith.constant 3 : i32
      %dma_start3A_461 = arith.constant 0 : i32
      %dma_start3A_462 = arith.constant 0 : i32
      %dma_start3A_463 = tpu.memref_slice %arg6[%dma_start3A_456, %dma_start3A_457, %dma_start3A_458, %dma_start3A_462] : memref<2x8x4x128xf32, #tpu.memory_space<vmem>> -> memref<1x1x1x128xf32, #tpu.memory_space<vmem>>
      %dma_start3A_464 = tpu.memref_squeeze %dma_start3A_463 : memref<1x1x1x128xf32, #tpu.memory_space<vmem>> -> memref<128xf32, #tpu.memory_space<vmem>>
      %dma_start3A_465 = arith.constant 0 : i32
      %dma_start3A_466 = tpu.memref_slice %arg5[%dma_start3A_459, %dma_start3A_460, %dma_start3A_461, %dma_start3A_465] : memref<2x8x1x128xi32, #tpu.memory_space<vmem>> -> memref<1x1x1x128xi32, #tpu.memory_space<vmem>>
      %dma_start3A_467 = tpu.memref_squeeze %dma_start3A_466 : memref<1x1x1x128xi32, #tpu.memory_space<vmem>> -> memref<128xi32, #tpu.memory_space<vmem>>
      %dma_start3A_468 = arith.constant 0 : i32
      %dma_start3A_469 = tpu.memref_slice %arg10[%dma_start3A_468] : memref<100000xf32, #tpu.memory_space<vmem_shared>> -> memref<100000xf32, #tpu.memory_space<vmem_shared>>
      tpu.enqueue_indirect_dma source(%dma_start3A_464 : memref<128xf32, #tpu.memory_space<vmem>>) target(%dma_start3A_469 : memref<100000xf32, #tpu.memory_space<vmem_shared>>) offsets(%dma_start3A_467 : memref<128xi32, #tpu.memory_space<vmem>>) semaphore(%arg14 : memref<!tpu.dma_semaphore, #tpu.memory_space<semaphore_mem>>) {add = true}
      %dma_start3A_470 = arith.constant 0 : i32
      %dma_start3A_471 = arith.constant 3 : i32
      %dma_start3A_472 = arith.constant 3 : i32
      %dma_start3A_473 = arith.constant 0 : i32
      %dma_start3A_474 = arith.constant 3 : i32
      %dma_start3A_475 = arith.constant 0 : i32
      %dma_start3A_476 = arith.constant 0 : i32
      %dma_start3A_477 = tpu.memref_slice %arg6[%dma_start3A_470, %dma_start3A_471, %dma_start3A_472, %dma_start3A_476] : memref<2x8x4x128xf32, #tpu.memory_space<vmem>> -> memref<1x1x1x128xf32, #tpu.memory_space<vmem>>
      %dma_start3A_478 = tpu.memref_squeeze %dma_start3A_477 : memref<1x1x1x128xf32, #tpu.memory_space<vmem>> -> memref<128xf32, #tpu.memory_space<vmem>>
      %dma_start3A_479 = arith.constant 0 : i32
      %dma_start3A_480 = tpu.memref_slice %arg5[%dma_start3A_473, %dma_start3A_474, %dma_start3A_475, %dma_start3A_479] : memref<2x8x1x128xi32, #tpu.memory_space<vmem>> -> memref<1x1x1x128xi32, #tpu.memory_space<vmem>>
      %dma_start3A_481 = tpu.memref_squeeze %dma_start3A_480 : memref<1x1x1x128xi32, #tpu.memory_space<vmem>> -> memref<128xi32, #tpu.memory_space<vmem>>
      %dma_start3A_482 = arith.constant 0 : i32
      %dma_start3A_483 = tpu.memref_slice %arg11[%dma_start3A_482] : memref<100000xf32, #tpu.memory_space<vmem_shared>> -> memref<100000xf32, #tpu.memory_space<vmem_shared>>
      tpu.enqueue_indirect_dma source(%dma_start3A_478 : memref<128xf32, #tpu.memory_space<vmem>>) target(%dma_start3A_483 : memref<100000xf32, #tpu.memory_space<vmem_shared>>) offsets(%dma_start3A_481 : memref<128xi32, #tpu.memory_space<vmem>>) semaphore(%arg14 : memref<!tpu.dma_semaphore, #tpu.memory_space<semaphore_mem>>) {add = true}
      %dma_start3A_484 = arith.constant 0 : i32
      %dma_start3A_485 = arith.constant 4 : i32
      %dma_start3A_486 = arith.constant 0 : i32
      %dma_start3A_487 = arith.constant 0 : i32
      %dma_start3A_488 = arith.constant 4 : i32
      %dma_start3A_489 = arith.constant 0 : i32
      %dma_start3A_490 = arith.constant 0 : i32
      %dma_start3A_491 = tpu.memref_slice %arg6[%dma_start3A_484, %dma_start3A_485, %dma_start3A_486, %dma_start3A_490] : memref<2x8x4x128xf32, #tpu.memory_space<vmem>> -> memref<1x1x1x128xf32, #tpu.memory_space<vmem>>
      %dma_start3A_492 = tpu.memref_squeeze %dma_start3A_491 : memref<1x1x1x128xf32, #tpu.memory_space<vmem>> -> memref<128xf32, #tpu.memory_space<vmem>>
      %dma_start3A_493 = arith.constant 0 : i32
      %dma_start3A_494 = tpu.memref_slice %arg5[%dma_start3A_487, %dma_start3A_488, %dma_start3A_489, %dma_start3A_493] : memref<2x8x1x128xi32, #tpu.memory_space<vmem>> -> memref<1x1x1x128xi32, #tpu.memory_space<vmem>>
      %dma_start3A_495 = tpu.memref_squeeze %dma_start3A_494 : memref<1x1x1x128xi32, #tpu.memory_space<vmem>> -> memref<128xi32, #tpu.memory_space<vmem>>
      %dma_start3A_496 = arith.constant 0 : i32
      %dma_start3A_497 = tpu.memref_slice %arg8[%dma_start3A_496] : memref<100000xf32, #tpu.memory_space<vmem_shared>> -> memref<100000xf32, #tpu.memory_space<vmem_shared>>
      tpu.enqueue_indirect_dma source(%dma_start3A_492 : memref<128xf32, #tpu.memory_space<vmem>>) target(%dma_start3A_497 : memref<100000xf32, #tpu.memory_space<vmem_shared>>) offsets(%dma_start3A_495 : memref<128xi32, #tpu.memory_space<vmem>>) semaphore(%arg14 : memref<!tpu.dma_semaphore, #tpu.memory_space<semaphore_mem>>) {add = true}
      %dma_start3A_498 = arith.constant 0 : i32
      %dma_start3A_499 = arith.constant 4 : i32
      %dma_start3A_500 = arith.constant 1 : i32
      %dma_start3A_501 = arith.constant 0 : i32
      %dma_start3A_502 = arith.constant 4 : i32
      %dma_start3A_503 = arith.constant 0 : i32
      %dma_start3A_504 = arith.constant 0 : i32
      %dma_start3A_505 = tpu.memref_slice %arg6[%dma_start3A_498, %dma_start3A_499, %dma_start3A_500, %dma_start3A_504] : memref<2x8x4x128xf32, #tpu.memory_space<vmem>> -> memref<1x1x1x128xf32, #tpu.memory_space<vmem>>
      %dma_start3A_506 = tpu.memref_squeeze %dma_start3A_505 : memref<1x1x1x128xf32, #tpu.memory_space<vmem>> -> memref<128xf32, #tpu.memory_space<vmem>>
      %dma_start3A_507 = arith.constant 0 : i32
      %dma_start3A_508 = tpu.memref_slice %arg5[%dma_start3A_501, %dma_start3A_502, %dma_start3A_503, %dma_start3A_507] : memref<2x8x1x128xi32, #tpu.memory_space<vmem>> -> memref<1x1x1x128xi32, #tpu.memory_space<vmem>>
      %dma_start3A_509 = tpu.memref_squeeze %dma_start3A_508 : memref<1x1x1x128xi32, #tpu.memory_space<vmem>> -> memref<128xi32, #tpu.memory_space<vmem>>
      %dma_start3A_510 = arith.constant 0 : i32
      %dma_start3A_511 = tpu.memref_slice %arg9[%dma_start3A_510] : memref<100000xf32, #tpu.memory_space<vmem_shared>> -> memref<100000xf32, #tpu.memory_space<vmem_shared>>
      tpu.enqueue_indirect_dma source(%dma_start3A_506 : memref<128xf32, #tpu.memory_space<vmem>>) target(%dma_start3A_511 : memref<100000xf32, #tpu.memory_space<vmem_shared>>) offsets(%dma_start3A_509 : memref<128xi32, #tpu.memory_space<vmem>>) semaphore(%arg14 : memref<!tpu.dma_semaphore, #tpu.memory_space<semaphore_mem>>) {add = true}
      %dma_start3A_512 = arith.constant 0 : i32
      %dma_start3A_513 = arith.constant 4 : i32
      %dma_start3A_514 = arith.constant 2 : i32
      %dma_start3A_515 = arith.constant 0 : i32
      %dma_start3A_516 = arith.constant 4 : i32
      %dma_start3A_517 = arith.constant 0 : i32
      %dma_start3A_518 = arith.constant 0 : i32
      %dma_start3A_519 = tpu.memref_slice %arg6[%dma_start3A_512, %dma_start3A_513, %dma_start3A_514, %dma_start3A_518] : memref<2x8x4x128xf32, #tpu.memory_space<vmem>> -> memref<1x1x1x128xf32, #tpu.memory_space<vmem>>
      %dma_start3A_520 = tpu.memref_squeeze %dma_start3A_519 : memref<1x1x1x128xf32, #tpu.memory_space<vmem>> -> memref<128xf32, #tpu.memory_space<vmem>>
      %dma_start3A_521 = arith.constant 0 : i32
      %dma_start3A_522 = tpu.memref_slice %arg5[%dma_start3A_515, %dma_start3A_516, %dma_start3A_517, %dma_start3A_521] : memref<2x8x1x128xi32, #tpu.memory_space<vmem>> -> memref<1x1x1x128xi32, #tpu.memory_space<vmem>>
      %dma_start3A_523 = tpu.memref_squeeze %dma_start3A_522 : memref<1x1x1x128xi32, #tpu.memory_space<vmem>> -> memref<128xi32, #tpu.memory_space<vmem>>
      %dma_start3A_524 = arith.constant 0 : i32
      %dma_start3A_525 = tpu.memref_slice %arg10[%dma_start3A_524] : memref<100000xf32, #tpu.memory_space<vmem_shared>> -> memref<100000xf32, #tpu.memory_space<vmem_shared>>
      tpu.enqueue_indirect_dma source(%dma_start3A_520 : memref<128xf32, #tpu.memory_space<vmem>>) target(%dma_start3A_525 : memref<100000xf32, #tpu.memory_space<vmem_shared>>) offsets(%dma_start3A_523 : memref<128xi32, #tpu.memory_space<vmem>>) semaphore(%arg14 : memref<!tpu.dma_semaphore, #tpu.memory_space<semaphore_mem>>) {add = true}
      %dma_start3A_526 = arith.constant 0 : i32
      %dma_start3A_527 = arith.constant 4 : i32
      %dma_start3A_528 = arith.constant 3 : i32
      %dma_start3A_529 = arith.constant 0 : i32
      %dma_start3A_530 = arith.constant 4 : i32
      %dma_start3A_531 = arith.constant 0 : i32
      %dma_start3A_532 = arith.constant 0 : i32
      %dma_start3A_533 = tpu.memref_slice %arg6[%dma_start3A_526, %dma_start3A_527, %dma_start3A_528, %dma_start3A_532] : memref<2x8x4x128xf32, #tpu.memory_space<vmem>> -> memref<1x1x1x128xf32, #tpu.memory_space<vmem>>
      %dma_start3A_534 = tpu.memref_squeeze %dma_start3A_533 : memref<1x1x1x128xf32, #tpu.memory_space<vmem>> -> memref<128xf32, #tpu.memory_space<vmem>>
      %dma_start3A_535 = arith.constant 0 : i32
      %dma_start3A_536 = tpu.memref_slice %arg5[%dma_start3A_529, %dma_start3A_530, %dma_start3A_531, %dma_start3A_535] : memref<2x8x1x128xi32, #tpu.memory_space<vmem>> -> memref<1x1x1x128xi32, #tpu.memory_space<vmem>>
      %dma_start3A_537 = tpu.memref_squeeze %dma_start3A_536 : memref<1x1x1x128xi32, #tpu.memory_space<vmem>> -> memref<128xi32, #tpu.memory_space<vmem>>
      %dma_start3A_538 = arith.constant 0 : i32
      %dma_start3A_539 = tpu.memref_slice %arg11[%dma_start3A_538] : memref<100000xf32, #tpu.memory_space<vmem_shared>> -> memref<100000xf32, #tpu.memory_space<vmem_shared>>
      tpu.enqueue_indirect_dma source(%dma_start3A_534 : memref<128xf32, #tpu.memory_space<vmem>>) target(%dma_start3A_539 : memref<100000xf32, #tpu.memory_space<vmem_shared>>) offsets(%dma_start3A_537 : memref<128xi32, #tpu.memory_space<vmem>>) semaphore(%arg14 : memref<!tpu.dma_semaphore, #tpu.memory_space<semaphore_mem>>) {add = true}
      %dma_start3A_540 = arith.constant 0 : i32
      %dma_start3A_541 = arith.constant 5 : i32
      %dma_start3A_542 = arith.constant 0 : i32
      %dma_start3A_543 = arith.constant 0 : i32
      %dma_start3A_544 = arith.constant 5 : i32
      %dma_start3A_545 = arith.constant 0 : i32
      %dma_start3A_546 = arith.constant 0 : i32
      %dma_start3A_547 = tpu.memref_slice %arg6[%dma_start3A_540, %dma_start3A_541, %dma_start3A_542, %dma_start3A_546] : memref<2x8x4x128xf32, #tpu.memory_space<vmem>> -> memref<1x1x1x128xf32, #tpu.memory_space<vmem>>
      %dma_start3A_548 = tpu.memref_squeeze %dma_start3A_547 : memref<1x1x1x128xf32, #tpu.memory_space<vmem>> -> memref<128xf32, #tpu.memory_space<vmem>>
      %dma_start3A_549 = arith.constant 0 : i32
      %dma_start3A_550 = tpu.memref_slice %arg5[%dma_start3A_543, %dma_start3A_544, %dma_start3A_545, %dma_start3A_549] : memref<2x8x1x128xi32, #tpu.memory_space<vmem>> -> memref<1x1x1x128xi32, #tpu.memory_space<vmem>>
      %dma_start3A_551 = tpu.memref_squeeze %dma_start3A_550 : memref<1x1x1x128xi32, #tpu.memory_space<vmem>> -> memref<128xi32, #tpu.memory_space<vmem>>
      %dma_start3A_552 = arith.constant 0 : i32
      %dma_start3A_553 = tpu.memref_slice %arg8[%dma_start3A_552] : memref<100000xf32, #tpu.memory_space<vmem_shared>> -> memref<100000xf32, #tpu.memory_space<vmem_shared>>
      tpu.enqueue_indirect_dma source(%dma_start3A_548 : memref<128xf32, #tpu.memory_space<vmem>>) target(%dma_start3A_553 : memref<100000xf32, #tpu.memory_space<vmem_shared>>) offsets(%dma_start3A_551 : memref<128xi32, #tpu.memory_space<vmem>>) semaphore(%arg14 : memref<!tpu.dma_semaphore, #tpu.memory_space<semaphore_mem>>) {add = true}
      %dma_start3A_554 = arith.constant 0 : i32
      %dma_start3A_555 = arith.constant 5 : i32
      %dma_start3A_556 = arith.constant 1 : i32
      %dma_start3A_557 = arith.constant 0 : i32
      %dma_start3A_558 = arith.constant 5 : i32
      %dma_start3A_559 = arith.constant 0 : i32
      %dma_start3A_560 = arith.constant 0 : i32
      %dma_start3A_561 = tpu.memref_slice %arg6[%dma_start3A_554, %dma_start3A_555, %dma_start3A_556, %dma_start3A_560] : memref<2x8x4x128xf32, #tpu.memory_space<vmem>> -> memref<1x1x1x128xf32, #tpu.memory_space<vmem>>
      %dma_start3A_562 = tpu.memref_squeeze %dma_start3A_561 : memref<1x1x1x128xf32, #tpu.memory_space<vmem>> -> memref<128xf32, #tpu.memory_space<vmem>>
      %dma_start3A_563 = arith.constant 0 : i32
      %dma_start3A_564 = tpu.memref_slice %arg5[%dma_start3A_557, %dma_start3A_558, %dma_start3A_559, %dma_start3A_563] : memref<2x8x1x128xi32, #tpu.memory_space<vmem>> -> memref<1x1x1x128xi32, #tpu.memory_space<vmem>>
      %dma_start3A_565 = tpu.memref_squeeze %dma_start3A_564 : memref<1x1x1x128xi32, #tpu.memory_space<vmem>> -> memref<128xi32, #tpu.memory_space<vmem>>
      %dma_start3A_566 = arith.constant 0 : i32
      %dma_start3A_567 = tpu.memref_slice %arg9[%dma_start3A_566] : memref<100000xf32, #tpu.memory_space<vmem_shared>> -> memref<100000xf32, #tpu.memory_space<vmem_shared>>
      tpu.enqueue_indirect_dma source(%dma_start3A_562 : memref<128xf32, #tpu.memory_space<vmem>>) target(%dma_start3A_567 : memref<100000xf32, #tpu.memory_space<vmem_shared>>) offsets(%dma_start3A_565 : memref<128xi32, #tpu.memory_space<vmem>>) semaphore(%arg14 : memref<!tpu.dma_semaphore, #tpu.memory_space<semaphore_mem>>) {add = true}
      %dma_start3A_568 = arith.constant 0 : i32
      %dma_start3A_569 = arith.constant 5 : i32
      %dma_start3A_570 = arith.constant 2 : i32
      %dma_start3A_571 = arith.constant 0 : i32
      %dma_start3A_572 = arith.constant 5 : i32
      %dma_start3A_573 = arith.constant 0 : i32
      %dma_start3A_574 = arith.constant 0 : i32
      %dma_start3A_575 = tpu.memref_slice %arg6[%dma_start3A_568, %dma_start3A_569, %dma_start3A_570, %dma_start3A_574] : memref<2x8x4x128xf32, #tpu.memory_space<vmem>> -> memref<1x1x1x128xf32, #tpu.memory_space<vmem>>
      %dma_start3A_576 = tpu.memref_squeeze %dma_start3A_575 : memref<1x1x1x128xf32, #tpu.memory_space<vmem>> -> memref<128xf32, #tpu.memory_space<vmem>>
      %dma_start3A_577 = arith.constant 0 : i32
      %dma_start3A_578 = tpu.memref_slice %arg5[%dma_start3A_571, %dma_start3A_572, %dma_start3A_573, %dma_start3A_577] : memref<2x8x1x128xi32, #tpu.memory_space<vmem>> -> memref<1x1x1x128xi32, #tpu.memory_space<vmem>>
      %dma_start3A_579 = tpu.memref_squeeze %dma_start3A_578 : memref<1x1x1x128xi32, #tpu.memory_space<vmem>> -> memref<128xi32, #tpu.memory_space<vmem>>
      %dma_start3A_580 = arith.constant 0 : i32
      %dma_start3A_581 = tpu.memref_slice %arg10[%dma_start3A_580] : memref<100000xf32, #tpu.memory_space<vmem_shared>> -> memref<100000xf32, #tpu.memory_space<vmem_shared>>
      tpu.enqueue_indirect_dma source(%dma_start3A_576 : memref<128xf32, #tpu.memory_space<vmem>>) target(%dma_start3A_581 : memref<100000xf32, #tpu.memory_space<vmem_shared>>) offsets(%dma_start3A_579 : memref<128xi32, #tpu.memory_space<vmem>>) semaphore(%arg14 : memref<!tpu.dma_semaphore, #tpu.memory_space<semaphore_mem>>) {add = true}
      %dma_start3A_582 = arith.constant 0 : i32
      %dma_start3A_583 = arith.constant 5 : i32
      %dma_start3A_584 = arith.constant 3 : i32
      %dma_start3A_585 = arith.constant 0 : i32
      %dma_start3A_586 = arith.constant 5 : i32
      %dma_start3A_587 = arith.constant 0 : i32
      %dma_start3A_588 = arith.constant 0 : i32
      %dma_start3A_589 = tpu.memref_slice %arg6[%dma_start3A_582, %dma_start3A_583, %dma_start3A_584, %dma_start3A_588] : memref<2x8x4x128xf32, #tpu.memory_space<vmem>> -> memref<1x1x1x128xf32, #tpu.memory_space<vmem>>
      %dma_start3A_590 = tpu.memref_squeeze %dma_start3A_589 : memref<1x1x1x128xf32, #tpu.memory_space<vmem>> -> memref<128xf32, #tpu.memory_space<vmem>>
      %dma_start3A_591 = arith.constant 0 : i32
      %dma_start3A_592 = tpu.memref_slice %arg5[%dma_start3A_585, %dma_start3A_586, %dma_start3A_587, %dma_start3A_591] : memref<2x8x1x128xi32, #tpu.memory_space<vmem>> -> memref<1x1x1x128xi32, #tpu.memory_space<vmem>>
      %dma_start3A_593 = tpu.memref_squeeze %dma_start3A_592 : memref<1x1x1x128xi32, #tpu.memory_space<vmem>> -> memref<128xi32, #tpu.memory_space<vmem>>
      %dma_start3A_594 = arith.constant 0 : i32
      %dma_start3A_595 = tpu.memref_slice %arg11[%dma_start3A_594] : memref<100000xf32, #tpu.memory_space<vmem_shared>> -> memref<100000xf32, #tpu.memory_space<vmem_shared>>
      tpu.enqueue_indirect_dma source(%dma_start3A_590 : memref<128xf32, #tpu.memory_space<vmem>>) target(%dma_start3A_595 : memref<100000xf32, #tpu.memory_space<vmem_shared>>) offsets(%dma_start3A_593 : memref<128xi32, #tpu.memory_space<vmem>>) semaphore(%arg14 : memref<!tpu.dma_semaphore, #tpu.memory_space<semaphore_mem>>) {add = true}
      %dma_start3A_596 = arith.constant 0 : i32
      %dma_start3A_597 = arith.constant 6 : i32
      %dma_start3A_598 = arith.constant 0 : i32
      %dma_start3A_599 = arith.constant 0 : i32
      %dma_start3A_600 = arith.constant 6 : i32
      %dma_start3A_601 = arith.constant 0 : i32
      %dma_start3A_602 = arith.constant 0 : i32
      %dma_start3A_603 = tpu.memref_slice %arg6[%dma_start3A_596, %dma_start3A_597, %dma_start3A_598, %dma_start3A_602] : memref<2x8x4x128xf32, #tpu.memory_space<vmem>> -> memref<1x1x1x128xf32, #tpu.memory_space<vmem>>
      %dma_start3A_604 = tpu.memref_squeeze %dma_start3A_603 : memref<1x1x1x128xf32, #tpu.memory_space<vmem>> -> memref<128xf32, #tpu.memory_space<vmem>>
      %dma_start3A_605 = arith.constant 0 : i32
      %dma_start3A_606 = tpu.memref_slice %arg5[%dma_start3A_599, %dma_start3A_600, %dma_start3A_601, %dma_start3A_605] : memref<2x8x1x128xi32, #tpu.memory_space<vmem>> -> memref<1x1x1x128xi32, #tpu.memory_space<vmem>>
      %dma_start3A_607 = tpu.memref_squeeze %dma_start3A_606 : memref<1x1x1x128xi32, #tpu.memory_space<vmem>> -> memref<128xi32, #tpu.memory_space<vmem>>
      %dma_start3A_608 = arith.constant 0 : i32
      %dma_start3A_609 = tpu.memref_slice %arg8[%dma_start3A_608] : memref<100000xf32, #tpu.memory_space<vmem_shared>> -> memref<100000xf32, #tpu.memory_space<vmem_shared>>
      tpu.enqueue_indirect_dma source(%dma_start3A_604 : memref<128xf32, #tpu.memory_space<vmem>>) target(%dma_start3A_609 : memref<100000xf32, #tpu.memory_space<vmem_shared>>) offsets(%dma_start3A_607 : memref<128xi32, #tpu.memory_space<vmem>>) semaphore(%arg14 : memref<!tpu.dma_semaphore, #tpu.memory_space<semaphore_mem>>) {add = true}
      %dma_start3A_610 = arith.constant 0 : i32
      %dma_start3A_611 = arith.constant 6 : i32
      %dma_start3A_612 = arith.constant 1 : i32
      %dma_start3A_613 = arith.constant 0 : i32
      %dma_start3A_614 = arith.constant 6 : i32
      %dma_start3A_615 = arith.constant 0 : i32
      %dma_start3A_616 = arith.constant 0 : i32
      %dma_start3A_617 = tpu.memref_slice %arg6[%dma_start3A_610, %dma_start3A_611, %dma_start3A_612, %dma_start3A_616] : memref<2x8x4x128xf32, #tpu.memory_space<vmem>> -> memref<1x1x1x128xf32, #tpu.memory_space<vmem>>
      %dma_start3A_618 = tpu.memref_squeeze %dma_start3A_617 : memref<1x1x1x128xf32, #tpu.memory_space<vmem>> -> memref<128xf32, #tpu.memory_space<vmem>>
      %dma_start3A_619 = arith.constant 0 : i32
      %dma_start3A_620 = tpu.memref_slice %arg5[%dma_start3A_613, %dma_start3A_614, %dma_start3A_615, %dma_start3A_619] : memref<2x8x1x128xi32, #tpu.memory_space<vmem>> -> memref<1x1x1x128xi32, #tpu.memory_space<vmem>>
      %dma_start3A_621 = tpu.memref_squeeze %dma_start3A_620 : memref<1x1x1x128xi32, #tpu.memory_space<vmem>> -> memref<128xi32, #tpu.memory_space<vmem>>
      %dma_start3A_622 = arith.constant 0 : i32
      %dma_start3A_623 = tpu.memref_slice %arg9[%dma_start3A_622] : memref<100000xf32, #tpu.memory_space<vmem_shared>> -> memref<100000xf32, #tpu.memory_space<vmem_shared>>
      tpu.enqueue_indirect_dma source(%dma_start3A_618 : memref<128xf32, #tpu.memory_space<vmem>>) target(%dma_start3A_623 : memref<100000xf32, #tpu.memory_space<vmem_shared>>) offsets(%dma_start3A_621 : memref<128xi32, #tpu.memory_space<vmem>>) semaphore(%arg14 : memref<!tpu.dma_semaphore, #tpu.memory_space<semaphore_mem>>) {add = true}
      %dma_start3A_624 = arith.constant 0 : i32
      %dma_start3A_625 = arith.constant 6 : i32
      %dma_start3A_626 = arith.constant 2 : i32
      %dma_start3A_627 = arith.constant 0 : i32
      %dma_start3A_628 = arith.constant 6 : i32
      %dma_start3A_629 = arith.constant 0 : i32
      %dma_start3A_630 = arith.constant 0 : i32
      %dma_start3A_631 = tpu.memref_slice %arg6[%dma_start3A_624, %dma_start3A_625, %dma_start3A_626, %dma_start3A_630] : memref<2x8x4x128xf32, #tpu.memory_space<vmem>> -> memref<1x1x1x128xf32, #tpu.memory_space<vmem>>
      %dma_start3A_632 = tpu.memref_squeeze %dma_start3A_631 : memref<1x1x1x128xf32, #tpu.memory_space<vmem>> -> memref<128xf32, #tpu.memory_space<vmem>>
      %dma_start3A_633 = arith.constant 0 : i32
      %dma_start3A_634 = tpu.memref_slice %arg5[%dma_start3A_627, %dma_start3A_628, %dma_start3A_629, %dma_start3A_633] : memref<2x8x1x128xi32, #tpu.memory_space<vmem>> -> memref<1x1x1x128xi32, #tpu.memory_space<vmem>>
      %dma_start3A_635 = tpu.memref_squeeze %dma_start3A_634 : memref<1x1x1x128xi32, #tpu.memory_space<vmem>> -> memref<128xi32, #tpu.memory_space<vmem>>
      %dma_start3A_636 = arith.constant 0 : i32
      %dma_start3A_637 = tpu.memref_slice %arg10[%dma_start3A_636] : memref<100000xf32, #tpu.memory_space<vmem_shared>> -> memref<100000xf32, #tpu.memory_space<vmem_shared>>
      tpu.enqueue_indirect_dma source(%dma_start3A_632 : memref<128xf32, #tpu.memory_space<vmem>>) target(%dma_start3A_637 : memref<100000xf32, #tpu.memory_space<vmem_shared>>) offsets(%dma_start3A_635 : memref<128xi32, #tpu.memory_space<vmem>>) semaphore(%arg14 : memref<!tpu.dma_semaphore, #tpu.memory_space<semaphore_mem>>) {add = true}
      %dma_start3A_638 = arith.constant 0 : i32
      %dma_start3A_639 = arith.constant 6 : i32
      %dma_start3A_640 = arith.constant 3 : i32
      %dma_start3A_641 = arith.constant 0 : i32
      %dma_start3A_642 = arith.constant 6 : i32
      %dma_start3A_643 = arith.constant 0 : i32
      %dma_start3A_644 = arith.constant 0 : i32
      %dma_start3A_645 = tpu.memref_slice %arg6[%dma_start3A_638, %dma_start3A_639, %dma_start3A_640, %dma_start3A_644] : memref<2x8x4x128xf32, #tpu.memory_space<vmem>> -> memref<1x1x1x128xf32, #tpu.memory_space<vmem>>
      %dma_start3A_646 = tpu.memref_squeeze %dma_start3A_645 : memref<1x1x1x128xf32, #tpu.memory_space<vmem>> -> memref<128xf32, #tpu.memory_space<vmem>>
      %dma_start3A_647 = arith.constant 0 : i32
      %dma_start3A_648 = tpu.memref_slice %arg5[%dma_start3A_641, %dma_start3A_642, %dma_start3A_643, %dma_start3A_647] : memref<2x8x1x128xi32, #tpu.memory_space<vmem>> -> memref<1x1x1x128xi32, #tpu.memory_space<vmem>>
      %dma_start3A_649 = tpu.memref_squeeze %dma_start3A_648 : memref<1x1x1x128xi32, #tpu.memory_space<vmem>> -> memref<128xi32, #tpu.memory_space<vmem>>
      %dma_start3A_650 = arith.constant 0 : i32
      %dma_start3A_651 = tpu.memref_slice %arg11[%dma_start3A_650] : memref<100000xf32, #tpu.memory_space<vmem_shared>> -> memref<100000xf32, #tpu.memory_space<vmem_shared>>
      tpu.enqueue_indirect_dma source(%dma_start3A_646 : memref<128xf32, #tpu.memory_space<vmem>>) target(%dma_start3A_651 : memref<100000xf32, #tpu.memory_space<vmem_shared>>) offsets(%dma_start3A_649 : memref<128xi32, #tpu.memory_space<vmem>>) semaphore(%arg14 : memref<!tpu.dma_semaphore, #tpu.memory_space<semaphore_mem>>) {add = true}
      %dma_start3A_652 = arith.constant 0 : i32
      %dma_start3A_653 = arith.constant 7 : i32
      %dma_start3A_654 = arith.constant 0 : i32
      %dma_start3A_655 = arith.constant 0 : i32
      %dma_start3A_656 = arith.constant 7 : i32
      %dma_start3A_657 = arith.constant 0 : i32
      %dma_start3A_658 = arith.constant 0 : i32
      %dma_start3A_659 = tpu.memref_slice %arg6[%dma_start3A_652, %dma_start3A_653, %dma_start3A_654, %dma_start3A_658] : memref<2x8x4x128xf32, #tpu.memory_space<vmem>> -> memref<1x1x1x128xf32, #tpu.memory_space<vmem>>
      %dma_start3A_660 = tpu.memref_squeeze %dma_start3A_659 : memref<1x1x1x128xf32, #tpu.memory_space<vmem>> -> memref<128xf32, #tpu.memory_space<vmem>>
      %dma_start3A_661 = arith.constant 0 : i32
      %dma_start3A_662 = tpu.memref_slice %arg5[%dma_start3A_655, %dma_start3A_656, %dma_start3A_657, %dma_start3A_661] : memref<2x8x1x128xi32, #tpu.memory_space<vmem>> -> memref<1x1x1x128xi32, #tpu.memory_space<vmem>>
      %dma_start3A_663 = tpu.memref_squeeze %dma_start3A_662 : memref<1x1x1x128xi32, #tpu.memory_space<vmem>> -> memref<128xi32, #tpu.memory_space<vmem>>
      %dma_start3A_664 = arith.constant 0 : i32
      %dma_start3A_665 = tpu.memref_slice %arg8[%dma_start3A_664] : memref<100000xf32, #tpu.memory_space<vmem_shared>> -> memref<100000xf32, #tpu.memory_space<vmem_shared>>
      tpu.enqueue_indirect_dma source(%dma_start3A_660 : memref<128xf32, #tpu.memory_space<vmem>>) target(%dma_start3A_665 : memref<100000xf32, #tpu.memory_space<vmem_shared>>) offsets(%dma_start3A_663 : memref<128xi32, #tpu.memory_space<vmem>>) semaphore(%arg14 : memref<!tpu.dma_semaphore, #tpu.memory_space<semaphore_mem>>) {add = true}
      %dma_start3A_666 = arith.constant 0 : i32
      %dma_start3A_667 = arith.constant 7 : i32
      %dma_start3A_668 = arith.constant 1 : i32
      %dma_start3A_669 = arith.constant 0 : i32
      %dma_start3A_670 = arith.constant 7 : i32
      %dma_start3A_671 = arith.constant 0 : i32
      %dma_start3A_672 = arith.constant 0 : i32
      %dma_start3A_673 = tpu.memref_slice %arg6[%dma_start3A_666, %dma_start3A_667, %dma_start3A_668, %dma_start3A_672] : memref<2x8x4x128xf32, #tpu.memory_space<vmem>> -> memref<1x1x1x128xf32, #tpu.memory_space<vmem>>
      %dma_start3A_674 = tpu.memref_squeeze %dma_start3A_673 : memref<1x1x1x128xf32, #tpu.memory_space<vmem>> -> memref<128xf32, #tpu.memory_space<vmem>>
      %dma_start3A_675 = arith.constant 0 : i32
      %dma_start3A_676 = tpu.memref_slice %arg5[%dma_start3A_669, %dma_start3A_670, %dma_start3A_671, %dma_start3A_675] : memref<2x8x1x128xi32, #tpu.memory_space<vmem>> -> memref<1x1x1x128xi32, #tpu.memory_space<vmem>>
      %dma_start3A_677 = tpu.memref_squeeze %dma_start3A_676 : memref<1x1x1x128xi32, #tpu.memory_space<vmem>> -> memref<128xi32, #tpu.memory_space<vmem>>
      %dma_start3A_678 = arith.constant 0 : i32
      %dma_start3A_679 = tpu.memref_slice %arg9[%dma_start3A_678] : memref<100000xf32, #tpu.memory_space<vmem_shared>> -> memref<100000xf32, #tpu.memory_space<vmem_shared>>
      tpu.enqueue_indirect_dma source(%dma_start3A_674 : memref<128xf32, #tpu.memory_space<vmem>>) target(%dma_start3A_679 : memref<100000xf32, #tpu.memory_space<vmem_shared>>) offsets(%dma_start3A_677 : memref<128xi32, #tpu.memory_space<vmem>>) semaphore(%arg14 : memref<!tpu.dma_semaphore, #tpu.memory_space<semaphore_mem>>) {add = true}
      %dma_start3A_680 = arith.constant 0 : i32
      %dma_start3A_681 = arith.constant 7 : i32
      %dma_start3A_682 = arith.constant 2 : i32
      %dma_start3A_683 = arith.constant 0 : i32
      %dma_start3A_684 = arith.constant 7 : i32
      %dma_start3A_685 = arith.constant 0 : i32
      %dma_start3A_686 = arith.constant 0 : i32
      %dma_start3A_687 = tpu.memref_slice %arg6[%dma_start3A_680, %dma_start3A_681, %dma_start3A_682, %dma_start3A_686] : memref<2x8x4x128xf32, #tpu.memory_space<vmem>> -> memref<1x1x1x128xf32, #tpu.memory_space<vmem>>
      %dma_start3A_688 = tpu.memref_squeeze %dma_start3A_687 : memref<1x1x1x128xf32, #tpu.memory_space<vmem>> -> memref<128xf32, #tpu.memory_space<vmem>>
      %dma_start3A_689 = arith.constant 0 : i32
      %dma_start3A_690 = tpu.memref_slice %arg5[%dma_start3A_683, %dma_start3A_684, %dma_start3A_685, %dma_start3A_689] : memref<2x8x1x128xi32, #tpu.memory_space<vmem>> -> memref<1x1x1x128xi32, #tpu.memory_space<vmem>>
      %dma_start3A_691 = tpu.memref_squeeze %dma_start3A_690 : memref<1x1x1x128xi32, #tpu.memory_space<vmem>> -> memref<128xi32, #tpu.memory_space<vmem>>
      %dma_start3A_692 = arith.constant 0 : i32
      %dma_start3A_693 = tpu.memref_slice %arg10[%dma_start3A_692] : memref<100000xf32, #tpu.memory_space<vmem_shared>> -> memref<100000xf32, #tpu.memory_space<vmem_shared>>
      tpu.enqueue_indirect_dma source(%dma_start3A_688 : memref<128xf32, #tpu.memory_space<vmem>>) target(%dma_start3A_693 : memref<100000xf32, #tpu.memory_space<vmem_shared>>) offsets(%dma_start3A_691 : memref<128xi32, #tpu.memory_space<vmem>>) semaphore(%arg14 : memref<!tpu.dma_semaphore, #tpu.memory_space<semaphore_mem>>) {add = true}
      %dma_start3A_694 = arith.constant 0 : i32
      %dma_start3A_695 = arith.constant 7 : i32
      %dma_start3A_696 = arith.constant 3 : i32
      %dma_start3A_697 = arith.constant 0 : i32
      %dma_start3A_698 = arith.constant 7 : i32
      %dma_start3A_699 = arith.constant 0 : i32
      %dma_start3A_700 = arith.constant 0 : i32
      %dma_start3A_701 = tpu.memref_slice %arg6[%dma_start3A_694, %dma_start3A_695, %dma_start3A_696, %dma_start3A_700] : memref<2x8x4x128xf32, #tpu.memory_space<vmem>> -> memref<1x1x1x128xf32, #tpu.memory_space<vmem>>
      %dma_start3A_702 = tpu.memref_squeeze %dma_start3A_701 : memref<1x1x1x128xf32, #tpu.memory_space<vmem>> -> memref<128xf32, #tpu.memory_space<vmem>>
      %dma_start3A_703 = arith.constant 0 : i32
      %dma_start3A_704 = tpu.memref_slice %arg5[%dma_start3A_697, %dma_start3A_698, %dma_start3A_699, %dma_start3A_703] : memref<2x8x1x128xi32, #tpu.memory_space<vmem>> -> memref<1x1x1x128xi32, #tpu.memory_space<vmem>>
      %dma_start3A_705 = tpu.memref_squeeze %dma_start3A_704 : memref<1x1x1x128xi32, #tpu.memory_space<vmem>> -> memref<128xi32, #tpu.memory_space<vmem>>
      %dma_start3A_706 = arith.constant 0 : i32
      %dma_start3A_707 = tpu.memref_slice %arg11[%dma_start3A_706] : memref<100000xf32, #tpu.memory_space<vmem_shared>> -> memref<100000xf32, #tpu.memory_space<vmem_shared>>
      tpu.enqueue_indirect_dma source(%dma_start3A_702 : memref<128xf32, #tpu.memory_space<vmem>>) target(%dma_start3A_707 : memref<100000xf32, #tpu.memory_space<vmem_shared>>) offsets(%dma_start3A_705 : memref<128xi32, #tpu.memory_space<vmem>>) semaphore(%arg14 : memref<!tpu.dma_semaphore, #tpu.memory_space<semaphore_mem>>) {add = true}
      %dma_wait3A_708 = arith.constant 1 : i32
      %dma_wait3A_709 = arith.constant 0 : i32
      %dma_wait3A_710 = arith.constant 0 : i32
      %dma_wait3A_711 = arith.constant 0 : i32
      %dma_wait3A_712 = tpu.memref_slice %arg5[%dma_wait3A_708, %dma_wait3A_709, %dma_wait3A_710, %dma_wait3A_711] : memref<2x8x1x128xi32, #tpu.memory_space<vmem>> -> memref<1x8x1x128xi32, #tpu.memory_space<vmem>>
      %dma_wait3A_713 = tpu.memref_squeeze %dma_wait3A_712 : memref<1x8x1x128xi32, #tpu.memory_space<vmem>> -> memref<8x1x128xi32, #tpu.memory_space<vmem>>
      %dma_wait3A_714 = arith.constant 0 : i32
      %dma_wait3A_715 = arith.constant 1 : i32
      %dma_wait3A_716 = arith.constant 0 : i32
      %dma_wait3A_717 = tpu.memref_slice %arg2[%dma_wait3A_714, %dma_wait3A_715, %dma_wait3A_716] : memref<50000x2x128xi32, #tpu.memory_space<hbm>> -> memref<8x1x128xi32, #tpu.memory_space<hbm>>
      %dma_wait3A_718 = arith.constant 0 : i32
      %dma_wait3A_719 = arith.constant 0 : i32
      %dma_wait3A_720 = arith.constant 0 : i32
      %dma_wait3A_721 = tpu.memref_slice %arg5[%dma_wait3A_708, %dma_wait3A_718, %dma_wait3A_719, %dma_wait3A_720] : memref<2x8x1x128xi32, #tpu.memory_space<vmem>> -> memref<1x8x1x128xi32, #tpu.memory_space<vmem>>
      %dma_wait3A_722 = tpu.memref_squeeze %dma_wait3A_721 : memref<1x8x1x128xi32, #tpu.memory_space<vmem>> -> memref<8x1x128xi32, #tpu.memory_space<vmem>>
      %dma_wait3A_723 = arith.constant 0 : i32
      %dma_wait3A_724 = arith.constant 1 : i32
      %dma_wait3A_725 = arith.constant 0 : i32
      %dma_wait3A_726 = tpu.memref_slice %arg2[%dma_wait3A_723, %dma_wait3A_724, %dma_wait3A_725] : memref<50000x2x128xi32, #tpu.memory_space<hbm>> -> memref<8x1x128xi32, #tpu.memory_space<hbm>>
      tpu.wait_dma2 semaphore(%arg13 : memref<!tpu.dma_semaphore, #tpu.memory_space<semaphore_mem>>) src(%dma_wait3A_726 : memref<8x1x128xi32, #tpu.memory_space<hbm>>) dst(%dma_wait3A_722 : memref<8x1x128xi32, #tpu.memory_space<vmem>>)
      %dma_wait3A_727 = arith.constant 1 : i32
      %dma_wait3A_728 = arith.constant 0 : i32
      %dma_wait3A_729 = arith.constant 0 : i32
      %dma_wait3A_730 = arith.constant 0 : i32
      %dma_wait3A_731 = tpu.memref_slice %arg6[%dma_wait3A_727, %dma_wait3A_728, %dma_wait3A_729, %dma_wait3A_730] : memref<2x8x4x128xf32, #tpu.memory_space<vmem>> -> memref<1x8x4x128xf32, #tpu.memory_space<vmem>>
      %dma_wait3A_732 = tpu.memref_squeeze %dma_wait3A_731 : memref<1x8x4x128xf32, #tpu.memory_space<vmem>> -> memref<8x4x128xf32, #tpu.memory_space<vmem>>
      %dma_wait3A_733 = arith.constant 0 : i32
      %dma_wait3A_734 = arith.constant 0 : i32
      %dma_wait3A_735 = arith.constant 0 : i32
      %dma_wait3A_736 = tpu.memref_slice %arg3[%dma_wait3A_733, %dma_wait3A_734, %dma_wait3A_735] : memref<50000x4x128xf32, #tpu.memory_space<hbm>> -> memref<8x4x128xf32, #tpu.memory_space<hbm>>
      %dma_wait3A_737 = arith.constant 0 : i32
      %dma_wait3A_738 = arith.constant 0 : i32
      %dma_wait3A_739 = arith.constant 0 : i32
      %dma_wait3A_740 = tpu.memref_slice %arg6[%dma_wait3A_727, %dma_wait3A_737, %dma_wait3A_738, %dma_wait3A_739] : memref<2x8x4x128xf32, #tpu.memory_space<vmem>> -> memref<1x8x4x128xf32, #tpu.memory_space<vmem>>
      %dma_wait3A_741 = tpu.memref_squeeze %dma_wait3A_740 : memref<1x8x4x128xf32, #tpu.memory_space<vmem>> -> memref<8x4x128xf32, #tpu.memory_space<vmem>>
      %dma_wait3A_742 = arith.constant 0 : i32
      %dma_wait3A_743 = arith.constant 0 : i32
      %dma_wait3A_744 = arith.constant 0 : i32
      %dma_wait3A_745 = tpu.memref_slice %arg3[%dma_wait3A_742, %dma_wait3A_743, %dma_wait3A_744] : memref<50000x4x128xf32, #tpu.memory_space<hbm>> -> memref<8x4x128xf32, #tpu.memory_space<hbm>>
      tpu.wait_dma2 semaphore(%arg13 : memref<!tpu.dma_semaphore, #tpu.memory_space<semaphore_mem>>) src(%dma_wait3A_745 : memref<8x4x128xf32, #tpu.memory_space<hbm>>) dst(%dma_wait3A_741 : memref<8x4x128xf32, #tpu.memory_space<vmem>>)
      %dma_start3A_746 = arith.constant 1 : i32
      %dma_start3A_747 = arith.constant 0 : i32
      %dma_start3A_748 = arith.constant 0 : i32
      %dma_start3A_749 = arith.constant 1 : i32
      %dma_start3A_750 = arith.constant 0 : i32
      %dma_start3A_751 = arith.constant 0 : i32
      %dma_start3A_752 = arith.constant 0 : i32
      %dma_start3A_753 = tpu.memref_slice %arg6[%dma_start3A_746, %dma_start3A_747, %dma_start3A_748, %dma_start3A_752] : memref<2x8x4x128xf32, #tpu.memory_space<vmem>> -> memref<1x1x1x128xf32, #tpu.memory_space<vmem>>
      %dma_start3A_754 = tpu.memref_squeeze %dma_start3A_753 : memref<1x1x1x128xf32, #tpu.memory_space<vmem>> -> memref<128xf32, #tpu.memory_space<vmem>>
      %dma_start3A_755 = arith.constant 0 : i32
      %dma_start3A_756 = tpu.memref_slice %arg5[%dma_start3A_749, %dma_start3A_750, %dma_start3A_751, %dma_start3A_755] : memref<2x8x1x128xi32, #tpu.memory_space<vmem>> -> memref<1x1x1x128xi32, #tpu.memory_space<vmem>>
      %dma_start3A_757 = tpu.memref_squeeze %dma_start3A_756 : memref<1x1x1x128xi32, #tpu.memory_space<vmem>> -> memref<128xi32, #tpu.memory_space<vmem>>
      %dma_start3A_758 = arith.constant 0 : i32
      %dma_start3A_759 = tpu.memref_slice %arg8[%dma_start3A_758] : memref<100000xf32, #tpu.memory_space<vmem_shared>> -> memref<100000xf32, #tpu.memory_space<vmem_shared>>
      tpu.enqueue_indirect_dma source(%dma_start3A_754 : memref<128xf32, #tpu.memory_space<vmem>>) target(%dma_start3A_759 : memref<100000xf32, #tpu.memory_space<vmem_shared>>) offsets(%dma_start3A_757 : memref<128xi32, #tpu.memory_space<vmem>>) semaphore(%arg15 : memref<!tpu.dma_semaphore, #tpu.memory_space<semaphore_mem>>) {add = true}
      %dma_start3A_760 = arith.constant 1 : i32
      %dma_start3A_761 = arith.constant 0 : i32
      %dma_start3A_762 = arith.constant 1 : i32
      %dma_start3A_763 = arith.constant 1 : i32
      %dma_start3A_764 = arith.constant 0 : i32
      %dma_start3A_765 = arith.constant 0 : i32
      %dma_start3A_766 = arith.constant 0 : i32
      %dma_start3A_767 = tpu.memref_slice %arg6[%dma_start3A_760, %dma_start3A_761, %dma_start3A_762, %dma_start3A_766] : memref<2x8x4x128xf32, #tpu.memory_space<vmem>> -> memref<1x1x1x128xf32, #tpu.memory_space<vmem>>
      %dma_start3A_768 = tpu.memref_squeeze %dma_start3A_767 : memref<1x1x1x128xf32, #tpu.memory_space<vmem>> -> memref<128xf32, #tpu.memory_space<vmem>>
      %dma_start3A_769 = arith.constant 0 : i32
      %dma_start3A_770 = tpu.memref_slice %arg5[%dma_start3A_763, %dma_start3A_764, %dma_start3A_765, %dma_start3A_769] : memref<2x8x1x128xi32, #tpu.memory_space<vmem>> -> memref<1x1x1x128xi32, #tpu.memory_space<vmem>>
      %dma_start3A_771 = tpu.memref_squeeze %dma_start3A_770 : memref<1x1x1x128xi32, #tpu.memory_space<vmem>> -> memref<128xi32, #tpu.memory_space<vmem>>
      %dma_start3A_772 = arith.constant 0 : i32
      %dma_start3A_773 = tpu.memref_slice %arg9[%dma_start3A_772] : memref<100000xf32, #tpu.memory_space<vmem_shared>> -> memref<100000xf32, #tpu.memory_space<vmem_shared>>
      tpu.enqueue_indirect_dma source(%dma_start3A_768 : memref<128xf32, #tpu.memory_space<vmem>>) target(%dma_start3A_773 : memref<100000xf32, #tpu.memory_space<vmem_shared>>) offsets(%dma_start3A_771 : memref<128xi32, #tpu.memory_space<vmem>>) semaphore(%arg15 : memref<!tpu.dma_semaphore, #tpu.memory_space<semaphore_mem>>) {add = true}
      %dma_start3A_774 = arith.constant 1 : i32
      %dma_start3A_775 = arith.constant 0 : i32
      %dma_start3A_776 = arith.constant 2 : i32
      %dma_start3A_777 = arith.constant 1 : i32
      %dma_start3A_778 = arith.constant 0 : i32
      %dma_start3A_779 = arith.constant 0 : i32
      %dma_start3A_780 = arith.constant 0 : i32
      %dma_start3A_781 = tpu.memref_slice %arg6[%dma_start3A_774, %dma_start3A_775, %dma_start3A_776, %dma_start3A_780] : memref<2x8x4x128xf32, #tpu.memory_space<vmem>> -> memref<1x1x1x128xf32, #tpu.memory_space<vmem>>
      %dma_start3A_782 = tpu.memref_squeeze %dma_start3A_781 : memref<1x1x1x128xf32, #tpu.memory_space<vmem>> -> memref<128xf32, #tpu.memory_space<vmem>>
      %dma_start3A_783 = arith.constant 0 : i32
      %dma_start3A_784 = tpu.memref_slice %arg5[%dma_start3A_777, %dma_start3A_778, %dma_start3A_779, %dma_start3A_783] : memref<2x8x1x128xi32, #tpu.memory_space<vmem>> -> memref<1x1x1x128xi32, #tpu.memory_space<vmem>>
      %dma_start3A_785 = tpu.memref_squeeze %dma_start3A_784 : memref<1x1x1x128xi32, #tpu.memory_space<vmem>> -> memref<128xi32, #tpu.memory_space<vmem>>
      %dma_start3A_786 = arith.constant 0 : i32
      %dma_start3A_787 = tpu.memref_slice %arg10[%dma_start3A_786] : memref<100000xf32, #tpu.memory_space<vmem_shared>> -> memref<100000xf32, #tpu.memory_space<vmem_shared>>
      tpu.enqueue_indirect_dma source(%dma_start3A_782 : memref<128xf32, #tpu.memory_space<vmem>>) target(%dma_start3A_787 : memref<100000xf32, #tpu.memory_space<vmem_shared>>) offsets(%dma_start3A_785 : memref<128xi32, #tpu.memory_space<vmem>>) semaphore(%arg15 : memref<!tpu.dma_semaphore, #tpu.memory_space<semaphore_mem>>) {add = true}
      %dma_start3A_788 = arith.constant 1 : i32
      %dma_start3A_789 = arith.constant 0 : i32
      %dma_start3A_790 = arith.constant 3 : i32
      %dma_start3A_791 = arith.constant 1 : i32
      %dma_start3A_792 = arith.constant 0 : i32
      %dma_start3A_793 = arith.constant 0 : i32
      %dma_start3A_794 = arith.constant 0 : i32
      %dma_start3A_795 = tpu.memref_slice %arg6[%dma_start3A_788, %dma_start3A_789, %dma_start3A_790, %dma_start3A_794] : memref<2x8x4x128xf32, #tpu.memory_space<vmem>> -> memref<1x1x1x128xf32, #tpu.memory_space<vmem>>
      %dma_start3A_796 = tpu.memref_squeeze %dma_start3A_795 : memref<1x1x1x128xf32, #tpu.memory_space<vmem>> -> memref<128xf32, #tpu.memory_space<vmem>>
      %dma_start3A_797 = arith.constant 0 : i32
      %dma_start3A_798 = tpu.memref_slice %arg5[%dma_start3A_791, %dma_start3A_792, %dma_start3A_793, %dma_start3A_797] : memref<2x8x1x128xi32, #tpu.memory_space<vmem>> -> memref<1x1x1x128xi32, #tpu.memory_space<vmem>>
      %dma_start3A_799 = tpu.memref_squeeze %dma_start3A_798 : memref<1x1x1x128xi32, #tpu.memory_space<vmem>> -> memref<128xi32, #tpu.memory_space<vmem>>
      %dma_start3A_800 = arith.constant 0 : i32
      %dma_start3A_801 = tpu.memref_slice %arg11[%dma_start3A_800] : memref<100000xf32, #tpu.memory_space<vmem_shared>> -> memref<100000xf32, #tpu.memory_space<vmem_shared>>
      tpu.enqueue_indirect_dma source(%dma_start3A_796 : memref<128xf32, #tpu.memory_space<vmem>>) target(%dma_start3A_801 : memref<100000xf32, #tpu.memory_space<vmem_shared>>) offsets(%dma_start3A_799 : memref<128xi32, #tpu.memory_space<vmem>>) semaphore(%arg15 : memref<!tpu.dma_semaphore, #tpu.memory_space<semaphore_mem>>) {add = true}
      %dma_start3A_802 = arith.constant 1 : i32
      %dma_start3A_803 = arith.constant 1 : i32
      %dma_start3A_804 = arith.constant 0 : i32
      %dma_start3A_805 = arith.constant 1 : i32
      %dma_start3A_806 = arith.constant 1 : i32
      %dma_start3A_807 = arith.constant 0 : i32
      %dma_start3A_808 = arith.constant 0 : i32
      %dma_start3A_809 = tpu.memref_slice %arg6[%dma_start3A_802, %dma_start3A_803, %dma_start3A_804, %dma_start3A_808] : memref<2x8x4x128xf32, #tpu.memory_space<vmem>> -> memref<1x1x1x128xf32, #tpu.memory_space<vmem>>
      %dma_start3A_810 = tpu.memref_squeeze %dma_start3A_809 : memref<1x1x1x128xf32, #tpu.memory_space<vmem>> -> memref<128xf32, #tpu.memory_space<vmem>>
      %dma_start3A_811 = arith.constant 0 : i32
      %dma_start3A_812 = tpu.memref_slice %arg5[%dma_start3A_805, %dma_start3A_806, %dma_start3A_807, %dma_start3A_811] : memref<2x8x1x128xi32, #tpu.memory_space<vmem>> -> memref<1x1x1x128xi32, #tpu.memory_space<vmem>>
      %dma_start3A_813 = tpu.memref_squeeze %dma_start3A_812 : memref<1x1x1x128xi32, #tpu.memory_space<vmem>> -> memref<128xi32, #tpu.memory_space<vmem>>
      %dma_start3A_814 = arith.constant 0 : i32
      %dma_start3A_815 = tpu.memref_slice %arg8[%dma_start3A_814] : memref<100000xf32, #tpu.memory_space<vmem_shared>> -> memref<100000xf32, #tpu.memory_space<vmem_shared>>
      tpu.enqueue_indirect_dma source(%dma_start3A_810 : memref<128xf32, #tpu.memory_space<vmem>>) target(%dma_start3A_815 : memref<100000xf32, #tpu.memory_space<vmem_shared>>) offsets(%dma_start3A_813 : memref<128xi32, #tpu.memory_space<vmem>>) semaphore(%arg15 : memref<!tpu.dma_semaphore, #tpu.memory_space<semaphore_mem>>) {add = true}
      %dma_start3A_816 = arith.constant 1 : i32
      %dma_start3A_817 = arith.constant 1 : i32
      %dma_start3A_818 = arith.constant 1 : i32
      %dma_start3A_819 = arith.constant 1 : i32
      %dma_start3A_820 = arith.constant 1 : i32
      %dma_start3A_821 = arith.constant 0 : i32
      %dma_start3A_822 = arith.constant 0 : i32
      %dma_start3A_823 = tpu.memref_slice %arg6[%dma_start3A_816, %dma_start3A_817, %dma_start3A_818, %dma_start3A_822] : memref<2x8x4x128xf32, #tpu.memory_space<vmem>> -> memref<1x1x1x128xf32, #tpu.memory_space<vmem>>
      %dma_start3A_824 = tpu.memref_squeeze %dma_start3A_823 : memref<1x1x1x128xf32, #tpu.memory_space<vmem>> -> memref<128xf32, #tpu.memory_space<vmem>>
      %dma_start3A_825 = arith.constant 0 : i32
      %dma_start3A_826 = tpu.memref_slice %arg5[%dma_start3A_819, %dma_start3A_820, %dma_start3A_821, %dma_start3A_825] : memref<2x8x1x128xi32, #tpu.memory_space<vmem>> -> memref<1x1x1x128xi32, #tpu.memory_space<vmem>>
      %dma_start3A_827 = tpu.memref_squeeze %dma_start3A_826 : memref<1x1x1x128xi32, #tpu.memory_space<vmem>> -> memref<128xi32, #tpu.memory_space<vmem>>
      %dma_start3A_828 = arith.constant 0 : i32
      %dma_start3A_829 = tpu.memref_slice %arg9[%dma_start3A_828] : memref<100000xf32, #tpu.memory_space<vmem_shared>> -> memref<100000xf32, #tpu.memory_space<vmem_shared>>
      tpu.enqueue_indirect_dma source(%dma_start3A_824 : memref<128xf32, #tpu.memory_space<vmem>>) target(%dma_start3A_829 : memref<100000xf32, #tpu.memory_space<vmem_shared>>) offsets(%dma_start3A_827 : memref<128xi32, #tpu.memory_space<vmem>>) semaphore(%arg15 : memref<!tpu.dma_semaphore, #tpu.memory_space<semaphore_mem>>) {add = true}
      %dma_start3A_830 = arith.constant 1 : i32
      %dma_start3A_831 = arith.constant 1 : i32
      %dma_start3A_832 = arith.constant 2 : i32
      %dma_start3A_833 = arith.constant 1 : i32
      %dma_start3A_834 = arith.constant 1 : i32
      %dma_start3A_835 = arith.constant 0 : i32
      %dma_start3A_836 = arith.constant 0 : i32
      %dma_start3A_837 = tpu.memref_slice %arg6[%dma_start3A_830, %dma_start3A_831, %dma_start3A_832, %dma_start3A_836] : memref<2x8x4x128xf32, #tpu.memory_space<vmem>> -> memref<1x1x1x128xf32, #tpu.memory_space<vmem>>
      %dma_start3A_838 = tpu.memref_squeeze %dma_start3A_837 : memref<1x1x1x128xf32, #tpu.memory_space<vmem>> -> memref<128xf32, #tpu.memory_space<vmem>>
      %dma_start3A_839 = arith.constant 0 : i32
      %dma_start3A_840 = tpu.memref_slice %arg5[%dma_start3A_833, %dma_start3A_834, %dma_start3A_835, %dma_start3A_839] : memref<2x8x1x128xi32, #tpu.memory_space<vmem>> -> memref<1x1x1x128xi32, #tpu.memory_space<vmem>>
      %dma_start3A_841 = tpu.memref_squeeze %dma_start3A_840 : memref<1x1x1x128xi32, #tpu.memory_space<vmem>> -> memref<128xi32, #tpu.memory_space<vmem>>
      %dma_start3A_842 = arith.constant 0 : i32
      %dma_start3A_843 = tpu.memref_slice %arg10[%dma_start3A_842] : memref<100000xf32, #tpu.memory_space<vmem_shared>> -> memref<100000xf32, #tpu.memory_space<vmem_shared>>
      tpu.enqueue_indirect_dma source(%dma_start3A_838 : memref<128xf32, #tpu.memory_space<vmem>>) target(%dma_start3A_843 : memref<100000xf32, #tpu.memory_space<vmem_shared>>) offsets(%dma_start3A_841 : memref<128xi32, #tpu.memory_space<vmem>>) semaphore(%arg15 : memref<!tpu.dma_semaphore, #tpu.memory_space<semaphore_mem>>) {add = true}
      %dma_start3A_844 = arith.constant 1 : i32
      %dma_start3A_845 = arith.constant 1 : i32
      %dma_start3A_846 = arith.constant 3 : i32
      %dma_start3A_847 = arith.constant 1 : i32
      %dma_start3A_848 = arith.constant 1 : i32
      %dma_start3A_849 = arith.constant 0 : i32
      %dma_start3A_850 = arith.constant 0 : i32
      %dma_start3A_851 = tpu.memref_slice %arg6[%dma_start3A_844, %dma_start3A_845, %dma_start3A_846, %dma_start3A_850] : memref<2x8x4x128xf32, #tpu.memory_space<vmem>> -> memref<1x1x1x128xf32, #tpu.memory_space<vmem>>
      %dma_start3A_852 = tpu.memref_squeeze %dma_start3A_851 : memref<1x1x1x128xf32, #tpu.memory_space<vmem>> -> memref<128xf32, #tpu.memory_space<vmem>>
      %dma_start3A_853 = arith.constant 0 : i32
      %dma_start3A_854 = tpu.memref_slice %arg5[%dma_start3A_847, %dma_start3A_848, %dma_start3A_849, %dma_start3A_853] : memref<2x8x1x128xi32, #tpu.memory_space<vmem>> -> memref<1x1x1x128xi32, #tpu.memory_space<vmem>>
      %dma_start3A_855 = tpu.memref_squeeze %dma_start3A_854 : memref<1x1x1x128xi32, #tpu.memory_space<vmem>> -> memref<128xi32, #tpu.memory_space<vmem>>
      %dma_start3A_856 = arith.constant 0 : i32
      %dma_start3A_857 = tpu.memref_slice %arg11[%dma_start3A_856] : memref<100000xf32, #tpu.memory_space<vmem_shared>> -> memref<100000xf32, #tpu.memory_space<vmem_shared>>
      tpu.enqueue_indirect_dma source(%dma_start3A_852 : memref<128xf32, #tpu.memory_space<vmem>>) target(%dma_start3A_857 : memref<100000xf32, #tpu.memory_space<vmem_shared>>) offsets(%dma_start3A_855 : memref<128xi32, #tpu.memory_space<vmem>>) semaphore(%arg15 : memref<!tpu.dma_semaphore, #tpu.memory_space<semaphore_mem>>) {add = true}
      %dma_start3A_858 = arith.constant 1 : i32
      %dma_start3A_859 = arith.constant 2 : i32
      %dma_start3A_860 = arith.constant 0 : i32
      %dma_start3A_861 = arith.constant 1 : i32
      %dma_start3A_862 = arith.constant 2 : i32
      %dma_start3A_863 = arith.constant 0 : i32
      %dma_start3A_864 = arith.constant 0 : i32
      %dma_start3A_865 = tpu.memref_slice %arg6[%dma_start3A_858, %dma_start3A_859, %dma_start3A_860, %dma_start3A_864] : memref<2x8x4x128xf32, #tpu.memory_space<vmem>> -> memref<1x1x1x128xf32, #tpu.memory_space<vmem>>
      %dma_start3A_866 = tpu.memref_squeeze %dma_start3A_865 : memref<1x1x1x128xf32, #tpu.memory_space<vmem>> -> memref<128xf32, #tpu.memory_space<vmem>>
      %dma_start3A_867 = arith.constant 0 : i32
      %dma_start3A_868 = tpu.memref_slice %arg5[%dma_start3A_861, %dma_start3A_862, %dma_start3A_863, %dma_start3A_867] : memref<2x8x1x128xi32, #tpu.memory_space<vmem>> -> memref<1x1x1x128xi32, #tpu.memory_space<vmem>>
      %dma_start3A_869 = tpu.memref_squeeze %dma_start3A_868 : memref<1x1x1x128xi32, #tpu.memory_space<vmem>> -> memref<128xi32, #tpu.memory_space<vmem>>
      %dma_start3A_870 = arith.constant 0 : i32
      %dma_start3A_871 = tpu.memref_slice %arg8[%dma_start3A_870] : memref<100000xf32, #tpu.memory_space<vmem_shared>> -> memref<100000xf32, #tpu.memory_space<vmem_shared>>
      tpu.enqueue_indirect_dma source(%dma_start3A_866 : memref<128xf32, #tpu.memory_space<vmem>>) target(%dma_start3A_871 : memref<100000xf32, #tpu.memory_space<vmem_shared>>) offsets(%dma_start3A_869 : memref<128xi32, #tpu.memory_space<vmem>>) semaphore(%arg15 : memref<!tpu.dma_semaphore, #tpu.memory_space<semaphore_mem>>) {add = true}
      %dma_start3A_872 = arith.constant 1 : i32
      %dma_start3A_873 = arith.constant 2 : i32
      %dma_start3A_874 = arith.constant 1 : i32
      %dma_start3A_875 = arith.constant 1 : i32
      %dma_start3A_876 = arith.constant 2 : i32
      %dma_start3A_877 = arith.constant 0 : i32
      %dma_start3A_878 = arith.constant 0 : i32
      %dma_start3A_879 = tpu.memref_slice %arg6[%dma_start3A_872, %dma_start3A_873, %dma_start3A_874, %dma_start3A_878] : memref<2x8x4x128xf32, #tpu.memory_space<vmem>> -> memref<1x1x1x128xf32, #tpu.memory_space<vmem>>
      %dma_start3A_880 = tpu.memref_squeeze %dma_start3A_879 : memref<1x1x1x128xf32, #tpu.memory_space<vmem>> -> memref<128xf32, #tpu.memory_space<vmem>>
      %dma_start3A_881 = arith.constant 0 : i32
      %dma_start3A_882 = tpu.memref_slice %arg5[%dma_start3A_875, %dma_start3A_876, %dma_start3A_877, %dma_start3A_881] : memref<2x8x1x128xi32, #tpu.memory_space<vmem>> -> memref<1x1x1x128xi32, #tpu.memory_space<vmem>>
      %dma_start3A_883 = tpu.memref_squeeze %dma_start3A_882 : memref<1x1x1x128xi32, #tpu.memory_space<vmem>> -> memref<128xi32, #tpu.memory_space<vmem>>
      %dma_start3A_884 = arith.constant 0 : i32
      %dma_start3A_885 = tpu.memref_slice %arg9[%dma_start3A_884] : memref<100000xf32, #tpu.memory_space<vmem_shared>> -> memref<100000xf32, #tpu.memory_space<vmem_shared>>
      tpu.enqueue_indirect_dma source(%dma_start3A_880 : memref<128xf32, #tpu.memory_space<vmem>>) target(%dma_start3A_885 : memref<100000xf32, #tpu.memory_space<vmem_shared>>) offsets(%dma_start3A_883 : memref<128xi32, #tpu.memory_space<vmem>>) semaphore(%arg15 : memref<!tpu.dma_semaphore, #tpu.memory_space<semaphore_mem>>) {add = true}
      %dma_start3A_886 = arith.constant 1 : i32
      %dma_start3A_887 = arith.constant 2 : i32
      %dma_start3A_888 = arith.constant 2 : i32
      %dma_start3A_889 = arith.constant 1 : i32
      %dma_start3A_890 = arith.constant 2 : i32
      %dma_start3A_891 = arith.constant 0 : i32
      %dma_start3A_892 = arith.constant 0 : i32
      %dma_start3A_893 = tpu.memref_slice %arg6[%dma_start3A_886, %dma_start3A_887, %dma_start3A_888, %dma_start3A_892] : memref<2x8x4x128xf32, #tpu.memory_space<vmem>> -> memref<1x1x1x128xf32, #tpu.memory_space<vmem>>
      %dma_start3A_894 = tpu.memref_squeeze %dma_start3A_893 : memref<1x1x1x128xf32, #tpu.memory_space<vmem>> -> memref<128xf32, #tpu.memory_space<vmem>>
      %dma_start3A_895 = arith.constant 0 : i32
      %dma_start3A_896 = tpu.memref_slice %arg5[%dma_start3A_889, %dma_start3A_890, %dma_start3A_891, %dma_start3A_895] : memref<2x8x1x128xi32, #tpu.memory_space<vmem>> -> memref<1x1x1x128xi32, #tpu.memory_space<vmem>>
      %dma_start3A_897 = tpu.memref_squeeze %dma_start3A_896 : memref<1x1x1x128xi32, #tpu.memory_space<vmem>> -> memref<128xi32, #tpu.memory_space<vmem>>
      %dma_start3A_898 = arith.constant 0 : i32
      %dma_start3A_899 = tpu.memref_slice %arg10[%dma_start3A_898] : memref<100000xf32, #tpu.memory_space<vmem_shared>> -> memref<100000xf32, #tpu.memory_space<vmem_shared>>
      tpu.enqueue_indirect_dma source(%dma_start3A_894 : memref<128xf32, #tpu.memory_space<vmem>>) target(%dma_start3A_899 : memref<100000xf32, #tpu.memory_space<vmem_shared>>) offsets(%dma_start3A_897 : memref<128xi32, #tpu.memory_space<vmem>>) semaphore(%arg15 : memref<!tpu.dma_semaphore, #tpu.memory_space<semaphore_mem>>) {add = true}
      %dma_start3A_900 = arith.constant 1 : i32
      %dma_start3A_901 = arith.constant 2 : i32
      %dma_start3A_902 = arith.constant 3 : i32
      %dma_start3A_903 = arith.constant 1 : i32
      %dma_start3A_904 = arith.constant 2 : i32
      %dma_start3A_905 = arith.constant 0 : i32
      %dma_start3A_906 = arith.constant 0 : i32
      %dma_start3A_907 = tpu.memref_slice %arg6[%dma_start3A_900, %dma_start3A_901, %dma_start3A_902, %dma_start3A_906] : memref<2x8x4x128xf32, #tpu.memory_space<vmem>> -> memref<1x1x1x128xf32, #tpu.memory_space<vmem>>
      %dma_start3A_908 = tpu.memref_squeeze %dma_start3A_907 : memref<1x1x1x128xf32, #tpu.memory_space<vmem>> -> memref<128xf32, #tpu.memory_space<vmem>>
      %dma_start3A_909 = arith.constant 0 : i32
      %dma_start3A_910 = tpu.memref_slice %arg5[%dma_start3A_903, %dma_start3A_904, %dma_start3A_905, %dma_start3A_909] : memref<2x8x1x128xi32, #tpu.memory_space<vmem>> -> memref<1x1x1x128xi32, #tpu.memory_space<vmem>>
      %dma_start3A_911 = tpu.memref_squeeze %dma_start3A_910 : memref<1x1x1x128xi32, #tpu.memory_space<vmem>> -> memref<128xi32, #tpu.memory_space<vmem>>
      %dma_start3A_912 = arith.constant 0 : i32
      %dma_start3A_913 = tpu.memref_slice %arg11[%dma_start3A_912] : memref<100000xf32, #tpu.memory_space<vmem_shared>> -> memref<100000xf32, #tpu.memory_space<vmem_shared>>
      tpu.enqueue_indirect_dma source(%dma_start3A_908 : memref<128xf32, #tpu.memory_space<vmem>>) target(%dma_start3A_913 : memref<100000xf32, #tpu.memory_space<vmem_shared>>) offsets(%dma_start3A_911 : memref<128xi32, #tpu.memory_space<vmem>>) semaphore(%arg15 : memref<!tpu.dma_semaphore, #tpu.memory_space<semaphore_mem>>) {add = true}
      %dma_start3A_914 = arith.constant 1 : i32
      %dma_start3A_915 = arith.constant 3 : i32
      %dma_start3A_916 = arith.constant 0 : i32
      %dma_start3A_917 = arith.constant 1 : i32
      %dma_start3A_918 = arith.constant 3 : i32
      %dma_start3A_919 = arith.constant 0 : i32
      %dma_start3A_920 = arith.constant 0 : i32
      %dma_start3A_921 = tpu.memref_slice %arg6[%dma_start3A_914, %dma_start3A_915, %dma_start3A_916, %dma_start3A_920] : memref<2x8x4x128xf32, #tpu.memory_space<vmem>> -> memref<1x1x1x128xf32, #tpu.memory_space<vmem>>
      %dma_start3A_922 = tpu.memref_squeeze %dma_start3A_921 : memref<1x1x1x128xf32, #tpu.memory_space<vmem>> -> memref<128xf32, #tpu.memory_space<vmem>>
      %dma_start3A_923 = arith.constant 0 : i32
      %dma_start3A_924 = tpu.memref_slice %arg5[%dma_start3A_917, %dma_start3A_918, %dma_start3A_919, %dma_start3A_923] : memref<2x8x1x128xi32, #tpu.memory_space<vmem>> -> memref<1x1x1x128xi32, #tpu.memory_space<vmem>>
      %dma_start3A_925 = tpu.memref_squeeze %dma_start3A_924 : memref<1x1x1x128xi32, #tpu.memory_space<vmem>> -> memref<128xi32, #tpu.memory_space<vmem>>
      %dma_start3A_926 = arith.constant 0 : i32
      %dma_start3A_927 = tpu.memref_slice %arg8[%dma_start3A_926] : memref<100000xf32, #tpu.memory_space<vmem_shared>> -> memref<100000xf32, #tpu.memory_space<vmem_shared>>
      tpu.enqueue_indirect_dma source(%dma_start3A_922 : memref<128xf32, #tpu.memory_space<vmem>>) target(%dma_start3A_927 : memref<100000xf32, #tpu.memory_space<vmem_shared>>) offsets(%dma_start3A_925 : memref<128xi32, #tpu.memory_space<vmem>>) semaphore(%arg15 : memref<!tpu.dma_semaphore, #tpu.memory_space<semaphore_mem>>) {add = true}
      %dma_start3A_928 = arith.constant 1 : i32
      %dma_start3A_929 = arith.constant 3 : i32
      %dma_start3A_930 = arith.constant 1 : i32
      %dma_start3A_931 = arith.constant 1 : i32
      %dma_start3A_932 = arith.constant 3 : i32
      %dma_start3A_933 = arith.constant 0 : i32
      %dma_start3A_934 = arith.constant 0 : i32
      %dma_start3A_935 = tpu.memref_slice %arg6[%dma_start3A_928, %dma_start3A_929, %dma_start3A_930, %dma_start3A_934] : memref<2x8x4x128xf32, #tpu.memory_space<vmem>> -> memref<1x1x1x128xf32, #tpu.memory_space<vmem>>
      %dma_start3A_936 = tpu.memref_squeeze %dma_start3A_935 : memref<1x1x1x128xf32, #tpu.memory_space<vmem>> -> memref<128xf32, #tpu.memory_space<vmem>>
      %dma_start3A_937 = arith.constant 0 : i32
      %dma_start3A_938 = tpu.memref_slice %arg5[%dma_start3A_931, %dma_start3A_932, %dma_start3A_933, %dma_start3A_937] : memref<2x8x1x128xi32, #tpu.memory_space<vmem>> -> memref<1x1x1x128xi32, #tpu.memory_space<vmem>>
      %dma_start3A_939 = tpu.memref_squeeze %dma_start3A_938 : memref<1x1x1x128xi32, #tpu.memory_space<vmem>> -> memref<128xi32, #tpu.memory_space<vmem>>
      %dma_start3A_940 = arith.constant 0 : i32
      %dma_start3A_941 = tpu.memref_slice %arg9[%dma_start3A_940] : memref<100000xf32, #tpu.memory_space<vmem_shared>> -> memref<100000xf32, #tpu.memory_space<vmem_shared>>
      tpu.enqueue_indirect_dma source(%dma_start3A_936 : memref<128xf32, #tpu.memory_space<vmem>>) target(%dma_start3A_941 : memref<100000xf32, #tpu.memory_space<vmem_shared>>) offsets(%dma_start3A_939 : memref<128xi32, #tpu.memory_space<vmem>>) semaphore(%arg15 : memref<!tpu.dma_semaphore, #tpu.memory_space<semaphore_mem>>) {add = true}
      %dma_start3A_942 = arith.constant 1 : i32
      %dma_start3A_943 = arith.constant 3 : i32
      %dma_start3A_944 = arith.constant 2 : i32
      %dma_start3A_945 = arith.constant 1 : i32
      %dma_start3A_946 = arith.constant 3 : i32
      %dma_start3A_947 = arith.constant 0 : i32
      %dma_start3A_948 = arith.constant 0 : i32
      %dma_start3A_949 = tpu.memref_slice %arg6[%dma_start3A_942, %dma_start3A_943, %dma_start3A_944, %dma_start3A_948] : memref<2x8x4x128xf32, #tpu.memory_space<vmem>> -> memref<1x1x1x128xf32, #tpu.memory_space<vmem>>
      %dma_start3A_950 = tpu.memref_squeeze %dma_start3A_949 : memref<1x1x1x128xf32, #tpu.memory_space<vmem>> -> memref<128xf32, #tpu.memory_space<vmem>>
      %dma_start3A_951 = arith.constant 0 : i32
      %dma_start3A_952 = tpu.memref_slice %arg5[%dma_start3A_945, %dma_start3A_946, %dma_start3A_947, %dma_start3A_951] : memref<2x8x1x128xi32, #tpu.memory_space<vmem>> -> memref<1x1x1x128xi32, #tpu.memory_space<vmem>>
      %dma_start3A_953 = tpu.memref_squeeze %dma_start3A_952 : memref<1x1x1x128xi32, #tpu.memory_space<vmem>> -> memref<128xi32, #tpu.memory_space<vmem>>
      %dma_start3A_954 = arith.constant 0 : i32
      %dma_start3A_955 = tpu.memref_slice %arg10[%dma_start3A_954] : memref<100000xf32, #tpu.memory_space<vmem_shared>> -> memref<100000xf32, #tpu.memory_space<vmem_shared>>
      tpu.enqueue_indirect_dma source(%dma_start3A_950 : memref<128xf32, #tpu.memory_space<vmem>>) target(%dma_start3A_955 : memref<100000xf32, #tpu.memory_space<vmem_shared>>) offsets(%dma_start3A_953 : memref<128xi32, #tpu.memory_space<vmem>>) semaphore(%arg15 : memref<!tpu.dma_semaphore, #tpu.memory_space<semaphore_mem>>) {add = true}
      %dma_start3A_956 = arith.constant 1 : i32
      %dma_start3A_957 = arith.constant 3 : i32
      %dma_start3A_958 = arith.constant 3 : i32
      %dma_start3A_959 = arith.constant 1 : i32
      %dma_start3A_960 = arith.constant 3 : i32
      %dma_start3A_961 = arith.constant 0 : i32
      %dma_start3A_962 = arith.constant 0 : i32
      %dma_start3A_963 = tpu.memref_slice %arg6[%dma_start3A_956, %dma_start3A_957, %dma_start3A_958, %dma_start3A_962] : memref<2x8x4x128xf32, #tpu.memory_space<vmem>> -> memref<1x1x1x128xf32, #tpu.memory_space<vmem>>
      %dma_start3A_964 = tpu.memref_squeeze %dma_start3A_963 : memref<1x1x1x128xf32, #tpu.memory_space<vmem>> -> memref<128xf32, #tpu.memory_space<vmem>>
      %dma_start3A_965 = arith.constant 0 : i32
      %dma_start3A_966 = tpu.memref_slice %arg5[%dma_start3A_959, %dma_start3A_960, %dma_start3A_961, %dma_start3A_965] : memref<2x8x1x128xi32, #tpu.memory_space<vmem>> -> memref<1x1x1x128xi32, #tpu.memory_space<vmem>>
      %dma_start3A_967 = tpu.memref_squeeze %dma_start3A_966 : memref<1x1x1x128xi32, #tpu.memory_space<vmem>> -> memref<128xi32, #tpu.memory_space<vmem>>
      %dma_start3A_968 = arith.constant 0 : i32
      %dma_start3A_969 = tpu.memref_slice %arg11[%dma_start3A_968] : memref<100000xf32, #tpu.memory_space<vmem_shared>> -> memref<100000xf32, #tpu.memory_space<vmem_shared>>
      tpu.enqueue_indirect_dma source(%dma_start3A_964 : memref<128xf32, #tpu.memory_space<vmem>>) target(%dma_start3A_969 : memref<100000xf32, #tpu.memory_space<vmem_shared>>) offsets(%dma_start3A_967 : memref<128xi32, #tpu.memory_space<vmem>>) semaphore(%arg15 : memref<!tpu.dma_semaphore, #tpu.memory_space<semaphore_mem>>) {add = true}
      %dma_start3A_970 = arith.constant 1 : i32
      %dma_start3A_971 = arith.constant 4 : i32
      %dma_start3A_972 = arith.constant 0 : i32
      %dma_start3A_973 = arith.constant 1 : i32
      %dma_start3A_974 = arith.constant 4 : i32
      %dma_start3A_975 = arith.constant 0 : i32
      %dma_start3A_976 = arith.constant 0 : i32
      %dma_start3A_977 = tpu.memref_slice %arg6[%dma_start3A_970, %dma_start3A_971, %dma_start3A_972, %dma_start3A_976] : memref<2x8x4x128xf32, #tpu.memory_space<vmem>> -> memref<1x1x1x128xf32, #tpu.memory_space<vmem>>
      %dma_start3A_978 = tpu.memref_squeeze %dma_start3A_977 : memref<1x1x1x128xf32, #tpu.memory_space<vmem>> -> memref<128xf32, #tpu.memory_space<vmem>>
      %dma_start3A_979 = arith.constant 0 : i32
      %dma_start3A_980 = tpu.memref_slice %arg5[%dma_start3A_973, %dma_start3A_974, %dma_start3A_975, %dma_start3A_979] : memref<2x8x1x128xi32, #tpu.memory_space<vmem>> -> memref<1x1x1x128xi32, #tpu.memory_space<vmem>>
      %dma_start3A_981 = tpu.memref_squeeze %dma_start3A_980 : memref<1x1x1x128xi32, #tpu.memory_space<vmem>> -> memref<128xi32, #tpu.memory_space<vmem>>
      %dma_start3A_982 = arith.constant 0 : i32
      %dma_start3A_983 = tpu.memref_slice %arg8[%dma_start3A_982] : memref<100000xf32, #tpu.memory_space<vmem_shared>> -> memref<100000xf32, #tpu.memory_space<vmem_shared>>
      tpu.enqueue_indirect_dma source(%dma_start3A_978 : memref<128xf32, #tpu.memory_space<vmem>>) target(%dma_start3A_983 : memref<100000xf32, #tpu.memory_space<vmem_shared>>) offsets(%dma_start3A_981 : memref<128xi32, #tpu.memory_space<vmem>>) semaphore(%arg15 : memref<!tpu.dma_semaphore, #tpu.memory_space<semaphore_mem>>) {add = true}
      %dma_start3A_984 = arith.constant 1 : i32
      %dma_start3A_985 = arith.constant 4 : i32
      %dma_start3A_986 = arith.constant 1 : i32
      %dma_start3A_987 = arith.constant 1 : i32
      %dma_start3A_988 = arith.constant 4 : i32
      %dma_start3A_989 = arith.constant 0 : i32
      %dma_start3A_990 = arith.constant 0 : i32
      %dma_start3A_991 = tpu.memref_slice %arg6[%dma_start3A_984, %dma_start3A_985, %dma_start3A_986, %dma_start3A_990] : memref<2x8x4x128xf32, #tpu.memory_space<vmem>> -> memref<1x1x1x128xf32, #tpu.memory_space<vmem>>
      %dma_start3A_992 = tpu.memref_squeeze %dma_start3A_991 : memref<1x1x1x128xf32, #tpu.memory_space<vmem>> -> memref<128xf32, #tpu.memory_space<vmem>>
      %dma_start3A_993 = arith.constant 0 : i32
      %dma_start3A_994 = tpu.memref_slice %arg5[%dma_start3A_987, %dma_start3A_988, %dma_start3A_989, %dma_start3A_993] : memref<2x8x1x128xi32, #tpu.memory_space<vmem>> -> memref<1x1x1x128xi32, #tpu.memory_space<vmem>>
      %dma_start3A_995 = tpu.memref_squeeze %dma_start3A_994 : memref<1x1x1x128xi32, #tpu.memory_space<vmem>> -> memref<128xi32, #tpu.memory_space<vmem>>
      %dma_start3A_996 = arith.constant 0 : i32
      %dma_start3A_997 = tpu.memref_slice %arg9[%dma_start3A_996] : memref<100000xf32, #tpu.memory_space<vmem_shared>> -> memref<100000xf32, #tpu.memory_space<vmem_shared>>
      tpu.enqueue_indirect_dma source(%dma_start3A_992 : memref<128xf32, #tpu.memory_space<vmem>>) target(%dma_start3A_997 : memref<100000xf32, #tpu.memory_space<vmem_shared>>) offsets(%dma_start3A_995 : memref<128xi32, #tpu.memory_space<vmem>>) semaphore(%arg15 : memref<!tpu.dma_semaphore, #tpu.memory_space<semaphore_mem>>) {add = true}
      %dma_start3A_998 = arith.constant 1 : i32
      %dma_start3A_999 = arith.constant 4 : i32
      %dma_start3A_1000 = arith.constant 2 : i32
      %dma_start3A_1001 = arith.constant 1 : i32
      %dma_start3A_1002 = arith.constant 4 : i32
      %dma_start3A_1003 = arith.constant 0 : i32
      %dma_start3A_1004 = arith.constant 0 : i32
      %dma_start3A_1005 = tpu.memref_slice %arg6[%dma_start3A_998, %dma_start3A_999, %dma_start3A_1000, %dma_start3A_1004] : memref<2x8x4x128xf32, #tpu.memory_space<vmem>> -> memref<1x1x1x128xf32, #tpu.memory_space<vmem>>
      %dma_start3A_1006 = tpu.memref_squeeze %dma_start3A_1005 : memref<1x1x1x128xf32, #tpu.memory_space<vmem>> -> memref<128xf32, #tpu.memory_space<vmem>>
      %dma_start3A_1007 = arith.constant 0 : i32
      %dma_start3A_1008 = tpu.memref_slice %arg5[%dma_start3A_1001, %dma_start3A_1002, %dma_start3A_1003, %dma_start3A_1007] : memref<2x8x1x128xi32, #tpu.memory_space<vmem>> -> memref<1x1x1x128xi32, #tpu.memory_space<vmem>>
      %dma_start3A_1009 = tpu.memref_squeeze %dma_start3A_1008 : memref<1x1x1x128xi32, #tpu.memory_space<vmem>> -> memref<128xi32, #tpu.memory_space<vmem>>
      %dma_start3A_1010 = arith.constant 0 : i32
      %dma_start3A_1011 = tpu.memref_slice %arg10[%dma_start3A_1010] : memref<100000xf32, #tpu.memory_space<vmem_shared>> -> memref<100000xf32, #tpu.memory_space<vmem_shared>>
      tpu.enqueue_indirect_dma source(%dma_start3A_1006 : memref<128xf32, #tpu.memory_space<vmem>>) target(%dma_start3A_1011 : memref<100000xf32, #tpu.memory_space<vmem_shared>>) offsets(%dma_start3A_1009 : memref<128xi32, #tpu.memory_space<vmem>>) semaphore(%arg15 : memref<!tpu.dma_semaphore, #tpu.memory_space<semaphore_mem>>) {add = true}
      %dma_start3A_1012 = arith.constant 1 : i32
      %dma_start3A_1013 = arith.constant 4 : i32
      %dma_start3A_1014 = arith.constant 3 : i32
      %dma_start3A_1015 = arith.constant 1 : i32
      %dma_start3A_1016 = arith.constant 4 : i32
      %dma_start3A_1017 = arith.constant 0 : i32
      %dma_start3A_1018 = arith.constant 0 : i32
      %dma_start3A_1019 = tpu.memref_slice %arg6[%dma_start3A_1012, %dma_start3A_1013, %dma_start3A_1014, %dma_start3A_1018] : memref<2x8x4x128xf32, #tpu.memory_space<vmem>> -> memref<1x1x1x128xf32, #tpu.memory_space<vmem>>
      %dma_start3A_1020 = tpu.memref_squeeze %dma_start3A_1019 : memref<1x1x1x128xf32, #tpu.memory_space<vmem>> -> memref<128xf32, #tpu.memory_space<vmem>>
      %dma_start3A_1021 = arith.constant 0 : i32
      %dma_start3A_1022 = tpu.memref_slice %arg5[%dma_start3A_1015, %dma_start3A_1016, %dma_start3A_1017, %dma_start3A_1021] : memref<2x8x1x128xi32, #tpu.memory_space<vmem>> -> memref<1x1x1x128xi32, #tpu.memory_space<vmem>>
      %dma_start3A_1023 = tpu.memref_squeeze %dma_start3A_1022 : memref<1x1x1x128xi32, #tpu.memory_space<vmem>> -> memref<128xi32, #tpu.memory_space<vmem>>
      %dma_start3A_1024 = arith.constant 0 : i32
      %dma_start3A_1025 = tpu.memref_slice %arg11[%dma_start3A_1024] : memref<100000xf32, #tpu.memory_space<vmem_shared>> -> memref<100000xf32, #tpu.memory_space<vmem_shared>>
      tpu.enqueue_indirect_dma source(%dma_start3A_1020 : memref<128xf32, #tpu.memory_space<vmem>>) target(%dma_start3A_1025 : memref<100000xf32, #tpu.memory_space<vmem_shared>>) offsets(%dma_start3A_1023 : memref<128xi32, #tpu.memory_space<vmem>>) semaphore(%arg15 : memref<!tpu.dma_semaphore, #tpu.memory_space<semaphore_mem>>) {add = true}
      %dma_start3A_1026 = arith.constant 1 : i32
      %dma_start3A_1027 = arith.constant 5 : i32
      %dma_start3A_1028 = arith.constant 0 : i32
      %dma_start3A_1029 = arith.constant 1 : i32
      %dma_start3A_1030 = arith.constant 5 : i32
      %dma_start3A_1031 = arith.constant 0 : i32
      %dma_start3A_1032 = arith.constant 0 : i32
      %dma_start3A_1033 = tpu.memref_slice %arg6[%dma_start3A_1026, %dma_start3A_1027, %dma_start3A_1028, %dma_start3A_1032] : memref<2x8x4x128xf32, #tpu.memory_space<vmem>> -> memref<1x1x1x128xf32, #tpu.memory_space<vmem>>
      %dma_start3A_1034 = tpu.memref_squeeze %dma_start3A_1033 : memref<1x1x1x128xf32, #tpu.memory_space<vmem>> -> memref<128xf32, #tpu.memory_space<vmem>>
      %dma_start3A_1035 = arith.constant 0 : i32
      %dma_start3A_1036 = tpu.memref_slice %arg5[%dma_start3A_1029, %dma_start3A_1030, %dma_start3A_1031, %dma_start3A_1035] : memref<2x8x1x128xi32, #tpu.memory_space<vmem>> -> memref<1x1x1x128xi32, #tpu.memory_space<vmem>>
      %dma_start3A_1037 = tpu.memref_squeeze %dma_start3A_1036 : memref<1x1x1x128xi32, #tpu.memory_space<vmem>> -> memref<128xi32, #tpu.memory_space<vmem>>
      %dma_start3A_1038 = arith.constant 0 : i32
      %dma_start3A_1039 = tpu.memref_slice %arg8[%dma_start3A_1038] : memref<100000xf32, #tpu.memory_space<vmem_shared>> -> memref<100000xf32, #tpu.memory_space<vmem_shared>>
      tpu.enqueue_indirect_dma source(%dma_start3A_1034 : memref<128xf32, #tpu.memory_space<vmem>>) target(%dma_start3A_1039 : memref<100000xf32, #tpu.memory_space<vmem_shared>>) offsets(%dma_start3A_1037 : memref<128xi32, #tpu.memory_space<vmem>>) semaphore(%arg15 : memref<!tpu.dma_semaphore, #tpu.memory_space<semaphore_mem>>) {add = true}
      %dma_start3A_1040 = arith.constant 1 : i32
      %dma_start3A_1041 = arith.constant 5 : i32
      %dma_start3A_1042 = arith.constant 1 : i32
      %dma_start3A_1043 = arith.constant 1 : i32
      %dma_start3A_1044 = arith.constant 5 : i32
      %dma_start3A_1045 = arith.constant 0 : i32
      %dma_start3A_1046 = arith.constant 0 : i32
      %dma_start3A_1047 = tpu.memref_slice %arg6[%dma_start3A_1040, %dma_start3A_1041, %dma_start3A_1042, %dma_start3A_1046] : memref<2x8x4x128xf32, #tpu.memory_space<vmem>> -> memref<1x1x1x128xf32, #tpu.memory_space<vmem>>
      %dma_start3A_1048 = tpu.memref_squeeze %dma_start3A_1047 : memref<1x1x1x128xf32, #tpu.memory_space<vmem>> -> memref<128xf32, #tpu.memory_space<vmem>>
      %dma_start3A_1049 = arith.constant 0 : i32
      %dma_start3A_1050 = tpu.memref_slice %arg5[%dma_start3A_1043, %dma_start3A_1044, %dma_start3A_1045, %dma_start3A_1049] : memref<2x8x1x128xi32, #tpu.memory_space<vmem>> -> memref<1x1x1x128xi32, #tpu.memory_space<vmem>>
      %dma_start3A_1051 = tpu.memref_squeeze %dma_start3A_1050 : memref<1x1x1x128xi32, #tpu.memory_space<vmem>> -> memref<128xi32, #tpu.memory_space<vmem>>
      %dma_start3A_1052 = arith.constant 0 : i32
      %dma_start3A_1053 = tpu.memref_slice %arg9[%dma_start3A_1052] : memref<100000xf32, #tpu.memory_space<vmem_shared>> -> memref<100000xf32, #tpu.memory_space<vmem_shared>>
      tpu.enqueue_indirect_dma source(%dma_start3A_1048 : memref<128xf32, #tpu.memory_space<vmem>>) target(%dma_start3A_1053 : memref<100000xf32, #tpu.memory_space<vmem_shared>>) offsets(%dma_start3A_1051 : memref<128xi32, #tpu.memory_space<vmem>>) semaphore(%arg15 : memref<!tpu.dma_semaphore, #tpu.memory_space<semaphore_mem>>) {add = true}
      %dma_start3A_1054 = arith.constant 1 : i32
      %dma_start3A_1055 = arith.constant 5 : i32
      %dma_start3A_1056 = arith.constant 2 : i32
      %dma_start3A_1057 = arith.constant 1 : i32
      %dma_start3A_1058 = arith.constant 5 : i32
      %dma_start3A_1059 = arith.constant 0 : i32
      %dma_start3A_1060 = arith.constant 0 : i32
      %dma_start3A_1061 = tpu.memref_slice %arg6[%dma_start3A_1054, %dma_start3A_1055, %dma_start3A_1056, %dma_start3A_1060] : memref<2x8x4x128xf32, #tpu.memory_space<vmem>> -> memref<1x1x1x128xf32, #tpu.memory_space<vmem>>
      %dma_start3A_1062 = tpu.memref_squeeze %dma_start3A_1061 : memref<1x1x1x128xf32, #tpu.memory_space<vmem>> -> memref<128xf32, #tpu.memory_space<vmem>>
      %dma_start3A_1063 = arith.constant 0 : i32
      %dma_start3A_1064 = tpu.memref_slice %arg5[%dma_start3A_1057, %dma_start3A_1058, %dma_start3A_1059, %dma_start3A_1063] : memref<2x8x1x128xi32, #tpu.memory_space<vmem>> -> memref<1x1x1x128xi32, #tpu.memory_space<vmem>>
      %dma_start3A_1065 = tpu.memref_squeeze %dma_start3A_1064 : memref<1x1x1x128xi32, #tpu.memory_space<vmem>> -> memref<128xi32, #tpu.memory_space<vmem>>
      %dma_start3A_1066 = arith.constant 0 : i32
      %dma_start3A_1067 = tpu.memref_slice %arg10[%dma_start3A_1066] : memref<100000xf32, #tpu.memory_space<vmem_shared>> -> memref<100000xf32, #tpu.memory_space<vmem_shared>>
      tpu.enqueue_indirect_dma source(%dma_start3A_1062 : memref<128xf32, #tpu.memory_space<vmem>>) target(%dma_start3A_1067 : memref<100000xf32, #tpu.memory_space<vmem_shared>>) offsets(%dma_start3A_1065 : memref<128xi32, #tpu.memory_space<vmem>>) semaphore(%arg15 : memref<!tpu.dma_semaphore, #tpu.memory_space<semaphore_mem>>) {add = true}
      %dma_start3A_1068 = arith.constant 1 : i32
      %dma_start3A_1069 = arith.constant 5 : i32
      %dma_start3A_1070 = arith.constant 3 : i32
      %dma_start3A_1071 = arith.constant 1 : i32
      %dma_start3A_1072 = arith.constant 5 : i32
      %dma_start3A_1073 = arith.constant 0 : i32
      %dma_start3A_1074 = arith.constant 0 : i32
      %dma_start3A_1075 = tpu.memref_slice %arg6[%dma_start3A_1068, %dma_start3A_1069, %dma_start3A_1070, %dma_start3A_1074] : memref<2x8x4x128xf32, #tpu.memory_space<vmem>> -> memref<1x1x1x128xf32, #tpu.memory_space<vmem>>
      %dma_start3A_1076 = tpu.memref_squeeze %dma_start3A_1075 : memref<1x1x1x128xf32, #tpu.memory_space<vmem>> -> memref<128xf32, #tpu.memory_space<vmem>>
      %dma_start3A_1077 = arith.constant 0 : i32
      %dma_start3A_1078 = tpu.memref_slice %arg5[%dma_start3A_1071, %dma_start3A_1072, %dma_start3A_1073, %dma_start3A_1077] : memref<2x8x1x128xi32, #tpu.memory_space<vmem>> -> memref<1x1x1x128xi32, #tpu.memory_space<vmem>>
      %dma_start3A_1079 = tpu.memref_squeeze %dma_start3A_1078 : memref<1x1x1x128xi32, #tpu.memory_space<vmem>> -> memref<128xi32, #tpu.memory_space<vmem>>
      %dma_start3A_1080 = arith.constant 0 : i32
      %dma_start3A_1081 = tpu.memref_slice %arg11[%dma_start3A_1080] : memref<100000xf32, #tpu.memory_space<vmem_shared>> -> memref<100000xf32, #tpu.memory_space<vmem_shared>>
      tpu.enqueue_indirect_dma source(%dma_start3A_1076 : memref<128xf32, #tpu.memory_space<vmem>>) target(%dma_start3A_1081 : memref<100000xf32, #tpu.memory_space<vmem_shared>>) offsets(%dma_start3A_1079 : memref<128xi32, #tpu.memory_space<vmem>>) semaphore(%arg15 : memref<!tpu.dma_semaphore, #tpu.memory_space<semaphore_mem>>) {add = true}
      %dma_start3A_1082 = arith.constant 1 : i32
      %dma_start3A_1083 = arith.constant 6 : i32
      %dma_start3A_1084 = arith.constant 0 : i32
      %dma_start3A_1085 = arith.constant 1 : i32
      %dma_start3A_1086 = arith.constant 6 : i32
      %dma_start3A_1087 = arith.constant 0 : i32
      %dma_start3A_1088 = arith.constant 0 : i32
      %dma_start3A_1089 = tpu.memref_slice %arg6[%dma_start3A_1082, %dma_start3A_1083, %dma_start3A_1084, %dma_start3A_1088] : memref<2x8x4x128xf32, #tpu.memory_space<vmem>> -> memref<1x1x1x128xf32, #tpu.memory_space<vmem>>
      %dma_start3A_1090 = tpu.memref_squeeze %dma_start3A_1089 : memref<1x1x1x128xf32, #tpu.memory_space<vmem>> -> memref<128xf32, #tpu.memory_space<vmem>>
      %dma_start3A_1091 = arith.constant 0 : i32
      %dma_start3A_1092 = tpu.memref_slice %arg5[%dma_start3A_1085, %dma_start3A_1086, %dma_start3A_1087, %dma_start3A_1091] : memref<2x8x1x128xi32, #tpu.memory_space<vmem>> -> memref<1x1x1x128xi32, #tpu.memory_space<vmem>>
      %dma_start3A_1093 = tpu.memref_squeeze %dma_start3A_1092 : memref<1x1x1x128xi32, #tpu.memory_space<vmem>> -> memref<128xi32, #tpu.memory_space<vmem>>
      %dma_start3A_1094 = arith.constant 0 : i32
      %dma_start3A_1095 = tpu.memref_slice %arg8[%dma_start3A_1094] : memref<100000xf32, #tpu.memory_space<vmem_shared>> -> memref<100000xf32, #tpu.memory_space<vmem_shared>>
      tpu.enqueue_indirect_dma source(%dma_start3A_1090 : memref<128xf32, #tpu.memory_space<vmem>>) target(%dma_start3A_1095 : memref<100000xf32, #tpu.memory_space<vmem_shared>>) offsets(%dma_start3A_1093 : memref<128xi32, #tpu.memory_space<vmem>>) semaphore(%arg15 : memref<!tpu.dma_semaphore, #tpu.memory_space<semaphore_mem>>) {add = true}
      %dma_start3A_1096 = arith.constant 1 : i32
      %dma_start3A_1097 = arith.constant 6 : i32
      %dma_start3A_1098 = arith.constant 1 : i32
      %dma_start3A_1099 = arith.constant 1 : i32
      %dma_start3A_1100 = arith.constant 6 : i32
      %dma_start3A_1101 = arith.constant 0 : i32
      %dma_start3A_1102 = arith.constant 0 : i32
      %dma_start3A_1103 = tpu.memref_slice %arg6[%dma_start3A_1096, %dma_start3A_1097, %dma_start3A_1098, %dma_start3A_1102] : memref<2x8x4x128xf32, #tpu.memory_space<vmem>> -> memref<1x1x1x128xf32, #tpu.memory_space<vmem>>
      %dma_start3A_1104 = tpu.memref_squeeze %dma_start3A_1103 : memref<1x1x1x128xf32, #tpu.memory_space<vmem>> -> memref<128xf32, #tpu.memory_space<vmem>>
      %dma_start3A_1105 = arith.constant 0 : i32
      %dma_start3A_1106 = tpu.memref_slice %arg5[%dma_start3A_1099, %dma_start3A_1100, %dma_start3A_1101, %dma_start3A_1105] : memref<2x8x1x128xi32, #tpu.memory_space<vmem>> -> memref<1x1x1x128xi32, #tpu.memory_space<vmem>>
      %dma_start3A_1107 = tpu.memref_squeeze %dma_start3A_1106 : memref<1x1x1x128xi32, #tpu.memory_space<vmem>> -> memref<128xi32, #tpu.memory_space<vmem>>
      %dma_start3A_1108 = arith.constant 0 : i32
      %dma_start3A_1109 = tpu.memref_slice %arg9[%dma_start3A_1108] : memref<100000xf32, #tpu.memory_space<vmem_shared>> -> memref<100000xf32, #tpu.memory_space<vmem_shared>>
      tpu.enqueue_indirect_dma source(%dma_start3A_1104 : memref<128xf32, #tpu.memory_space<vmem>>) target(%dma_start3A_1109 : memref<100000xf32, #tpu.memory_space<vmem_shared>>) offsets(%dma_start3A_1107 : memref<128xi32, #tpu.memory_space<vmem>>) semaphore(%arg15 : memref<!tpu.dma_semaphore, #tpu.memory_space<semaphore_mem>>) {add = true}
      %dma_start3A_1110 = arith.constant 1 : i32
      %dma_start3A_1111 = arith.constant 6 : i32
      %dma_start3A_1112 = arith.constant 2 : i32
      %dma_start3A_1113 = arith.constant 1 : i32
      %dma_start3A_1114 = arith.constant 6 : i32
      %dma_start3A_1115 = arith.constant 0 : i32
      %dma_start3A_1116 = arith.constant 0 : i32
      %dma_start3A_1117 = tpu.memref_slice %arg6[%dma_start3A_1110, %dma_start3A_1111, %dma_start3A_1112, %dma_start3A_1116] : memref<2x8x4x128xf32, #tpu.memory_space<vmem>> -> memref<1x1x1x128xf32, #tpu.memory_space<vmem>>
      %dma_start3A_1118 = tpu.memref_squeeze %dma_start3A_1117 : memref<1x1x1x128xf32, #tpu.memory_space<vmem>> -> memref<128xf32, #tpu.memory_space<vmem>>
      %dma_start3A_1119 = arith.constant 0 : i32
      %dma_start3A_1120 = tpu.memref_slice %arg5[%dma_start3A_1113, %dma_start3A_1114, %dma_start3A_1115, %dma_start3A_1119] : memref<2x8x1x128xi32, #tpu.memory_space<vmem>> -> memref<1x1x1x128xi32, #tpu.memory_space<vmem>>
      %dma_start3A_1121 = tpu.memref_squeeze %dma_start3A_1120 : memref<1x1x1x128xi32, #tpu.memory_space<vmem>> -> memref<128xi32, #tpu.memory_space<vmem>>
      %dma_start3A_1122 = arith.constant 0 : i32
      %dma_start3A_1123 = tpu.memref_slice %arg10[%dma_start3A_1122] : memref<100000xf32, #tpu.memory_space<vmem_shared>> -> memref<100000xf32, #tpu.memory_space<vmem_shared>>
      tpu.enqueue_indirect_dma source(%dma_start3A_1118 : memref<128xf32, #tpu.memory_space<vmem>>) target(%dma_start3A_1123 : memref<100000xf32, #tpu.memory_space<vmem_shared>>) offsets(%dma_start3A_1121 : memref<128xi32, #tpu.memory_space<vmem>>) semaphore(%arg15 : memref<!tpu.dma_semaphore, #tpu.memory_space<semaphore_mem>>) {add = true}
      %dma_start3A_1124 = arith.constant 1 : i32
      %dma_start3A_1125 = arith.constant 6 : i32
      %dma_start3A_1126 = arith.constant 3 : i32
      %dma_start3A_1127 = arith.constant 1 : i32
      %dma_start3A_1128 = arith.constant 6 : i32
      %dma_start3A_1129 = arith.constant 0 : i32
      %dma_start3A_1130 = arith.constant 0 : i32
      %dma_start3A_1131 = tpu.memref_slice %arg6[%dma_start3A_1124, %dma_start3A_1125, %dma_start3A_1126, %dma_start3A_1130] : memref<2x8x4x128xf32, #tpu.memory_space<vmem>> -> memref<1x1x1x128xf32, #tpu.memory_space<vmem>>
      %dma_start3A_1132 = tpu.memref_squeeze %dma_start3A_1131 : memref<1x1x1x128xf32, #tpu.memory_space<vmem>> -> memref<128xf32, #tpu.memory_space<vmem>>
      %dma_start3A_1133 = arith.constant 0 : i32
      %dma_start3A_1134 = tpu.memref_slice %arg5[%dma_start3A_1127, %dma_start3A_1128, %dma_start3A_1129, %dma_start3A_1133] : memref<2x8x1x128xi32, #tpu.memory_space<vmem>> -> memref<1x1x1x128xi32, #tpu.memory_space<vmem>>
      %dma_start3A_1135 = tpu.memref_squeeze %dma_start3A_1134 : memref<1x1x1x128xi32, #tpu.memory_space<vmem>> -> memref<128xi32, #tpu.memory_space<vmem>>
      %dma_start3A_1136 = arith.constant 0 : i32
      %dma_start3A_1137 = tpu.memref_slice %arg11[%dma_start3A_1136] : memref<100000xf32, #tpu.memory_space<vmem_shared>> -> memref<100000xf32, #tpu.memory_space<vmem_shared>>
      tpu.enqueue_indirect_dma source(%dma_start3A_1132 : memref<128xf32, #tpu.memory_space<vmem>>) target(%dma_start3A_1137 : memref<100000xf32, #tpu.memory_space<vmem_shared>>) offsets(%dma_start3A_1135 : memref<128xi32, #tpu.memory_space<vmem>>) semaphore(%arg15 : memref<!tpu.dma_semaphore, #tpu.memory_space<semaphore_mem>>) {add = true}
      %dma_start3A_1138 = arith.constant 1 : i32
      %dma_start3A_1139 = arith.constant 7 : i32
      %dma_start3A_1140 = arith.constant 0 : i32
      %dma_start3A_1141 = arith.constant 1 : i32
      %dma_start3A_1142 = arith.constant 7 : i32
      %dma_start3A_1143 = arith.constant 0 : i32
      %dma_start3A_1144 = arith.constant 0 : i32
      %dma_start3A_1145 = tpu.memref_slice %arg6[%dma_start3A_1138, %dma_start3A_1139, %dma_start3A_1140, %dma_start3A_1144] : memref<2x8x4x128xf32, #tpu.memory_space<vmem>> -> memref<1x1x1x128xf32, #tpu.memory_space<vmem>>
      %dma_start3A_1146 = tpu.memref_squeeze %dma_start3A_1145 : memref<1x1x1x128xf32, #tpu.memory_space<vmem>> -> memref<128xf32, #tpu.memory_space<vmem>>
      %dma_start3A_1147 = arith.constant 0 : i32
      %dma_start3A_1148 = tpu.memref_slice %arg5[%dma_start3A_1141, %dma_start3A_1142, %dma_start3A_1143, %dma_start3A_1147] : memref<2x8x1x128xi32, #tpu.memory_space<vmem>> -> memref<1x1x1x128xi32, #tpu.memory_space<vmem>>
      %dma_start3A_1149 = tpu.memref_squeeze %dma_start3A_1148 : memref<1x1x1x128xi32, #tpu.memory_space<vmem>> -> memref<128xi32, #tpu.memory_space<vmem>>
      %dma_start3A_1150 = arith.constant 0 : i32
      %dma_start3A_1151 = tpu.memref_slice %arg8[%dma_start3A_1150] : memref<100000xf32, #tpu.memory_space<vmem_shared>> -> memref<100000xf32, #tpu.memory_space<vmem_shared>>
      tpu.enqueue_indirect_dma source(%dma_start3A_1146 : memref<128xf32, #tpu.memory_space<vmem>>) target(%dma_start3A_1151 : memref<100000xf32, #tpu.memory_space<vmem_shared>>) offsets(%dma_start3A_1149 : memref<128xi32, #tpu.memory_space<vmem>>) semaphore(%arg15 : memref<!tpu.dma_semaphore, #tpu.memory_space<semaphore_mem>>) {add = true}
      %dma_start3A_1152 = arith.constant 1 : i32
      %dma_start3A_1153 = arith.constant 7 : i32
      %dma_start3A_1154 = arith.constant 1 : i32
      %dma_start3A_1155 = arith.constant 1 : i32
      %dma_start3A_1156 = arith.constant 7 : i32
      %dma_start3A_1157 = arith.constant 0 : i32
      %dma_start3A_1158 = arith.constant 0 : i32
      %dma_start3A_1159 = tpu.memref_slice %arg6[%dma_start3A_1152, %dma_start3A_1153, %dma_start3A_1154, %dma_start3A_1158] : memref<2x8x4x128xf32, #tpu.memory_space<vmem>> -> memref<1x1x1x128xf32, #tpu.memory_space<vmem>>
      %dma_start3A_1160 = tpu.memref_squeeze %dma_start3A_1159 : memref<1x1x1x128xf32, #tpu.memory_space<vmem>> -> memref<128xf32, #tpu.memory_space<vmem>>
      %dma_start3A_1161 = arith.constant 0 : i32
      %dma_start3A_1162 = tpu.memref_slice %arg5[%dma_start3A_1155, %dma_start3A_1156, %dma_start3A_1157, %dma_start3A_1161] : memref<2x8x1x128xi32, #tpu.memory_space<vmem>> -> memref<1x1x1x128xi32, #tpu.memory_space<vmem>>
      %dma_start3A_1163 = tpu.memref_squeeze %dma_start3A_1162 : memref<1x1x1x128xi32, #tpu.memory_space<vmem>> -> memref<128xi32, #tpu.memory_space<vmem>>
      %dma_start3A_1164 = arith.constant 0 : i32
      %dma_start3A_1165 = tpu.memref_slice %arg9[%dma_start3A_1164] : memref<100000xf32, #tpu.memory_space<vmem_shared>> -> memref<100000xf32, #tpu.memory_space<vmem_shared>>
      tpu.enqueue_indirect_dma source(%dma_start3A_1160 : memref<128xf32, #tpu.memory_space<vmem>>) target(%dma_start3A_1165 : memref<100000xf32, #tpu.memory_space<vmem_shared>>) offsets(%dma_start3A_1163 : memref<128xi32, #tpu.memory_space<vmem>>) semaphore(%arg15 : memref<!tpu.dma_semaphore, #tpu.memory_space<semaphore_mem>>) {add = true}
      %dma_start3A_1166 = arith.constant 1 : i32
      %dma_start3A_1167 = arith.constant 7 : i32
      %dma_start3A_1168 = arith.constant 2 : i32
      %dma_start3A_1169 = arith.constant 1 : i32
      %dma_start3A_1170 = arith.constant 7 : i32
      %dma_start3A_1171 = arith.constant 0 : i32
      %dma_start3A_1172 = arith.constant 0 : i32
      %dma_start3A_1173 = tpu.memref_slice %arg6[%dma_start3A_1166, %dma_start3A_1167, %dma_start3A_1168, %dma_start3A_1172] : memref<2x8x4x128xf32, #tpu.memory_space<vmem>> -> memref<1x1x1x128xf32, #tpu.memory_space<vmem>>
      %dma_start3A_1174 = tpu.memref_squeeze %dma_start3A_1173 : memref<1x1x1x128xf32, #tpu.memory_space<vmem>> -> memref<128xf32, #tpu.memory_space<vmem>>
      %dma_start3A_1175 = arith.constant 0 : i32
      %dma_start3A_1176 = tpu.memref_slice %arg5[%dma_start3A_1169, %dma_start3A_1170, %dma_start3A_1171, %dma_start3A_1175] : memref<2x8x1x128xi32, #tpu.memory_space<vmem>> -> memref<1x1x1x128xi32, #tpu.memory_space<vmem>>
      %dma_start3A_1177 = tpu.memref_squeeze %dma_start3A_1176 : memref<1x1x1x128xi32, #tpu.memory_space<vmem>> -> memref<128xi32, #tpu.memory_space<vmem>>
      %dma_start3A_1178 = arith.constant 0 : i32
      %dma_start3A_1179 = tpu.memref_slice %arg10[%dma_start3A_1178] : memref<100000xf32, #tpu.memory_space<vmem_shared>> -> memref<100000xf32, #tpu.memory_space<vmem_shared>>
      tpu.enqueue_indirect_dma source(%dma_start3A_1174 : memref<128xf32, #tpu.memory_space<vmem>>) target(%dma_start3A_1179 : memref<100000xf32, #tpu.memory_space<vmem_shared>>) offsets(%dma_start3A_1177 : memref<128xi32, #tpu.memory_space<vmem>>) semaphore(%arg15 : memref<!tpu.dma_semaphore, #tpu.memory_space<semaphore_mem>>) {add = true}
      %dma_start3A_1180 = arith.constant 1 : i32
      %dma_start3A_1181 = arith.constant 7 : i32
      %dma_start3A_1182 = arith.constant 3 : i32
      %dma_start3A_1183 = arith.constant 1 : i32
      %dma_start3A_1184 = arith.constant 7 : i32
      %dma_start3A_1185 = arith.constant 0 : i32
      %dma_start3A_1186 = arith.constant 0 : i32
      %dma_start3A_1187 = tpu.memref_slice %arg6[%dma_start3A_1180, %dma_start3A_1181, %dma_start3A_1182, %dma_start3A_1186] : memref<2x8x4x128xf32, #tpu.memory_space<vmem>> -> memref<1x1x1x128xf32, #tpu.memory_space<vmem>>
      %dma_start3A_1188 = tpu.memref_squeeze %dma_start3A_1187 : memref<1x1x1x128xf32, #tpu.memory_space<vmem>> -> memref<128xf32, #tpu.memory_space<vmem>>
      %dma_start3A_1189 = arith.constant 0 : i32
      %dma_start3A_1190 = tpu.memref_slice %arg5[%dma_start3A_1183, %dma_start3A_1184, %dma_start3A_1185, %dma_start3A_1189] : memref<2x8x1x128xi32, #tpu.memory_space<vmem>> -> memref<1x1x1x128xi32, #tpu.memory_space<vmem>>
      %dma_start3A_1191 = tpu.memref_squeeze %dma_start3A_1190 : memref<1x1x1x128xi32, #tpu.memory_space<vmem>> -> memref<128xi32, #tpu.memory_space<vmem>>
      %dma_start3A_1192 = arith.constant 0 : i32
      %dma_start3A_1193 = tpu.memref_slice %arg11[%dma_start3A_1192] : memref<100000xf32, #tpu.memory_space<vmem_shared>> -> memref<100000xf32, #tpu.memory_space<vmem_shared>>
      tpu.enqueue_indirect_dma source(%dma_start3A_1188 : memref<128xf32, #tpu.memory_space<vmem>>) target(%dma_start3A_1193 : memref<100000xf32, #tpu.memory_space<vmem_shared>>) offsets(%dma_start3A_1191 : memref<128xi32, #tpu.memory_space<vmem>>) semaphore(%arg15 : memref<!tpu.dma_semaphore, #tpu.memory_space<semaphore_mem>>) {add = true}
      %add3A_1194 = arith.constant 1 : i32
      %add3A_1195 = arith.addi %while3A_218, %add3A_1194 : i32
      %lt3A_1196 = arith.cmpi slt, %add3A_1195, %add3A_55 : i32
      %convert_element_type3A_1197 = arith.extui %lt3A_1196 : i1 to i32
      %cond3A_1198 = arith.constant 0 : i32
      %cond3A_1199 = arith.cmpi ne, %convert_element_type3A_1197, %cond3A_1198 : i32
      scf.if %cond3A_1199 {
        %dma_wait3A_1200 = arith.constant 0 : i32
        %dma_wait3A_1201 = arith.constant 0 : i32
        %dma_wait3A_1202 = arith.constant 0 : i32
        %dma_wait3A_1203 = arith.constant 0 : i32
        %dma_wait3A_1204 = tpu.memref_slice %arg6[%dma_wait3A_1200, %dma_wait3A_1201, %dma_wait3A_1202, %dma_wait3A_1203] : memref<2x8x4x128xf32, #tpu.memory_space<vmem>> -> memref<1x8x4x128xf32, #tpu.memory_space<vmem>>
        %dma_wait3A_1205 = tpu.memref_squeeze %dma_wait3A_1204 : memref<1x8x4x128xf32, #tpu.memory_space<vmem>> -> memref<8x4x128xf32, #tpu.memory_space<vmem>>
        %dma_wait3A_1206 = arith.constant 0 : i32
        %dma_wait3A_1207 = arith.constant 0 : i32
        %dma_wait3A_1208 = arith.constant 0 : i32
        %dma_wait3A_1209 = tpu.memref_slice %arg3[%dma_wait3A_1206, %dma_wait3A_1207, %dma_wait3A_1208] : memref<50000x4x128xf32, #tpu.memory_space<hbm>> -> memref<8x4x128xf32, #tpu.memory_space<hbm>>
        %dma_wait3A_1210 = arith.constant 0 : i32
        %dma_wait3A_1211 = arith.constant 0 : i32
        %dma_wait3A_1212 = arith.constant 0 : i32
        %dma_wait3A_1213 = tpu.memref_slice %arg6[%dma_wait3A_1200, %dma_wait3A_1210, %dma_wait3A_1211, %dma_wait3A_1212] : memref<2x8x4x128xf32, #tpu.memory_space<vmem>> -> memref<1x8x4x128xf32, #tpu.memory_space<vmem>>
        %dma_wait3A_1214 = tpu.memref_squeeze %dma_wait3A_1213 : memref<1x8x4x128xf32, #tpu.memory_space<vmem>> -> memref<8x4x128xf32, #tpu.memory_space<vmem>>
        %dma_wait3A_1215 = arith.constant 0 : i32
        %dma_wait3A_1216 = arith.constant 0 : i32
        %dma_wait3A_1217 = arith.constant 0 : i32
        %dma_wait3A_1218 = tpu.memref_slice %arg3[%dma_wait3A_1215, %dma_wait3A_1216, %dma_wait3A_1217] : memref<50000x4x128xf32, #tpu.memory_space<hbm>> -> memref<8x4x128xf32, #tpu.memory_space<hbm>>
        tpu.wait_dma2 semaphore(%arg14 : memref<!tpu.dma_semaphore, #tpu.memory_space<semaphore_mem>>) src(%dma_wait3A_1218 : memref<8x4x128xf32, #tpu.memory_space<hbm>>) dst(%dma_wait3A_1214 : memref<8x4x128xf32, #tpu.memory_space<vmem>>)
        %add3A_1219 = arith.constant 2 : i32
        %add3A_1220 = arith.addi %add3A_221, %add3A_1219 : i32
        %mul3A_1221 = arith.constant 8 : i32
        %mul3A_1222 = arith.muli %add3A_1220, %mul3A_1221 : i32
        %multiple_of3A_1223 = tpu.assume_multiple %mul3A_1222, 8 : i32
        %dma_start3A_1224 = arith.constant 0 : i32
        %dma_start3A_1225 = arith.constant 0 : i32
        %dma_start3A_1226 = arith.constant 0 : i32
        %dma_start3A_1227 = arith.constant 0 : i32
        %dma_start3A_1228 = tpu.memref_slice %arg5[%dma_start3A_1224, %dma_start3A_1225, %dma_start3A_1226, %dma_start3A_1227] : memref<2x8x1x128xi32, #tpu.memory_space<vmem>> -> memref<1x8x1x128xi32, #tpu.memory_space<vmem>>
        %dma_start3A_1229 = tpu.memref_squeeze %dma_start3A_1228 : memref<1x8x1x128xi32, #tpu.memory_space<vmem>> -> memref<8x1x128xi32, #tpu.memory_space<vmem>>
        %dma_start3A_1230 = arith.constant 1 : i32
        %dma_start3A_1231 = arith.constant 0 : i32
        %dma_start3A_1232 = tpu.memref_slice %arg2[%multiple_of3A_1223, %dma_start3A_1230, %dma_start3A_1231] : memref<50000x2x128xi32, #tpu.memory_space<hbm>> -> memref<8x1x128xi32, #tpu.memory_space<hbm>>
        %dma_start3A_1233 = arith.constant 0 : i32
        %dma_start3A_1234 = arith.constant 0 : i32
        %dma_start3A_1235 = arith.constant 0 : i32
        %dma_start3A_1236 = tpu.memref_slice %arg5[%dma_start3A_1224, %dma_start3A_1233, %dma_start3A_1234, %dma_start3A_1235] : memref<2x8x1x128xi32, #tpu.memory_space<vmem>> -> memref<1x8x1x128xi32, #tpu.memory_space<vmem>>
        %dma_start3A_1237 = tpu.memref_squeeze %dma_start3A_1236 : memref<1x8x1x128xi32, #tpu.memory_space<vmem>> -> memref<8x1x128xi32, #tpu.memory_space<vmem>>
        %dma_start3A_1238 = arith.constant 1 : i32
        %dma_start3A_1239 = arith.constant 0 : i32
        %dma_start3A_1240 = tpu.memref_slice %arg2[%multiple_of3A_1223, %dma_start3A_1238, %dma_start3A_1239] : memref<50000x2x128xi32, #tpu.memory_space<hbm>> -> memref<8x1x128xi32, #tpu.memory_space<hbm>>
        tpu.enqueue_dma source(%dma_start3A_1240 : memref<8x1x128xi32, #tpu.memory_space<hbm>>) target(%dma_start3A_1237 : memref<8x1x128xi32, #tpu.memory_space<vmem>>) target_semaphore(%arg12 : memref<!tpu.dma_semaphore, #tpu.memory_space<semaphore_mem>>)
        %dma_start3A_1241 = arith.constant 0 : i32
        %dma_start3A_1242 = arith.constant 0 : i32
        %dma_start3A_1243 = arith.constant 0 : i32
        %dma_start3A_1244 = arith.constant 0 : i32
        %dma_start3A_1245 = tpu.memref_slice %arg6[%dma_start3A_1241, %dma_start3A_1242, %dma_start3A_1243, %dma_start3A_1244] : memref<2x8x4x128xf32, #tpu.memory_space<vmem>> -> memref<1x8x4x128xf32, #tpu.memory_space<vmem>>
        %dma_start3A_1246 = tpu.memref_squeeze %dma_start3A_1245 : memref<1x8x4x128xf32, #tpu.memory_space<vmem>> -> memref<8x4x128xf32, #tpu.memory_space<vmem>>
        %dma_start3A_1247 = arith.constant 0 : i32
        %dma_start3A_1248 = arith.constant 0 : i32
        %dma_start3A_1249 = tpu.memref_slice %arg3[%multiple_of3A_1223, %dma_start3A_1247, %dma_start3A_1248] : memref<50000x4x128xf32, #tpu.memory_space<hbm>> -> memref<8x4x128xf32, #tpu.memory_space<hbm>>
        %dma_start3A_1250 = arith.constant 0 : i32
        %dma_start3A_1251 = arith.constant 0 : i32
        %dma_start3A_1252 = arith.constant 0 : i32
        %dma_start3A_1253 = tpu.memref_slice %arg6[%dma_start3A_1241, %dma_start3A_1250, %dma_start3A_1251, %dma_start3A_1252] : memref<2x8x4x128xf32, #tpu.memory_space<vmem>> -> memref<1x8x4x128xf32, #tpu.memory_space<vmem>>
        %dma_start3A_1254 = tpu.memref_squeeze %dma_start3A_1253 : memref<1x8x4x128xf32, #tpu.memory_space<vmem>> -> memref<8x4x128xf32, #tpu.memory_space<vmem>>
        %dma_start3A_1255 = arith.constant 0 : i32
        %dma_start3A_1256 = arith.constant 0 : i32
        %dma_start3A_1257 = tpu.memref_slice %arg3[%multiple_of3A_1223, %dma_start3A_1255, %dma_start3A_1256] : memref<50000x4x128xf32, #tpu.memory_space<hbm>> -> memref<8x4x128xf32, #tpu.memory_space<hbm>>
        tpu.enqueue_dma source(%dma_start3A_1257 : memref<8x4x128xf32, #tpu.memory_space<hbm>>) target(%dma_start3A_1254 : memref<8x4x128xf32, #tpu.memory_space<vmem>>) target_semaphore(%arg12 : memref<!tpu.dma_semaphore, #tpu.memory_space<semaphore_mem>>)
        %dma_wait3A_1258 = arith.constant 1 : i32
        %dma_wait3A_1259 = arith.constant 0 : i32
        %dma_wait3A_1260 = arith.constant 0 : i32
        %dma_wait3A_1261 = arith.constant 0 : i32
        %dma_wait3A_1262 = tpu.memref_slice %arg6[%dma_wait3A_1258, %dma_wait3A_1259, %dma_wait3A_1260, %dma_wait3A_1261] : memref<2x8x4x128xf32, #tpu.memory_space<vmem>> -> memref<1x8x4x128xf32, #tpu.memory_space<vmem>>
        %dma_wait3A_1263 = tpu.memref_squeeze %dma_wait3A_1262 : memref<1x8x4x128xf32, #tpu.memory_space<vmem>> -> memref<8x4x128xf32, #tpu.memory_space<vmem>>
        %dma_wait3A_1264 = arith.constant 0 : i32
        %dma_wait3A_1265 = arith.constant 0 : i32
        %dma_wait3A_1266 = arith.constant 0 : i32
        %dma_wait3A_1267 = tpu.memref_slice %arg3[%dma_wait3A_1264, %dma_wait3A_1265, %dma_wait3A_1266] : memref<50000x4x128xf32, #tpu.memory_space<hbm>> -> memref<8x4x128xf32, #tpu.memory_space<hbm>>
        %dma_wait3A_1268 = arith.constant 0 : i32
        %dma_wait3A_1269 = arith.constant 0 : i32
        %dma_wait3A_1270 = arith.constant 0 : i32
        %dma_wait3A_1271 = tpu.memref_slice %arg6[%dma_wait3A_1258, %dma_wait3A_1268, %dma_wait3A_1269, %dma_wait3A_1270] : memref<2x8x4x128xf32, #tpu.memory_space<vmem>> -> memref<1x8x4x128xf32, #tpu.memory_space<vmem>>
        %dma_wait3A_1272 = tpu.memref_squeeze %dma_wait3A_1271 : memref<1x8x4x128xf32, #tpu.memory_space<vmem>> -> memref<8x4x128xf32, #tpu.memory_space<vmem>>
        %dma_wait3A_1273 = arith.constant 0 : i32
        %dma_wait3A_1274 = arith.constant 0 : i32
        %dma_wait3A_1275 = arith.constant 0 : i32
        %dma_wait3A_1276 = tpu.memref_slice %arg3[%dma_wait3A_1273, %dma_wait3A_1274, %dma_wait3A_1275] : memref<50000x4x128xf32, #tpu.memory_space<hbm>> -> memref<8x4x128xf32, #tpu.memory_space<hbm>>
        tpu.wait_dma2 semaphore(%arg15 : memref<!tpu.dma_semaphore, #tpu.memory_space<semaphore_mem>>) src(%dma_wait3A_1276 : memref<8x4x128xf32, #tpu.memory_space<hbm>>) dst(%dma_wait3A_1272 : memref<8x4x128xf32, #tpu.memory_space<vmem>>)
        %add3A_1277 = arith.constant 3 : i32
        %add3A_1278 = arith.addi %add3A_221, %add3A_1277 : i32
        %mul3A_1279 = arith.constant 8 : i32
        %mul3A_1280 = arith.muli %add3A_1278, %mul3A_1279 : i32
        %multiple_of3A_1281 = tpu.assume_multiple %mul3A_1280, 8 : i32
        %dma_start3A_1282 = arith.constant 1 : i32
        %dma_start3A_1283 = arith.constant 0 : i32
        %dma_start3A_1284 = arith.constant 0 : i32
        %dma_start3A_1285 = arith.constant 0 : i32
        %dma_start3A_1286 = tpu.memref_slice %arg5[%dma_start3A_1282, %dma_start3A_1283, %dma_start3A_1284, %dma_start3A_1285] : memref<2x8x1x128xi32, #tpu.memory_space<vmem>> -> memref<1x8x1x128xi32, #tpu.memory_space<vmem>>
        %dma_start3A_1287 = tpu.memref_squeeze %dma_start3A_1286 : memref<1x8x1x128xi32, #tpu.memory_space<vmem>> -> memref<8x1x128xi32, #tpu.memory_space<vmem>>
        %dma_start3A_1288 = arith.constant 1 : i32
        %dma_start3A_1289 = arith.constant 0 : i32
        %dma_start3A_1290 = tpu.memref_slice %arg2[%multiple_of3A_1281, %dma_start3A_1288, %dma_start3A_1289] : memref<50000x2x128xi32, #tpu.memory_space<hbm>> -> memref<8x1x128xi32, #tpu.memory_space<hbm>>
        %dma_start3A_1291 = arith.constant 0 : i32
        %dma_start3A_1292 = arith.constant 0 : i32
        %dma_start3A_1293 = arith.constant 0 : i32
        %dma_start3A_1294 = tpu.memref_slice %arg5[%dma_start3A_1282, %dma_start3A_1291, %dma_start3A_1292, %dma_start3A_1293] : memref<2x8x1x128xi32, #tpu.memory_space<vmem>> -> memref<1x8x1x128xi32, #tpu.memory_space<vmem>>
        %dma_start3A_1295 = tpu.memref_squeeze %dma_start3A_1294 : memref<1x8x1x128xi32, #tpu.memory_space<vmem>> -> memref<8x1x128xi32, #tpu.memory_space<vmem>>
        %dma_start3A_1296 = arith.constant 1 : i32
        %dma_start3A_1297 = arith.constant 0 : i32
        %dma_start3A_1298 = tpu.memref_slice %arg2[%multiple_of3A_1281, %dma_start3A_1296, %dma_start3A_1297] : memref<50000x2x128xi32, #tpu.memory_space<hbm>> -> memref<8x1x128xi32, #tpu.memory_space<hbm>>
        tpu.enqueue_dma source(%dma_start3A_1298 : memref<8x1x128xi32, #tpu.memory_space<hbm>>) target(%dma_start3A_1295 : memref<8x1x128xi32, #tpu.memory_space<vmem>>) target_semaphore(%arg13 : memref<!tpu.dma_semaphore, #tpu.memory_space<semaphore_mem>>)
        %dma_start3A_1299 = arith.constant 1 : i32
        %dma_start3A_1300 = arith.constant 0 : i32
        %dma_start3A_1301 = arith.constant 0 : i32
        %dma_start3A_1302 = arith.constant 0 : i32
        %dma_start3A_1303 = tpu.memref_slice %arg6[%dma_start3A_1299, %dma_start3A_1300, %dma_start3A_1301, %dma_start3A_1302] : memref<2x8x4x128xf32, #tpu.memory_space<vmem>> -> memref<1x8x4x128xf32, #tpu.memory_space<vmem>>
        %dma_start3A_1304 = tpu.memref_squeeze %dma_start3A_1303 : memref<1x8x4x128xf32, #tpu.memory_space<vmem>> -> memref<8x4x128xf32, #tpu.memory_space<vmem>>
        %dma_start3A_1305 = arith.constant 0 : i32
        %dma_start3A_1306 = arith.constant 0 : i32
        %dma_start3A_1307 = tpu.memref_slice %arg3[%multiple_of3A_1281, %dma_start3A_1305, %dma_start3A_1306] : memref<50000x4x128xf32, #tpu.memory_space<hbm>> -> memref<8x4x128xf32, #tpu.memory_space<hbm>>
        %dma_start3A_1308 = arith.constant 0 : i32
        %dma_start3A_1309 = arith.constant 0 : i32
        %dma_start3A_1310 = arith.constant 0 : i32
        %dma_start3A_1311 = tpu.memref_slice %arg6[%dma_start3A_1299, %dma_start3A_1308, %dma_start3A_1309, %dma_start3A_1310] : memref<2x8x4x128xf32, #tpu.memory_space<vmem>> -> memref<1x8x4x128xf32, #tpu.memory_space<vmem>>
        %dma_start3A_1312 = tpu.memref_squeeze %dma_start3A_1311 : memref<1x8x4x128xf32, #tpu.memory_space<vmem>> -> memref<8x4x128xf32, #tpu.memory_space<vmem>>
        %dma_start3A_1313 = arith.constant 0 : i32
        %dma_start3A_1314 = arith.constant 0 : i32
        %dma_start3A_1315 = tpu.memref_slice %arg3[%multiple_of3A_1281, %dma_start3A_1313, %dma_start3A_1314] : memref<50000x4x128xf32, #tpu.memory_space<hbm>> -> memref<8x4x128xf32, #tpu.memory_space<hbm>>
        tpu.enqueue_dma source(%dma_start3A_1315 : memref<8x4x128xf32, #tpu.memory_space<hbm>>) target(%dma_start3A_1312 : memref<8x4x128xf32, #tpu.memory_space<vmem>>) target_semaphore(%arg13 : memref<!tpu.dma_semaphore, #tpu.memory_space<semaphore_mem>>)
      } else {
      }
    }
    %dma_wait3A = arith.constant 0 : i32
    %dma_wait3A_140 = arith.constant 0 : i32
    %dma_wait3A_141 = arith.constant 0 : i32
    %dma_wait3A_142 = arith.constant 0 : i32
    %dma_wait3A_143 = tpu.memref_slice %arg6[%dma_wait3A, %dma_wait3A_140, %dma_wait3A_141, %dma_wait3A_142] : memref<2x8x4x128xf32, #tpu.memory_space<vmem>> -> memref<1x8x4x128xf32, #tpu.memory_space<vmem>>
    %dma_wait3A_144 = tpu.memref_squeeze %dma_wait3A_143 : memref<1x8x4x128xf32, #tpu.memory_space<vmem>> -> memref<8x4x128xf32, #tpu.memory_space<vmem>>
    %dma_wait3A_145 = arith.constant 0 : i32
    %dma_wait3A_146 = arith.constant 0 : i32
    %dma_wait3A_147 = arith.constant 0 : i32
    %dma_wait3A_148 = tpu.memref_slice %arg3[%dma_wait3A_145, %dma_wait3A_146, %dma_wait3A_147] : memref<50000x4x128xf32, #tpu.memory_space<hbm>> -> memref<8x4x128xf32, #tpu.memory_space<hbm>>
    %dma_wait3A_149 = arith.constant 0 : i32
    %dma_wait3A_150 = arith.constant 0 : i32
    %dma_wait3A_151 = arith.constant 0 : i32
    %dma_wait3A_152 = tpu.memref_slice %arg6[%dma_wait3A, %dma_wait3A_149, %dma_wait3A_150, %dma_wait3A_151] : memref<2x8x4x128xf32, #tpu.memory_space<vmem>> -> memref<1x8x4x128xf32, #tpu.memory_space<vmem>>
    %dma_wait3A_153 = tpu.memref_squeeze %dma_wait3A_152 : memref<1x8x4x128xf32, #tpu.memory_space<vmem>> -> memref<8x4x128xf32, #tpu.memory_space<vmem>>
    %dma_wait3A_154 = arith.constant 0 : i32
    %dma_wait3A_155 = arith.constant 0 : i32
    %dma_wait3A_156 = arith.constant 0 : i32
    %dma_wait3A_157 = tpu.memref_slice %arg3[%dma_wait3A_154, %dma_wait3A_155, %dma_wait3A_156] : memref<50000x4x128xf32, #tpu.memory_space<hbm>> -> memref<8x4x128xf32, #tpu.memory_space<hbm>>
    tpu.wait_dma2 semaphore(%arg14 : memref<!tpu.dma_semaphore, #tpu.memory_space<semaphore_mem>>) src(%dma_wait3A_157 : memref<8x4x128xf32, #tpu.memory_space<hbm>>) dst(%dma_wait3A_153 : memref<8x4x128xf32, #tpu.memory_space<vmem>>)
    %dma_wait3A_158 = arith.constant 1 : i32
    %dma_wait3A_159 = arith.constant 0 : i32
    %dma_wait3A_160 = arith.constant 0 : i32
    %dma_wait3A_161 = arith.constant 0 : i32
    %dma_wait3A_162 = tpu.memref_slice %arg6[%dma_wait3A_158, %dma_wait3A_159, %dma_wait3A_160, %dma_wait3A_161] : memref<2x8x4x128xf32, #tpu.memory_space<vmem>> -> memref<1x8x4x128xf32, #tpu.memory_space<vmem>>
    %dma_wait3A_163 = tpu.memref_squeeze %dma_wait3A_162 : memref<1x8x4x128xf32, #tpu.memory_space<vmem>> -> memref<8x4x128xf32, #tpu.memory_space<vmem>>
    %dma_wait3A_164 = arith.constant 0 : i32
    %dma_wait3A_165 = arith.constant 0 : i32
    %dma_wait3A_166 = arith.constant 0 : i32
    %dma_wait3A_167 = tpu.memref_slice %arg3[%dma_wait3A_164, %dma_wait3A_165, %dma_wait3A_166] : memref<50000x4x128xf32, #tpu.memory_space<hbm>> -> memref<8x4x128xf32, #tpu.memory_space<hbm>>
    %dma_wait3A_168 = arith.constant 0 : i32
    %dma_wait3A_169 = arith.constant 0 : i32
    %dma_wait3A_170 = arith.constant 0 : i32
    %dma_wait3A_171 = tpu.memref_slice %arg6[%dma_wait3A_158, %dma_wait3A_168, %dma_wait3A_169, %dma_wait3A_170] : memref<2x8x4x128xf32, #tpu.memory_space<vmem>> -> memref<1x8x4x128xf32, #tpu.memory_space<vmem>>
    %dma_wait3A_172 = tpu.memref_squeeze %dma_wait3A_171 : memref<1x8x4x128xf32, #tpu.memory_space<vmem>> -> memref<8x4x128xf32, #tpu.memory_space<vmem>>
    %dma_wait3A_173 = arith.constant 0 : i32
    %dma_wait3A_174 = arith.constant 0 : i32
    %dma_wait3A_175 = arith.constant 0 : i32
    %dma_wait3A_176 = tpu.memref_slice %arg3[%dma_wait3A_173, %dma_wait3A_174, %dma_wait3A_175] : memref<50000x4x128xf32, #tpu.memory_space<hbm>> -> memref<8x4x128xf32, #tpu.memory_space<hbm>>
    tpu.wait_dma2 semaphore(%arg15 : memref<!tpu.dma_semaphore, #tpu.memory_space<semaphore_mem>>) src(%dma_wait3A_176 : memref<8x4x128xf32, #tpu.memory_space<hbm>>) dst(%dma_wait3A_172 : memref<8x4x128xf32, #tpu.memory_space<vmem>>)
    %barrier3A_177 = arith.constant 0 : index
    tpu.barrier barrier_id(%barrier3A_177)
    %lt3A_178 = arith.constant 15 : i32
    %lt3A_179 = arith.cmpi slt, %arg1, %lt3A_178 : i32
    %convert_element_type3A_180 = arith.extui %lt3A_179 : i1 to i32
    %cond3A_181 = arith.constant 0 : i32
    %cond3A_182 = arith.cmpi ne, %convert_element_type3A_180, %cond3A_181 : i32
    scf.if %cond3A_182 {
      %mul3A_218 = arith.constant 6256 : i32
      %mul3A_219 = arith.muli %arg1, %mul3A_218 : i32
      %multiple_of3A_220 = tpu.assume_multiple %mul3A_219, 8 : i32
      %run_scoped3A = arith.constant 0 : i32
      "tpu.region"() ({
        %run_scoped3A_221 = tpu.sem_alloc : memref<!tpu.dma_semaphore, #tpu.memory_space<semaphore_mem>>
        %dma_start3A_222 = tpu.memref_slice %arg4[%arg0, %run_scoped3A, %multiple_of3A_220] : memref<2x4x100352xf32, #tpu.memory_space<hbm>> -> memref<1x1x6256xf32, #tpu.memory_space<hbm>>
        %dma_start3A_223 = tpu.memref_squeeze %dma_start3A_222 : memref<1x1x6256xf32, #tpu.memory_space<hbm>> -> memref<6256xf32, #tpu.memory_space<hbm>>
        %dma_start3A_224 = tpu.memref_slice %arg8[%multiple_of3A_220] : memref<100000xf32, #tpu.memory_space<vmem_shared>> -> memref<6256xf32, #tpu.memory_space<vmem_shared>>
        tpu.enqueue_dma source(%dma_start3A_224 : memref<6256xf32, #tpu.memory_space<vmem_shared>>) target(%dma_start3A_223 : memref<6256xf32, #tpu.memory_space<hbm>>) target_semaphore(%run_scoped3A_221 : memref<!tpu.dma_semaphore, #tpu.memory_space<semaphore_mem>>)
        %dma_wait3A_225 = tpu.memref_slice %arg4[%arg0, %run_scoped3A, %multiple_of3A_220] : memref<2x4x100352xf32, #tpu.memory_space<hbm>> -> memref<1x1x6256xf32, #tpu.memory_space<hbm>>
        %dma_wait3A_226 = tpu.memref_squeeze %dma_wait3A_225 : memref<1x1x6256xf32, #tpu.memory_space<hbm>> -> memref<6256xf32, #tpu.memory_space<hbm>>
        %dma_wait3A_227 = tpu.memref_slice %arg8[%multiple_of3A_220] : memref<100000xf32, #tpu.memory_space<vmem_shared>> -> memref<6256xf32, #tpu.memory_space<vmem_shared>>
        tpu.wait_dma2 semaphore(%run_scoped3A_221 : memref<!tpu.dma_semaphore, #tpu.memory_space<semaphore_mem>>) src(%dma_wait3A_227 : memref<6256xf32, #tpu.memory_space<vmem_shared>>) dst(%dma_wait3A_226 : memref<6256xf32, #tpu.memory_space<hbm>>)
        tpu.yield
      }) : () -> ()
    } else {
    }
    %eq3A_183 = arith.constant 15 : i32
    %eq3A_184 = arith.cmpi eq, %arg1, %eq3A_183 : i32
    %convert_element_type3A_185 = arith.extui %eq3A_184 : i1 to i32
    %cond3A_186 = arith.constant 0 : i32
    %cond3A_187 = arith.cmpi ne, %convert_element_type3A_185, %cond3A_186 : i32
    scf.if %cond3A_187 {
      %run_scoped3A = arith.constant 0 : i32
      "tpu.region"() ({
        %run_scoped3A_218 = tpu.sem_alloc : memref<!tpu.dma_semaphore, #tpu.memory_space<semaphore_mem>>
        %dma_start3A_219 = arith.constant 93840 : i32
        %dma_start3A_220 = tpu.memref_slice %arg4[%arg0, %run_scoped3A, %dma_start3A_219] : memref<2x4x100352xf32, #tpu.memory_space<hbm>> -> memref<1x1x6160xf32, #tpu.memory_space<hbm>>
        %dma_start3A_221 = tpu.memref_squeeze %dma_start3A_220 : memref<1x1x6160xf32, #tpu.memory_space<hbm>> -> memref<6160xf32, #tpu.memory_space<hbm>>
        %dma_start3A_222 = arith.constant 93840 : i32
        %dma_start3A_223 = tpu.memref_slice %arg8[%dma_start3A_222] : memref<100000xf32, #tpu.memory_space<vmem_shared>> -> memref<6160xf32, #tpu.memory_space<vmem_shared>>
        tpu.enqueue_dma source(%dma_start3A_223 : memref<6160xf32, #tpu.memory_space<vmem_shared>>) target(%dma_start3A_221 : memref<6160xf32, #tpu.memory_space<hbm>>) target_semaphore(%run_scoped3A_218 : memref<!tpu.dma_semaphore, #tpu.memory_space<semaphore_mem>>)
        %dma_wait3A_224 = arith.constant 93840 : i32
        %dma_wait3A_225 = tpu.memref_slice %arg4[%arg0, %run_scoped3A, %dma_wait3A_224] : memref<2x4x100352xf32, #tpu.memory_space<hbm>> -> memref<1x1x6160xf32, #tpu.memory_space<hbm>>
        %dma_wait3A_226 = tpu.memref_squeeze %dma_wait3A_225 : memref<1x1x6160xf32, #tpu.memory_space<hbm>> -> memref<6160xf32, #tpu.memory_space<hbm>>
        %dma_wait3A_227 = arith.constant 93840 : i32
        %dma_wait3A_228 = tpu.memref_slice %arg8[%dma_wait3A_227] : memref<100000xf32, #tpu.memory_space<vmem_shared>> -> memref<6160xf32, #tpu.memory_space<vmem_shared>>
        tpu.wait_dma2 semaphore(%run_scoped3A_218 : memref<!tpu.dma_semaphore, #tpu.memory_space<semaphore_mem>>) src(%dma_wait3A_228 : memref<6160xf32, #tpu.memory_space<vmem_shared>>) dst(%dma_wait3A_226 : memref<6160xf32, #tpu.memory_space<hbm>>)
        tpu.yield
      }) : () -> ()
    } else {
    }
    %lt3A_188 = arith.constant 15 : i32
    %lt3A_189 = arith.cmpi slt, %arg1, %lt3A_188 : i32
    %convert_element_type3A_190 = arith.extui %lt3A_189 : i1 to i32
    %cond3A_191 = arith.constant 0 : i32
    %cond3A_192 = arith.cmpi ne, %convert_element_type3A_190, %cond3A_191 : i32
    scf.if %cond3A_192 {
      %mul3A_218 = arith.constant 6256 : i32
      %mul3A_219 = arith.muli %arg1, %mul3A_218 : i32
      %multiple_of3A_220 = tpu.assume_multiple %mul3A_219, 8 : i32
      %run_scoped3A = arith.constant 1 : i32
      "tpu.region"() ({
        %run_scoped3A_221 = tpu.sem_alloc : memref<!tpu.dma_semaphore, #tpu.memory_space<semaphore_mem>>
        %dma_start3A_222 = tpu.memref_slice %arg4[%arg0, %run_scoped3A, %multiple_of3A_220] : memref<2x4x100352xf32, #tpu.memory_space<hbm>> -> memref<1x1x6256xf32, #tpu.memory_space<hbm>>
        %dma_start3A_223 = tpu.memref_squeeze %dma_start3A_222 : memref<1x1x6256xf32, #tpu.memory_space<hbm>> -> memref<6256xf32, #tpu.memory_space<hbm>>
        %dma_start3A_224 = tpu.memref_slice %arg9[%multiple_of3A_220] : memref<100000xf32, #tpu.memory_space<vmem_shared>> -> memref<6256xf32, #tpu.memory_space<vmem_shared>>
        tpu.enqueue_dma source(%dma_start3A_224 : memref<6256xf32, #tpu.memory_space<vmem_shared>>) target(%dma_start3A_223 : memref<6256xf32, #tpu.memory_space<hbm>>) target_semaphore(%run_scoped3A_221 : memref<!tpu.dma_semaphore, #tpu.memory_space<semaphore_mem>>)
        %dma_wait3A_225 = tpu.memref_slice %arg4[%arg0, %run_scoped3A, %multiple_of3A_220] : memref<2x4x100352xf32, #tpu.memory_space<hbm>> -> memref<1x1x6256xf32, #tpu.memory_space<hbm>>
        %dma_wait3A_226 = tpu.memref_squeeze %dma_wait3A_225 : memref<1x1x6256xf32, #tpu.memory_space<hbm>> -> memref<6256xf32, #tpu.memory_space<hbm>>
        %dma_wait3A_227 = tpu.memref_slice %arg9[%multiple_of3A_220] : memref<100000xf32, #tpu.memory_space<vmem_shared>> -> memref<6256xf32, #tpu.memory_space<vmem_shared>>
        tpu.wait_dma2 semaphore(%run_scoped3A_221 : memref<!tpu.dma_semaphore, #tpu.memory_space<semaphore_mem>>) src(%dma_wait3A_227 : memref<6256xf32, #tpu.memory_space<vmem_shared>>) dst(%dma_wait3A_226 : memref<6256xf32, #tpu.memory_space<hbm>>)
        tpu.yield
      }) : () -> ()
    } else {
    }
    %eq3A_193 = arith.constant 15 : i32
    %eq3A_194 = arith.cmpi eq, %arg1, %eq3A_193 : i32
    %convert_element_type3A_195 = arith.extui %eq3A_194 : i1 to i32
    %cond3A_196 = arith.constant 0 : i32
    %cond3A_197 = arith.cmpi ne, %convert_element_type3A_195, %cond3A_196 : i32
    scf.if %cond3A_197 {
      %run_scoped3A = arith.constant 1 : i32
      "tpu.region"() ({
        %run_scoped3A_218 = tpu.sem_alloc : memref<!tpu.dma_semaphore, #tpu.memory_space<semaphore_mem>>
        %dma_start3A_219 = arith.constant 93840 : i32
        %dma_start3A_220 = tpu.memref_slice %arg4[%arg0, %run_scoped3A, %dma_start3A_219] : memref<2x4x100352xf32, #tpu.memory_space<hbm>> -> memref<1x1x6160xf32, #tpu.memory_space<hbm>>
        %dma_start3A_221 = tpu.memref_squeeze %dma_start3A_220 : memref<1x1x6160xf32, #tpu.memory_space<hbm>> -> memref<6160xf32, #tpu.memory_space<hbm>>
        %dma_start3A_222 = arith.constant 93840 : i32
        %dma_start3A_223 = tpu.memref_slice %arg9[%dma_start3A_222] : memref<100000xf32, #tpu.memory_space<vmem_shared>> -> memref<6160xf32, #tpu.memory_space<vmem_shared>>
        tpu.enqueue_dma source(%dma_start3A_223 : memref<6160xf32, #tpu.memory_space<vmem_shared>>) target(%dma_start3A_221 : memref<6160xf32, #tpu.memory_space<hbm>>) target_semaphore(%run_scoped3A_218 : memref<!tpu.dma_semaphore, #tpu.memory_space<semaphore_mem>>)
        %dma_wait3A_224 = arith.constant 93840 : i32
        %dma_wait3A_225 = tpu.memref_slice %arg4[%arg0, %run_scoped3A, %dma_wait3A_224] : memref<2x4x100352xf32, #tpu.memory_space<hbm>> -> memref<1x1x6160xf32, #tpu.memory_space<hbm>>
        %dma_wait3A_226 = tpu.memref_squeeze %dma_wait3A_225 : memref<1x1x6160xf32, #tpu.memory_space<hbm>> -> memref<6160xf32, #tpu.memory_space<hbm>>
        %dma_wait3A_227 = arith.constant 93840 : i32
        %dma_wait3A_228 = tpu.memref_slice %arg9[%dma_wait3A_227] : memref<100000xf32, #tpu.memory_space<vmem_shared>> -> memref<6160xf32, #tpu.memory_space<vmem_shared>>
        tpu.wait_dma2 semaphore(%run_scoped3A_218 : memref<!tpu.dma_semaphore, #tpu.memory_space<semaphore_mem>>) src(%dma_wait3A_228 : memref<6160xf32, #tpu.memory_space<vmem_shared>>) dst(%dma_wait3A_226 : memref<6160xf32, #tpu.memory_space<hbm>>)
        tpu.yield
      }) : () -> ()
    } else {
    }
    %lt3A_198 = arith.constant 15 : i32
    %lt3A_199 = arith.cmpi slt, %arg1, %lt3A_198 : i32
    %convert_element_type3A_200 = arith.extui %lt3A_199 : i1 to i32
    %cond3A_201 = arith.constant 0 : i32
    %cond3A_202 = arith.cmpi ne, %convert_element_type3A_200, %cond3A_201 : i32
    scf.if %cond3A_202 {
      %mul3A_218 = arith.constant 6256 : i32
      %mul3A_219 = arith.muli %arg1, %mul3A_218 : i32
      %multiple_of3A_220 = tpu.assume_multiple %mul3A_219, 8 : i32
      %run_scoped3A = arith.constant 2 : i32
      "tpu.region"() ({
        %run_scoped3A_221 = tpu.sem_alloc : memref<!tpu.dma_semaphore, #tpu.memory_space<semaphore_mem>>
        %dma_start3A_222 = tpu.memref_slice %arg4[%arg0, %run_scoped3A, %multiple_of3A_220] : memref<2x4x100352xf32, #tpu.memory_space<hbm>> -> memref<1x1x6256xf32, #tpu.memory_space<hbm>>
        %dma_start3A_223 = tpu.memref_squeeze %dma_start3A_222 : memref<1x1x6256xf32, #tpu.memory_space<hbm>> -> memref<6256xf32, #tpu.memory_space<hbm>>
        %dma_start3A_224 = tpu.memref_slice %arg10[%multiple_of3A_220] : memref<100000xf32, #tpu.memory_space<vmem_shared>> -> memref<6256xf32, #tpu.memory_space<vmem_shared>>
        tpu.enqueue_dma source(%dma_start3A_224 : memref<6256xf32, #tpu.memory_space<vmem_shared>>) target(%dma_start3A_223 : memref<6256xf32, #tpu.memory_space<hbm>>) target_semaphore(%run_scoped3A_221 : memref<!tpu.dma_semaphore, #tpu.memory_space<semaphore_mem>>)
        %dma_wait3A_225 = tpu.memref_slice %arg4[%arg0, %run_scoped3A, %multiple_of3A_220] : memref<2x4x100352xf32, #tpu.memory_space<hbm>> -> memref<1x1x6256xf32, #tpu.memory_space<hbm>>
        %dma_wait3A_226 = tpu.memref_squeeze %dma_wait3A_225 : memref<1x1x6256xf32, #tpu.memory_space<hbm>> -> memref<6256xf32, #tpu.memory_space<hbm>>
        %dma_wait3A_227 = tpu.memref_slice %arg10[%multiple_of3A_220] : memref<100000xf32, #tpu.memory_space<vmem_shared>> -> memref<6256xf32, #tpu.memory_space<vmem_shared>>
        tpu.wait_dma2 semaphore(%run_scoped3A_221 : memref<!tpu.dma_semaphore, #tpu.memory_space<semaphore_mem>>) src(%dma_wait3A_227 : memref<6256xf32, #tpu.memory_space<vmem_shared>>) dst(%dma_wait3A_226 : memref<6256xf32, #tpu.memory_space<hbm>>)
        tpu.yield
      }) : () -> ()
    } else {
    }
    %eq3A_203 = arith.constant 15 : i32
    %eq3A_204 = arith.cmpi eq, %arg1, %eq3A_203 : i32
    %convert_element_type3A_205 = arith.extui %eq3A_204 : i1 to i32
    %cond3A_206 = arith.constant 0 : i32
    %cond3A_207 = arith.cmpi ne, %convert_element_type3A_205, %cond3A_206 : i32
    scf.if %cond3A_207 {
      %run_scoped3A = arith.constant 2 : i32
      "tpu.region"() ({
        %run_scoped3A_218 = tpu.sem_alloc : memref<!tpu.dma_semaphore, #tpu.memory_space<semaphore_mem>>
        %dma_start3A_219 = arith.constant 93840 : i32
        %dma_start3A_220 = tpu.memref_slice %arg4[%arg0, %run_scoped3A, %dma_start3A_219] : memref<2x4x100352xf32, #tpu.memory_space<hbm>> -> memref<1x1x6160xf32, #tpu.memory_space<hbm>>
        %dma_start3A_221 = tpu.memref_squeeze %dma_start3A_220 : memref<1x1x6160xf32, #tpu.memory_space<hbm>> -> memref<6160xf32, #tpu.memory_space<hbm>>
        %dma_start3A_222 = arith.constant 93840 : i32
        %dma_start3A_223 = tpu.memref_slice %arg10[%dma_start3A_222] : memref<100000xf32, #tpu.memory_space<vmem_shared>> -> memref<6160xf32, #tpu.memory_space<vmem_shared>>
        tpu.enqueue_dma source(%dma_start3A_223 : memref<6160xf32, #tpu.memory_space<vmem_shared>>) target(%dma_start3A_221 : memref<6160xf32, #tpu.memory_space<hbm>>) target_semaphore(%run_scoped3A_218 : memref<!tpu.dma_semaphore, #tpu.memory_space<semaphore_mem>>)
        %dma_wait3A_224 = arith.constant 93840 : i32
        %dma_wait3A_225 = tpu.memref_slice %arg4[%arg0, %run_scoped3A, %dma_wait3A_224] : memref<2x4x100352xf32, #tpu.memory_space<hbm>> -> memref<1x1x6160xf32, #tpu.memory_space<hbm>>
        %dma_wait3A_226 = tpu.memref_squeeze %dma_wait3A_225 : memref<1x1x6160xf32, #tpu.memory_space<hbm>> -> memref<6160xf32, #tpu.memory_space<hbm>>
        %dma_wait3A_227 = arith.constant 93840 : i32
        %dma_wait3A_228 = tpu.memref_slice %arg10[%dma_wait3A_227] : memref<100000xf32, #tpu.memory_space<vmem_shared>> -> memref<6160xf32, #tpu.memory_space<vmem_shared>>
        tpu.wait_dma2 semaphore(%run_scoped3A_218 : memref<!tpu.dma_semaphore, #tpu.memory_space<semaphore_mem>>) src(%dma_wait3A_228 : memref<6160xf32, #tpu.memory_space<vmem_shared>>) dst(%dma_wait3A_226 : memref<6160xf32, #tpu.memory_space<hbm>>)
        tpu.yield
      }) : () -> ()
    } else {
    }
    %lt3A_208 = arith.constant 15 : i32
    %lt3A_209 = arith.cmpi slt, %arg1, %lt3A_208 : i32
    %convert_element_type3A_210 = arith.extui %lt3A_209 : i1 to i32
    %cond3A_211 = arith.constant 0 : i32
    %cond3A_212 = arith.cmpi ne, %convert_element_type3A_210, %cond3A_211 : i32
    scf.if %cond3A_212 {
      %mul3A_218 = arith.constant 6256 : i32
      %mul3A_219 = arith.muli %arg1, %mul3A_218 : i32
      %multiple_of3A_220 = tpu.assume_multiple %mul3A_219, 8 : i32
      %run_scoped3A = arith.constant 3 : i32
      "tpu.region"() ({
        %run_scoped3A_221 = tpu.sem_alloc : memref<!tpu.dma_semaphore, #tpu.memory_space<semaphore_mem>>
        %dma_start3A_222 = tpu.memref_slice %arg4[%arg0, %run_scoped3A, %multiple_of3A_220] : memref<2x4x100352xf32, #tpu.memory_space<hbm>> -> memref<1x1x6256xf32, #tpu.memory_space<hbm>>
        %dma_start3A_223 = tpu.memref_squeeze %dma_start3A_222 : memref<1x1x6256xf32, #tpu.memory_space<hbm>> -> memref<6256xf32, #tpu.memory_space<hbm>>
        %dma_start3A_224 = tpu.memref_slice %arg11[%multiple_of3A_220] : memref<100000xf32, #tpu.memory_space<vmem_shared>> -> memref<6256xf32, #tpu.memory_space<vmem_shared>>
        tpu.enqueue_dma source(%dma_start3A_224 : memref<6256xf32, #tpu.memory_space<vmem_shared>>) target(%dma_start3A_223 : memref<6256xf32, #tpu.memory_space<hbm>>) target_semaphore(%run_scoped3A_221 : memref<!tpu.dma_semaphore, #tpu.memory_space<semaphore_mem>>)
        %dma_wait3A_225 = tpu.memref_slice %arg4[%arg0, %run_scoped3A, %multiple_of3A_220] : memref<2x4x100352xf32, #tpu.memory_space<hbm>> -> memref<1x1x6256xf32, #tpu.memory_space<hbm>>
        %dma_wait3A_226 = tpu.memref_squeeze %dma_wait3A_225 : memref<1x1x6256xf32, #tpu.memory_space<hbm>> -> memref<6256xf32, #tpu.memory_space<hbm>>
        %dma_wait3A_227 = tpu.memref_slice %arg11[%multiple_of3A_220] : memref<100000xf32, #tpu.memory_space<vmem_shared>> -> memref<6256xf32, #tpu.memory_space<vmem_shared>>
        tpu.wait_dma2 semaphore(%run_scoped3A_221 : memref<!tpu.dma_semaphore, #tpu.memory_space<semaphore_mem>>) src(%dma_wait3A_227 : memref<6256xf32, #tpu.memory_space<vmem_shared>>) dst(%dma_wait3A_226 : memref<6256xf32, #tpu.memory_space<hbm>>)
        tpu.yield
      }) : () -> ()
    } else {
    }
    %eq3A_213 = arith.constant 15 : i32
    %eq3A_214 = arith.cmpi eq, %arg1, %eq3A_213 : i32
    %convert_element_type3A_215 = arith.extui %eq3A_214 : i1 to i32
    %cond3A_216 = arith.constant 0 : i32
    %cond3A_217 = arith.cmpi ne, %convert_element_type3A_215, %cond3A_216 : i32
    scf.if %cond3A_217 {
      %run_scoped3A = arith.constant 3 : i32
      "tpu.region"() ({
        %run_scoped3A_218 = tpu.sem_alloc : memref<!tpu.dma_semaphore, #tpu.memory_space<semaphore_mem>>
        %dma_start3A_219 = arith.constant 93840 : i32
        %dma_start3A_220 = tpu.memref_slice %arg4[%arg0, %run_scoped3A, %dma_start3A_219] : memref<2x4x100352xf32, #tpu.memory_space<hbm>> -> memref<1x1x6160xf32, #tpu.memory_space<hbm>>
        %dma_start3A_221 = tpu.memref_squeeze %dma_start3A_220 : memref<1x1x6160xf32, #tpu.memory_space<hbm>> -> memref<6160xf32, #tpu.memory_space<hbm>>
        %dma_start3A_222 = arith.constant 93840 : i32
        %dma_start3A_223 = tpu.memref_slice %arg11[%dma_start3A_222] : memref<100000xf32, #tpu.memory_space<vmem_shared>> -> memref<6160xf32, #tpu.memory_space<vmem_shared>>
        tpu.enqueue_dma source(%dma_start3A_223 : memref<6160xf32, #tpu.memory_space<vmem_shared>>) target(%dma_start3A_221 : memref<6160xf32, #tpu.memory_space<hbm>>) target_semaphore(%run_scoped3A_218 : memref<!tpu.dma_semaphore, #tpu.memory_space<semaphore_mem>>)
        %dma_wait3A_224 = arith.constant 93840 : i32
        %dma_wait3A_225 = tpu.memref_slice %arg4[%arg0, %run_scoped3A, %dma_wait3A_224] : memref<2x4x100352xf32, #tpu.memory_space<hbm>> -> memref<1x1x6160xf32, #tpu.memory_space<hbm>>
        %dma_wait3A_226 = tpu.memref_squeeze %dma_wait3A_225 : memref<1x1x6160xf32, #tpu.memory_space<hbm>> -> memref<6160xf32, #tpu.memory_space<hbm>>
        %dma_wait3A_227 = arith.constant 93840 : i32
        %dma_wait3A_228 = tpu.memref_slice %arg11[%dma_wait3A_227] : memref<100000xf32, #tpu.memory_space<vmem_shared>> -> memref<6160xf32, #tpu.memory_space<vmem_shared>>
        tpu.wait_dma2 semaphore(%run_scoped3A_218 : memref<!tpu.dma_semaphore, #tpu.memory_space<semaphore_mem>>) src(%dma_wait3A_228 : memref<6160xf32, #tpu.memory_space<vmem_shared>>) dst(%dma_wait3A_226 : memref<6160xf32, #tpu.memory_space<hbm>>)
        tpu.yield
      }) : () -> ()
    } else {
    }
    return
  }
}

module attributes {stable_mosaic.version = 14 : i64} {
  func.func @body(%arg0: memref<2x4x784x128xf32, #tpu.memory_space<vmem>>, %arg1: memref<784x128xf32, #tpu.memory_space<vmem>>, %arg2: memref<4x784x128xf32, #tpu.memory_space<vmem>>) attributes {dimension_semantics = [], scalar_prefetch = 0 : i64, scratch_operands = 0 : i64, tpu.core_type = #tpu.core_type<tc>} {
    %get3A = arith.constant 0 : index
    %get3A_0 = arith.constant 0 : index
    %get3A_1 = arith.constant 0 : index
    %get3A_2 = arith.constant 0 : index
    %get3A_3 = vector.load %arg0[%get3A, %get3A_0, %get3A_1, %get3A_2] : memref<2x4x784x128xf32, #tpu.memory_space<vmem>>, vector<1x4x784x128xf32>
    %get3A_4 = vector.shape_cast %get3A_3 : vector<1x4x784x128xf32> to vector<4x784x128xf32>
    %get3A_5 = arith.constant 1 : index
    %get3A_6 = arith.constant 0 : index
    %get3A_7 = arith.constant 0 : index
    %get3A_8 = arith.constant 0 : index
    %get3A_9 = vector.load %arg0[%get3A_5, %get3A_6, %get3A_7, %get3A_8] : memref<2x4x784x128xf32, #tpu.memory_space<vmem>>, vector<1x4x784x128xf32>
    %get3A_10 = vector.shape_cast %get3A_9 : vector<1x4x784x128xf32> to vector<4x784x128xf32>
    %add3A = arith.addf %get3A_4, %get3A_10 : vector<4x784x128xf32>
    %get3A_11 = arith.constant 0 : index
    %get3A_12 = arith.constant 0 : index
    %get3A_13 = vector.load %arg1[%get3A_11, %get3A_12] : memref<784x128xf32, #tpu.memory_space<vmem>>, vector<784x128xf32>
    %div3A = arith.constant 1.000000e+00 : f32
    %div3A_14 = vector.broadcast %div3A : f32 to vector<784x128xf32>
    %div3A_15 = arith.divf %div3A_14, %get3A_13 : vector<784x128xf32>
    %broadcast_in_dim3A = vector.shape_cast %div3A_15 : vector<784x128xf32> to vector<1x784x128xf32>
    %mul3A = vector.broadcast %broadcast_in_dim3A : vector<1x784x128xf32> to vector<4x784x128xf32>
    %mul3A_16 = arith.mulf %mul3A, %add3A : vector<4x784x128xf32>
    %swap3A = arith.constant 0 : index
    %swap3A_17 = arith.constant 0 : index
    %swap3A_18 = arith.constant 0 : index
    %swap3A_19 = vector.load %arg2[%swap3A, %swap3A_17, %swap3A_18] : memref<4x784x128xf32, #tpu.memory_space<vmem>>, vector<4x784x128xf32>
    tpu.vector_store %arg2[%swap3A, %swap3A_17, %swap3A_18], %mul3A_16 {strides = array<i32>} : memref<4x784x128xf32, #tpu.memory_space<vmem>>, vector<4x784x128xf32>,
    return
  }
}

</mosaic_0001>

<sc_bundles>
// kernel: kernel.4.cloned.1.call-start
scs
__scs_entry_jumppad:
0x0: {  	(pc) =	sbr.rel $0x88, $3  }
0x1: {  	(tag) =	ssettag $0x0;
	lr =	simm.s32 $0x1  }
0x2: {  	[smem:$0x3F9E] =	sst lr;
	_ =	strace $0xD0000000  }
0x3: {  	_ = 	snop  }
0x4: {  	_ = 	snop  }
0x5: {  	_ = 	snop  }
0x6: {  	_ = 	snop  }
0x7: {  	_ = 	snop  }
__scs_overlays_trampoline_lowered:
0x8: {  	[smem:$0x3FAD] =	sst s0  }
0x9: {  	[smem:$0x3FAE] =	sst s1  }
0xa: {  	[smem:$0x3FAF] =	sst s2  }
0xb: {  	[smem:$0x3FB0] =	sst s3  }
0xc: {  	[smem:$0x3FB1] =	sst s4  }
0xd: {  	[smem:$0x3FB2] =	sst s5  }
0xe: {  	[smem:$0x3FB3] =	sst s6  }
0xf: {  	[smem:$0x3FB4] =	sst s7  }
0x10: {  	[smem:$0x3FB5] =	sst s8  }
0x11: {  	[smem:$0x3FB6] =	sst s9;
	s0 =	simm.s32 @!p0 $0x0  }
0x12: {  	s1 =	sld [smem:$0x3F9C];
	s0 =	simm.s32 @p0 $0x1  }
0x13: {  	[smem:$0x3FB7] =	sst s0;
	s0 =	simm.s32 @!p1 $0x0  }
0x14: {  	s2 =	sld [smem:$0x3F9B];
	s0 =	simm.s32 @p1 $0x1  }
0x15: {  	[smem:$0x3FB8] =	sst s0;
	s0 =	simm.s32 @!p2 $0x0  }
0x16: {  	s3 =	sld [smem:$0x3FDB];
	s0 =	simm.s32 @p2 $0x1  }
0x17: {  	s4 =	simm.s32 $0x1BF5;
	[smem:$0x3FBA] =	sst s0  }
0x18: {  	s0 =	sld [smem:$0x3F9D];
	_ =	swait.ge [sflag:s4], $0x0  }
0x19: {  	s7 =	sld [smem:$0x3F9E]  }
0x1a: {  	s8 =	sadd.s32 $0xFFFFE003, lr  }
0x1b: {  	s9 =	sadd.s32 $0xFFFFFEF7, lr;
	s5 =	simm.s32 $0xFFFFFFFF;
	p2 =	slt.u32 s8, $0xFFFFF086  }
0x1c: {  	p1 =	slt.u32 s9, $0xF7A;
	s5 =	simm.s32 @!p2 $0x0  }
0x1d: {  	s5 =	simm.s32 @p1 $0x1;
	p0 =	seq.s32 s7, s2  }
0x1e: {  	s7 =	smul.u32 @!p0 $0xF7A, s2;
	p2 =	seq.s32 @!p0 s5, $0x0  }
0x1f: {  	s9 =	smul.u32 $0xF7A, s1;
	s8 =	simm.s32 @!p0 $0x1BF5;
	p2 =	por !p2, p0  }
0x20: {  	[sflag:s8] =	ssyncset.s32 @!p0 $0xFFFFF086;
	s6 =	sadd.s32 @!p0 s3, s7;
	s7 =	simm.s32 @!p0 $0x108  }
0x21: {  	s3 =	sadd.s32 s3, s9;
	s6 =	sadd.s32 @!p0 $0x88, s6;
	s7 =	simm.s32 @p2 $0x1082  }
0x22: {  	[simem:s7], [sflag:s8] =	dma.local @!p0 [hbm:s6], $0xF7A  }
0x23: {  	s9 =	sor.u32 $0xD0000000, s2;
	s6 =	simm.s32 $0x108;
	_ =	swait.ge @!p0 [sflag:s8], $0x0  }
0x24: {  	s3 =	sadd.s32 $0x88, s3;
	s6 =	simm.s32 @!p1 $0x1082;
	[sflag:s4] =	ssyncset.s32 $0xFFFFF086  }
0x25: {  	[simem:s6], [sflag:s4] =	dma.local [hbm:s3], $0xF7A  }
0x26: {  	[smem:$0x3F9E] =	sst s1;
	(tag) =	ssettag s2;
	_ =	strace s9  }
0x27: {  	s1 =	sld [smem:$0x3FAE]  }
0x28: {  	s2 =	sld [smem:$0x3FAF]  }
0x29: {  	s4 =	sld [smem:$0x3FB1]  }
0x2a: {  	p0 =	seq.s32 s5, $0x0;
	s5 =	sld [smem:$0x3FB2]  }
0x2b: {  	s6 =	sld [smem:$0x3FB3]  }
0x2c: {  	s7 =	sld [smem:$0x3FB4]  }
0x2d: {  	s3 =	simm.s32 $0x108;
	s8 =	sld [smem:$0x3FB5]  }
0x2e: {  	s3 =	simm.s32 @!p0 $0x1082;
	s9 =	sld [smem:$0x3FB6]  }
0x2f: {  	lr =	sadd.s32 s0, s3;
	s0 =	sld [smem:$0x3FAD]  }
0x30: {  	s3 =	sld [smem:$0x3FB0]  }
0x31: {  	[smem:$0x3FB9] =	sst s10  }
0x32: {  	s10 =	sld [smem:$0x3FB7];
	_ =	sdelay $0x3  }
0x33: {  	p0 =	seq.s32 s10, $0x1;
	s10 =	sld [smem:$0x3FB9];
	_ =	sdelay $0x3  }
0x34: {  	[smem:$0x3FB9] =	sst s10  }
0x35: {  	s10 =	sld [smem:$0x3FB8];
	_ =	sdelay $0x3  }
0x36: {  	p1 =	seq.s32 s10, $0x1;
	s10 =	sld [smem:$0x3FB9];
	_ =	sdelay $0x3  }
0x37: {  	[smem:$0x3FB9] =	sst s10  }
0x38: {  	s10 =	sld [smem:$0x3FBA]  }
0x39: {  	_ = 	snop;
	(pc) =	sbr.ind lr, $3  }
0x3a: {  	_ = 	snop  }
0x3b: {  	_ = 	snop  }
0x3c: {  	p2 =	seq.s32 s10, $0x1;
	s10 =	sld [smem:$0x3FB9]  }
0x3d: {  	_ =	shalt  }
0x3e: {  	_ =	shalt  }
0x3f: {  	_ =	shalt  }
0x40: {  	_ =	shalt  }
0x41: {  	_ =	shalt  }
0x42: {  	_ =	shalt  }
0x43: {  	_ =	shalt  }
0x44: {  	_ =	shalt  }
0x45: {  	_ =	shalt  }
0x46: {  	_ =	shalt  }
0x47: {  	_ =	shalt  }
0x48: {  	_ =	shalt  }
0x49: {  	_ =	shalt  }
0x4a: {  	_ =	shalt  }
0x4b: {  	_ =	shalt  }
0x4c: {  	_ =	shalt  }
0x4d: {  	_ =	shalt  }
0x4e: {  	_ =	shalt  }
0x4f: {  	_ =	shalt  }
0x50: {  	_ =	shalt  }
0x51: {  	_ =	shalt  }
0x52: {  	_ =	shalt  }
0x53: {  	_ =	shalt  }
0x54: {  	_ =	shalt  }
0x55: {  	_ =	shalt  }
0x56: {  	_ =	shalt  }
0x57: {  	_ =	shalt  }
0x58: {  	_ =	shalt  }
0x59: {  	_ =	shalt  }
0x5a: {  	_ =	shalt  }
0x5b: {  	_ =	shalt  }
0x5c: {  	_ =	shalt  }
0x5d: {  	_ =	shalt  }
0x5e: {  	_ =	shalt  }
0x5f: {  	_ =	shalt  }
0x60: {  	_ =	shalt  }
0x61: {  	_ =	shalt  }
0x62: {  	_ =	shalt  }
0x63: {  	_ =	shalt  }
0x64: {  	_ =	shalt  }
0x65: {  	_ =	shalt  }
0x66: {  	_ =	shalt  }
0x67: {  	_ =	shalt  }
0x68: {  	_ =	shalt  }
0x69: {  	_ =	shalt  }
0x6a: {  	_ =	shalt  }
0x6b: {  	_ =	shalt  }
0x6c: {  	_ =	shalt  }
0x6d: {  	_ =	shalt  }
0x6e: {  	_ =	shalt  }
0x6f: {  	_ =	shalt  }
0x70: {  	_ =	shalt  }
0x71: {  	_ =	shalt  }
0x72: {  	_ =	shalt  }
0x73: {  	_ =	shalt  }
0x74: {  	_ =	shalt  }
0x75: {  	_ =	shalt  }
0x76: {  	_ =	shalt  }
0x77: {  	_ =	shalt  }
0x78: {  	_ =	shalt  }
0x79: {  	_ =	shalt  }
0x7a: {  	_ =	shalt  }
0x7b: {  	_ =	shalt  }
0x7c: {  	_ =	shalt  }
0x7d: {  	_ =	shalt  }
0x7e: {  	_ =	shalt  }
0x7f: {  	_ =	shalt  }
0x80: {  	_ =	shalt  }
0x81: {  	_ =	shalt  }
0x82: {  	_ =	shalt  }
0x83: {  	_ =	shalt  }
0x84: {  	_ =	shalt  }
0x85: {  	_ =	shalt  }
0x86: {  	_ =	shalt  }
0x87: {  	_ =	shalt  }
.Lfunc_end0:
.L_simem_size_0:
called_computation_lowered:
.L_overlay_start_0:
0x88: {  	s2 =	sld [smem:$0x3FD9]  }
0x89: {  	s3 =	sld [smem:$0x3FFE];
	_ =	sdelay $0x1  }
0x8a: {  	s1 =	srdreg.scid  }
0x8b: {  	s0 =	sand.u32 $0x1, s1  }
0x8c: {  	s17 =	sshll.u32 s0, $0xA;
	s2 =	sadd.s32 s3, s2  }
0x8d: {  	s2 =	sadd.s32 s2, s17  }
0x8e: {  	[smem:$0x3FC5] =	sst s2  }
0x8f: {  	_ = 	snop  }
0x90: {  	s2 =	sld [smem:$0x3FC8]  }
0x91: {  	s18 =	sld [smem:$0x3FC7];
	(tm) =	ssettm $0x1  }
0x92: {  	s4 =	sld [smem:$0x3FFB];
	_ =	sdelay $0x3  }
0x93: {  	_ =	strace s4  }
0x94: {  	s4 =	sld [smem:$0x3FFC];
	_ =	sdelay $0x3  }
0x95: {  	_ =	strace s4  }
0x96: {  	s4 =	sld [smem:$0x3FFD];
	_ =	sdelay $0x3  }
0x97: {  	_ =	strace s4  }
0x98: {  	_ =	strace $0x8FFFFFFF  }
0x99: {  	s19 =	sld [smem:$0x3FDB];
	_ =	sdelay $0x1  }
0x9a: {  	s5 =	simm.s32 $_scs_section_size  }
0x9b: {  	s6 =	simm.s32 $_size__tile_overlayer_lowered;
	s7 =	simm.s32 $_tile_overlayer_lowered  }
0x9c: {  	s22 =	simm.s32 $0x1BFF;
	s21 =	sshll.u32 s7, $0x1;
	s4 =	sadd.s32 s5, s19  }
0x9d: {  	s8 =	simm.s32 $0x0;
	s20 =	sshll.u32 s6, $0x1;
	s6 =	sadd.s32 s21, s4  }
0x9e: {  	[timem:s8], [sflag:s22] =	dma.local [hbm:s6], s20  }
0x9f: {  	_ =	swait.ge [sflag:s22], s20  }
0xa0: {  	s5 =	ssub.s32 $0x0, s20;
	[sflag:s22] =	ssyncset.done $0x0  }
0xa1: {  	[sflag:s22] =	ssyncadd.s32 s5;
	_ =	sdelay $0x1  }
0xa2: {  	s23 =	simm.s32 $0x1B8B  }
0xa3: {  	_ =	swait.ge [sflag:s23], $0x1  }
0xa4: {  	[sflag:s23] =	ssyncset.done $0x0  }
0xa5: {  	s25 =	simm.s32 $0x1B8E;
	s24 =	sld [smem:$0x3FFE];
	[sflag:s23] =	ssyncadd.s32 $0xFFFFFFFF  }
0xa6: {  	s26 =	simm.s32 $execute0_lowered;
	[smem:$0x3FD2] =	sst s25  }
0xa7: {  	s6 =	sshll.u32 s26, $0x1;
	_ =	strace $0x80000046;
	[dreg:$0x1] =	wrdreg $0xFFFFFFFF  }
0xa8: {  	s28 =	simm.s32 $_size_execute0_lowered;
	s4 =	sadd.s32 s4, s6;
	[dreg:$0x0] =	wrdreg $0x0  }
0xa9: {  	s6 =	sshll.u32 s28, $0x1;
	[dreg:$0x2] =	wrdreg s4  }
0xaa: {  	[dreg:$0x3] =	wrdreg s6  }
0xab: {  	[dreg:$0x4] =	wrdreg $0xC0  }
0xac: {  	_ =	task [dreg:s8], $0x5FFFF  }
0xad: {  	[dreg:$0x1] =	wrdreg $0xFFFFFFFF  }
0xae: {  	[dreg:$0x0] =	wrdreg $0x60  }
0xaf: {  	[dreg:$0x2] =	wrdreg s2  }
0xb0: {  	[dreg:$0x3] =	wrdreg s18  }
0xb1: {  	[dreg:$0x4] =	wrdreg s24  }
0xb2: {  	[dreg:$0x5] =	wrdreg $0x38000  }
0xb3: {  	[dreg:$0x6] =	wrdreg $0x50700  }
0xb4: {  	[dreg:$0x7] =	wrdreg $0x68E00  }
0xb5: {  	[dreg:$0x8] =	wrdreg $0x81500  }
0xb6: {  	[dreg:$0x9] =	wrdreg $0x9  }
0xb7: {  	_ =	task.clear_ibuf [dreg:s8], $0xAFFFF;
	_ =	strace $0x90000046  }
0xb8: {  	s29 =	simm.s32 $0x9;
	_ =	strace $0x80000048  }
0xb9: {  	_ =	swait.ge [sflag:s29], $0x1  }
0xba: {  	[sflag:s29] =	ssyncadd.s32 $0xFFFFFFFF  }
0xbb: {  	_ =	strace $0x90000048  }
0xbc: {  	_ =	sfence  }
0xbd: {  	s30 =	sld [smem:$0x0];
	_ =	sdelay $0x2  }
0xbe: {  	s31 =	sshll.u32 s1, $0xD;
	s1 =	sshrl.u32 s1, $0x2  }
0xbf: {  	s3 =	sand.u32 $0x4000, s31;
	s1 =	sadd.s32 s1, s30  }
0xc0: {  	s0 =	sor.u32 s3, s0;
	s1 =	sshll.u32 s1, $0x11  }
0xc1: {  	s0 =	sor.u32 s1, s0  }
0xc2: {  	s0 =	sadd.s32 $0x8F2B, s0  }
0xc3: {  	[sflag:s0] =	ssyncadd.remote.s32 $0x1  }
0xc4: {  	_ =	sfence.sel $0xFFFF  }
0xc5: {  	[dreg:$0x0] =	wrdreg $0xFFFFFFFF;
	(pc) =	sbr.abs _section_cstart, $3  }
0xc6: {  	[dreg:$0x1] =	wrdreg $0xFFFFFFFF  }
0xc7: {  	_ =	task.clear_ibuf [dreg:s8], $0x2FFFF;
	_ =	strace $0x9FFFFFFF  }
0xc8: {  	(tm) =	ssettm $0x7FFFFFFF  }
0xc9: {  	_ =	shalt  }
tec
execute0_lowered:
.L_overlay_start_1:
0x0: {  	(tag) =	ssettag $0x1  }
0x1: {  	s0 =	rddreg [dreg:$0x0]  }
0x2: {  	s6 =	rddreg [dreg:$0x1]  }
0x3: {  	s5 =	rddreg [dreg:$0x2]  }
0x4: {  	s1 =	rddreg [dreg:$0x3]  }
0x5: {  	s2 =	rddreg [dreg:$0x4]  }
0x6: {  	s3 =	rddreg [dreg:$0x5]  }
0x7: {  	s4 =	rddreg [dreg:$0x6];
	s16 =	simm.s32 $0x0  }
0x8: {  	s7 =	simm.s32 $0x880;
	[smem:$0x7FF] =	sst s16  }
0x9: {  	s9 =	simm.s32 $0x900;
	_ =	strace $0x80000047;
	[dreg:$0x8] =	wrdreg s7  }
0xa: {  	s10 =	simm.s32 $0x980;
	[dreg:$0x9] =	wrdreg s9  }
0xb: {  	s11 =	simm.s32 $0xA00;
	[dreg:$0xa] =	wrdreg s10  }
0xc: {  	s12 =	simm.s32 $0xA80;
	[dreg:$0xb] =	wrdreg s11  }
0xd: {  	s13 =	simm.s32 $0xB00;
	[dreg:$0xc] =	wrdreg s12  }
0xe: {  	s14 =	simm.s32 $0xB80;
	[dreg:$0xd] =	wrdreg s13  }
0xf: {  	s15 =	simm.s32 $0xC00;
	[dreg:$0xe] =	wrdreg s14  }
0x10: {  	s17 =	simm.s32 $0xC80;
	[dreg:$0xf] =	wrdreg s15  }
0x11: {  	s18 =	simm.s32 $0xD00;
	[dreg:$0x10] =	wrdreg s17  }
0x12: {  	s20 =	simm.s32 $0xD80;
	[dreg:$0x11] =	wrdreg s18  }
0x13: {  	s21 =	simm.s32 $0xE00;
	[dreg:$0x12] =	wrdreg s20  }
0x14: {  	s22 =	simm.s32 $0xE80;
	[dreg:$0x13] =	wrdreg s21  }
0x15: {  	s23 =	simm.s32 $0xF00;
	[dreg:$0x14] =	wrdreg s22  }
0x16: {  	s24 =	simm.s32 $0xF80;
	[dreg:$0x15] =	wrdreg s23  }
0x17: {  	s25 =	simm.s32 $0x1000;
	[dreg:$0x16] =	wrdreg s24  }
0x18: {  	s29 =	sadd.s32 $0x16E90, s2;
	[dreg:$0x17] =	wrdreg s25  }
0x19: {  	s30 =	sadd.s32 $0x16E90, s3;
	[smem:$0x7FB] =	sst s29  }
0x1a: {  	s31 =	sadd.s32 $0x16E90, s4;
	[smem:$0x7FC] =	sst s30  }
0x1b: {  	s11 =	simm.s32 $0x1080;
	[smem:$0x7FD] =	sst s31  }
0x1c: {  	s13 =	simm.s32 $0x1100;
	[dreg:$0x18] =	wrdreg s11  }
0x1d: {  	s14 =	simm.s32 $0x1180;
	[dreg:$0x19] =	wrdreg s13  }
0x1e: {  	s15 =	simm.s32 $0x1200;
	[dreg:$0x1a] =	wrdreg s14  }
0x1f: {  	s19 =	srdreg.scid;
	s18 =	simm.s32 $0x1280;
	[dreg:$0x1b] =	wrdreg s15  }
0x20: {  	s9 =	sand.u32 $0x1, s19;
	s19 =	simm.s32 $0x1300;
	[dreg:$0x1c] =	wrdreg s18  }
0x21: {  	s20 =	simm.s32 $0x1380;
	[dreg:$0x1d] =	wrdreg s19  }
0x22: {  	s21 =	simm.s32 $0x1400;
	[dreg:$0x1e] =	wrdreg s20  }
0x23: {  	s22 =	simm.s32 $0x1480;
	[dreg:$0x1f] =	wrdreg s21  }
0x24: {  	s25 =	simm.s32 $0x1500;
	[smem:$0x7B7] =	sst s22  }
0x25: {  	[smem:$0x7B8] =	sst s25;
	s14 =	simm.s32 $0x1580  }
0x26: {  	s15 =	simm.s32 $0x1600;
	[smem:$0x7B9] =	sst s14  }
0x27: {  	s18 =	simm.s32 $0x1680;
	[smem:$0x7BA] =	sst s15  }
0x28: {  	s19 =	simm.s32 $0x1700;
	[smem:$0x7BB] =	sst s18  }
0x29: {  	s20 =	simm.s32 $0x1780;
	[smem:$0x7BC] =	sst s19  }
0x2a: {  	s21 =	simm.s32 $0x1880;
	[smem:$0x7BE] =	sst s20  }
0x2b: {  	s25 =	simm.s32 $0x1900;
	[smem:$0x7BF] =	sst s21  }
0x2c: {  	[smem:$0x7C1] =	sst s25;
	s18 =	simm.s32 $0x1980  }
0x2d: {  	s19 =	simm.s32 $0x1A00;
	[smem:$0x7C2] =	sst s18  }
0x2e: {  	s8 =	sadd.s32 $0x400, s5;
	s20 =	simm.s32 $0x1A80;
	[smem:$0x7C3] =	sst s19  }
0x2f: {  	s17 =	stileid.u32;
	s25 =	simm.s32 $0x1B80;
	[smem:$0x7C4] =	sst s20  }
0x30: {  	s7 =	ssub.s32 $0x2, s9;
	[smem:$0x7C7] =	sst s25;
	s18 =	simm.s32 $0x1D00  }
0x31: {  	s12 =	smul.u32 $0x1870, s17;
	s20 =	simm.s32 $0x1D80;
	[smem:$0x7CA] =	sst s18  }
0x32: {  	s26 =	sshll.u32 s9, $0x4;
	s25 =	simm.s32 $0x1F00;
	[smem:$0x7CC] =	sst s20  }
0x33: {  	s10 =	sshrl.u32 s7, $0x1;
	s23 =	sadd.s32 s12, s1;
	[smem:$0x7CF] =	sst s25  }
0x34: {  	s11 =	sor.u32 s17, s26;
	s24 =	sadd.s32 s12, s2;
	[smem:$0x7F6] =	sst s23  }
0x35: {  	s15 =	sadd.s32 $0x10, s0;
	s26 =	sadd.s32 s12, s3;
	[smem:$0x7F7] =	sst s24  }
0x36: {  	s7 =	ssub.s32 s7, s10;
	s28 =	sadd.s32 s12, s4;
	[smem:$0x7F8] =	sst s26  }
0x37: {  	s19 =	smul.u32 $0x62000, s9;
	s20 =	simm.s32 $0x2080;
	[smem:$0x7F9] =	sst s28  }
0x38: {  	s13 =	smul.u32 $0x61, s11;
	s25 =	simm.s32 $0x2180;
	[smem:$0x7D2] =	sst s20  }
0x39: {  	s7 =	smax.u32 s7, $0x1;
	s12 =	sadd.s32 s12, s19;
	[smem:$0x7D5] =	sst s25  }
0x3a: {  	s18 =	sshrl.u32 s19, $0x3;
	s19 =	simm.s32 $0x2000;
	[smem:$0x7E0] =	sst s7  }
0x3b: {  	s10 =	smin.u32 s11, $0x15;
	s25 =	simm.s32 $0x2400;
	[smem:$0x7D1] =	sst s19  }
0x3c: {  	s13 =	sadd.s32 s10, s13;
	s7 =	simm.s32 $0x2780;
	[smem:$0x7DB] =	sst s25  }
0x3d: {  	s14 =	sshll.u32 s13, $0x9;
	s19 =	simm.s32 $0x2280;
	[smem:$0x7E6] =	sst s7  }
0x3e: {  	p0 =	slt.u32 s11, $0x15;
	s14 =	sadd.s32 s14, s15;
	[smem:$0x7D8] =	sst s19  }
0x3f: {  	s22 =	sshll.u32 s13, $0xA;
	s19 =	simm.s32 $0x2600;
	[smem:$0x7BD] =	sst s14  }
0x40: {  	s13 =	sshll.u32 s13, $0x4;
	s14 =	sadd.s32 s6, s22;
	[smem:$0x7E2] =	sst s19  }
0x41: {  	s13 =	sor.u32 $0x8, s13;
	s22 =	simm.s32 $0x1B00;
	[smem:$0x7C0] =	sst s14  }
0x42: {  	s21 =	sshll.u32 s13, $0x5;
	s19 =	sadd.s32 $0x17E90, s3;
	[smem:$0x7C5] =	sst s22  }
0x43: {  	s14 =	sand.u32 $0x1FFFFF00, s21;
	s21 =	simm.s32 $0x1E00;
	[smem:$0x7F0] =	sst s19  }
0x44: {  	s11 =	simm.s32 $0x62;
	s22 =	simm.s32 $0x1E80;
	[smem:$0x7CD] =	sst s21  }
0x45: {  	s13 =	sshll.u32 s13, $0x6;
	s14 =	sadd.s32 s14, s15;
	[smem:$0x7CE] =	sst s22  }
0x46: {  	s13 =	sand.u32 $0x1FFFFE00, s13;
	s15 =	simm.s32 $0x1C80;
	[smem:$0x7C6] =	sst s14  }
0x47: {  	s11 =	simm.s32 @!p0 $0x61;
	s13 =	sadd.s32 s6, s13;
	[smem:$0x7C9] =	sst s15  }
0x48: {  	p0 =	seq.s32 s17, $0xF;
	s22 =	simm.s32 $0x2100;
	[smem:$0x7CB] =	sst s13  }
0x49: {  	s21 =	smul.u32 $0x61, s17;
	s17 =	sadd.s32 $0x17E90, s1;
	[smem:$0x7D3] =	sst s22  }
0x4a: {  	s12 =	sshrl.u32 s12, $0x3;
	s14 =	simm.s32 $0x1C00;
	[smem:$0x7EE] =	sst s17  }
0x4b: {  	s13 =	sadd.s32 s8, s12;
	s15 =	simm.s32 $0x1F80;
	[smem:$0x7C8] =	sst s14  }
0x4c: {  	s8 =	sadd.s32 s8, s18;
	s18 =	simm.s32 $0x2200;
	[smem:$0x7D0] =	sst s15  }
0x4d: {  	s22 =	simm.s32 $0x2380;
	[smem:$0x7D6] =	sst s18  }
0x4e: {  	s12 =	simm.s32 $0x2480;
	[smem:$0x7DA] =	sst s22  }
0x4f: {  	[smem:$0x7DD] =	sst s12  }
0x50: {  	s9 =	smul.u32 $0x610, s9;
	s15 =	sadd.s32 $0x2DD2, s8;
	[smem:$0x7F4] =	sst s13  }
0x51: {  	s20 =	sadd.s32 $0x5ED2, s8;
	[smem:$0x7D4] =	sst s15  }
0x52: {  	s9 =	sadd.s32 s21, s9;
	s21 =	simm.s32 $0x2300;
	[smem:$0x7D7] =	sst s20  }
0x53: {  	s14 =	sadd.s32 $0x8FD2, s8;
	[smem:$0x7D9] =	sst s21  }
0x54: {  	s8 =	sadd.s32 $0xC0D2, s8;
	[smem:$0x7DC] =	sst s14  }
0x55: {  	s18 =	simm.s32 $0x2580;
	[smem:$0x7DE] =	sst s8  }
0x56: {  	s22 =	simm.s32 $0x2700;
	[smem:$0x7E1] =	sst s18  }
0x57: {  	s12 =	sadd.s32 $0x1000, s24;
	[smem:$0x7E5] =	sst s22  }
0x58: {  	s19 =	simm.s32 $0x2;
	s15 =	simm.s32 $0x2500;
	[smem:$0x7EB] =	sst s12  }
0x59: {  	s17 =	simm.s32 $0x1800;
	s21 =	simm.s32 $0x2680;
	[smem:$0x7DF] =	sst s15  }
0x5a: {  	s9 =	sadd.s32 s10, s9;
	s14 =	sadd.s32 $0x1000, s26;
	[smem:$0x7E3] =	sst s21  }
0x5b: {  	s18 =	sadd.s32 $0x17E90, s2;
	s22 =	sadd.s32 $0x6200, s13;
	[smem:$0x7EC] =	sst s14  }
0x5c: {  	s12 =	simm.s32 $0x100;
	s10 =	sshll.u32 s9, $0xA;
	[smem:$0x7EF] =	sst s18  }
0x5d: {  	s20 =	sshll.u32 s9, $0x9;
	s15 =	sadd.s32 $0x1000, s28;
	[smem:$0x7F3] =	sst s22  }
0x5e: {  	s21 =	sadd.s32 $0x3100, s13;
	s14 =	simm.s32 $0x400;
	[smem:$0x7ED] =	sst s15  }
0x5f: {  	s6 =	sadd.s32 s10, s6;
	s10 =	sadd.s32 $0x1000, s23;
	[smem:$0x7F2] =	sst s21  }
0x60: {  	s0 =	sadd.s32 s20, s0;
	s20 =	sadd.s32 $0x17E90, s4;
	[smem:$0x7EA] =	sst s10  }
0x61: {  	s22 =	simm.s32 $0x580;
	s15 =	sadd.s32 $0x16E90, s1;
	[smem:$0x7F1] =	sst s20  }
0x62: {  	s18 =	simm.s32 $0x600;
	s25 =	sadd.s32 $0x400, s6;
	[smem:$0x7FA] =	sst s15  }
0x63: {  	s21 =	simm.s32 $0x80;
	s8 =	sadd.s32 $0x210, s0;
	[smem:$0x7E4] =	sst s25  }
0x64: {  	s9 =	sadd.s32 $0x600, s6;
	s0 =	sadd.s32 $0x310, s0;
	[smem:$0x7E7] =	sst s8  }
0x65: {  	s6 =	simm.s32 $0x0;
	s10 =	simm.s32 $0x480;
	[smem:$0x7E8] =	sst s9  }
0x66: {  	s20 =	simm.s32 $0x680;
	[smem:$0x7E9] =	sst s0;
	s25 =	sadd.s32 $0x9300, s13  }
0x67: {  	s13 =	simm.s32 $0x800;
	s0 =	simm.s32 $0x1;
	s9 =	simm.s32 $0x380  }
0x68: {  	v0 =	vimm.f32 $0.0e+00;
	s8 =	simm.s32 $0x780;
	[smem:$0x7F5] =	sst s25;
	s25 =	simm.s32 $0x500  }
.LBB2_1:
0x69: {  	[smem:$0x7B6] =	sst s6;
	s5 =	simm.s32 $0x40;
	s6 =	simm.s32 $0x0  }
.LBB2_2:
0x6a: {  	p1 =	sne.s32 s5, $0x3FC0;
	[tilespmem:s6+$0x2800] =	vst v0;
	s6 =	smov.u32 s5;
	s5 =	sadd.s32 $0x40, s5  }
.Ltmp0:
0x6b: {  	(pc) =	sbr.rel @p1 .LBB2_2-.Ltmp0, $2  }
0x6c: {  	_ =	sdelay $0x2  }
0x6d: {  	s6 =	sshra.s32 s6, $0x2  }
0x6e: {  	[tilespmem:s6+$0x2800] =	vst v0;
	s5 =	simm.s32 @p0 $0x2800;
	s7 =	simm.s32 @p0 $0x5  }
0x6f: {  	[spmem:s15] =	stream.linear.scatter @p0 [tilespmem:s5], [sflag:$0x5], $0x1000, $0x38;
	[tilespmem:$0x99C0] =	vst v63  }
0x70: {  	_ =	swait.ge @p0 [sflag:s7], $0x1000  }
0x71: {  	s6 =	sld [smem:$0x7EE]  }
0x72: {  	[sflag:s7] =	ssyncset.done @p0 $0x0  }
0x73: {  	[sflag:s7] =	ssyncadd.s32 @p0 $0xFFFFF000  }
0x74: {  	[spmem:s6] =	stream.linear.scatter @p0 [tilespmem:s5], [sflag:$0x5], $0x810, $0x38;
	[tilespmem:$0x99C0] =	vst v63  }
0x75: {  	_ =	swait.ge @p0 [sflag:s7], $0x810  }
0x76: {  	[sflag:s7] =	ssyncset.done @p0 $0x0  }
0x77: {  	[sflag:s7] =	ssyncadd.s32 @p0 $0xFFFFF7F0  }
0x78: {  	[spmem:s29] =	stream.linear.scatter @p0 [tilespmem:s5], [sflag:$0x5], $0x1000, $0x38;
	[tilespmem:$0x99C0] =	vst v63  }
0x79: {  	_ =	swait.ge @p0 [sflag:s7], $0x1000  }
0x7a: {  	s6 =	sld [smem:$0x7EF]  }
0x7b: {  	[sflag:s7] =	ssyncset.done @p0 $0x0  }
0x7c: {  	[sflag:s7] =	ssyncadd.s32 @p0 $0xFFFFF000  }
0x7d: {  	[spmem:s6] =	stream.linear.scatter @p0 [tilespmem:s5], [sflag:$0x5], $0x810, $0x38;
	[tilespmem:$0x99C0] =	vst v63  }
0x7e: {  	_ =	swait.ge @p0 [sflag:s7], $0x810  }
0x7f: {  	[sflag:s7] =	ssyncset.done @p0 $0x0  }
0x80: {  	[sflag:s7] =	ssyncadd.s32 @p0 $0xFFFFF7F0  }
0x81: {  	[spmem:s30] =	stream.linear.scatter @p0 [tilespmem:s5], [sflag:$0x5], $0x1000, $0x38;
	[tilespmem:$0x99C0] =	vst v63  }
0x82: {  	_ =	swait.ge @p0 [sflag:s7], $0x1000  }
0x83: {  	s6 =	sld [smem:$0x7F0]  }
0x84: {  	[sflag:s7] =	ssyncset.done @p0 $0x0  }
0x85: {  	[sflag:s7] =	ssyncadd.s32 @p0 $0xFFFFF000  }
0x86: {  	[spmem:s6] =	stream.linear.scatter @p0 [tilespmem:s5], [sflag:$0x5], $0x810, $0x38;
	[tilespmem:$0x99C0] =	vst v63  }
0x87: {  	_ =	swait.ge @p0 [sflag:s7], $0x810  }
0x88: {  	[sflag:s7] =	ssyncset.done @p0 $0x0  }
0x89: {  	[sflag:s7] =	ssyncadd.s32 @p0 $0xFFFFF7F0  }
0x8a: {  	[spmem:s31] =	stream.linear.scatter @p0 [tilespmem:s5], [sflag:$0x5], $0x1000, $0x38;
	[tilespmem:$0x99C0] =	vst v63  }
0x8b: {  	_ =	swait.ge @p0 [sflag:s7], $0x1000  }
0x8c: {  	s6 =	sld [smem:$0x7F1]  }
0x8d: {  	[sflag:s7] =	ssyncset.done @p0 $0x0  }
0x8e: {  	[sflag:s7] =	ssyncadd.s32 @p0 $0xFFFFF000  }
0x8f: {  	[spmem:s6] =	stream.linear.scatter @p0 [tilespmem:s5], [sflag:$0x5], $0x810, $0x38;
	[tilespmem:$0x99C0] =	vst v63  }
0x90: {  	_ =	swait.ge @p0 [sflag:s7], $0x810  }
0x91: {  	[sflag:s7] =	ssyncset.done @p0 $0x0  }
0x92: {  	s5 =	simm.s32 @!p0 $0x2800;
	[sflag:s7] =	ssyncadd.s32 @p0 $0xFFFFF7F0;
	s7 =	simm.s32 @!p0 $0x5  }
0x93: {  	[spmem:s23] =	stream.linear.scatter @!p0 [tilespmem:s5], [sflag:$0x5], $0x1000, $0x38;
	[tilespmem:$0x99C0] =	vst v63  }
0x94: {  	_ =	swait.ge @!p0 [sflag:s7], $0x1000  }
0x95: {  	s6 =	sld [smem:$0x7EA]  }
0x96: {  	[sflag:s7] =	ssyncset.done @!p0 $0x0  }
0x97: {  	[sflag:s7] =	ssyncadd.s32 @!p0 $0xFFFFF000  }
0x98: {  	[spmem:s6] =	stream.linear.scatter @!p0 [tilespmem:s5], [sflag:$0x5], $0x870, $0x38;
	[tilespmem:$0x99C0] =	vst v63  }
0x99: {  	_ =	swait.ge @!p0 [sflag:s7], $0x870  }
0x9a: {  	[sflag:s7] =	ssyncset.done @!p0 $0x0  }
0x9b: {  	[sflag:s7] =	ssyncadd.s32 @!p0 $0xFFFFF790  }
0x9c: {  	[spmem:s24] =	stream.linear.scatter @!p0 [tilespmem:s5], [sflag:$0x5], $0x1000, $0x38;
	[tilespmem:$0x99C0] =	vst v63  }
0x9d: {  	_ =	swait.ge @!p0 [sflag:s7], $0x1000  }
0x9e: {  	s6 =	sld [smem:$0x7EB]  }
0x9f: {  	[sflag:s7] =	ssyncset.done @!p0 $0x0  }
0xa0: {  	[sflag:s7] =	ssyncadd.s32 @!p0 $0xFFFFF000  }
0xa1: {  	[spmem:s6] =	stream.linear.scatter @!p0 [tilespmem:s5], [sflag:$0x5], $0x870, $0x38;
	[tilespmem:$0x99C0] =	vst v63  }
0xa2: {  	_ =	swait.ge @!p0 [sflag:s7], $0x870  }
0xa3: {  	[sflag:s7] =	ssyncset.done @!p0 $0x0  }
0xa4: {  	[sflag:s7] =	ssyncadd.s32 @!p0 $0xFFFFF790  }
0xa5: {  	[spmem:s26] =	stream.linear.scatter @!p0 [tilespmem:s5], [sflag:$0x5], $0x1000, $0x38;
	[tilespmem:$0x99C0] =	vst v63  }
0xa6: {  	_ =	swait.ge @!p0 [sflag:s7], $0x1000  }
0xa7: {  	s6 =	sld [smem:$0x7EC]  }
0xa8: {  	[sflag:s7] =	ssyncset.done @!p0 $0x0  }
0xa9: {  	[sflag:s7] =	ssyncadd.s32 @!p0 $0xFFFFF000  }
0xaa: {  	[spmem:s6] =	stream.linear.scatter @!p0 [tilespmem:s5], [sflag:$0x5], $0x870, $0x38;
	[tilespmem:$0x99C0] =	vst v63  }
0xab: {  	_ =	swait.ge @!p0 [sflag:s7], $0x870  }
0xac: {  	[sflag:s7] =	ssyncset.done @!p0 $0x0  }
0xad: {  	[sflag:s7] =	ssyncadd.s32 @!p0 $0xFFFFF790  }
0xae: {  	[spmem:s28] =	stream.linear.scatter @!p0 [tilespmem:s5], [sflag:$0x5], $0x1000, $0x38;
	[tilespmem:$0x99C0] =	vst v63  }
0xaf: {  	_ =	swait.ge @!p0 [sflag:s7], $0x1000  }
0xb0: {  	s6 =	sld [smem:$0x7ED]  }
0xb1: {  	[sflag:s7] =	ssyncset.done @!p0 $0x0  }
0xb2: {  	[sflag:s7] =	ssyncadd.s32 @!p0 $0xFFFFF000  }
0xb3: {  	[spmem:s6] =	stream.linear.scatter @!p0 [tilespmem:s5], [sflag:$0x5], $0x870, $0x38;
	[tilespmem:$0x99C0] =	vst v63  }
0xb4: {  	_ =	swait.ge @!p0 [sflag:s7], $0x870  }
0xb5: {  	[sflag:s7] =	ssyncset.done @!p0 $0x0  }
0xb6: {  	[sflag:s7] =	ssyncadd.s32 @!p0 $0xFFFFF790  }
0xb7: {  	[bflag:$0x0] =	sbarrier.arrive $0xFFFF  }
0xb8: {  	s24 =	sld [smem:$0x7BD];
	_ =	sdelay $0x1  }
0xb9: {  	s23 =	simm.s32 $0x0;
	s26 =	sld [smem:$0x7C0]  }
0xba: {  	[tilespmem:s23], [sflag:$0x1] =	stream.strided.gather [hbm4b:s24+s21], $0x400, s12, s21, $0x38;
	[tilespmem:$0x99C0] =	vst v63  }
0xbb: {  	s28 =	sld [smem:$0x7C6]  }
0xbc: {  	[tilespmem:s13], [sflag:$0x1] =	stream.linear.gather [hbm4b:s26+s23], $0x1000, $0x38;
	[tilespmem:$0x99C0] =	vst v63  }
0xbd: {  	s29 =	sld [smem:$0x7CB]  }
0xbe: {  	[tilespmem:s14], [sflag:$0x2] =	stream.strided.gather [hbm4b:s28+s21], $0x400, s12, s21, $0x38;
	[tilespmem:$0x99C0] =	vst v63  }
0xbf: {  	_ = 	snop  }
0xc0: {  	[tilespmem:s17], [sflag:$0x2] =	stream.linear.gather [hbm4b:s29+s23], $0x1000, $0x38;
	[tilespmem:$0x99C0] =	vst v63  }
0xc1: {  	_ =	swait.ge [sflag:s0], $0x400  }
0xc2: {  	[sflag:s0] =	ssyncset.done $0x0  }
0xc3: {  	[sflag:s0] =	ssyncadd.s32 $0xFFFFFC00  }
0xc4: {  	_ =	swait.ge [sflag:s0], $0x1000  }
0xc5: {  	[sflag:s0] =	ssyncset.done $0x0  }
0xc6: {  	s6 =	rddreg [dreg:$0x8];
	[sflag:s0] =	ssyncadd.s32 $0xFFFFF000  }
0xc7: {  	[spmem:s1] =	stream.indirect.scatter.add.f32 [tilespmem:s13], [sflag:$0x3], $0x1, s16, s21, $0xb8;
	[tilespmem:$0x99C0] =	vst v63  }
0xc8: {  	s7 =	rddreg [dreg:$0x9]  }
0xc9: {  	[spmem:s2] =	stream.indirect.scatter.add.f32 [tilespmem:s6], [sflag:$0x3], $0x1, s16, s21, $0xb8;
	[tilespmem:$0x99C0] =	vst v63  }
0xca: {  	s15 =	rddreg [dreg:$0xb]  }
0xcb: {  	[spmem:s3] =	stream.indirect.scatter.add.f32 [tilespmem:s7], [sflag:$0x3], $0x1, s16, s21, $0xb8;
	[tilespmem:$0x99C0] =	vst v63  }
0xcc: {  	s13 =	rddreg [dreg:$0xa]  }
0xcd: {  	[spmem:s4] =	stream.indirect.scatter.add.f32 [tilespmem:s13], [sflag:$0x3], $0x1, s16, s21, $0xb8;
	[tilespmem:$0x99C0] =	vst v63  }
0xce: {  	s23 =	rddreg [dreg:$0xc]  }
0xcf: {  	[spmem:s1] =	stream.indirect.scatter.add.f32 [tilespmem:s15], [sflag:$0x3], $0x1, s21, s21, $0xb8;
	[tilespmem:$0x99C0] =	vst v63  }
0xd0: {  	s24 =	rddreg [dreg:$0xd]  }
0xd1: {  	[spmem:s2] =	stream.indirect.scatter.add.f32 [tilespmem:s23], [sflag:$0x3], $0x1, s21, s21, $0xb8;
	[tilespmem:$0x99C0] =	vst v63  }
0xd2: {  	s26 =	rddreg [dreg:$0xe]  }
0xd3: {  	[spmem:s3] =	stream.indirect.scatter.add.f32 [tilespmem:s24], [sflag:$0x3], $0x1, s21, s21, $0xb8;
	[tilespmem:$0x99C0] =	vst v63  }
0xd4: {  	s28 =	rddreg [dreg:$0xf]  }
0xd5: {  	[spmem:s4] =	stream.indirect.scatter.add.f32 [tilespmem:s26], [sflag:$0x3], $0x1, s21, s21, $0xb8;
	[tilespmem:$0x99C0] =	vst v63  }
0xd6: {  	s29 =	rddreg [dreg:$0x10]  }
0xd7: {  	[spmem:s1] =	stream.indirect.scatter.add.f32 [tilespmem:s28], [sflag:$0x3], $0x1, s12, s21, $0xb8;
	[tilespmem:$0x99C0] =	vst v63  }
0xd8: {  	s7 =	rddreg [dreg:$0x11]  }
0xd9: {  	[spmem:s2] =	stream.indirect.scatter.add.f32 [tilespmem:s29], [sflag:$0x3], $0x1, s12, s21, $0xb8;
	[tilespmem:$0x99C0] =	vst v63  }
0xda: {  	s13 =	rddreg [dreg:$0x12]  }
0xdb: {  	[spmem:s3] =	stream.indirect.scatter.add.f32 [tilespmem:s7], [sflag:$0x3], $0x1, s12, s21, $0xb8;
	[tilespmem:$0x99C0] =	vst v63  }
0xdc: {  	s15 =	rddreg [dreg:$0x13]  }
0xdd: {  	[spmem:s4] =	stream.indirect.scatter.add.f32 [tilespmem:s13], [sflag:$0x3], $0x1, s12, s21, $0xb8;
	[tilespmem:$0x99C0] =	vst v63  }
0xde: {  	s23 =	rddreg [dreg:$0x14];
	s24 =	simm.s32 $0x180  }
0xdf: {  	[spmem:s1] =	stream.indirect.scatter.add.f32 [tilespmem:s15], [sflag:$0x3], $0x1, s24, s21, $0xb8;
	[tilespmem:$0x99C0] =	vst v63  }
0xe0: {  	s26 =	rddreg [dreg:$0x15]  }
0xe1: {  	[spmem:s2] =	stream.indirect.scatter.add.f32 [tilespmem:s23], [sflag:$0x3], $0x1, s24, s21, $0xb8;
	[tilespmem:$0x99C0] =	vst v63  }
0xe2: {  	s28 =	rddreg [dreg:$0x16]  }
0xe3: {  	[spmem:s3] =	stream.indirect.scatter.add.f32 [tilespmem:s26], [sflag:$0x3], $0x1, s24, s21, $0xb8;
	[tilespmem:$0x99C0] =	vst v63  }
0xe4: {  	s29 =	rddreg [dreg:$0x17]  }
0xe5: {  	[spmem:s4] =	stream.indirect.scatter.add.f32 [tilespmem:s28], [sflag:$0x3], $0x1, s24, s21, $0xb8;
	[tilespmem:$0x99C0] =	vst v63  }
0xe6: {  	s7 =	rddreg [dreg:$0x18];
	s12 =	simm.s32 $0x200  }
0xe7: {  	[spmem:s1] =	stream.indirect.scatter.add.f32 [tilespmem:s29], [sflag:$0x3], $0x1, s12, s21, $0xb8;
	[tilespmem:$0x99C0] =	vst v63  }
0xe8: {  	s13 =	rddreg [dreg:$0x19]  }
0xe9: {  	[spmem:s2] =	stream.indirect.scatter.add.f32 [tilespmem:s7], [sflag:$0x3], $0x1, s12, s21, $0xb8;
	[tilespmem:$0x99C0] =	vst v63  }
0xea: {  	s15 =	rddreg [dreg:$0x1a]  }
0xeb: {  	[spmem:s3] =	stream.indirect.scatter.add.f32 [tilespmem:s13], [sflag:$0x3], $0x1, s12, s21, $0xb8;
	[tilespmem:$0x99C0] =	vst v63  }
0xec: {  	s23 =	rddreg [dreg:$0x1b]  }
0xed: {  	[spmem:s4] =	stream.indirect.scatter.add.f32 [tilespmem:s15], [sflag:$0x3], $0x1, s12, s21, $0xb8;
	[tilespmem:$0x99C0] =	vst v63  }
0xee: {  	s26 =	simm.s32 $0x280;
	s24 =	rddreg [dreg:$0x1c]  }
0xef: {  	[spmem:s1] =	stream.indirect.scatter.add.f32 [tilespmem:s23], [sflag:$0x3], $0x1, s26, s21, $0xb8;
	[tilespmem:$0x99C0] =	vst v63  }
0xf0: {  	s28 =	rddreg [dreg:$0x1d]  }
0xf1: {  	[spmem:s2] =	stream.indirect.scatter.add.f32 [tilespmem:s24], [sflag:$0x3], $0x1, s26, s21, $0xb8;
	[tilespmem:$0x99C0] =	vst v63  }
0xf2: {  	s29 =	rddreg [dreg:$0x1e]  }
0xf3: {  	[spmem:s3] =	stream.indirect.scatter.add.f32 [tilespmem:s28], [sflag:$0x3], $0x1, s26, s21, $0xb8;
	[tilespmem:$0x99C0] =	vst v63  }
0xf4: {  	s13 =	sld [smem:$0x7B7]  }
0xf5: {  	[spmem:s4] =	stream.indirect.scatter.add.f32 [tilespmem:s29], [sflag:$0x3], $0x1, s26, s21, $0xb8;
	[tilespmem:$0x99C0] =	vst v63  }
0xf6: {  	s12 =	rddreg [dreg:$0x1f];
	s15 =	simm.s32 $0x300  }
0xf7: {  	[spmem:s1] =	stream.indirect.scatter.add.f32 [tilespmem:s12], [sflag:$0x3], $0x1, s15, s21, $0xb8;
	[tilespmem:$0x99C0] =	vst v63  }
0xf8: {  	s23 =	sld [smem:$0x7B8]  }
0xf9: {  	[spmem:s2] =	stream.indirect.scatter.add.f32 [tilespmem:s13], [sflag:$0x3], $0x1, s15, s21, $0xb8;
	[tilespmem:$0x99C0] =	vst v63  }
0xfa: {  	s24 =	sld [smem:$0x7B9]  }
0xfb: {  	[spmem:s3] =	stream.indirect.scatter.add.f32 [tilespmem:s23], [sflag:$0x3], $0x1, s15, s21, $0xb8;
	[tilespmem:$0x99C0] =	vst v63  }
0xfc: {  	s26 =	sld [smem:$0x7BA]  }
0xfd: {  	[spmem:s4] =	stream.indirect.scatter.add.f32 [tilespmem:s24], [sflag:$0x3], $0x1, s15, s21, $0xb8;
	[tilespmem:$0x99C0] =	vst v63  }
0xfe: {  	s28 =	sld [smem:$0x7BB]  }
0xff: {  	[spmem:s1] =	stream.indirect.scatter.add.f32 [tilespmem:s26], [sflag:$0x3], $0x1, s9, s21, $0xb8;
	[tilespmem:$0x99C0] =	vst v63  }
0x100: {  	s29 =	sld [smem:$0x7BC]  }
0x101: {  	[spmem:s2] =	stream.indirect.scatter.add.f32 [tilespmem:s28], [sflag:$0x3], $0x1, s9, s21, $0xb8;
	[tilespmem:$0x99C0] =	vst v63  }
0x102: {  	s7 =	sld [smem:$0x7BE]  }
0x103: {  	[spmem:s3] =	stream.indirect.scatter.add.f32 [tilespmem:s29], [sflag:$0x3], $0x1, s9, s21, $0xb8;
	[tilespmem:$0x99C0] =	vst v63  }
0x104: {  	_ = 	snop  }
0x105: {  	[spmem:s4] =	stream.indirect.scatter.add.f32 [tilespmem:s7], [sflag:$0x3], $0x1, s9, s21, $0xb8;
	[tilespmem:$0x99C0] =	vst v63  }
0x106: {  	_ =	swait.ge [sflag:s19], $0x400  }
0x107: {  	[sflag:s19] =	ssyncset.done $0x0  }
0x108: {  	[sflag:s19] =	ssyncadd.s32 $0xFFFFFC00  }
0x109: {  	_ =	swait.ge [sflag:s19], $0x1000  }
0x10a: {  	[sflag:s19] =	ssyncset.done $0x0  }
0x10b: {  	s12 =	sld [smem:$0x7BF];
	[sflag:s19] =	ssyncadd.s32 $0xFFFFF000  }
0x10c: {  	[spmem:s1] =	stream.indirect.scatter.add.f32 [tilespmem:s17], [sflag:$0x4], $0x1, s14, s21, $0xb8;
	[tilespmem:$0x99C0] =	vst v63  }
0x10d: {  	s13 =	sld [smem:$0x7C1]  }
0x10e: {  	[spmem:s2] =	stream.indirect.scatter.add.f32 [tilespmem:s12], [sflag:$0x4], $0x1, s14, s21, $0xb8;
	[tilespmem:$0x99C0] =	vst v63  }
0x10f: {  	s15 =	sld [smem:$0x7C2]  }
0x110: {  	[spmem:s3] =	stream.indirect.scatter.add.f32 [tilespmem:s13], [sflag:$0x4], $0x1, s14, s21, $0xb8;
	[tilespmem:$0x99C0] =	vst v63  }
0x111: {  	s17 =	sld [smem:$0x7C3]  }
0x112: {  	[spmem:s4] =	stream.indirect.scatter.add.f32 [tilespmem:s15], [sflag:$0x4], $0x1, s14, s21, $0xb8;
	[tilespmem:$0x99C0] =	vst v63  }
0x113: {  	s23 =	sld [smem:$0x7C4]  }
0x114: {  	[spmem:s1] =	stream.indirect.scatter.add.f32 [tilespmem:s17], [sflag:$0x4], $0x1, s10, s21, $0xb8;
	[tilespmem:$0x99C0] =	vst v63  }
0x115: {  	s24 =	sld [smem:$0x7C5]  }
0x116: {  	[spmem:s2] =	stream.indirect.scatter.add.f32 [tilespmem:s23], [sflag:$0x4], $0x1, s10, s21, $0xb8;
	[tilespmem:$0x99C0] =	vst v63  }
0x117: {  	s26 =	sld [smem:$0x7C7]  }
0x118: {  	[spmem:s3] =	stream.indirect.scatter.add.f32 [tilespmem:s24], [sflag:$0x4], $0x1, s10, s21, $0xb8;
	[tilespmem:$0x99C0] =	vst v63  }
0x119: {  	s28 =	sld [smem:$0x7C8]  }
0x11a: {  	[spmem:s4] =	stream.indirect.scatter.add.f32 [tilespmem:s26], [sflag:$0x4], $0x1, s10, s21, $0xb8;
	[tilespmem:$0x99C0] =	vst v63  }
0x11b: {  	s29 =	sld [smem:$0x7C9]  }
0x11c: {  	[spmem:s1] =	stream.indirect.scatter.add.f32 [tilespmem:s28], [sflag:$0x4], $0x1, s25, s21, $0xb8;
	[tilespmem:$0x99C0] =	vst v63  }
0x11d: {  	s7 =	sld [smem:$0x7CA]  }
0x11e: {  	[spmem:s2] =	stream.indirect.scatter.add.f32 [tilespmem:s29], [sflag:$0x4], $0x1, s25, s21, $0xb8;
	[tilespmem:$0x99C0] =	vst v63  }
0x11f: {  	s12 =	sld [smem:$0x7CC]  }
0x120: {  	[spmem:s3] =	stream.indirect.scatter.add.f32 [tilespmem:s7], [sflag:$0x4], $0x1, s25, s21, $0xb8;
	[tilespmem:$0x99C0] =	vst v63  }
0x121: {  	s13 =	sld [smem:$0x7CD]  }
0x122: {  	[spmem:s4] =	stream.indirect.scatter.add.f32 [tilespmem:s12], [sflag:$0x4], $0x1, s25, s21, $0xb8;
	[tilespmem:$0x99C0] =	vst v63  }
0x123: {  	s14 =	sld [smem:$0x7CE]  }
0x124: {  	[spmem:s1] =	stream.indirect.scatter.add.f32 [tilespmem:s13], [sflag:$0x4], $0x1, s22, s21, $0xb8;
	[tilespmem:$0x99C0] =	vst v63  }
0x125: {  	s15 =	sld [smem:$0x7CF]  }
0x126: {  	[spmem:s2] =	stream.indirect.scatter.add.f32 [tilespmem:s14], [sflag:$0x4], $0x1, s22, s21, $0xb8;
	[tilespmem:$0x99C0] =	vst v63  }
0x127: {  	s17 =	sld [smem:$0x7D0]  }
0x128: {  	[spmem:s3] =	stream.indirect.scatter.add.f32 [tilespmem:s15], [sflag:$0x4], $0x1, s22, s21, $0xb8;
	[tilespmem:$0x99C0] =	vst v63  }
0x129: {  	s23 =	sld [smem:$0x7D1]  }
0x12a: {  	[spmem:s4] =	stream.indirect.scatter.add.f32 [tilespmem:s17], [sflag:$0x4], $0x1, s22, s21, $0xb8;
	[tilespmem:$0x99C0] =	vst v63  }
0x12b: {  	s24 =	sld [smem:$0x7D2]  }
0x12c: {  	[spmem:s1] =	stream.indirect.scatter.add.f32 [tilespmem:s23], [sflag:$0x4], $0x1, s18, s21, $0xb8;
	[tilespmem:$0x99C0] =	vst v63  }
0x12d: {  	s26 =	sld [smem:$0x7D3]  }
0x12e: {  	[spmem:s2] =	stream.indirect.scatter.add.f32 [tilespmem:s24], [sflag:$0x4], $0x1, s18, s21, $0xb8;
	[tilespmem:$0x99C0] =	vst v63  }
0x12f: {  	s28 =	sld [smem:$0x7D5]  }
0x130: {  	[spmem:s3] =	stream.indirect.scatter.add.f32 [tilespmem:s26], [sflag:$0x4], $0x1, s18, s21, $0xb8;
	[tilespmem:$0x99C0] =	vst v63  }
0x131: {  	s29 =	sld [smem:$0x7D6]  }
0x132: {  	[spmem:s4] =	stream.indirect.scatter.add.f32 [tilespmem:s28], [sflag:$0x4], $0x1, s18, s21, $0xb8;
	[tilespmem:$0x99C0] =	vst v63  }
0x133: {  	s7 =	sld [smem:$0x7D8]  }
0x134: {  	[spmem:s1] =	stream.indirect.scatter.add.f32 [tilespmem:s29], [sflag:$0x4], $0x1, s20, s21, $0xb8;
	[tilespmem:$0x99C0] =	vst v63  }
0x135: {  	s12 =	sld [smem:$0x7D9]  }
0x136: {  	[spmem:s2] =	stream.indirect.scatter.add.f32 [tilespmem:s7], [sflag:$0x4], $0x1, s20, s21, $0xb8;
	[tilespmem:$0x99C0] =	vst v63  }
0x137: {  	s13 =	sld [smem:$0x7DA]  }
0x138: {  	[spmem:s3] =	stream.indirect.scatter.add.f32 [tilespmem:s12], [sflag:$0x4], $0x1, s20, s21, $0xb8;
	[tilespmem:$0x99C0] =	vst v63  }
0x139: {  	s14 =	sld [smem:$0x7DB]  }
0x13a: {  	[spmem:s4] =	stream.indirect.scatter.add.f32 [tilespmem:s13], [sflag:$0x4], $0x1, s20, s21, $0xb8;
	[tilespmem:$0x99C0] =	vst v63  }
0x13b: {  	s15 =	sld [smem:$0x7DD];
	s7 =	simm.s32 $0x700  }
0x13c: {  	[spmem:s1] =	stream.indirect.scatter.add.f32 [tilespmem:s14], [sflag:$0x4], $0x1, s7, s21, $0xb8;
	[tilespmem:$0x99C0] =	vst v63  }
0x13d: {  	s17 =	sld [smem:$0x7DF]  }
0x13e: {  	[spmem:s2] =	stream.indirect.scatter.add.f32 [tilespmem:s15], [sflag:$0x4], $0x1, s7, s21, $0xb8;
	[tilespmem:$0x99C0] =	vst v63  }
0x13f: {  	s23 =	sld [smem:$0x7E1]  }
0x140: {  	[spmem:s3] =	stream.indirect.scatter.add.f32 [tilespmem:s17], [sflag:$0x4], $0x1, s7, s21, $0xb8;
	[tilespmem:$0x99C0] =	vst v63  }
0x141: {  	s24 =	sld [smem:$0x7E2]  }
0x142: {  	[spmem:s4] =	stream.indirect.scatter.add.f32 [tilespmem:s23], [sflag:$0x4], $0x1, s7, s21, $0xb8;
	[tilespmem:$0x99C0] =	vst v63  }
0x143: {  	s26 =	sld [smem:$0x7E3]  }
0x144: {  	[spmem:s1] =	stream.indirect.scatter.add.f32 [tilespmem:s24], [sflag:$0x4], $0x1, s8, s21, $0xb8;
	[tilespmem:$0x99C0] =	vst v63  }
0x145: {  	s28 =	sld [smem:$0x7E5]  }
0x146: {  	[spmem:s2] =	stream.indirect.scatter.add.f32 [tilespmem:s26], [sflag:$0x4], $0x1, s8, s21, $0xb8;
	[tilespmem:$0x99C0] =	vst v63  }
0x147: {  	p2 =	sle.u32 s11, $0x1;
	s29 =	sld [smem:$0x7E6]  }
0x148: {  	[spmem:s3] =	stream.indirect.scatter.add.f32 [tilespmem:s28], [sflag:$0x4], $0x1, s8, s21, $0xb8;
	[tilespmem:$0x99C0] =	vst v63  }
0x149: {  	s5 =	simm.s32 @!p2 $0x3  }
0x14a: {  	[spmem:s4] =	stream.indirect.scatter.add.f32 [tilespmem:s29], [sflag:$0x4], $0x1, s8, s21, $0xb8;
	[tilespmem:$0x99C0] =	vst v63  }
0x14b: {  	_ =	swait.ge @!p2 [sflag:s5], $0x1000  }
0x14c: {  	s24 =	sld [smem:$0x7E7]  }
0x14d: {  	s30 =	simm.s32 @!p2 $0x0;
	s6 =	simm.s32 @!p2 $0x80;
	[sflag:s5] =	ssyncset.done @!p2 $0x0  }
0x14e: {  	s13 =	simm.s32 @!p2 $0x100;
	s23 =	sld [smem:$0x7E4];
	[sflag:s5] =	ssyncadd.s32 @!p2 $0xFFFFF000  }
0x14f: {  	[tilespmem:s30], [sflag:$0x1] =	stream.strided.gather @!p2 [hbm4b:s24+s6], $0x400, s13, s6, $0x38;
	[tilespmem:$0x99C0] =	vst v63  }
0x150: {  	s15 =	simm.s32 @!p2 $0x4;
	s5 =	simm.s32 @!p2 $0x800  }
0x151: {  	[tilespmem:s5], [sflag:$0x1] =	stream.linear.gather @!p2 [hbm4b:s23+s30], $0x1000, $0x38;
	[tilespmem:$0x99C0] =	vst v63  }
0x152: {  	_ =	swait.ge @!p2 [sflag:s15], $0x1000  }
0x153: {  	p1 =	sne.s32 s11, $0x1;
	s12 =	sld [smem:$0x7E9]  }
.Ltmp1:
0x154: {  	[sflag:s15] =	ssyncset.done @!p2 $0x0;
	(pc) =	sbr.rel @!p1 .LBB2_5-.Ltmp1, $4  }
0x155: {  	s5 =	simm.s32 @!p2 $0x400;
	s31 =	sld [smem:$0x7E8];
	[sflag:s15] =	ssyncadd.s32 @!p2 $0xFFFFF000  }
0x156: {  	[tilespmem:s5], [sflag:$0x2] =	stream.strided.gather @!p2 [hbm4b:s12+s6], $0x400, s13, s6, $0x38;
	[tilespmem:$0x99C0] =	vst v63  }
0x157: {  	s14 =	simm.s32 $0x100;
	s17 =	simm.s32 $0x400;
	s6 =	simm.s32 $0x1  }
0x158: {  	s13 =	sadd.s32 $0x200, s12;
	s5 =	simm.s32 @!p2 $0x1800;
	s15 =	sadd.s32 $0x400, s31  }
.LBB2_4:
0x159: {  	[tilespmem:s5], [sflag:$0x2] =	stream.linear.gather @!p2 [hbm4b:s31+s30], $0x1000, $0x38;
	[tilespmem:$0x99C0] =	vst v63  }
0x15a: {  	_ =	swait.ge [sflag:s0], $0x400  }
0x15b: {  	[sflag:s0] =	ssyncset.done $0x0  }
0x15c: {  	[sflag:s0] =	ssyncadd.s32 $0xFFFFFC00  }
0x15d: {  	_ =	swait.ge [sflag:s0], $0x1000  }
0x15e: {  	[sflag:s0] =	ssyncset.done $0x0  }
0x15f: {  	s12 =	simm.s32 $0x800;
	s29 =	rddreg [dreg:$0x8];
	[sflag:s0] =	ssyncadd.s32 $0xFFFFF000  }
0x160: {  	[spmem:s1] =	stream.indirect.scatter.add.f32 [tilespmem:s12], [sflag:$0x3], $0x1, s16, s21, $0xb8;
	[tilespmem:$0x99C0] =	vst v63  }
0x161: {  	s30 =	rddreg [dreg:$0x9]  }
0x162: {  	[spmem:s2] =	stream.indirect.scatter.add.f32 [tilespmem:s29], [sflag:$0x3], $0x1, s16, s21, $0xb8;
	[tilespmem:$0x99C0] =	vst v63  }
0x163: {  	s26 =	rddreg [dreg:$0xe]  }
0x164: {  	[spmem:s3] =	stream.indirect.scatter.add.f32 [tilespmem:s30], [sflag:$0x3], $0x1, s16, s21, $0xb8;
	[tilespmem:$0x99C0] =	vst v63  }
0x165: {  	s12 =	rddreg [dreg:$0xa]  }
0x166: {  	[spmem:s4] =	stream.indirect.scatter.add.f32 [tilespmem:s12], [sflag:$0x3], $0x1, s16, s21, $0xb8;
	[tilespmem:$0x99C0] =	vst v63  }
0x167: {  	s30 =	rddreg [dreg:$0xb]  }
0x168: {  	[spmem:s1] =	stream.indirect.scatter.add.f32 [tilespmem:s30], [sflag:$0x3], $0x1, s21, s21, $0xb8;
	[tilespmem:$0x99C0] =	vst v63  }
0x169: {  	s16 =	rddreg [dreg:$0xc]  }
0x16a: {  	[spmem:s2] =	stream.indirect.scatter.add.f32 [tilespmem:s16], [sflag:$0x3], $0x1, s21, s21, $0xb8;
	[tilespmem:$0x99C0] =	vst v63  }
0x16b: {  	s30 =	rddreg [dreg:$0xd]  }
0x16c: {  	[spmem:s3] =	stream.indirect.scatter.add.f32 [tilespmem:s30], [sflag:$0x3], $0x1, s21, s21, $0xb8;
	[tilespmem:$0x99C0] =	vst v63  }
0x16d: {  	s29 =	rddreg [dreg:$0x10]  }
0x16e: {  	[spmem:s4] =	stream.indirect.scatter.add.f32 [tilespmem:s26], [sflag:$0x3], $0x1, s21, s21, $0xb8;
	[tilespmem:$0x99C0] =	vst v63  }
0x16f: {  	s30 =	rddreg [dreg:$0xf]  }
0x170: {  	[spmem:s1] =	stream.indirect.scatter.add.f32 [tilespmem:s30], [sflag:$0x3], $0x1, s14, s21, $0xb8;
	[tilespmem:$0x99C0] =	vst v63  }
0x171: {  	s12 =	rddreg [dreg:$0x12]  }
0x172: {  	[spmem:s2] =	stream.indirect.scatter.add.f32 [tilespmem:s29], [sflag:$0x3], $0x1, s14, s21, $0xb8;
	[tilespmem:$0x99C0] =	vst v63  }
0x173: {  	s30 =	rddreg [dreg:$0x11]  }
0x174: {  	[spmem:s3] =	stream.indirect.scatter.add.f32 [tilespmem:s30], [sflag:$0x3], $0x1, s14, s21, $0xb8;
	[tilespmem:$0x99C0] =	vst v63  }
0x175: {  	s16 =	rddreg [dreg:$0x14]  }
0x176: {  	[spmem:s4] =	stream.indirect.scatter.add.f32 [tilespmem:s12], [sflag:$0x3], $0x1, s14, s21, $0xb8;
	[tilespmem:$0x99C0] =	vst v63  }
0x177: {  	s26 =	simm.s32 $0x180;
	s30 =	rddreg [dreg:$0x13]  }
0x178: {  	[spmem:s1] =	stream.indirect.scatter.add.f32 [tilespmem:s30], [sflag:$0x3], $0x1, s26, s21, $0xb8;
	[tilespmem:$0x99C0] =	vst v63  }
0x179: {  	s29 =	rddreg [dreg:$0x16]  }
0x17a: {  	[spmem:s2] =	stream.indirect.scatter.add.f32 [tilespmem:s16], [sflag:$0x3], $0x1, s26, s21, $0xb8;
	[tilespmem:$0x99C0] =	vst v63  }
0x17b: {  	s30 =	rddreg [dreg:$0x15]  }
0x17c: {  	[spmem:s3] =	stream.indirect.scatter.add.f32 [tilespmem:s30], [sflag:$0x3], $0x1, s26, s21, $0xb8;
	[tilespmem:$0x99C0] =	vst v63  }
0x17d: {  	s16 =	rddreg [dreg:$0x18]  }
0x17e: {  	[spmem:s4] =	stream.indirect.scatter.add.f32 [tilespmem:s29], [sflag:$0x3], $0x1, s26, s21, $0xb8;
	[tilespmem:$0x99C0] =	vst v63  }
0x17f: {  	s30 =	rddreg [dreg:$0x17];
	s26 =	simm.s32 $0x200  }
0x180: {  	[spmem:s1] =	stream.indirect.scatter.add.f32 [tilespmem:s30], [sflag:$0x3], $0x1, s26, s21, $0xb8;
	[tilespmem:$0x99C0] =	vst v63  }
0x181: {  	s29 =	rddreg [dreg:$0x1a]  }
0x182: {  	[spmem:s2] =	stream.indirect.scatter.add.f32 [tilespmem:s16], [sflag:$0x3], $0x1, s26, s21, $0xb8;
	[tilespmem:$0x99C0] =	vst v63  }
0x183: {  	s30 =	rddreg [dreg:$0x19]  }
0x184: {  	[spmem:s3] =	stream.indirect.scatter.add.f32 [tilespmem:s30], [sflag:$0x3], $0x1, s26, s21, $0xb8;
	[tilespmem:$0x99C0] =	vst v63  }
0x185: {  	s16 =	rddreg [dreg:$0x1c]  }
0x186: {  	[spmem:s4] =	stream.indirect.scatter.add.f32 [tilespmem:s29], [sflag:$0x3], $0x1, s26, s21, $0xb8;
	[tilespmem:$0x99C0] =	vst v63  }
0x187: {  	s30 =	rddreg [dreg:$0x1b];
	s26 =	simm.s32 $0x280  }
0x188: {  	[spmem:s1] =	stream.indirect.scatter.add.f32 [tilespmem:s30], [sflag:$0x3], $0x1, s26, s21, $0xb8;
	[tilespmem:$0x99C0] =	vst v63  }
0x189: {  	s29 =	rddreg [dreg:$0x1e]  }
0x18a: {  	[spmem:s2] =	stream.indirect.scatter.add.f32 [tilespmem:s16], [sflag:$0x3], $0x1, s26, s21, $0xb8;
	[tilespmem:$0x99C0] =	vst v63  }
0x18b: {  	s30 =	rddreg [dreg:$0x1d]  }
0x18c: {  	[spmem:s3] =	stream.indirect.scatter.add.f32 [tilespmem:s30], [sflag:$0x3], $0x1, s26, s21, $0xb8;
	[tilespmem:$0x99C0] =	vst v63  }
0x18d: {  	s16 =	sld [smem:$0x7B7]  }
0x18e: {  	[spmem:s4] =	stream.indirect.scatter.add.f32 [tilespmem:s29], [sflag:$0x3], $0x1, s26, s21, $0xb8;
	[tilespmem:$0x99C0] =	vst v63  }
0x18f: {  	s30 =	rddreg [dreg:$0x1f];
	s26 =	simm.s32 $0x300  }
0x190: {  	[spmem:s1] =	stream.indirect.scatter.add.f32 [tilespmem:s30], [sflag:$0x3], $0x1, s26, s21, $0xb8;
	[tilespmem:$0x99C0] =	vst v63  }
0x191: {  	s30 =	sld [smem:$0x7B8]  }
0x192: {  	[spmem:s2] =	stream.indirect.scatter.add.f32 [tilespmem:s16], [sflag:$0x3], $0x1, s26, s21, $0xb8;
	[tilespmem:$0x99C0] =	vst v63  }
0x193: {  	s29 =	sld [smem:$0x7B9]  }
0x194: {  	[spmem:s3] =	stream.indirect.scatter.add.f32 [tilespmem:s30], [sflag:$0x3], $0x1, s26, s21, $0xb8;
	[tilespmem:$0x99C0] =	vst v63  }
0x195: {  	s30 =	sld [smem:$0x7BA]  }
0x196: {  	[spmem:s4] =	stream.indirect.scatter.add.f32 [tilespmem:s29], [sflag:$0x3], $0x1, s26, s21, $0xb8;
	[tilespmem:$0x99C0] =	vst v63  }
0x197: {  	s12 =	sld [smem:$0x7BB]  }
0x198: {  	[spmem:s1] =	stream.indirect.scatter.add.f32 [tilespmem:s30], [sflag:$0x3], $0x1, s9, s21, $0xb8;
	[tilespmem:$0x99C0] =	vst v63  }
0x199: {  	s30 =	sld [smem:$0x7BC]  }
0x19a: {  	[spmem:s2] =	stream.indirect.scatter.add.f32 [tilespmem:s12], [sflag:$0x3], $0x1, s9, s21, $0xb8;
	[tilespmem:$0x99C0] =	vst v63  }
0x19b: {  	s16 =	sld [smem:$0x7BE]  }
0x19c: {  	[spmem:s3] =	stream.indirect.scatter.add.f32 [tilespmem:s30], [sflag:$0x3], $0x1, s9, s21, $0xb8;
	[tilespmem:$0x99C0] =	vst v63  }
0x19d: {  	_ = 	snop  }
0x19e: {  	[spmem:s4] =	stream.indirect.scatter.add.f32 [tilespmem:s16], [sflag:$0x3], $0x1, s9, s21, $0xb8;
	[tilespmem:$0x99C0] =	vst v63  }
0x19f: {  	_ =	swait.ge [sflag:s19], $0x400  }
0x1a0: {  	[sflag:s19] =	ssyncset.done $0x0  }
0x1a1: {  	[sflag:s19] =	ssyncadd.s32 $0xFFFFFC00  }
0x1a2: {  	_ =	swait.ge [sflag:s19], $0x1000  }
0x1a3: {  	[sflag:s19] =	ssyncset.done $0x0  }
0x1a4: {  	s29 =	simm.s32 $0x1800;
	s26 =	sld [smem:$0x7BF];
	[sflag:s19] =	ssyncadd.s32 $0xFFFFF000  }
0x1a5: {  	[spmem:s1] =	stream.indirect.scatter.add.f32 [tilespmem:s29], [sflag:$0x4], $0x1, s17, s21, $0xb8;
	[tilespmem:$0x99C0] =	vst v63  }
0x1a6: {  	s30 =	sld [smem:$0x7C1]  }
0x1a7: {  	[spmem:s2] =	stream.indirect.scatter.add.f32 [tilespmem:s26], [sflag:$0x4], $0x1, s17, s21, $0xb8;
	[tilespmem:$0x99C0] =	vst v63  }
0x1a8: {  	s16 =	sld [smem:$0x7C2]  }
0x1a9: {  	[spmem:s3] =	stream.indirect.scatter.add.f32 [tilespmem:s30], [sflag:$0x4], $0x1, s17, s21, $0xb8;
	[tilespmem:$0x99C0] =	vst v63  }
0x1aa: {  	s30 =	sld [smem:$0x7C3]  }
0x1ab: {  	[spmem:s4] =	stream.indirect.scatter.add.f32 [tilespmem:s16], [sflag:$0x4], $0x1, s17, s21, $0xb8;
	[tilespmem:$0x99C0] =	vst v63  }
0x1ac: {  	s26 =	sld [smem:$0x7C4]  }
0x1ad: {  	[spmem:s1] =	stream.indirect.scatter.add.f32 [tilespmem:s30], [sflag:$0x4], $0x1, s10, s21, $0xb8;
	[tilespmem:$0x99C0] =	vst v63  }
0x1ae: {  	s30 =	sld [smem:$0x7C5]  }
0x1af: {  	[spmem:s2] =	stream.indirect.scatter.add.f32 [tilespmem:s26], [sflag:$0x4], $0x1, s10, s21, $0xb8;
	[tilespmem:$0x99C0] =	vst v63  }
0x1b0: {  	s29 =	sld [smem:$0x7C7]  }
0x1b1: {  	[spmem:s3] =	stream.indirect.scatter.add.f32 [tilespmem:s30], [sflag:$0x4], $0x1, s10, s21, $0xb8;
	[tilespmem:$0x99C0] =	vst v63  }
0x1b2: {  	s30 =	sld [smem:$0x7C8]  }
0x1b3: {  	[spmem:s4] =	stream.indirect.scatter.add.f32 [tilespmem:s29], [sflag:$0x4], $0x1, s10, s21, $0xb8;
	[tilespmem:$0x99C0] =	vst v63  }
0x1b4: {  	s12 =	sld [smem:$0x7C9]  }
0x1b5: {  	[spmem:s1] =	stream.indirect.scatter.add.f32 [tilespmem:s30], [sflag:$0x4], $0x1, s25, s21, $0xb8;
	[tilespmem:$0x99C0] =	vst v63  }
0x1b6: {  	s30 =	sld [smem:$0x7CA]  }
0x1b7: {  	[spmem:s2] =	stream.indirect.scatter.add.f32 [tilespmem:s12], [sflag:$0x4], $0x1, s25, s21, $0xb8;
	[tilespmem:$0x99C0] =	vst v63  }
0x1b8: {  	s16 =	sld [smem:$0x7CC]  }
0x1b9: {  	[spmem:s3] =	stream.indirect.scatter.add.f32 [tilespmem:s30], [sflag:$0x4], $0x1, s25, s21, $0xb8;
	[tilespmem:$0x99C0] =	vst v63  }
0x1ba: {  	s30 =	sld [smem:$0x7CD]  }
0x1bb: {  	[spmem:s4] =	stream.indirect.scatter.add.f32 [tilespmem:s16], [sflag:$0x4], $0x1, s25, s21, $0xb8;
	[tilespmem:$0x99C0] =	vst v63  }
0x1bc: {  	s26 =	sld [smem:$0x7CE]  }
0x1bd: {  	[spmem:s1] =	stream.indirect.scatter.add.f32 [tilespmem:s30], [sflag:$0x4], $0x1, s22, s21, $0xb8;
	[tilespmem:$0x99C0] =	vst v63  }
0x1be: {  	s30 =	sld [smem:$0x7CF]  }
0x1bf: {  	[spmem:s2] =	stream.indirect.scatter.add.f32 [tilespmem:s26], [sflag:$0x4], $0x1, s22, s21, $0xb8;
	[tilespmem:$0x99C0] =	vst v63  }
0x1c0: {  	s29 =	sld [smem:$0x7D0]  }
0x1c1: {  	[spmem:s3] =	stream.indirect.scatter.add.f32 [tilespmem:s30], [sflag:$0x4], $0x1, s22, s21, $0xb8;
	[tilespmem:$0x99C0] =	vst v63  }
0x1c2: {  	s30 =	sld [smem:$0x7D1]  }
0x1c3: {  	[spmem:s4] =	stream.indirect.scatter.add.f32 [tilespmem:s29], [sflag:$0x4], $0x1, s22, s21, $0xb8;
	[tilespmem:$0x99C0] =	vst v63  }
0x1c4: {  	s12 =	sld [smem:$0x7D2]  }
0x1c5: {  	[spmem:s1] =	stream.indirect.scatter.add.f32 [tilespmem:s30], [sflag:$0x4], $0x1, s18, s21, $0xb8;
	[tilespmem:$0x99C0] =	vst v63  }
0x1c6: {  	s30 =	sld [smem:$0x7D3]  }
0x1c7: {  	[spmem:s2] =	stream.indirect.scatter.add.f32 [tilespmem:s12], [sflag:$0x4], $0x1, s18, s21, $0xb8;
	[tilespmem:$0x99C0] =	vst v63  }
0x1c8: {  	s16 =	sld [smem:$0x7D5]  }
0x1c9: {  	[spmem:s3] =	stream.indirect.scatter.add.f32 [tilespmem:s30], [sflag:$0x4], $0x1, s18, s21, $0xb8;
	[tilespmem:$0x99C0] =	vst v63  }
0x1ca: {  	s30 =	sld [smem:$0x7D6]  }
0x1cb: {  	[spmem:s4] =	stream.indirect.scatter.add.f32 [tilespmem:s16], [sflag:$0x4], $0x1, s18, s21, $0xb8;
	[tilespmem:$0x99C0] =	vst v63  }
0x1cc: {  	s26 =	sld [smem:$0x7D8]  }
0x1cd: {  	[spmem:s1] =	stream.indirect.scatter.add.f32 [tilespmem:s30], [sflag:$0x4], $0x1, s20, s21, $0xb8;
	[tilespmem:$0x99C0] =	vst v63  }
0x1ce: {  	s30 =	sld [smem:$0x7D9]  }
0x1cf: {  	[spmem:s2] =	stream.indirect.scatter.add.f32 [tilespmem:s26], [sflag:$0x4], $0x1, s20, s21, $0xb8;
	[tilespmem:$0x99C0] =	vst v63  }
0x1d0: {  	s29 =	sld [smem:$0x7DA]  }
0x1d1: {  	[spmem:s3] =	stream.indirect.scatter.add.f32 [tilespmem:s30], [sflag:$0x4], $0x1, s20, s21, $0xb8;
	[tilespmem:$0x99C0] =	vst v63  }
0x1d2: {  	s30 =	sld [smem:$0x7DB]  }
0x1d3: {  	[spmem:s4] =	stream.indirect.scatter.add.f32 [tilespmem:s29], [sflag:$0x4], $0x1, s20, s21, $0xb8;
	[tilespmem:$0x99C0] =	vst v63  }
0x1d4: {  	s12 =	sld [smem:$0x7DD]  }
0x1d5: {  	[spmem:s1] =	stream.indirect.scatter.add.f32 [tilespmem:s30], [sflag:$0x4], $0x1, s7, s21, $0xb8;
	[tilespmem:$0x99C0] =	vst v63  }
0x1d6: {  	s30 =	sld [smem:$0x7DF]  }
0x1d7: {  	[spmem:s2] =	stream.indirect.scatter.add.f32 [tilespmem:s12], [sflag:$0x4], $0x1, s7, s21, $0xb8;
	[tilespmem:$0x99C0] =	vst v63  }
0x1d8: {  	s16 =	sld [smem:$0x7E1]  }
0x1d9: {  	[spmem:s3] =	stream.indirect.scatter.add.f32 [tilespmem:s30], [sflag:$0x4], $0x1, s7, s21, $0xb8;
	[tilespmem:$0x99C0] =	vst v63  }
0x1da: {  	s30 =	sld [smem:$0x7E2]  }
0x1db: {  	[spmem:s4] =	stream.indirect.scatter.add.f32 [tilespmem:s16], [sflag:$0x4], $0x1, s7, s21, $0xb8;
	[tilespmem:$0x99C0] =	vst v63  }
0x1dc: {  	s26 =	sld [smem:$0x7E3]  }
0x1dd: {  	[spmem:s1] =	stream.indirect.scatter.add.f32 [tilespmem:s30], [sflag:$0x4], $0x1, s8, s21, $0xb8;
	[tilespmem:$0x99C0] =	vst v63  }
0x1de: {  	s6 =	sadd.s32 $0x1, s6;
	s30 =	sld [smem:$0x7E5]  }
0x1df: {  	[spmem:s2] =	stream.indirect.scatter.add.f32 [tilespmem:s26], [sflag:$0x4], $0x1, s8, s21, $0xb8;
	[tilespmem:$0x99C0] =	vst v63  }
0x1e0: {  	p2 =	sge.u32 s6, s11;
	s29 =	sld [smem:$0x7E6]  }
0x1e1: {  	[spmem:s3] =	stream.indirect.scatter.add.f32 [tilespmem:s30], [sflag:$0x4], $0x1, s8, s21, $0xb8;
	[tilespmem:$0x99C0] =	vst v63  }
0x1e2: {  	s5 =	simm.s32 @!p2 $0x3  }
0x1e3: {  	[spmem:s4] =	stream.indirect.scatter.add.f32 [tilespmem:s29], [sflag:$0x4], $0x1, s8, s21, $0xb8;
	[tilespmem:$0x99C0] =	vst v63  }
0x1e4: {  	s23 =	sadd.s32 $0x400, s23;
	_ =	swait.ge @!p2 [sflag:s5], $0x1000  }
0x1e5: {  	s24 =	sadd.s32 $0x200, s24;
	s12 =	simm.s32 @!p2 $0x80;
	[sflag:s5] =	ssyncset.done @!p2 $0x0  }
0x1e6: {  	s26 =	simm.s32 @!p2 $0x100;
	s30 =	simm.s32 @!p2 $0x0;
	[sflag:s5] =	ssyncadd.s32 @!p2 $0xFFFFF000  }
0x1e7: {  	[tilespmem:s30], [sflag:$0x1] =	stream.strided.gather @!p2 [hbm4b:s24+s12], $0x400, s26, s12, $0x38;
	[tilespmem:$0x99C0] =	vst v63  }
0x1e8: {  	p1 =	sne.s32 s11, s6;
	s29 =	simm.s32 @!p2 $0x4;
	s5 =	simm.s32 @!p2 $0x800  }
0x1e9: {  	[tilespmem:s5], [sflag:$0x1] =	stream.linear.gather @!p2 [hbm4b:s23+s30], $0x1000, $0x38;
	[tilespmem:$0x99C0] =	vst v63  }
.Ltmp2:
0x1ea: {  	_ =	swait.ge @!p2 [sflag:s29], $0x1000;
	(pc) =	sbr.rel @p1 .LBB2_4-.Ltmp2, $4  }
0x1eb: {  	s28 =	smov.u32 s13;
	s31 =	smov.u32 s15;
	[sflag:s29] =	ssyncset.done @!p2 $0x0  }
0x1ec: {  	s13 =	sadd.s32 $0x200, s13;
	s16 =	simm.s32 @!p2 $0x400;
	[sflag:s29] =	ssyncadd.s32 @!p2 $0xFFFFF000  }
0x1ed: {  	[tilespmem:s16], [sflag:$0x2] =	stream.strided.gather @!p2 [hbm4b:s28+s12], $0x400, s26, s12, $0x38;
	[tilespmem:$0x99C0] =	vst v63  }
0x1ee: {  	s15 =	sadd.s32 $0x400, s15;
	s5 =	simm.s32 @!p2 $0x1800;
	s16 =	simm.s32 $0x0  }
.LBB2_5:
0x1ef: {  	[tilespmem:s5], [sflag:$0x2] =	stream.linear.gather @!p2 [hbm4b:s31+s30], $0x1000, $0x38;
	[tilespmem:$0x99C0] =	vst v63  }
0x1f0: {  	s12 =	simm.s32 $0x3  }
0x1f1: {  	_ =	swait.ge [sflag:s12], $0x1000  }
0x1f2: {  	[sflag:s12] =	ssyncset.done $0x0  }
0x1f3: {  	s13 =	simm.s32 $0x4;
	[sflag:s12] =	ssyncadd.s32 $0xFFFFF000  }
0x1f4: {  	_ =	swait.ge [sflag:s13], $0x1000  }
0x1f5: {  	[sflag:s13] =	ssyncset.done $0x0  }
0x1f6: {  	[sflag:s13] =	ssyncadd.s32 $0xFFFFF000  }
0x1f7: {  	[bflag:$0x0] =	sbarrier.arrive $0xFFFF  }
0x1f8: {  	s15 =	sld [smem:$0x7FA]  }
0x1f9: {  	s12 =	sld [smem:$0x7D4];
	_ =	sdelay $0x1  }
0x1fa: {  	s6 =	simm.s32 @p0 $0x1FC5;
	s7 =	simm.s32 @p0 $0x5;
	s5 =	sshrl.u32 @p0 s15, $0x3  }
0x1fb: {  	[hbm:s12], [sflag:s6] =	dma.local @p0 [spmem:s5], $0x302  }
0x1fc: {  	_ =	swait.ge @p0 [sflag:s7], $0x302  }
0x1fd: {  	s29 =	sld [smem:$0x7FB]  }
0x1fe: {  	s12 =	sld [smem:$0x7D7]  }
0x1ff: {  	[sflag:s7] =	ssyncset.done @p0 $0x0  }
0x200: {  	[sflag:s7] =	ssyncadd.s32 @p0 $0xFFFFFCFE;
	s5 =	sshrl.u32 @p0 s29, $0x3  }
0x201: {  	[hbm:s12], [sflag:s6] =	dma.local @p0 [spmem:s5], $0x302  }
0x202: {  	_ =	swait.ge @p0 [sflag:s7], $0x302  }
0x203: {  	s30 =	sld [smem:$0x7FC]  }
0x204: {  	s12 =	sld [smem:$0x7DC]  }
0x205: {  	[sflag:s7] =	ssyncset.done @p0 $0x0  }
0x206: {  	[sflag:s7] =	ssyncadd.s32 @p0 $0xFFFFFCFE;
	s5 =	sshrl.u32 @p0 s30, $0x3  }
0x207: {  	[hbm:s12], [sflag:s6] =	dma.local @p0 [spmem:s5], $0x302  }
0x208: {  	_ =	swait.ge @p0 [sflag:s7], $0x302  }
0x209: {  	s31 =	sld [smem:$0x7FD]  }
0x20a: {  	s12 =	sld [smem:$0x7DE]  }
0x20b: {  	[sflag:s7] =	ssyncset.done @p0 $0x0  }
0x20c: {  	[sflag:s7] =	ssyncadd.s32 @p0 $0xFFFFFCFE;
	s5 =	sshrl.u32 @p0 s31, $0x3  }
0x20d: {  	[hbm:s12], [sflag:s6] =	dma.local @p0 [spmem:s5], $0x302  }
0x20e: {  	_ =	swait.ge @p0 [sflag:s7], $0x302  }
0x20f: {  	s5 =	stileid.u32;
	s23 =	sld [smem:$0x7F6]  }
0x210: {  	s5 =	sshll.u32 @!p0 s5, $0x6;
	s12 =	sld [smem:$0x7F4]  }
0x211: {  	[sflag:s7] =	ssyncset.done @p0 $0x0;
	s5 =	sor.u32 @!p0 $0x1C05, s5  }
0x212: {  	[sflag:s7] =	ssyncadd.s32 @p0 $0xFFFFFCFE;
	s7 =	simm.s32 @!p0 $0x5;
	s6 =	sshrl.u32 @!p0 s23, $0x3  }
0x213: {  	[hbm:s12], [sflag:s5] =	dma.local @!p0 [spmem:s6], $0x30E  }
0x214: {  	_ =	swait.ge @!p0 [sflag:s7], $0x30E  }
0x215: {  	s24 =	sld [smem:$0x7F7]  }
0x216: {  	s12 =	sld [smem:$0x7F2]  }
0x217: {  	[sflag:s7] =	ssyncset.done @!p0 $0x0  }
0x218: {  	[sflag:s7] =	ssyncadd.s32 @!p0 $0xFFFFFCF2;
	s6 =	sshrl.u32 @!p0 s24, $0x3  }
0x219: {  	[hbm:s12], [sflag:s5] =	dma.local @!p0 [spmem:s6], $0x30E  }
0x21a: {  	_ =	swait.ge @!p0 [sflag:s7], $0x30E  }
0x21b: {  	s26 =	sld [smem:$0x7F8]  }
0x21c: {  	s12 =	sld [smem:$0x7F3]  }
0x21d: {  	[sflag:s7] =	ssyncset.done @!p0 $0x0  }
0x21e: {  	[sflag:s7] =	ssyncadd.s32 @!p0 $0xFFFFFCF2;
	s6 =	sshrl.u32 @!p0 s26, $0x3  }
0x21f: {  	[hbm:s12], [sflag:s5] =	dma.local @!p0 [spmem:s6], $0x30E  }
0x220: {  	_ =	swait.ge @!p0 [sflag:s7], $0x30E  }
0x221: {  	s28 =	sld [smem:$0x7F9]  }
0x222: {  	s12 =	sld [smem:$0x7F5]  }
0x223: {  	[sflag:s7] =	ssyncset.done @!p0 $0x0  }
0x224: {  	[sflag:s7] =	ssyncadd.s32 @!p0 $0xFFFFFCF2;
	s6 =	sshrl.u32 @!p0 s28, $0x3  }
0x225: {  	[hbm:s12], [sflag:s5] =	dma.local @!p0 [spmem:s6], $0x30E  }
0x226: {  	_ =	swait.ge @!p0 [sflag:s7], $0x30E  }
0x227: {  	s14 =	sld [smem:$0x7B6]  }
0x228: {  	s17 =	sld [smem:$0x7E0];
	_ =	sdelay $0x1  }
0x229: {  	s6 =	sadd.s32 $0x1, s14  }
0x22a: {  	p1 =	sne.s32 s6, s17  }
.Ltmp3:
0x22b: {  	_ = 	snop;
	(pc) =	sbr.rel @p1 .LBB2_1-.Ltmp3, $3  }
0x22c: {  	_ =	sdelay $0x1  }
0x22d: {  	s13 =	simm.s32 $0x800;
	s12 =	simm.s32 $0x100;
	[sflag:s7] =	ssyncset.done @!p0 $0x0  }
0x22e: {  	[sflag:s7] =	ssyncadd.s32 @!p0 $0xFFFFFCF2;
	s14 =	simm.s32 $0x400;
	s17 =	simm.s32 $0x1800  }
0x22f: {  	_ =	sfence.sel $0x180000  }
0x230: {  	[bflag:$0x0] =	sbarrier.arrive $0xFFFF  }
0x231: {  	_ =	strace $0x90000047  }
0x232: {  	s0 =	stileid.u32;
	[bflag:$0x2] =	sbarrier.arrive $0xFFFF  }
0x233: {  	p0 =	sne.s32 s0, $0x0;
	s0 =	rddreg [dreg:$0x7]  }
0x234: {  	s0 =	sadd.s32 @!p0 $0x100000, s0  }
0x235: {  	[sflag:s0] =	ssyncadd.tile.s32 @!p0 $0x1;
	_ =	shalt  }
.Lfunc_end2:
_tile_overlayer_lowered:
.L_overlay_start_2:
0x236: {  	(tag) =	ssettag $0x2  }
0x237: {  	s0 =	rddreg [dreg:$0x0];
	s2 =	stileid.u32  }
0x238: {  	s1 =	rddreg [dreg:$0x1];
	p0 =	sne.s32 s2, $0x0  }
0x239: {  	s3 =	rddreg [dreg:$0x2];
	[bflag:$0x3] =	sbarrier.arrive $0xFFFF;
	s2 =	simm.s32 @!p0 $0x1C05  }
0x23a: {  	[timem:s3], [sflag:s2] =	dma.local @!p0 [hbm:s0], s1  }
0x23b: {  	s0 =	simm.s32 @!p0 $0x5  }
0x23c: {  	_ =	swait.ge @!p0 [sflag:s0], s1  }
0x23d: {  	s1 =	ssub.s32 @!p0 $0x0, s1;
	[sflag:s0] =	ssyncset.done @!p0 $0x0  }
0x23e: {  	[sflag:s0] =	ssyncadd.s32 @!p0 s1  }
0x23f: {  	[bflag:$0x3] =	sbarrier.arrive $0xFFFF  }
0x240: {  	_ =	shalt  }

</sc_bundles>
